<compile_context>
chip_gen: v7x
topology: tpu7x:2x2x1
jax: 0.10.2.dev20260603
libtpu: 0.0.44.dev20260713+nightly
codegen_flags: <defaults>
</compile_context>

<pallas_src>
import jax
import jax.numpy as jnp
from jax import lax
from jax.experimental import pallas as pl
from jax.experimental.pallas import tpu as pltpu
from jax.experimental.pallas import tpu_sc as plsc
import numpy as np

NUM_PATH = 4
OUT_DIM = 128
NUM_ELEMENTS = 8
N_NODES = 100000
ALPHA = 1.0 / np.sqrt(float(NUM_PATH))

L = 16
NC, NS = 2, 16
NW = NC * NS
C = 64
NCHUNK = (N_NODES + C - 1) // C
ITERS = (NCHUNK + NW - 1) // NW
OUTER = (ITERS + 1) // 2
LAST_BASE = N_NODES - C
WSZ = NUM_ELEMENTS * OUT_DIM * NUM_PATH
XCH = C * OUT_DIM
XB = NUM_PATH * XCH
OCH = C * OUT_DIM


def _body(x_hbm, attrs_hbm, w_hbm, out_hbm,
          x_buf, out_buf, a_buf, w_buf, ei_vmem,
          isem0, isem1, osem0, osem1):
    wid = lax.axis_index("c") * NS + lax.axis_index("s")
    pltpu.sync_copy(w_hbm, w_buf)
    in_sems = (isem0, isem1)
    out_sems = (osem0, osem1)

    def valid(i):
        return (i * NW + wid) < NCHUNK

    def chunk_base(i):
        return jnp.minimum((i * NW + wid) * C, LAST_BASE)

    def in_copies(i, b):
        base = chunk_base(i)
        sem = in_sems[b]
        cps = [pltpu.make_async_copy(
                   x_hbm.at[pl.ds(p * N_NODES * OUT_DIM + base * OUT_DIM, XCH)],
                   x_buf.at[pl.ds(b * XB + p * XCH, XCH)], sem)
               for p in range(NUM_PATH)]
        cps.extend(pltpu.make_async_copy(
            attrs_hbm.at[pl.ds(e * N_NODES + base, C)], a_buf.at[b, e], sem)
            for e in range(NUM_ELEMENTS))
        return cps

    def issue_in(i, b):
        @pl.when(valid(i))
        def _():
            for cp in in_copies(i, b):
                cp.start()

    def wait_in(i, b):
        @pl.when(valid(i))
        def _():
            for cp in in_copies(i, b):
                cp.wait()

    def out_copy(i, b):
        base = chunk_base(i)
        return pltpu.make_async_copy(
            out_buf.at[pl.ds(b * OCH, OCH)],
            out_hbm.at[pl.ds(base * OUT_DIM, OCH)], out_sems[b])

    def compute(b):
        xo = b * XB
        oo = b * OCH

        @plsc.parallel_loop(0, C // L, unroll=C // L)
        def grp_body(g):
            sl = pl.ds(g * L, L)
            best = a_buf[b, 0, sl]
            ei = jnp.zeros((L,), jnp.int32)
            for e in range(1, NUM_ELEMENTS):
                ae = a_buf[b, e, sl]
                gt = ae > best
                best = jnp.where(gt, ae, best)
                ei = jnp.where(gt, jnp.full((L,), e, jnp.int32), ei)
            ei_vmem[sl] = ei

        @plsc.parallel_loop(0, C, unroll=4)
        def node_body(n):
            se = ei_vmem[pl.ds(n, L)][0]
            wb = se * (OUT_DIM * NUM_PATH)
            for k in range(OUT_DIM // L):
                acc = None
                for p in range(NUM_PATH):
                    xv = x_buf[pl.ds(xo + p * XCH + n * OUT_DIM + k * L, L)]
                    wv = w_buf[pl.ds(wb + p * OUT_DIM + k * L, L)]
                    t = xv * wv
                    acc = t if acc is None else acc + t
                out_buf[pl.ds(oo + n * OUT_DIM + k * L, L)] = acc * ALPHA

    issue_in(0, 0)

    def outer_body(io, carry):
        for b in range(2):
            i = 2 * io + b
            wait_in(i, b)
            issue_in(i + 1, 1 - b)

            @pl.when((i >= 2) & valid(i - 2))
            def _():
                out_copy(i - 2, b).wait()

            @pl.when(valid(i))
            def _():
                compute(b)
                out_copy(i, b).start()
        return carry

    lax.fori_loop(0, OUTER, outer_body, 0)

    for last in (2 * OUTER - 2, 2 * OUTER - 1):
        @pl.when(valid(last))
        def _():
            out_copy(last, last % 2).wait()


def kernel(x, node_attrs, weights):
    mesh = plsc.VectorSubcoreMesh(core_axis_name="c", subcore_axis_name="s",
                                  num_cores=NC, num_subcores=NS)
    f = pl.kernel(
        _body,
        out_type=jax.ShapeDtypeStruct((N_NODES * OUT_DIM,), jnp.float32),
        mesh=mesh,
        compiler_params=pltpu.CompilerParams(needs_layout_passes=False, skip_device_barrier=True),
        scratch_types=[
            pltpu.VMEM((2 * XB,), jnp.float32),
            pltpu.VMEM((2 * OCH,), jnp.float32),
            pltpu.VMEM((2, NUM_ELEMENTS, C), jnp.float32),
            pltpu.VMEM((WSZ,), jnp.float32),
            pltpu.VMEM((C + L,), jnp.int32),
            pltpu.SemaphoreType.DMA,
            pltpu.SemaphoreType.DMA,
            pltpu.SemaphoreType.DMA,
            pltpu.SemaphoreType.DMA,
        ],
    )
    w_pm = jnp.transpose(weights, (0, 2, 1))
    out_flat = f(x.reshape(-1), jnp.transpose(node_attrs).reshape(-1),
                 w_pm.reshape(-1))
    return out_flat.reshape(N_NODES, OUT_DIM)

# --- scband reference (transcript-rebuilt; emitter-appended) ---
"""Pipeline reference for scband-element-cwlinear-35777077575978 (READ-ONLY COPY).

The authoritative reference and input builder live on the scoring server;
editing this copy changes nothing except your own understanding.
"""

import jax, jax.numpy as jnp
import numpy as np

NUM_PATH = 4
OUT_DIM = 128
NUM_ELEMENTS = 8
N_NODES = 100000
ALPHA = 1.0 / np.sqrt(float(NUM_PATH))

def setup_inputs(seed: int = 0) -> dict:
    key = jax.random.key(seed)
    k1, k2, k3 = jax.random.split(key, 3)
    x = jax.random.normal(k1, (NUM_PATH, N_NODES, OUT_DIM), dtype=jnp.float32)
    node_attrs = jax.random.uniform(k2, (N_NODES, NUM_ELEMENTS), dtype=jnp.float32)
    # learned parameter: weights [num_elements, out_dim, num_path], uniform(-sqrt(3), sqrt(3))
    weights = jax.random.uniform(k3, (NUM_ELEMENTS, OUT_DIM, NUM_PATH), dtype=jnp.float32,
                                 minval=-np.sqrt(3.0), maxval=np.sqrt(3.0))
    return {"x": x, "node_attrs": node_attrs, "weights": weights}

def reference(x, node_attrs, weights):
    # x: [num_path, N, out_dim] -> permute([1,2,0]) -> [N, out_dim, num_path]
    xp = jnp.transpose(x, (1, 2, 0))
    # per-node element index from (one-hot-like) node_attrs
    idx = jnp.argmax(node_attrs, axis=-1)  # [N]
    # gather per-element weights: [N, out_dim, num_path]
    W = jnp.take(weights, idx, axis=0)
    # expand_dims_to is identity here since W.ndim == x.ndim == 3
    out = jnp.sum(xp * W, axis=2) * ALPHA  # [N, out_dim]
    return out

if __name__ == "__main__":
    import jax
    _d = setup_inputs()
    print(jax.jit(kernel)(*tuple(_d.values())))

</pallas_src>

<mosaic_0001>
#map = affine_map<(d0, d1) -> (0)>
module attributes {stable_mosaic.version = 14 : i64} {
  func.func @_body(%arg0: i32, %arg1: i32, %arg2: memref<51200000xf32, #tpu.memory_space<hbm>>, %arg3: memref<800000xf32, #tpu.memory_space<hbm>>, %arg4: memref<4096xf32, #tpu.memory_space<hbm>>, %arg5: memref<12800000xf32, #tpu.memory_space<hbm>>, %arg6: memref<65536xf32, #tpu.memory_space<vmem>>, %arg7: memref<16384xf32, #tpu.memory_space<vmem>>, %arg8: memref<2x8x64xf32, #tpu.memory_space<vmem>>, %arg9: memref<4096xf32, #tpu.memory_space<vmem>>, %arg10: memref<80xi32, #tpu.memory_space<vmem>>, %arg11: memref<!tpu.dma_semaphore, #tpu.memory_space<semaphore_mem>>, %arg12: memref<!tpu.dma_semaphore, #tpu.memory_space<semaphore_mem>>, %arg13: memref<!tpu.dma_semaphore, #tpu.memory_space<semaphore_mem>>, %arg14: memref<!tpu.dma_semaphore, #tpu.memory_space<semaphore_mem>>) attributes {dimension_semantics = [#tpu.dimension_semantics<core_parallel>, #tpu.dimension_semantics<subcore_parallel>], iteration_bounds = array<i64: 2, 16>, scalar_prefetch = 0 : i64, scratch_operands = 9 : i64, tpu.core_type = #tpu.core_type<sc_vector_subcore>, window_params = [{transform_indices = #map}, {transform_indices = #map}, {transform_indices = #map}, {transform_indices = #map}]} {
    %mul3A = arith.constant 16 : i32
    %mul3A_0 = arith.muli %arg0, %mul3A : i32
    %add3A = arith.addi %mul3A_0, %arg1 : i32
    "tpu.region"() ({
      %run_scoped3A = tpu.sem_alloc : memref<!tpu.dma_semaphore, #tpu.memory_space<semaphore_mem>>
      tpu.enqueue_dma source(%arg4 : memref<4096xf32, #tpu.memory_space<hbm>>) target(%arg9 : memref<4096xf32, #tpu.memory_space<vmem>>) target_semaphore(%run_scoped3A : memref<!tpu.dma_semaphore, #tpu.memory_space<semaphore_mem>>)
      tpu.wait_dma2 semaphore(%run_scoped3A : memref<!tpu.dma_semaphore, #tpu.memory_space<semaphore_mem>>) src(%arg4 : memref<4096xf32, #tpu.memory_space<hbm>>) dst(%arg9 : memref<4096xf32, #tpu.memory_space<vmem>>)
      tpu.yield
    }) : () -> ()
    %add3A_1 = arith.constant 0 : i32
    %add3A_2 = arith.addi %add3A_1, %add3A : i32
    %lt3A = arith.constant 1563 : i32
    %lt3A_3 = arith.cmpi slt, %add3A_2, %lt3A : i32
    %convert_element_type3A = arith.extui %lt3A_3 : i1 to i32
    %cond3A = arith.constant 0 : i32
    %cond3A_4 = arith.cmpi ne, %convert_element_type3A, %cond3A : i32
    scf.if %cond3A_4 {
      %add3A_24 = arith.constant 0 : i32
      %add3A_25 = arith.addi %add3A_24, %add3A : i32
      %mul3A_26 = arith.constant 64 : i32
      %mul3A_27 = arith.muli %add3A_25, %mul3A_26 : i32
      %min3A = arith.constant 99936 : i32
      %min3A_28 = arith.minsi %mul3A_27, %min3A : i32
      %mul3A_29 = arith.constant 128 : i32
      %mul3A_30 = arith.muli %min3A_28, %mul3A_29 : i32
      %add3A_31 = arith.constant 0 : i32
      %add3A_32 = arith.addi %add3A_31, %mul3A_30 : i32
      %mul3A_33 = arith.constant 128 : i32
      %mul3A_34 = arith.muli %min3A_28, %mul3A_33 : i32
      %add3A_35 = arith.constant 12800000 : i32
      %add3A_36 = arith.addi %add3A_35, %mul3A_34 : i32
      %mul3A_37 = arith.constant 128 : i32
      %mul3A_38 = arith.muli %min3A_28, %mul3A_37 : i32
      %add3A_39 = arith.constant 25600000 : i32
      %add3A_40 = arith.addi %add3A_39, %mul3A_38 : i32
      %mul3A_41 = arith.constant 128 : i32
      %mul3A_42 = arith.muli %min3A_28, %mul3A_41 : i32
      %add3A_43 = arith.constant 38400000 : i32
      %add3A_44 = arith.addi %add3A_43, %mul3A_42 : i32
      %add3A_45 = arith.constant 0 : i32
      %add3A_46 = arith.addi %add3A_45, %min3A_28 : i32
      %add3A_47 = arith.constant 100000 : i32
      %add3A_48 = arith.addi %add3A_47, %min3A_28 : i32
      %add3A_49 = arith.constant 200000 : i32
      %add3A_50 = arith.addi %add3A_49, %min3A_28 : i32
      %add3A_51 = arith.constant 300000 : i32
      %add3A_52 = arith.addi %add3A_51, %min3A_28 : i32
      %add3A_53 = arith.constant 400000 : i32
      %add3A_54 = arith.addi %add3A_53, %min3A_28 : i32
      %add3A_55 = arith.constant 500000 : i32
      %add3A_56 = arith.addi %add3A_55, %min3A_28 : i32
      %add3A_57 = arith.constant 600000 : i32
      %add3A_58 = arith.addi %add3A_57, %min3A_28 : i32
      %add3A_59 = arith.constant 700000 : i32
      %add3A_60 = arith.addi %add3A_59, %min3A_28 : i32
      %dma_start3A = arith.constant 0 : i32
      %dma_start3A_61 = tpu.memref_slice %arg6[%dma_start3A] : memref<65536xf32, #tpu.memory_space<vmem>> -> memref<8192xf32, #tpu.memory_space<vmem>>
      %dma_start3A_62 = tpu.memref_slice %arg2[%add3A_32] : memref<51200000xf32, #tpu.memory_space<hbm>> -> memref<8192xf32, #tpu.memory_space<hbm>>
      %dma_start3A_63 = arith.constant 0 : i32
      %dma_start3A_64 = tpu.memref_slice %arg6[%dma_start3A_63] : memref<65536xf32, #tpu.memory_space<vmem>> -> memref<8192xf32, #tpu.memory_space<vmem>>
      %dma_start3A_65 = tpu.memref_slice %arg2[%add3A_32] : memref<51200000xf32, #tpu.memory_space<hbm>> -> memref<8192xf32, #tpu.memory_space<hbm>>
      tpu.enqueue_dma source(%dma_start3A_65 : memref<8192xf32, #tpu.memory_space<hbm>>) target(%dma_start3A_64 : memref<8192xf32, #tpu.memory_space<vmem>>) target_semaphore(%arg11 : memref<!tpu.dma_semaphore, #tpu.memory_space<semaphore_mem>>)
      %dma_start3A_66 = arith.constant 8192 : i32
      %dma_start3A_67 = tpu.memref_slice %arg6[%dma_start3A_66] : memref<65536xf32, #tpu.memory_space<vmem>> -> memref<8192xf32, #tpu.memory_space<vmem>>
      %dma_start3A_68 = tpu.memref_slice %arg2[%add3A_36] : memref<51200000xf32, #tpu.memory_space<hbm>> -> memref<8192xf32, #tpu.memory_space<hbm>>
      %dma_start3A_69 = arith.constant 8192 : i32
      %dma_start3A_70 = tpu.memref_slice %arg6[%dma_start3A_69] : memref<65536xf32, #tpu.memory_space<vmem>> -> memref<8192xf32, #tpu.memory_space<vmem>>
      %dma_start3A_71 = tpu.memref_slice %arg2[%add3A_36] : memref<51200000xf32, #tpu.memory_space<hbm>> -> memref<8192xf32, #tpu.memory_space<hbm>>
      tpu.enqueue_dma source(%dma_start3A_71 : memref<8192xf32, #tpu.memory_space<hbm>>) target(%dma_start3A_70 : memref<8192xf32, #tpu.memory_space<vmem>>) target_semaphore(%arg11 : memref<!tpu.dma_semaphore, #tpu.memory_space<semaphore_mem>>)
      %dma_start3A_72 = arith.constant 16384 : i32
      %dma_start3A_73 = tpu.memref_slice %arg6[%dma_start3A_72] : memref<65536xf32, #tpu.memory_space<vmem>> -> memref<8192xf32, #tpu.memory_space<vmem>>
      %dma_start3A_74 = tpu.memref_slice %arg2[%add3A_40] : memref<51200000xf32, #tpu.memory_space<hbm>> -> memref<8192xf32, #tpu.memory_space<hbm>>
      %dma_start3A_75 = arith.constant 16384 : i32
      %dma_start3A_76 = tpu.memref_slice %arg6[%dma_start3A_75] : memref<65536xf32, #tpu.memory_space<vmem>> -> memref<8192xf32, #tpu.memory_space<vmem>>
      %dma_start3A_77 = tpu.memref_slice %arg2[%add3A_40] : memref<51200000xf32, #tpu.memory_space<hbm>> -> memref<8192xf32, #tpu.memory_space<hbm>>
      tpu.enqueue_dma source(%dma_start3A_77 : memref<8192xf32, #tpu.memory_space<hbm>>) target(%dma_start3A_76 : memref<8192xf32, #tpu.memory_space<vmem>>) target_semaphore(%arg11 : memref<!tpu.dma_semaphore, #tpu.memory_space<semaphore_mem>>)
      %dma_start3A_78 = arith.constant 24576 : i32
      %dma_start3A_79 = tpu.memref_slice %arg6[%dma_start3A_78] : memref<65536xf32, #tpu.memory_space<vmem>> -> memref<8192xf32, #tpu.memory_space<vmem>>
      %dma_start3A_80 = tpu.memref_slice %arg2[%add3A_44] : memref<51200000xf32, #tpu.memory_space<hbm>> -> memref<8192xf32, #tpu.memory_space<hbm>>
      %dma_start3A_81 = arith.constant 24576 : i32
      %dma_start3A_82 = tpu.memref_slice %arg6[%dma_start3A_81] : memref<65536xf32, #tpu.memory_space<vmem>> -> memref<8192xf32, #tpu.memory_space<vmem>>
      %dma_start3A_83 = tpu.memref_slice %arg2[%add3A_44] : memref<51200000xf32, #tpu.memory_space<hbm>> -> memref<8192xf32, #tpu.memory_space<hbm>>
      tpu.enqueue_dma source(%dma_start3A_83 : memref<8192xf32, #tpu.memory_space<hbm>>) target(%dma_start3A_82 : memref<8192xf32, #tpu.memory_space<vmem>>) target_semaphore(%arg11 : memref<!tpu.dma_semaphore, #tpu.memory_space<semaphore_mem>>)
      %dma_start3A_84 = arith.constant 0 : i32
      %dma_start3A_85 = arith.constant 0 : i32
      %dma_start3A_86 = arith.constant 0 : i32
      %dma_start3A_87 = tpu.memref_slice %arg8[%dma_start3A_84, %dma_start3A_85, %dma_start3A_86] : memref<2x8x64xf32, #tpu.memory_space<vmem>> -> memref<1x1x64xf32, #tpu.memory_space<vmem>>
      %dma_start3A_88 = tpu.memref_squeeze %dma_start3A_87 : memref<1x1x64xf32, #tpu.memory_space<vmem>> -> memref<64xf32, #tpu.memory_space<vmem>>
      %dma_start3A_89 = tpu.memref_slice %arg3[%add3A_46] : memref<800000xf32, #tpu.memory_space<hbm>> -> memref<64xf32, #tpu.memory_space<hbm>>
      %dma_start3A_90 = arith.constant 0 : i32
      %dma_start3A_91 = tpu.memref_slice %arg8[%dma_start3A_84, %dma_start3A_85, %dma_start3A_90] : memref<2x8x64xf32, #tpu.memory_space<vmem>> -> memref<1x1x64xf32, #tpu.memory_space<vmem>>
      %dma_start3A_92 = tpu.memref_squeeze %dma_start3A_91 : memref<1x1x64xf32, #tpu.memory_space<vmem>> -> memref<64xf32, #tpu.memory_space<vmem>>
      %dma_start3A_93 = tpu.memref_slice %arg3[%add3A_46] : memref<800000xf32, #tpu.memory_space<hbm>> -> memref<64xf32, #tpu.memory_space<hbm>>
      tpu.enqueue_dma source(%dma_start3A_93 : memref<64xf32, #tpu.memory_space<hbm>>) target(%dma_start3A_92 : memref<64xf32, #tpu.memory_space<vmem>>) target_semaphore(%arg11 : memref<!tpu.dma_semaphore, #tpu.memory_space<semaphore_mem>>)
      %dma_start3A_94 = arith.constant 0 : i32
      %dma_start3A_95 = arith.constant 1 : i32
      %dma_start3A_96 = arith.constant 0 : i32
      %dma_start3A_97 = tpu.memref_slice %arg8[%dma_start3A_94, %dma_start3A_95, %dma_start3A_96] : memref<2x8x64xf32, #tpu.memory_space<vmem>> -> memref<1x1x64xf32, #tpu.memory_space<vmem>>
      %dma_start3A_98 = tpu.memref_squeeze %dma_start3A_97 : memref<1x1x64xf32, #tpu.memory_space<vmem>> -> memref<64xf32, #tpu.memory_space<vmem>>
      %dma_start3A_99 = tpu.memref_slice %arg3[%add3A_48] : memref<800000xf32, #tpu.memory_space<hbm>> -> memref<64xf32, #tpu.memory_space<hbm>>
      %dma_start3A_100 = arith.constant 0 : i32
      %dma_start3A_101 = tpu.memref_slice %arg8[%dma_start3A_94, %dma_start3A_95, %dma_start3A_100] : memref<2x8x64xf32, #tpu.memory_space<vmem>> -> memref<1x1x64xf32, #tpu.memory_space<vmem>>
      %dma_start3A_102 = tpu.memref_squeeze %dma_start3A_101 : memref<1x1x64xf32, #tpu.memory_space<vmem>> -> memref<64xf32, #tpu.memory_space<vmem>>
      %dma_start3A_103 = tpu.memref_slice %arg3[%add3A_48] : memref<800000xf32, #tpu.memory_space<hbm>> -> memref<64xf32, #tpu.memory_space<hbm>>
      tpu.enqueue_dma source(%dma_start3A_103 : memref<64xf32, #tpu.memory_space<hbm>>) target(%dma_start3A_102 : memref<64xf32, #tpu.memory_space<vmem>>) target_semaphore(%arg11 : memref<!tpu.dma_semaphore, #tpu.memory_space<semaphore_mem>>)
      %dma_start3A_104 = arith.constant 0 : i32
      %dma_start3A_105 = arith.constant 2 : i32
      %dma_start3A_106 = arith.constant 0 : i32
      %dma_start3A_107 = tpu.memref_slice %arg8[%dma_start3A_104, %dma_start3A_105, %dma_start3A_106] : memref<2x8x64xf32, #tpu.memory_space<vmem>> -> memref<1x1x64xf32, #tpu.memory_space<vmem>>
      %dma_start3A_108 = tpu.memref_squeeze %dma_start3A_107 : memref<1x1x64xf32, #tpu.memory_space<vmem>> -> memref<64xf32, #tpu.memory_space<vmem>>
      %dma_start3A_109 = tpu.memref_slice %arg3[%add3A_50] : memref<800000xf32, #tpu.memory_space<hbm>> -> memref<64xf32, #tpu.memory_space<hbm>>
      %dma_start3A_110 = arith.constant 0 : i32
      %dma_start3A_111 = tpu.memref_slice %arg8[%dma_start3A_104, %dma_start3A_105, %dma_start3A_110] : memref<2x8x64xf32, #tpu.memory_space<vmem>> -> memref<1x1x64xf32, #tpu.memory_space<vmem>>
      %dma_start3A_112 = tpu.memref_squeeze %dma_start3A_111 : memref<1x1x64xf32, #tpu.memory_space<vmem>> -> memref<64xf32, #tpu.memory_space<vmem>>
      %dma_start3A_113 = tpu.memref_slice %arg3[%add3A_50] : memref<800000xf32, #tpu.memory_space<hbm>> -> memref<64xf32, #tpu.memory_space<hbm>>
      tpu.enqueue_dma source(%dma_start3A_113 : memref<64xf32, #tpu.memory_space<hbm>>) target(%dma_start3A_112 : memref<64xf32, #tpu.memory_space<vmem>>) target_semaphore(%arg11 : memref<!tpu.dma_semaphore, #tpu.memory_space<semaphore_mem>>)
      %dma_start3A_114 = arith.constant 0 : i32
      %dma_start3A_115 = arith.constant 3 : i32
      %dma_start3A_116 = arith.constant 0 : i32
      %dma_start3A_117 = tpu.memref_slice %arg8[%dma_start3A_114, %dma_start3A_115, %dma_start3A_116] : memref<2x8x64xf32, #tpu.memory_space<vmem>> -> memref<1x1x64xf32, #tpu.memory_space<vmem>>
      %dma_start3A_118 = tpu.memref_squeeze %dma_start3A_117 : memref<1x1x64xf32, #tpu.memory_space<vmem>> -> memref<64xf32, #tpu.memory_space<vmem>>
      %dma_start3A_119 = tpu.memref_slice %arg3[%add3A_52] : memref<800000xf32, #tpu.memory_space<hbm>> -> memref<64xf32, #tpu.memory_space<hbm>>
      %dma_start3A_120 = arith.constant 0 : i32
      %dma_start3A_121 = tpu.memref_slice %arg8[%dma_start3A_114, %dma_start3A_115, %dma_start3A_120] : memref<2x8x64xf32, #tpu.memory_space<vmem>> -> memref<1x1x64xf32, #tpu.memory_space<vmem>>
      %dma_start3A_122 = tpu.memref_squeeze %dma_start3A_121 : memref<1x1x64xf32, #tpu.memory_space<vmem>> -> memref<64xf32, #tpu.memory_space<vmem>>
      %dma_start3A_123 = tpu.memref_slice %arg3[%add3A_52] : memref<800000xf32, #tpu.memory_space<hbm>> -> memref<64xf32, #tpu.memory_space<hbm>>
      tpu.enqueue_dma source(%dma_start3A_123 : memref<64xf32, #tpu.memory_space<hbm>>) target(%dma_start3A_122 : memref<64xf32, #tpu.memory_space<vmem>>) target_semaphore(%arg11 : memref<!tpu.dma_semaphore, #tpu.memory_space<semaphore_mem>>)
      %dma_start3A_124 = arith.constant 0 : i32
      %dma_start3A_125 = arith.constant 4 : i32
      %dma_start3A_126 = arith.constant 0 : i32
      %dma_start3A_127 = tpu.memref_slice %arg8[%dma_start3A_124, %dma_start3A_125, %dma_start3A_126] : memref<2x8x64xf32, #tpu.memory_space<vmem>> -> memref<1x1x64xf32, #tpu.memory_space<vmem>>
      %dma_start3A_128 = tpu.memref_squeeze %dma_start3A_127 : memref<1x1x64xf32, #tpu.memory_space<vmem>> -> memref<64xf32, #tpu.memory_space<vmem>>
      %dma_start3A_129 = tpu.memref_slice %arg3[%add3A_54] : memref<800000xf32, #tpu.memory_space<hbm>> -> memref<64xf32, #tpu.memory_space<hbm>>
      %dma_start3A_130 = arith.constant 0 : i32
      %dma_start3A_131 = tpu.memref_slice %arg8[%dma_start3A_124, %dma_start3A_125, %dma_start3A_130] : memref<2x8x64xf32, #tpu.memory_space<vmem>> -> memref<1x1x64xf32, #tpu.memory_space<vmem>>
      %dma_start3A_132 = tpu.memref_squeeze %dma_start3A_131 : memref<1x1x64xf32, #tpu.memory_space<vmem>> -> memref<64xf32, #tpu.memory_space<vmem>>
      %dma_start3A_133 = tpu.memref_slice %arg3[%add3A_54] : memref<800000xf32, #tpu.memory_space<hbm>> -> memref<64xf32, #tpu.memory_space<hbm>>
      tpu.enqueue_dma source(%dma_start3A_133 : memref<64xf32, #tpu.memory_space<hbm>>) target(%dma_start3A_132 : memref<64xf32, #tpu.memory_space<vmem>>) target_semaphore(%arg11 : memref<!tpu.dma_semaphore, #tpu.memory_space<semaphore_mem>>)
      %dma_start3A_134 = arith.constant 0 : i32
      %dma_start3A_135 = arith.constant 5 : i32
      %dma_start3A_136 = arith.constant 0 : i32
      %dma_start3A_137 = tpu.memref_slice %arg8[%dma_start3A_134, %dma_start3A_135, %dma_start3A_136] : memref<2x8x64xf32, #tpu.memory_space<vmem>> -> memref<1x1x64xf32, #tpu.memory_space<vmem>>
      %dma_start3A_138 = tpu.memref_squeeze %dma_start3A_137 : memref<1x1x64xf32, #tpu.memory_space<vmem>> -> memref<64xf32, #tpu.memory_space<vmem>>
      %dma_start3A_139 = tpu.memref_slice %arg3[%add3A_56] : memref<800000xf32, #tpu.memory_space<hbm>> -> memref<64xf32, #tpu.memory_space<hbm>>
      %dma_start3A_140 = arith.constant 0 : i32
      %dma_start3A_141 = tpu.memref_slice %arg8[%dma_start3A_134, %dma_start3A_135, %dma_start3A_140] : memref<2x8x64xf32, #tpu.memory_space<vmem>> -> memref<1x1x64xf32, #tpu.memory_space<vmem>>
      %dma_start3A_142 = tpu.memref_squeeze %dma_start3A_141 : memref<1x1x64xf32, #tpu.memory_space<vmem>> -> memref<64xf32, #tpu.memory_space<vmem>>
      %dma_start3A_143 = tpu.memref_slice %arg3[%add3A_56] : memref<800000xf32, #tpu.memory_space<hbm>> -> memref<64xf32, #tpu.memory_space<hbm>>
      tpu.enqueue_dma source(%dma_start3A_143 : memref<64xf32, #tpu.memory_space<hbm>>) target(%dma_start3A_142 : memref<64xf32, #tpu.memory_space<vmem>>) target_semaphore(%arg11 : memref<!tpu.dma_semaphore, #tpu.memory_space<semaphore_mem>>)
      %dma_start3A_144 = arith.constant 0 : i32
      %dma_start3A_145 = arith.constant 6 : i32
      %dma_start3A_146 = arith.constant 0 : i32
      %dma_start3A_147 = tpu.memref_slice %arg8[%dma_start3A_144, %dma_start3A_145, %dma_start3A_146] : memref<2x8x64xf32, #tpu.memory_space<vmem>> -> memref<1x1x64xf32, #tpu.memory_space<vmem>>
      %dma_start3A_148 = tpu.memref_squeeze %dma_start3A_147 : memref<1x1x64xf32, #tpu.memory_space<vmem>> -> memref<64xf32, #tpu.memory_space<vmem>>
      %dma_start3A_149 = tpu.memref_slice %arg3[%add3A_58] : memref<800000xf32, #tpu.memory_space<hbm>> -> memref<64xf32, #tpu.memory_space<hbm>>
      %dma_start3A_150 = arith.constant 0 : i32
      %dma_start3A_151 = tpu.memref_slice %arg8[%dma_start3A_144, %dma_start3A_145, %dma_start3A_150] : memref<2x8x64xf32, #tpu.memory_space<vmem>> -> memref<1x1x64xf32, #tpu.memory_space<vmem>>
      %dma_start3A_152 = tpu.memref_squeeze %dma_start3A_151 : memref<1x1x64xf32, #tpu.memory_space<vmem>> -> memref<64xf32, #tpu.memory_space<vmem>>
      %dma_start3A_153 = tpu.memref_slice %arg3[%add3A_58] : memref<800000xf32, #tpu.memory_space<hbm>> -> memref<64xf32, #tpu.memory_space<hbm>>
      tpu.enqueue_dma source(%dma_start3A_153 : memref<64xf32, #tpu.memory_space<hbm>>) target(%dma_start3A_152 : memref<64xf32, #tpu.memory_space<vmem>>) target_semaphore(%arg11 : memref<!tpu.dma_semaphore, #tpu.memory_space<semaphore_mem>>)
      %dma_start3A_154 = arith.constant 0 : i32
      %dma_start3A_155 = arith.constant 7 : i32
      %dma_start3A_156 = arith.constant 0 : i32
      %dma_start3A_157 = tpu.memref_slice %arg8[%dma_start3A_154, %dma_start3A_155, %dma_start3A_156] : memref<2x8x64xf32, #tpu.memory_space<vmem>> -> memref<1x1x64xf32, #tpu.memory_space<vmem>>
      %dma_start3A_158 = tpu.memref_squeeze %dma_start3A_157 : memref<1x1x64xf32, #tpu.memory_space<vmem>> -> memref<64xf32, #tpu.memory_space<vmem>>
      %dma_start3A_159 = tpu.memref_slice %arg3[%add3A_60] : memref<800000xf32, #tpu.memory_space<hbm>> -> memref<64xf32, #tpu.memory_space<hbm>>
      %dma_start3A_160 = arith.constant 0 : i32
      %dma_start3A_161 = tpu.memref_slice %arg8[%dma_start3A_154, %dma_start3A_155, %dma_start3A_160] : memref<2x8x64xf32, #tpu.memory_space<vmem>> -> memref<1x1x64xf32, #tpu.memory_space<vmem>>
      %dma_start3A_162 = tpu.memref_squeeze %dma_start3A_161 : memref<1x1x64xf32, #tpu.memory_space<vmem>> -> memref<64xf32, #tpu.memory_space<vmem>>
      %dma_start3A_163 = tpu.memref_slice %arg3[%add3A_60] : memref<800000xf32, #tpu.memory_space<hbm>> -> memref<64xf32, #tpu.memory_space<hbm>>
      tpu.enqueue_dma source(%dma_start3A_163 : memref<64xf32, #tpu.memory_space<hbm>>) target(%dma_start3A_162 : memref<64xf32, #tpu.memory_space<vmem>>) target_semaphore(%arg11 : memref<!tpu.dma_semaphore, #tpu.memory_space<semaphore_mem>>)
    } else {
    }
    %scan3A = arith.constant 0 : i32
    %scan3A_5 = arith.constant 0 : i32
    %scan3A_6 = arith.constant 25 : i32
    %scan3A_7 = arith.addi %scan3A_5, %scan3A_6 : i32
    %scan3A_8 = arith.constant 1 : i32
    scf.for %scan3A_24 = %scan3A_5 to %scan3A_7 step %scan3A_8  : i32 {
      %mul3A_25 = arith.constant 2 : i32
      %mul3A_26 = arith.muli %mul3A_25, %scan3A_24 : i32
      %add3A_27 = arith.constant 0 : i32
      %add3A_28 = arith.addi %mul3A_26, %add3A_27 : i32
      %mul3A_29 = arith.constant 32 : i32
      %mul3A_30 = arith.muli %add3A_28, %mul3A_29 : i32
      %add3A_31 = arith.addi %mul3A_30, %add3A : i32
      %lt3A_32 = arith.constant 1563 : i32
      %lt3A_33 = arith.cmpi slt, %add3A_31, %lt3A_32 : i32
      %convert_element_type3A_34 = arith.extui %lt3A_33 : i1 to i32
      %cond3A_35 = arith.constant 0 : i32
      %cond3A_36 = arith.cmpi ne, %convert_element_type3A_34, %cond3A_35 : i32
      scf.if %cond3A_36 {
        %mul3A_108 = arith.constant 32 : i32
        %mul3A_109 = arith.muli %add3A_28, %mul3A_108 : i32
        %add3A_110 = arith.addi %mul3A_109, %add3A : i32
        %mul3A_111 = arith.constant 64 : i32
        %mul3A_112 = arith.muli %add3A_110, %mul3A_111 : i32
        %min3A = arith.constant 99936 : i32
        %min3A_113 = arith.minsi %mul3A_112, %min3A : i32
        %mul3A_114 = arith.constant 128 : i32
        %mul3A_115 = arith.muli %min3A_113, %mul3A_114 : i32
        %add3A_116 = arith.constant 0 : i32
        %add3A_117 = arith.addi %add3A_116, %mul3A_115 : i32
        %mul3A_118 = arith.constant 128 : i32
        %mul3A_119 = arith.muli %min3A_113, %mul3A_118 : i32
        %add3A_120 = arith.constant 12800000 : i32
        %add3A_121 = arith.addi %add3A_120, %mul3A_119 : i32
        %mul3A_122 = arith.constant 128 : i32
        %mul3A_123 = arith.muli %min3A_113, %mul3A_122 : i32
        %add3A_124 = arith.constant 25600000 : i32
        %add3A_125 = arith.addi %add3A_124, %mul3A_123 : i32
        %mul3A_126 = arith.constant 128 : i32
        %mul3A_127 = arith.muli %min3A_113, %mul3A_126 : i32
        %add3A_128 = arith.constant 38400000 : i32
        %add3A_129 = arith.addi %add3A_128, %mul3A_127 : i32
        %add3A_130 = arith.constant 0 : i32
        %add3A_131 = arith.addi %add3A_130, %min3A_113 : i32
        %add3A_132 = arith.constant 100000 : i32
        %add3A_133 = arith.addi %add3A_132, %min3A_113 : i32
        %add3A_134 = arith.constant 200000 : i32
        %add3A_135 = arith.addi %add3A_134, %min3A_113 : i32
        %add3A_136 = arith.constant 300000 : i32
        %add3A_137 = arith.addi %add3A_136, %min3A_113 : i32
        %add3A_138 = arith.constant 400000 : i32
        %add3A_139 = arith.addi %add3A_138, %min3A_113 : i32
        %add3A_140 = arith.constant 500000 : i32
        %add3A_141 = arith.addi %add3A_140, %min3A_113 : i32
        %add3A_142 = arith.constant 600000 : i32
        %add3A_143 = arith.addi %add3A_142, %min3A_113 : i32
        %add3A_144 = arith.constant 700000 : i32
        %add3A_145 = arith.addi %add3A_144, %min3A_113 : i32
        %dma_wait3A = arith.constant 0 : i32
        %dma_wait3A_146 = tpu.memref_slice %arg6[%dma_wait3A] : memref<65536xf32, #tpu.memory_space<vmem>> -> memref<8192xf32, #tpu.memory_space<vmem>>
        %dma_wait3A_147 = tpu.memref_slice %arg2[%add3A_117] : memref<51200000xf32, #tpu.memory_space<hbm>> -> memref<8192xf32, #tpu.memory_space<hbm>>
        %dma_wait3A_148 = arith.constant 0 : i32
        %dma_wait3A_149 = tpu.memref_slice %arg6[%dma_wait3A_148] : memref<65536xf32, #tpu.memory_space<vmem>> -> memref<8192xf32, #tpu.memory_space<vmem>>
        %dma_wait3A_150 = tpu.memref_slice %arg2[%add3A_117] : memref<51200000xf32, #tpu.memory_space<hbm>> -> memref<8192xf32, #tpu.memory_space<hbm>>
        tpu.wait_dma2 semaphore(%arg11 : memref<!tpu.dma_semaphore, #tpu.memory_space<semaphore_mem>>) src(%dma_wait3A_150 : memref<8192xf32, #tpu.memory_space<hbm>>) dst(%dma_wait3A_149 : memref<8192xf32, #tpu.memory_space<vmem>>)
        %dma_wait3A_151 = arith.constant 8192 : i32
        %dma_wait3A_152 = tpu.memref_slice %arg6[%dma_wait3A_151] : memref<65536xf32, #tpu.memory_space<vmem>> -> memref<8192xf32, #tpu.memory_space<vmem>>
        %dma_wait3A_153 = tpu.memref_slice %arg2[%add3A_121] : memref<51200000xf32, #tpu.memory_space<hbm>> -> memref<8192xf32, #tpu.memory_space<hbm>>
        %dma_wait3A_154 = arith.constant 8192 : i32
        %dma_wait3A_155 = tpu.memref_slice %arg6[%dma_wait3A_154] : memref<65536xf32, #tpu.memory_space<vmem>> -> memref<8192xf32, #tpu.memory_space<vmem>>
        %dma_wait3A_156 = tpu.memref_slice %arg2[%add3A_121] : memref<51200000xf32, #tpu.memory_space<hbm>> -> memref<8192xf32, #tpu.memory_space<hbm>>
        tpu.wait_dma2 semaphore(%arg11 : memref<!tpu.dma_semaphore, #tpu.memory_space<semaphore_mem>>) src(%dma_wait3A_156 : memref<8192xf32, #tpu.memory_space<hbm>>) dst(%dma_wait3A_155 : memref<8192xf32, #tpu.memory_space<vmem>>)
        %dma_wait3A_157 = arith.constant 16384 : i32
        %dma_wait3A_158 = tpu.memref_slice %arg6[%dma_wait3A_157] : memref<65536xf32, #tpu.memory_space<vmem>> -> memref<8192xf32, #tpu.memory_space<vmem>>
        %dma_wait3A_159 = tpu.memref_slice %arg2[%add3A_125] : memref<51200000xf32, #tpu.memory_space<hbm>> -> memref<8192xf32, #tpu.memory_space<hbm>>
        %dma_wait3A_160 = arith.constant 16384 : i32
        %dma_wait3A_161 = tpu.memref_slice %arg6[%dma_wait3A_160] : memref<65536xf32, #tpu.memory_space<vmem>> -> memref<8192xf32, #tpu.memory_space<vmem>>
        %dma_wait3A_162 = tpu.memref_slice %arg2[%add3A_125] : memref<51200000xf32, #tpu.memory_space<hbm>> -> memref<8192xf32, #tpu.memory_space<hbm>>
        tpu.wait_dma2 semaphore(%arg11 : memref<!tpu.dma_semaphore, #tpu.memory_space<semaphore_mem>>) src(%dma_wait3A_162 : memref<8192xf32, #tpu.memory_space<hbm>>) dst(%dma_wait3A_161 : memref<8192xf32, #tpu.memory_space<vmem>>)
        %dma_wait3A_163 = arith.constant 24576 : i32
        %dma_wait3A_164 = tpu.memref_slice %arg6[%dma_wait3A_163] : memref<65536xf32, #tpu.memory_space<vmem>> -> memref<8192xf32, #tpu.memory_space<vmem>>
        %dma_wait3A_165 = tpu.memref_slice %arg2[%add3A_129] : memref<51200000xf32, #tpu.memory_space<hbm>> -> memref<8192xf32, #tpu.memory_space<hbm>>
        %dma_wait3A_166 = arith.constant 24576 : i32
        %dma_wait3A_167 = tpu.memref_slice %arg6[%dma_wait3A_166] : memref<65536xf32, #tpu.memory_space<vmem>> -> memref<8192xf32, #tpu.memory_space<vmem>>
        %dma_wait3A_168 = tpu.memref_slice %arg2[%add3A_129] : memref<51200000xf32, #tpu.memory_space<hbm>> -> memref<8192xf32, #tpu.memory_space<hbm>>
        tpu.wait_dma2 semaphore(%arg11 : memref<!tpu.dma_semaphore, #tpu.memory_space<semaphore_mem>>) src(%dma_wait3A_168 : memref<8192xf32, #tpu.memory_space<hbm>>) dst(%dma_wait3A_167 : memref<8192xf32, #tpu.memory_space<vmem>>)
        %dma_wait3A_169 = arith.constant 0 : i32
        %dma_wait3A_170 = arith.constant 0 : i32
        %dma_wait3A_171 = arith.constant 0 : i32
        %dma_wait3A_172 = tpu.memref_slice %arg8[%dma_wait3A_169, %dma_wait3A_170, %dma_wait3A_171] : memref<2x8x64xf32, #tpu.memory_space<vmem>> -> memref<1x1x64xf32, #tpu.memory_space<vmem>>
        %dma_wait3A_173 = tpu.memref_squeeze %dma_wait3A_172 : memref<1x1x64xf32, #tpu.memory_space<vmem>> -> memref<64xf32, #tpu.memory_space<vmem>>
        %dma_wait3A_174 = tpu.memref_slice %arg3[%add3A_131] : memref<800000xf32, #tpu.memory_space<hbm>> -> memref<64xf32, #tpu.memory_space<hbm>>
        %dma_wait3A_175 = arith.constant 0 : i32
        %dma_wait3A_176 = tpu.memref_slice %arg8[%dma_wait3A_169, %dma_wait3A_170, %dma_wait3A_175] : memref<2x8x64xf32, #tpu.memory_space<vmem>> -> memref<1x1x64xf32, #tpu.memory_space<vmem>>
        %dma_wait3A_177 = tpu.memref_squeeze %dma_wait3A_176 : memref<1x1x64xf32, #tpu.memory_space<vmem>> -> memref<64xf32, #tpu.memory_space<vmem>>
        %dma_wait3A_178 = tpu.memref_slice %arg3[%add3A_131] : memref<800000xf32, #tpu.memory_space<hbm>> -> memref<64xf32, #tpu.memory_space<hbm>>
        tpu.wait_dma2 semaphore(%arg11 : memref<!tpu.dma_semaphore, #tpu.memory_space<semaphore_mem>>) src(%dma_wait3A_178 : memref<64xf32, #tpu.memory_space<hbm>>) dst(%dma_wait3A_177 : memref<64xf32, #tpu.memory_space<vmem>>)
        %dma_wait3A_179 = arith.constant 0 : i32
        %dma_wait3A_180 = arith.constant 1 : i32
        %dma_wait3A_181 = arith.constant 0 : i32
        %dma_wait3A_182 = tpu.memref_slice %arg8[%dma_wait3A_179, %dma_wait3A_180, %dma_wait3A_181] : memref<2x8x64xf32, #tpu.memory_space<vmem>> -> memref<1x1x64xf32, #tpu.memory_space<vmem>>
        %dma_wait3A_183 = tpu.memref_squeeze %dma_wait3A_182 : memref<1x1x64xf32, #tpu.memory_space<vmem>> -> memref<64xf32, #tpu.memory_space<vmem>>
        %dma_wait3A_184 = tpu.memref_slice %arg3[%add3A_133] : memref<800000xf32, #tpu.memory_space<hbm>> -> memref<64xf32, #tpu.memory_space<hbm>>
        %dma_wait3A_185 = arith.constant 0 : i32
        %dma_wait3A_186 = tpu.memref_slice %arg8[%dma_wait3A_179, %dma_wait3A_180, %dma_wait3A_185] : memref<2x8x64xf32, #tpu.memory_space<vmem>> -> memref<1x1x64xf32, #tpu.memory_space<vmem>>
        %dma_wait3A_187 = tpu.memref_squeeze %dma_wait3A_186 : memref<1x1x64xf32, #tpu.memory_space<vmem>> -> memref<64xf32, #tpu.memory_space<vmem>>
        %dma_wait3A_188 = tpu.memref_slice %arg3[%add3A_133] : memref<800000xf32, #tpu.memory_space<hbm>> -> memref<64xf32, #tpu.memory_space<hbm>>
        tpu.wait_dma2 semaphore(%arg11 : memref<!tpu.dma_semaphore, #tpu.memory_space<semaphore_mem>>) src(%dma_wait3A_188 : memref<64xf32, #tpu.memory_space<hbm>>) dst(%dma_wait3A_187 : memref<64xf32, #tpu.memory_space<vmem>>)
        %dma_wait3A_189 = arith.constant 0 : i32
        %dma_wait3A_190 = arith.constant 2 : i32
        %dma_wait3A_191 = arith.constant 0 : i32
        %dma_wait3A_192 = tpu.memref_slice %arg8[%dma_wait3A_189, %dma_wait3A_190, %dma_wait3A_191] : memref<2x8x64xf32, #tpu.memory_space<vmem>> -> memref<1x1x64xf32, #tpu.memory_space<vmem>>
        %dma_wait3A_193 = tpu.memref_squeeze %dma_wait3A_192 : memref<1x1x64xf32, #tpu.memory_space<vmem>> -> memref<64xf32, #tpu.memory_space<vmem>>
        %dma_wait3A_194 = tpu.memref_slice %arg3[%add3A_135] : memref<800000xf32, #tpu.memory_space<hbm>> -> memref<64xf32, #tpu.memory_space<hbm>>
        %dma_wait3A_195 = arith.constant 0 : i32
        %dma_wait3A_196 = tpu.memref_slice %arg8[%dma_wait3A_189, %dma_wait3A_190, %dma_wait3A_195] : memref<2x8x64xf32, #tpu.memory_space<vmem>> -> memref<1x1x64xf32, #tpu.memory_space<vmem>>
        %dma_wait3A_197 = tpu.memref_squeeze %dma_wait3A_196 : memref<1x1x64xf32, #tpu.memory_space<vmem>> -> memref<64xf32, #tpu.memory_space<vmem>>
        %dma_wait3A_198 = tpu.memref_slice %arg3[%add3A_135] : memref<800000xf32, #tpu.memory_space<hbm>> -> memref<64xf32, #tpu.memory_space<hbm>>
        tpu.wait_dma2 semaphore(%arg11 : memref<!tpu.dma_semaphore, #tpu.memory_space<semaphore_mem>>) src(%dma_wait3A_198 : memref<64xf32, #tpu.memory_space<hbm>>) dst(%dma_wait3A_197 : memref<64xf32, #tpu.memory_space<vmem>>)
        %dma_wait3A_199 = arith.constant 0 : i32
        %dma_wait3A_200 = arith.constant 3 : i32
        %dma_wait3A_201 = arith.constant 0 : i32
        %dma_wait3A_202 = tpu.memref_slice %arg8[%dma_wait3A_199, %dma_wait3A_200, %dma_wait3A_201] : memref<2x8x64xf32, #tpu.memory_space<vmem>> -> memref<1x1x64xf32, #tpu.memory_space<vmem>>
        %dma_wait3A_203 = tpu.memref_squeeze %dma_wait3A_202 : memref<1x1x64xf32, #tpu.memory_space<vmem>> -> memref<64xf32, #tpu.memory_space<vmem>>
        %dma_wait3A_204 = tpu.memref_slice %arg3[%add3A_137] : memref<800000xf32, #tpu.memory_space<hbm>> -> memref<64xf32, #tpu.memory_space<hbm>>
        %dma_wait3A_205 = arith.constant 0 : i32
        %dma_wait3A_206 = tpu.memref_slice %arg8[%dma_wait3A_199, %dma_wait3A_200, %dma_wait3A_205] : memref<2x8x64xf32, #tpu.memory_space<vmem>> -> memref<1x1x64xf32, #tpu.memory_space<vmem>>
        %dma_wait3A_207 = tpu.memref_squeeze %dma_wait3A_206 : memref<1x1x64xf32, #tpu.memory_space<vmem>> -> memref<64xf32, #tpu.memory_space<vmem>>
        %dma_wait3A_208 = tpu.memref_slice %arg3[%add3A_137] : memref<800000xf32, #tpu.memory_space<hbm>> -> memref<64xf32, #tpu.memory_space<hbm>>
        tpu.wait_dma2 semaphore(%arg11 : memref<!tpu.dma_semaphore, #tpu.memory_space<semaphore_mem>>) src(%dma_wait3A_208 : memref<64xf32, #tpu.memory_space<hbm>>) dst(%dma_wait3A_207 : memref<64xf32, #tpu.memory_space<vmem>>)
        %dma_wait3A_209 = arith.constant 0 : i32
        %dma_wait3A_210 = arith.constant 4 : i32
        %dma_wait3A_211 = arith.constant 0 : i32
        %dma_wait3A_212 = tpu.memref_slice %arg8[%dma_wait3A_209, %dma_wait3A_210, %dma_wait3A_211] : memref<2x8x64xf32, #tpu.memory_space<vmem>> -> memref<1x1x64xf32, #tpu.memory_space<vmem>>
        %dma_wait3A_213 = tpu.memref_squeeze %dma_wait3A_212 : memref<1x1x64xf32, #tpu.memory_space<vmem>> -> memref<64xf32, #tpu.memory_space<vmem>>
        %dma_wait3A_214 = tpu.memref_slice %arg3[%add3A_139] : memref<800000xf32, #tpu.memory_space<hbm>> -> memref<64xf32, #tpu.memory_space<hbm>>
        %dma_wait3A_215 = arith.constant 0 : i32
        %dma_wait3A_216 = tpu.memref_slice %arg8[%dma_wait3A_209, %dma_wait3A_210, %dma_wait3A_215] : memref<2x8x64xf32, #tpu.memory_space<vmem>> -> memref<1x1x64xf32, #tpu.memory_space<vmem>>
        %dma_wait3A_217 = tpu.memref_squeeze %dma_wait3A_216 : memref<1x1x64xf32, #tpu.memory_space<vmem>> -> memref<64xf32, #tpu.memory_space<vmem>>
        %dma_wait3A_218 = tpu.memref_slice %arg3[%add3A_139] : memref<800000xf32, #tpu.memory_space<hbm>> -> memref<64xf32, #tpu.memory_space<hbm>>
        tpu.wait_dma2 semaphore(%arg11 : memref<!tpu.dma_semaphore, #tpu.memory_space<semaphore_mem>>) src(%dma_wait3A_218 : memref<64xf32, #tpu.memory_space<hbm>>) dst(%dma_wait3A_217 : memref<64xf32, #tpu.memory_space<vmem>>)
        %dma_wait3A_219 = arith.constant 0 : i32
        %dma_wait3A_220 = arith.constant 5 : i32
        %dma_wait3A_221 = arith.constant 0 : i32
        %dma_wait3A_222 = tpu.memref_slice %arg8[%dma_wait3A_219, %dma_wait3A_220, %dma_wait3A_221] : memref<2x8x64xf32, #tpu.memory_space<vmem>> -> memref<1x1x64xf32, #tpu.memory_space<vmem>>
        %dma_wait3A_223 = tpu.memref_squeeze %dma_wait3A_222 : memref<1x1x64xf32, #tpu.memory_space<vmem>> -> memref<64xf32, #tpu.memory_space<vmem>>
        %dma_wait3A_224 = tpu.memref_slice %arg3[%add3A_141] : memref<800000xf32, #tpu.memory_space<hbm>> -> memref<64xf32, #tpu.memory_space<hbm>>
        %dma_wait3A_225 = arith.constant 0 : i32
        %dma_wait3A_226 = tpu.memref_slice %arg8[%dma_wait3A_219, %dma_wait3A_220, %dma_wait3A_225] : memref<2x8x64xf32, #tpu.memory_space<vmem>> -> memref<1x1x64xf32, #tpu.memory_space<vmem>>
        %dma_wait3A_227 = tpu.memref_squeeze %dma_wait3A_226 : memref<1x1x64xf32, #tpu.memory_space<vmem>> -> memref<64xf32, #tpu.memory_space<vmem>>
        %dma_wait3A_228 = tpu.memref_slice %arg3[%add3A_141] : memref<800000xf32, #tpu.memory_space<hbm>> -> memref<64xf32, #tpu.memory_space<hbm>>
        tpu.wait_dma2 semaphore(%arg11 : memref<!tpu.dma_semaphore, #tpu.memory_space<semaphore_mem>>) src(%dma_wait3A_228 : memref<64xf32, #tpu.memory_space<hbm>>) dst(%dma_wait3A_227 : memref<64xf32, #tpu.memory_space<vmem>>)
        %dma_wait3A_229 = arith.constant 0 : i32
        %dma_wait3A_230 = arith.constant 6 : i32
        %dma_wait3A_231 = arith.constant 0 : i32
        %dma_wait3A_232 = tpu.memref_slice %arg8[%dma_wait3A_229, %dma_wait3A_230, %dma_wait3A_231] : memref<2x8x64xf32, #tpu.memory_space<vmem>> -> memref<1x1x64xf32, #tpu.memory_space<vmem>>
        %dma_wait3A_233 = tpu.memref_squeeze %dma_wait3A_232 : memref<1x1x64xf32, #tpu.memory_space<vmem>> -> memref<64xf32, #tpu.memory_space<vmem>>
        %dma_wait3A_234 = tpu.memref_slice %arg3[%add3A_143] : memref<800000xf32, #tpu.memory_space<hbm>> -> memref<64xf32, #tpu.memory_space<hbm>>
        %dma_wait3A_235 = arith.constant 0 : i32
        %dma_wait3A_236 = tpu.memref_slice %arg8[%dma_wait3A_229, %dma_wait3A_230, %dma_wait3A_235] : memref<2x8x64xf32, #tpu.memory_space<vmem>> -> memref<1x1x64xf32, #tpu.memory_space<vmem>>
        %dma_wait3A_237 = tpu.memref_squeeze %dma_wait3A_236 : memref<1x1x64xf32, #tpu.memory_space<vmem>> -> memref<64xf32, #tpu.memory_space<vmem>>
        %dma_wait3A_238 = tpu.memref_slice %arg3[%add3A_143] : memref<800000xf32, #tpu.memory_space<hbm>> -> memref<64xf32, #tpu.memory_space<hbm>>
        tpu.wait_dma2 semaphore(%arg11 : memref<!tpu.dma_semaphore, #tpu.memory_space<semaphore_mem>>) src(%dma_wait3A_238 : memref<64xf32, #tpu.memory_space<hbm>>) dst(%dma_wait3A_237 : memref<64xf32, #tpu.memory_space<vmem>>)
        %dma_wait3A_239 = arith.constant 0 : i32
        %dma_wait3A_240 = arith.constant 7 : i32
        %dma_wait3A_241 = arith.constant 0 : i32
        %dma_wait3A_242 = tpu.memref_slice %arg8[%dma_wait3A_239, %dma_wait3A_240, %dma_wait3A_241] : memref<2x8x64xf32, #tpu.memory_space<vmem>> -> memref<1x1x64xf32, #tpu.memory_space<vmem>>
        %dma_wait3A_243 = tpu.memref_squeeze %dma_wait3A_242 : memref<1x1x64xf32, #tpu.memory_space<vmem>> -> memref<64xf32, #tpu.memory_space<vmem>>
        %dma_wait3A_244 = tpu.memref_slice %arg3[%add3A_145] : memref<800000xf32, #tpu.memory_space<hbm>> -> memref<64xf32, #tpu.memory_space<hbm>>
        %dma_wait3A_245 = arith.constant 0 : i32
        %dma_wait3A_246 = tpu.memref_slice %arg8[%dma_wait3A_239, %dma_wait3A_240, %dma_wait3A_245] : memref<2x8x64xf32, #tpu.memory_space<vmem>> -> memref<1x1x64xf32, #tpu.memory_space<vmem>>
        %dma_wait3A_247 = tpu.memref_squeeze %dma_wait3A_246 : memref<1x1x64xf32, #tpu.memory_space<vmem>> -> memref<64xf32, #tpu.memory_space<vmem>>
        %dma_wait3A_248 = tpu.memref_slice %arg3[%add3A_145] : memref<800000xf32, #tpu.memory_space<hbm>> -> memref<64xf32, #tpu.memory_space<hbm>>
        tpu.wait_dma2 semaphore(%arg11 : memref<!tpu.dma_semaphore, #tpu.memory_space<semaphore_mem>>) src(%dma_wait3A_248 : memref<64xf32, #tpu.memory_space<hbm>>) dst(%dma_wait3A_247 : memref<64xf32, #tpu.memory_space<vmem>>)
      } else {
      }
      %add3A_37 = arith.constant 1 : i32
      %add3A_38 = arith.addi %add3A_28, %add3A_37 : i32
      %mul3A_39 = arith.constant 32 : i32
      %mul3A_40 = arith.muli %add3A_38, %mul3A_39 : i32
      %add3A_41 = arith.addi %mul3A_40, %add3A : i32
      %lt3A_42 = arith.constant 1563 : i32
      %lt3A_43 = arith.cmpi slt, %add3A_41, %lt3A_42 : i32
      %convert_element_type3A_44 = arith.extui %lt3A_43 : i1 to i32
      %cond3A_45 = arith.constant 0 : i32
      %cond3A_46 = arith.cmpi ne, %convert_element_type3A_44, %cond3A_45 : i32
      scf.if %cond3A_46 {
        %mul3A_108 = arith.constant 32 : i32
        %mul3A_109 = arith.muli %add3A_38, %mul3A_108 : i32
        %add3A_110 = arith.addi %mul3A_109, %add3A : i32
        %mul3A_111 = arith.constant 64 : i32
        %mul3A_112 = arith.muli %add3A_110, %mul3A_111 : i32
        %min3A = arith.constant 99936 : i32
        %min3A_113 = arith.minsi %mul3A_112, %min3A : i32
        %mul3A_114 = arith.constant 128 : i32
        %mul3A_115 = arith.muli %min3A_113, %mul3A_114 : i32
        %add3A_116 = arith.constant 0 : i32
        %add3A_117 = arith.addi %add3A_116, %mul3A_115 : i32
        %mul3A_118 = arith.constant 128 : i32
        %mul3A_119 = arith.muli %min3A_113, %mul3A_118 : i32
        %add3A_120 = arith.constant 12800000 : i32
        %add3A_121 = arith.addi %add3A_120, %mul3A_119 : i32
        %mul3A_122 = arith.constant 128 : i32
        %mul3A_123 = arith.muli %min3A_113, %mul3A_122 : i32
        %add3A_124 = arith.constant 25600000 : i32
        %add3A_125 = arith.addi %add3A_124, %mul3A_123 : i32
        %mul3A_126 = arith.constant 128 : i32
        %mul3A_127 = arith.muli %min3A_113, %mul3A_126 : i32
        %add3A_128 = arith.constant 38400000 : i32
        %add3A_129 = arith.addi %add3A_128, %mul3A_127 : i32
        %add3A_130 = arith.constant 0 : i32
        %add3A_131 = arith.addi %add3A_130, %min3A_113 : i32
        %add3A_132 = arith.constant 100000 : i32
        %add3A_133 = arith.addi %add3A_132, %min3A_113 : i32
        %add3A_134 = arith.constant 200000 : i32
        %add3A_135 = arith.addi %add3A_134, %min3A_113 : i32
        %add3A_136 = arith.constant 300000 : i32
        %add3A_137 = arith.addi %add3A_136, %min3A_113 : i32
        %add3A_138 = arith.constant 400000 : i32
        %add3A_139 = arith.addi %add3A_138, %min3A_113 : i32
        %add3A_140 = arith.constant 500000 : i32
        %add3A_141 = arith.addi %add3A_140, %min3A_113 : i32
        %add3A_142 = arith.constant 600000 : i32
        %add3A_143 = arith.addi %add3A_142, %min3A_113 : i32
        %add3A_144 = arith.constant 700000 : i32
        %add3A_145 = arith.addi %add3A_144, %min3A_113 : i32
        %dma_start3A = arith.constant 32768 : i32
        %dma_start3A_146 = tpu.memref_slice %arg6[%dma_start3A] : memref<65536xf32, #tpu.memory_space<vmem>> -> memref<8192xf32, #tpu.memory_space<vmem>>
        %dma_start3A_147 = tpu.memref_slice %arg2[%add3A_117] : memref<51200000xf32, #tpu.memory_space<hbm>> -> memref<8192xf32, #tpu.memory_space<hbm>>
        %dma_start3A_148 = arith.constant 32768 : i32
        %dma_start3A_149 = tpu.memref_slice %arg6[%dma_start3A_148] : memref<65536xf32, #tpu.memory_space<vmem>> -> memref<8192xf32, #tpu.memory_space<vmem>>
        %dma_start3A_150 = tpu.memref_slice %arg2[%add3A_117] : memref<51200000xf32, #tpu.memory_space<hbm>> -> memref<8192xf32, #tpu.memory_space<hbm>>
        tpu.enqueue_dma source(%dma_start3A_150 : memref<8192xf32, #tpu.memory_space<hbm>>) target(%dma_start3A_149 : memref<8192xf32, #tpu.memory_space<vmem>>) target_semaphore(%arg12 : memref<!tpu.dma_semaphore, #tpu.memory_space<semaphore_mem>>)
        %dma_start3A_151 = arith.constant 40960 : i32
        %dma_start3A_152 = tpu.memref_slice %arg6[%dma_start3A_151] : memref<65536xf32, #tpu.memory_space<vmem>> -> memref<8192xf32, #tpu.memory_space<vmem>>
        %dma_start3A_153 = tpu.memref_slice %arg2[%add3A_121] : memref<51200000xf32, #tpu.memory_space<hbm>> -> memref<8192xf32, #tpu.memory_space<hbm>>
        %dma_start3A_154 = arith.constant 40960 : i32
        %dma_start3A_155 = tpu.memref_slice %arg6[%dma_start3A_154] : memref<65536xf32, #tpu.memory_space<vmem>> -> memref<8192xf32, #tpu.memory_space<vmem>>
        %dma_start3A_156 = tpu.memref_slice %arg2[%add3A_121] : memref<51200000xf32, #tpu.memory_space<hbm>> -> memref<8192xf32, #tpu.memory_space<hbm>>
        tpu.enqueue_dma source(%dma_start3A_156 : memref<8192xf32, #tpu.memory_space<hbm>>) target(%dma_start3A_155 : memref<8192xf32, #tpu.memory_space<vmem>>) target_semaphore(%arg12 : memref<!tpu.dma_semaphore, #tpu.memory_space<semaphore_mem>>)
        %dma_start3A_157 = arith.constant 49152 : i32
        %dma_start3A_158 = tpu.memref_slice %arg6[%dma_start3A_157] : memref<65536xf32, #tpu.memory_space<vmem>> -> memref<8192xf32, #tpu.memory_space<vmem>>
        %dma_start3A_159 = tpu.memref_slice %arg2[%add3A_125] : memref<51200000xf32, #tpu.memory_space<hbm>> -> memref<8192xf32, #tpu.memory_space<hbm>>
        %dma_start3A_160 = arith.constant 49152 : i32
        %dma_start3A_161 = tpu.memref_slice %arg6[%dma_start3A_160] : memref<65536xf32, #tpu.memory_space<vmem>> -> memref<8192xf32, #tpu.memory_space<vmem>>
        %dma_start3A_162 = tpu.memref_slice %arg2[%add3A_125] : memref<51200000xf32, #tpu.memory_space<hbm>> -> memref<8192xf32, #tpu.memory_space<hbm>>
        tpu.enqueue_dma source(%dma_start3A_162 : memref<8192xf32, #tpu.memory_space<hbm>>) target(%dma_start3A_161 : memref<8192xf32, #tpu.memory_space<vmem>>) target_semaphore(%arg12 : memref<!tpu.dma_semaphore, #tpu.memory_space<semaphore_mem>>)
        %dma_start3A_163 = arith.constant 57344 : i32
        %dma_start3A_164 = tpu.memref_slice %arg6[%dma_start3A_163] : memref<65536xf32, #tpu.memory_space<vmem>> -> memref<8192xf32, #tpu.memory_space<vmem>>
        %dma_start3A_165 = tpu.memref_slice %arg2[%add3A_129] : memref<51200000xf32, #tpu.memory_space<hbm>> -> memref<8192xf32, #tpu.memory_space<hbm>>
        %dma_start3A_166 = arith.constant 57344 : i32
        %dma_start3A_167 = tpu.memref_slice %arg6[%dma_start3A_166] : memref<65536xf32, #tpu.memory_space<vmem>> -> memref<8192xf32, #tpu.memory_space<vmem>>
        %dma_start3A_168 = tpu.memref_slice %arg2[%add3A_129] : memref<51200000xf32, #tpu.memory_space<hbm>> -> memref<8192xf32, #tpu.memory_space<hbm>>
        tpu.enqueue_dma source(%dma_start3A_168 : memref<8192xf32, #tpu.memory_space<hbm>>) target(%dma_start3A_167 : memref<8192xf32, #tpu.memory_space<vmem>>) target_semaphore(%arg12 : memref<!tpu.dma_semaphore, #tpu.memory_space<semaphore_mem>>)
        %dma_start3A_169 = arith.constant 1 : i32
        %dma_start3A_170 = arith.constant 0 : i32
        %dma_start3A_171 = arith.constant 0 : i32
        %dma_start3A_172 = tpu.memref_slice %arg8[%dma_start3A_169, %dma_start3A_170, %dma_start3A_171] : memref<2x8x64xf32, #tpu.memory_space<vmem>> -> memref<1x1x64xf32, #tpu.memory_space<vmem>>
        %dma_start3A_173 = tpu.memref_squeeze %dma_start3A_172 : memref<1x1x64xf32, #tpu.memory_space<vmem>> -> memref<64xf32, #tpu.memory_space<vmem>>
        %dma_start3A_174 = tpu.memref_slice %arg3[%add3A_131] : memref<800000xf32, #tpu.memory_space<hbm>> -> memref<64xf32, #tpu.memory_space<hbm>>
        %dma_start3A_175 = arith.constant 0 : i32
        %dma_start3A_176 = tpu.memref_slice %arg8[%dma_start3A_169, %dma_start3A_170, %dma_start3A_175] : memref<2x8x64xf32, #tpu.memory_space<vmem>> -> memref<1x1x64xf32, #tpu.memory_space<vmem>>
        %dma_start3A_177 = tpu.memref_squeeze %dma_start3A_176 : memref<1x1x64xf32, #tpu.memory_space<vmem>> -> memref<64xf32, #tpu.memory_space<vmem>>
        %dma_start3A_178 = tpu.memref_slice %arg3[%add3A_131] : memref<800000xf32, #tpu.memory_space<hbm>> -> memref<64xf32, #tpu.memory_space<hbm>>
        tpu.enqueue_dma source(%dma_start3A_178 : memref<64xf32, #tpu.memory_space<hbm>>) target(%dma_start3A_177 : memref<64xf32, #tpu.memory_space<vmem>>) target_semaphore(%arg12 : memref<!tpu.dma_semaphore, #tpu.memory_space<semaphore_mem>>)
        %dma_start3A_179 = arith.constant 1 : i32
        %dma_start3A_180 = arith.constant 1 : i32
        %dma_start3A_181 = arith.constant 0 : i32
        %dma_start3A_182 = tpu.memref_slice %arg8[%dma_start3A_179, %dma_start3A_180, %dma_start3A_181] : memref<2x8x64xf32, #tpu.memory_space<vmem>> -> memref<1x1x64xf32, #tpu.memory_space<vmem>>
        %dma_start3A_183 = tpu.memref_squeeze %dma_start3A_182 : memref<1x1x64xf32, #tpu.memory_space<vmem>> -> memref<64xf32, #tpu.memory_space<vmem>>
        %dma_start3A_184 = tpu.memref_slice %arg3[%add3A_133] : memref<800000xf32, #tpu.memory_space<hbm>> -> memref<64xf32, #tpu.memory_space<hbm>>
        %dma_start3A_185 = arith.constant 0 : i32
        %dma_start3A_186 = tpu.memref_slice %arg8[%dma_start3A_179, %dma_start3A_180, %dma_start3A_185] : memref<2x8x64xf32, #tpu.memory_space<vmem>> -> memref<1x1x64xf32, #tpu.memory_space<vmem>>
        %dma_start3A_187 = tpu.memref_squeeze %dma_start3A_186 : memref<1x1x64xf32, #tpu.memory_space<vmem>> -> memref<64xf32, #tpu.memory_space<vmem>>
        %dma_start3A_188 = tpu.memref_slice %arg3[%add3A_133] : memref<800000xf32, #tpu.memory_space<hbm>> -> memref<64xf32, #tpu.memory_space<hbm>>
        tpu.enqueue_dma source(%dma_start3A_188 : memref<64xf32, #tpu.memory_space<hbm>>) target(%dma_start3A_187 : memref<64xf32, #tpu.memory_space<vmem>>) target_semaphore(%arg12 : memref<!tpu.dma_semaphore, #tpu.memory_space<semaphore_mem>>)
        %dma_start3A_189 = arith.constant 1 : i32
        %dma_start3A_190 = arith.constant 2 : i32
        %dma_start3A_191 = arith.constant 0 : i32
        %dma_start3A_192 = tpu.memref_slice %arg8[%dma_start3A_189, %dma_start3A_190, %dma_start3A_191] : memref<2x8x64xf32, #tpu.memory_space<vmem>> -> memref<1x1x64xf32, #tpu.memory_space<vmem>>
        %dma_start3A_193 = tpu.memref_squeeze %dma_start3A_192 : memref<1x1x64xf32, #tpu.memory_space<vmem>> -> memref<64xf32, #tpu.memory_space<vmem>>
        %dma_start3A_194 = tpu.memref_slice %arg3[%add3A_135] : memref<800000xf32, #tpu.memory_space<hbm>> -> memref<64xf32, #tpu.memory_space<hbm>>
        %dma_start3A_195 = arith.constant 0 : i32
        %dma_start3A_196 = tpu.memref_slice %arg8[%dma_start3A_189, %dma_start3A_190, %dma_start3A_195] : memref<2x8x64xf32, #tpu.memory_space<vmem>> -> memref<1x1x64xf32, #tpu.memory_space<vmem>>
        %dma_start3A_197 = tpu.memref_squeeze %dma_start3A_196 : memref<1x1x64xf32, #tpu.memory_space<vmem>> -> memref<64xf32, #tpu.memory_space<vmem>>
        %dma_start3A_198 = tpu.memref_slice %arg3[%add3A_135] : memref<800000xf32, #tpu.memory_space<hbm>> -> memref<64xf32, #tpu.memory_space<hbm>>
        tpu.enqueue_dma source(%dma_start3A_198 : memref<64xf32, #tpu.memory_space<hbm>>) target(%dma_start3A_197 : memref<64xf32, #tpu.memory_space<vmem>>) target_semaphore(%arg12 : memref<!tpu.dma_semaphore, #tpu.memory_space<semaphore_mem>>)
        %dma_start3A_199 = arith.constant 1 : i32
        %dma_start3A_200 = arith.constant 3 : i32
        %dma_start3A_201 = arith.constant 0 : i32
        %dma_start3A_202 = tpu.memref_slice %arg8[%dma_start3A_199, %dma_start3A_200, %dma_start3A_201] : memref<2x8x64xf32, #tpu.memory_space<vmem>> -> memref<1x1x64xf32, #tpu.memory_space<vmem>>
        %dma_start3A_203 = tpu.memref_squeeze %dma_start3A_202 : memref<1x1x64xf32, #tpu.memory_space<vmem>> -> memref<64xf32, #tpu.memory_space<vmem>>
        %dma_start3A_204 = tpu.memref_slice %arg3[%add3A_137] : memref<800000xf32, #tpu.memory_space<hbm>> -> memref<64xf32, #tpu.memory_space<hbm>>
        %dma_start3A_205 = arith.constant 0 : i32
        %dma_start3A_206 = tpu.memref_slice %arg8[%dma_start3A_199, %dma_start3A_200, %dma_start3A_205] : memref<2x8x64xf32, #tpu.memory_space<vmem>> -> memref<1x1x64xf32, #tpu.memory_space<vmem>>
        %dma_start3A_207 = tpu.memref_squeeze %dma_start3A_206 : memref<1x1x64xf32, #tpu.memory_space<vmem>> -> memref<64xf32, #tpu.memory_space<vmem>>
        %dma_start3A_208 = tpu.memref_slice %arg3[%add3A_137] : memref<800000xf32, #tpu.memory_space<hbm>> -> memref<64xf32, #tpu.memory_space<hbm>>
        tpu.enqueue_dma source(%dma_start3A_208 : memref<64xf32, #tpu.memory_space<hbm>>) target(%dma_start3A_207 : memref<64xf32, #tpu.memory_space<vmem>>) target_semaphore(%arg12 : memref<!tpu.dma_semaphore, #tpu.memory_space<semaphore_mem>>)
        %dma_start3A_209 = arith.constant 1 : i32
        %dma_start3A_210 = arith.constant 4 : i32
        %dma_start3A_211 = arith.constant 0 : i32
        %dma_start3A_212 = tpu.memref_slice %arg8[%dma_start3A_209, %dma_start3A_210, %dma_start3A_211] : memref<2x8x64xf32, #tpu.memory_space<vmem>> -> memref<1x1x64xf32, #tpu.memory_space<vmem>>
        %dma_start3A_213 = tpu.memref_squeeze %dma_start3A_212 : memref<1x1x64xf32, #tpu.memory_space<vmem>> -> memref<64xf32, #tpu.memory_space<vmem>>
        %dma_start3A_214 = tpu.memref_slice %arg3[%add3A_139] : memref<800000xf32, #tpu.memory_space<hbm>> -> memref<64xf32, #tpu.memory_space<hbm>>
        %dma_start3A_215 = arith.constant 0 : i32
        %dma_start3A_216 = tpu.memref_slice %arg8[%dma_start3A_209, %dma_start3A_210, %dma_start3A_215] : memref<2x8x64xf32, #tpu.memory_space<vmem>> -> memref<1x1x64xf32, #tpu.memory_space<vmem>>
        %dma_start3A_217 = tpu.memref_squeeze %dma_start3A_216 : memref<1x1x64xf32, #tpu.memory_space<vmem>> -> memref<64xf32, #tpu.memory_space<vmem>>
        %dma_start3A_218 = tpu.memref_slice %arg3[%add3A_139] : memref<800000xf32, #tpu.memory_space<hbm>> -> memref<64xf32, #tpu.memory_space<hbm>>
        tpu.enqueue_dma source(%dma_start3A_218 : memref<64xf32, #tpu.memory_space<hbm>>) target(%dma_start3A_217 : memref<64xf32, #tpu.memory_space<vmem>>) target_semaphore(%arg12 : memref<!tpu.dma_semaphore, #tpu.memory_space<semaphore_mem>>)
        %dma_start3A_219 = arith.constant 1 : i32
        %dma_start3A_220 = arith.constant 5 : i32
        %dma_start3A_221 = arith.constant 0 : i32
        %dma_start3A_222 = tpu.memref_slice %arg8[%dma_start3A_219, %dma_start3A_220, %dma_start3A_221] : memref<2x8x64xf32, #tpu.memory_space<vmem>> -> memref<1x1x64xf32, #tpu.memory_space<vmem>>
        %dma_start3A_223 = tpu.memref_squeeze %dma_start3A_222 : memref<1x1x64xf32, #tpu.memory_space<vmem>> -> memref<64xf32, #tpu.memory_space<vmem>>
        %dma_start3A_224 = tpu.memref_slice %arg3[%add3A_141] : memref<800000xf32, #tpu.memory_space<hbm>> -> memref<64xf32, #tpu.memory_space<hbm>>
        %dma_start3A_225 = arith.constant 0 : i32
        %dma_start3A_226 = tpu.memref_slice %arg8[%dma_start3A_219, %dma_start3A_220, %dma_start3A_225] : memref<2x8x64xf32, #tpu.memory_space<vmem>> -> memref<1x1x64xf32, #tpu.memory_space<vmem>>
        %dma_start3A_227 = tpu.memref_squeeze %dma_start3A_226 : memref<1x1x64xf32, #tpu.memory_space<vmem>> -> memref<64xf32, #tpu.memory_space<vmem>>
        %dma_start3A_228 = tpu.memref_slice %arg3[%add3A_141] : memref<800000xf32, #tpu.memory_space<hbm>> -> memref<64xf32, #tpu.memory_space<hbm>>
        tpu.enqueue_dma source(%dma_start3A_228 : memref<64xf32, #tpu.memory_space<hbm>>) target(%dma_start3A_227 : memref<64xf32, #tpu.memory_space<vmem>>) target_semaphore(%arg12 : memref<!tpu.dma_semaphore, #tpu.memory_space<semaphore_mem>>)
        %dma_start3A_229 = arith.constant 1 : i32
        %dma_start3A_230 = arith.constant 6 : i32
        %dma_start3A_231 = arith.constant 0 : i32
        %dma_start3A_232 = tpu.memref_slice %arg8[%dma_start3A_229, %dma_start3A_230, %dma_start3A_231] : memref<2x8x64xf32, #tpu.memory_space<vmem>> -> memref<1x1x64xf32, #tpu.memory_space<vmem>>
        %dma_start3A_233 = tpu.memref_squeeze %dma_start3A_232 : memref<1x1x64xf32, #tpu.memory_space<vmem>> -> memref<64xf32, #tpu.memory_space<vmem>>
        %dma_start3A_234 = tpu.memref_slice %arg3[%add3A_143] : memref<800000xf32, #tpu.memory_space<hbm>> -> memref<64xf32, #tpu.memory_space<hbm>>
        %dma_start3A_235 = arith.constant 0 : i32
        %dma_start3A_236 = tpu.memref_slice %arg8[%dma_start3A_229, %dma_start3A_230, %dma_start3A_235] : memref<2x8x64xf32, #tpu.memory_space<vmem>> -> memref<1x1x64xf32, #tpu.memory_space<vmem>>
        %dma_start3A_237 = tpu.memref_squeeze %dma_start3A_236 : memref<1x1x64xf32, #tpu.memory_space<vmem>> -> memref<64xf32, #tpu.memory_space<vmem>>
        %dma_start3A_238 = tpu.memref_slice %arg3[%add3A_143] : memref<800000xf32, #tpu.memory_space<hbm>> -> memref<64xf32, #tpu.memory_space<hbm>>
        tpu.enqueue_dma source(%dma_start3A_238 : memref<64xf32, #tpu.memory_space<hbm>>) target(%dma_start3A_237 : memref<64xf32, #tpu.memory_space<vmem>>) target_semaphore(%arg12 : memref<!tpu.dma_semaphore, #tpu.memory_space<semaphore_mem>>)
        %dma_start3A_239 = arith.constant 1 : i32
        %dma_start3A_240 = arith.constant 7 : i32
        %dma_start3A_241 = arith.constant 0 : i32
        %dma_start3A_242 = tpu.memref_slice %arg8[%dma_start3A_239, %dma_start3A_240, %dma_start3A_241] : memref<2x8x64xf32, #tpu.memory_space<vmem>> -> memref<1x1x64xf32, #tpu.memory_space<vmem>>
        %dma_start3A_243 = tpu.memref_squeeze %dma_start3A_242 : memref<1x1x64xf32, #tpu.memory_space<vmem>> -> memref<64xf32, #tpu.memory_space<vmem>>
        %dma_start3A_244 = tpu.memref_slice %arg3[%add3A_145] : memref<800000xf32, #tpu.memory_space<hbm>> -> memref<64xf32, #tpu.memory_space<hbm>>
        %dma_start3A_245 = arith.constant 0 : i32
        %dma_start3A_246 = tpu.memref_slice %arg8[%dma_start3A_239, %dma_start3A_240, %dma_start3A_245] : memref<2x8x64xf32, #tpu.memory_space<vmem>> -> memref<1x1x64xf32, #tpu.memory_space<vmem>>
        %dma_start3A_247 = tpu.memref_squeeze %dma_start3A_246 : memref<1x1x64xf32, #tpu.memory_space<vmem>> -> memref<64xf32, #tpu.memory_space<vmem>>
        %dma_start3A_248 = tpu.memref_slice %arg3[%add3A_145] : memref<800000xf32, #tpu.memory_space<hbm>> -> memref<64xf32, #tpu.memory_space<hbm>>
        tpu.enqueue_dma source(%dma_start3A_248 : memref<64xf32, #tpu.memory_space<hbm>>) target(%dma_start3A_247 : memref<64xf32, #tpu.memory_space<vmem>>) target_semaphore(%arg12 : memref<!tpu.dma_semaphore, #tpu.memory_space<semaphore_mem>>)
      } else {
      }
      %ge3A = arith.constant 2 : i32
      %ge3A_47 = arith.cmpi sge, %add3A_28, %ge3A : i32
      %sub3A = arith.constant 2 : i32
      %sub3A_48 = arith.subi %add3A_28, %sub3A : i32
      %mul3A_49 = arith.constant 32 : i32
      %mul3A_50 = arith.muli %sub3A_48, %mul3A_49 : i32
      %add3A_51 = arith.addi %mul3A_50, %add3A : i32
      %lt3A_52 = arith.constant 1563 : i32
      %lt3A_53 = arith.cmpi slt, %add3A_51, %lt3A_52 : i32
      %and3A = arith.andi %ge3A_47, %lt3A_53 : i1
      %convert_element_type3A_54 = arith.extui %and3A : i1 to i32
      %cond3A_55 = arith.constant 0 : i32
      %cond3A_56 = arith.cmpi ne, %convert_element_type3A_54, %cond3A_55 : i32
      scf.if %cond3A_56 {
        %sub3A_108 = arith.constant 2 : i32
        %sub3A_109 = arith.subi %add3A_28, %sub3A_108 : i32
        %mul3A_110 = arith.constant 32 : i32
        %mul3A_111 = arith.muli %sub3A_109, %mul3A_110 : i32
        %add3A_112 = arith.addi %mul3A_111, %add3A : i32
        %mul3A_113 = arith.constant 64 : i32
        %mul3A_114 = arith.muli %add3A_112, %mul3A_113 : i32
        %min3A = arith.constant 99936 : i32
        %min3A_115 = arith.minsi %mul3A_114, %min3A : i32
        %mul3A_116 = arith.constant 128 : i32
        %mul3A_117 = arith.muli %min3A_115, %mul3A_116 : i32
        %dma_wait3A = arith.constant 0 : i32
        %dma_wait3A_118 = tpu.memref_slice %arg7[%dma_wait3A] : memref<16384xf32, #tpu.memory_space<vmem>> -> memref<8192xf32, #tpu.memory_space<vmem>>
        %dma_wait3A_119 = tpu.memref_slice %arg5[%mul3A_117] : memref<12800000xf32, #tpu.memory_space<hbm>> -> memref<8192xf32, #tpu.memory_space<hbm>>
        %dma_wait3A_120 = tpu.memref_slice %arg5[%mul3A_117] : memref<12800000xf32, #tpu.memory_space<hbm>> -> memref<8192xf32, #tpu.memory_space<hbm>>
        %dma_wait3A_121 = arith.constant 0 : i32
        %dma_wait3A_122 = tpu.memref_slice %arg7[%dma_wait3A_121] : memref<16384xf32, #tpu.memory_space<vmem>> -> memref<8192xf32, #tpu.memory_space<vmem>>
        tpu.wait_dma2 semaphore(%arg13 : memref<!tpu.dma_semaphore, #tpu.memory_space<semaphore_mem>>) src(%dma_wait3A_122 : memref<8192xf32, #tpu.memory_space<vmem>>) dst(%dma_wait3A_120 : memref<8192xf32, #tpu.memory_space<hbm>>)
      } else {
      }
      %mul3A_57 = arith.constant 32 : i32
      %mul3A_58 = arith.muli %add3A_28, %mul3A_57 : i32
      %add3A_59 = arith.addi %mul3A_58, %add3A : i32
      %lt3A_60 = arith.constant 1563 : i32
      %lt3A_61 = arith.cmpi slt, %add3A_59, %lt3A_60 : i32
      %convert_element_type3A_62 = arith.extui %lt3A_61 : i1 to i32
      %cond3A_63 = arith.constant 0 : i32
      %cond3A_64 = arith.cmpi ne, %convert_element_type3A_62, %cond3A_63 : i32
      scf.if %cond3A_64 {
        %parallel_loop3A = arith.constant 0 : i32
        %parallel_loop3A_108 = arith.constant 4 : i32
        %parallel_loop3A_109 = arith.constant 1 : i32
        scf.for %parallel_loop3A_126 = %parallel_loop3A to %parallel_loop3A_108 step %parallel_loop3A_109  : i32 {
          %parallel_loop3A_127 = arith.constant 16 : i32
          %parallel_loop3A_128 = arith.muli %parallel_loop3A_126, %parallel_loop3A_127 : i32
          %parallel_loop3A_129 = arith.constant 0 : i32
          %parallel_loop3A_130 = arith.constant 0 : i32
          %parallel_loop3A_131 = arith.index_cast %parallel_loop3A_129 : i32 to index
          %parallel_loop3A_132 = arith.index_cast %parallel_loop3A_130 : i32 to index
          %parallel_loop3A_133 = arith.index_cast %parallel_loop3A_128 : i32 to index
          %parallel_loop3A_134 = tpu.vector_load %arg8[%parallel_loop3A_131, %parallel_loop3A_132, %parallel_loop3A_133] {strides = array<i32>} : memref<2x8x64xf32, #tpu.memory_space<vmem>>, vector<16xf32>,
          %parallel_loop3A_135 = arith.constant 0 : i32
          %parallel_loop3A_136 = vector.broadcast %parallel_loop3A_135 : i32 to vector<16xi32>
          %parallel_loop3A_137 = arith.constant 0 : i32
          %parallel_loop3A_138 = arith.constant 1 : i32
          %parallel_loop3A_139 = arith.index_cast %parallel_loop3A_137 : i32 to index
          %parallel_loop3A_140 = arith.index_cast %parallel_loop3A_138 : i32 to index
          %parallel_loop3A_141 = arith.index_cast %parallel_loop3A_128 : i32 to index
          %parallel_loop3A_142 = tpu.vector_load %arg8[%parallel_loop3A_139, %parallel_loop3A_140, %parallel_loop3A_141] {strides = array<i32>} : memref<2x8x64xf32, #tpu.memory_space<vmem>>, vector<16xf32>,
          %parallel_loop3A_143 = arith.cmpf ogt, %parallel_loop3A_142, %parallel_loop3A_134 : vector<16xf32>
          %parallel_loop3A_144 = arith.select %parallel_loop3A_143, %parallel_loop3A_142, %parallel_loop3A_134 : vector<16xi1>, vector<16xf32>
          %parallel_loop3A_145 = arith.constant 1 : i32
          %parallel_loop3A_146 = vector.broadcast %parallel_loop3A_145 : i32 to vector<16xi32>
          %parallel_loop3A_147 = arith.select %parallel_loop3A_143, %parallel_loop3A_146, %parallel_loop3A_136 : vector<16xi1>, vector<16xi32>
          %parallel_loop3A_148 = arith.constant 0 : i32
          %parallel_loop3A_149 = arith.constant 2 : i32
          %parallel_loop3A_150 = arith.index_cast %parallel_loop3A_148 : i32 to index
          %parallel_loop3A_151 = arith.index_cast %parallel_loop3A_149 : i32 to index
          %parallel_loop3A_152 = arith.index_cast %parallel_loop3A_128 : i32 to index
          %parallel_loop3A_153 = tpu.vector_load %arg8[%parallel_loop3A_150, %parallel_loop3A_151, %parallel_loop3A_152] {strides = array<i32>} : memref<2x8x64xf32, #tpu.memory_space<vmem>>, vector<16xf32>,
          %parallel_loop3A_154 = arith.cmpf ogt, %parallel_loop3A_153, %parallel_loop3A_144 : vector<16xf32>
          %parallel_loop3A_155 = arith.select %parallel_loop3A_154, %parallel_loop3A_153, %parallel_loop3A_144 : vector<16xi1>, vector<16xf32>
          %parallel_loop3A_156 = arith.constant 2 : i32
          %parallel_loop3A_157 = vector.broadcast %parallel_loop3A_156 : i32 to vector<16xi32>
          %parallel_loop3A_158 = arith.select %parallel_loop3A_154, %parallel_loop3A_157, %parallel_loop3A_147 : vector<16xi1>, vector<16xi32>
          %parallel_loop3A_159 = arith.constant 0 : i32
          %parallel_loop3A_160 = arith.constant 3 : i32
          %parallel_loop3A_161 = arith.index_cast %parallel_loop3A_159 : i32 to index
          %parallel_loop3A_162 = arith.index_cast %parallel_loop3A_160 : i32 to index
          %parallel_loop3A_163 = arith.index_cast %parallel_loop3A_128 : i32 to index
          %parallel_loop3A_164 = tpu.vector_load %arg8[%parallel_loop3A_161, %parallel_loop3A_162, %parallel_loop3A_163] {strides = array<i32>} : memref<2x8x64xf32, #tpu.memory_space<vmem>>, vector<16xf32>,
          %parallel_loop3A_165 = arith.cmpf ogt, %parallel_loop3A_164, %parallel_loop3A_155 : vector<16xf32>
          %parallel_loop3A_166 = arith.select %parallel_loop3A_165, %parallel_loop3A_164, %parallel_loop3A_155 : vector<16xi1>, vector<16xf32>
          %parallel_loop3A_167 = arith.constant 3 : i32
          %parallel_loop3A_168 = vector.broadcast %parallel_loop3A_167 : i32 to vector<16xi32>
          %parallel_loop3A_169 = arith.select %parallel_loop3A_165, %parallel_loop3A_168, %parallel_loop3A_158 : vector<16xi1>, vector<16xi32>
          %parallel_loop3A_170 = arith.constant 0 : i32
          %parallel_loop3A_171 = arith.constant 4 : i32
          %parallel_loop3A_172 = arith.index_cast %parallel_loop3A_170 : i32 to index
          %parallel_loop3A_173 = arith.index_cast %parallel_loop3A_171 : i32 to index
          %parallel_loop3A_174 = arith.index_cast %parallel_loop3A_128 : i32 to index
          %parallel_loop3A_175 = tpu.vector_load %arg8[%parallel_loop3A_172, %parallel_loop3A_173, %parallel_loop3A_174] {strides = array<i32>} : memref<2x8x64xf32, #tpu.memory_space<vmem>>, vector<16xf32>,
          %parallel_loop3A_176 = arith.cmpf ogt, %parallel_loop3A_175, %parallel_loop3A_166 : vector<16xf32>
          %parallel_loop3A_177 = arith.select %parallel_loop3A_176, %parallel_loop3A_175, %parallel_loop3A_166 : vector<16xi1>, vector<16xf32>
          %parallel_loop3A_178 = arith.constant 4 : i32
          %parallel_loop3A_179 = vector.broadcast %parallel_loop3A_178 : i32 to vector<16xi32>
          %parallel_loop3A_180 = arith.select %parallel_loop3A_176, %parallel_loop3A_179, %parallel_loop3A_169 : vector<16xi1>, vector<16xi32>
          %parallel_loop3A_181 = arith.constant 0 : i32
          %parallel_loop3A_182 = arith.constant 5 : i32
          %parallel_loop3A_183 = arith.index_cast %parallel_loop3A_181 : i32 to index
          %parallel_loop3A_184 = arith.index_cast %parallel_loop3A_182 : i32 to index
          %parallel_loop3A_185 = arith.index_cast %parallel_loop3A_128 : i32 to index
          %parallel_loop3A_186 = tpu.vector_load %arg8[%parallel_loop3A_183, %parallel_loop3A_184, %parallel_loop3A_185] {strides = array<i32>} : memref<2x8x64xf32, #tpu.memory_space<vmem>>, vector<16xf32>,
          %parallel_loop3A_187 = arith.cmpf ogt, %parallel_loop3A_186, %parallel_loop3A_177 : vector<16xf32>
          %parallel_loop3A_188 = arith.select %parallel_loop3A_187, %parallel_loop3A_186, %parallel_loop3A_177 : vector<16xi1>, vector<16xf32>
          %parallel_loop3A_189 = arith.constant 5 : i32
          %parallel_loop3A_190 = vector.broadcast %parallel_loop3A_189 : i32 to vector<16xi32>
          %parallel_loop3A_191 = arith.select %parallel_loop3A_187, %parallel_loop3A_190, %parallel_loop3A_180 : vector<16xi1>, vector<16xi32>
          %parallel_loop3A_192 = arith.constant 0 : i32
          %parallel_loop3A_193 = arith.constant 6 : i32
          %parallel_loop3A_194 = arith.index_cast %parallel_loop3A_192 : i32 to index
          %parallel_loop3A_195 = arith.index_cast %parallel_loop3A_193 : i32 to index
          %parallel_loop3A_196 = arith.index_cast %parallel_loop3A_128 : i32 to index
          %parallel_loop3A_197 = tpu.vector_load %arg8[%parallel_loop3A_194, %parallel_loop3A_195, %parallel_loop3A_196] {strides = array<i32>} : memref<2x8x64xf32, #tpu.memory_space<vmem>>, vector<16xf32>,
          %parallel_loop3A_198 = arith.cmpf ogt, %parallel_loop3A_197, %parallel_loop3A_188 : vector<16xf32>
          %parallel_loop3A_199 = arith.select %parallel_loop3A_198, %parallel_loop3A_197, %parallel_loop3A_188 : vector<16xi1>, vector<16xf32>
          %parallel_loop3A_200 = arith.constant 6 : i32
          %parallel_loop3A_201 = vector.broadcast %parallel_loop3A_200 : i32 to vector<16xi32>
          %parallel_loop3A_202 = arith.select %parallel_loop3A_198, %parallel_loop3A_201, %parallel_loop3A_191 : vector<16xi1>, vector<16xi32>
          %parallel_loop3A_203 = arith.constant 0 : i32
          %parallel_loop3A_204 = arith.constant 7 : i32
          %parallel_loop3A_205 = arith.index_cast %parallel_loop3A_203 : i32 to index
          %parallel_loop3A_206 = arith.index_cast %parallel_loop3A_204 : i32 to index
          %parallel_loop3A_207 = arith.index_cast %parallel_loop3A_128 : i32 to index
          %parallel_loop3A_208 = tpu.vector_load %arg8[%parallel_loop3A_205, %parallel_loop3A_206, %parallel_loop3A_207] {strides = array<i32>} : memref<2x8x64xf32, #tpu.memory_space<vmem>>, vector<16xf32>,
          %parallel_loop3A_209 = arith.cmpf ogt, %parallel_loop3A_208, %parallel_loop3A_199 : vector<16xf32>
          %parallel_loop3A_210 = arith.select %parallel_loop3A_209, %parallel_loop3A_208, %parallel_loop3A_199 : vector<16xi1>, vector<16xf32>
          %parallel_loop3A_211 = arith.constant 7 : i32
          %parallel_loop3A_212 = vector.broadcast %parallel_loop3A_211 : i32 to vector<16xi32>
          %parallel_loop3A_213 = arith.select %parallel_loop3A_209, %parallel_loop3A_212, %parallel_loop3A_202 : vector<16xi1>, vector<16xi32>
          %parallel_loop3A_214 = arith.index_cast %parallel_loop3A_128 : i32 to index
          %parallel_loop3A_215 = tpu.vector_load %arg10[%parallel_loop3A_214] {strides = array<i32>} : memref<80xi32, #tpu.memory_space<vmem>>, vector<16xi32>,
          tpu.vector_store %arg10[%parallel_loop3A_214], %parallel_loop3A_213 {strides = array<i32>} : memref<80xi32, #tpu.memory_space<vmem>>, vector<16xi32>,
        } {sc.loop_unroll_factor = 4 : i64, sc.parallel_access}
        %parallel_loop3A_110 = arith.constant 0 : i32
        %parallel_loop3A_111 = arith.constant 64 : i32
        %parallel_loop3A_112 = arith.constant 1 : i32
        scf.for %parallel_loop3A_126 = %parallel_loop3A_110 to %parallel_loop3A_111 step %parallel_loop3A_112  : i32 {
          %parallel_loop3A_127 = arith.index_cast %parallel_loop3A_126 : i32 to index
          %parallel_loop3A_128 = tpu.vector_load %arg10[%parallel_loop3A_127] {strides = array<i32>} : memref<80xi32, #tpu.memory_space<vmem>>, vector<16xi32>,
          %parallel_loop3A_129 = vector.extract_strided_slice %parallel_loop3A_128 {offsets = [0], sizes = [1], strides = [1]} : vector<16xi32> to vector<1xi32>
          %parallel_loop3A_130 = vector.extract %parallel_loop3A_129[0] : i32 from vector<1xi32>
          %parallel_loop3A_131 = arith.constant 512 : i32
          %parallel_loop3A_132 = arith.muli %parallel_loop3A_130, %parallel_loop3A_131 : i32
          %parallel_loop3A_133 = arith.constant 128 : i32
          %parallel_loop3A_134 = arith.muli %parallel_loop3A_126, %parallel_loop3A_133 : i32
          %parallel_loop3A_135 = arith.constant 0 : i32
          %parallel_loop3A_136 = arith.addi %parallel_loop3A_135, %parallel_loop3A_134 : i32
          %parallel_loop3A_137 = arith.constant 0 : i32
          %parallel_loop3A_138 = arith.addi %parallel_loop3A_136, %parallel_loop3A_137 : i32
          %parallel_loop3A_139 = arith.index_cast %parallel_loop3A_138 : i32 to index
          %parallel_loop3A_140 = tpu.vector_load %arg6[%parallel_loop3A_139] {strides = array<i32>} : memref<65536xf32, #tpu.memory_space<vmem>>, vector<16xf32>,
          %parallel_loop3A_141 = arith.constant 0 : i32
          %parallel_loop3A_142 = arith.addi %parallel_loop3A_132, %parallel_loop3A_141 : i32
          %parallel_loop3A_143 = arith.constant 0 : i32
          %parallel_loop3A_144 = arith.addi %parallel_loop3A_142, %parallel_loop3A_143 : i32
          %parallel_loop3A_145 = arith.index_cast %parallel_loop3A_144 : i32 to index
          %parallel_loop3A_146 = tpu.vector_load %arg9[%parallel_loop3A_145] {strides = array<i32>} : memref<4096xf32, #tpu.memory_space<vmem>>, vector<16xf32>,
          %parallel_loop3A_147 = arith.mulf %parallel_loop3A_140, %parallel_loop3A_146 : vector<16xf32>
          %parallel_loop3A_148 = arith.constant 128 : i32
          %parallel_loop3A_149 = arith.muli %parallel_loop3A_126, %parallel_loop3A_148 : i32
          %parallel_loop3A_150 = arith.constant 8192 : i32
          %parallel_loop3A_151 = arith.addi %parallel_loop3A_150, %parallel_loop3A_149 : i32
          %parallel_loop3A_152 = arith.constant 0 : i32
          %parallel_loop3A_153 = arith.addi %parallel_loop3A_151, %parallel_loop3A_152 : i32
          %parallel_loop3A_154 = arith.index_cast %parallel_loop3A_153 : i32 to index
          %parallel_loop3A_155 = tpu.vector_load %arg6[%parallel_loop3A_154] {strides = array<i32>} : memref<65536xf32, #tpu.memory_space<vmem>>, vector<16xf32>,
          %parallel_loop3A_156 = arith.constant 128 : i32
          %parallel_loop3A_157 = arith.addi %parallel_loop3A_132, %parallel_loop3A_156 : i32
          %parallel_loop3A_158 = arith.constant 0 : i32
          %parallel_loop3A_159 = arith.addi %parallel_loop3A_157, %parallel_loop3A_158 : i32
          %parallel_loop3A_160 = arith.index_cast %parallel_loop3A_159 : i32 to index
          %parallel_loop3A_161 = tpu.vector_load %arg9[%parallel_loop3A_160] {strides = array<i32>} : memref<4096xf32, #tpu.memory_space<vmem>>, vector<16xf32>,
          %parallel_loop3A_162 = arith.mulf %parallel_loop3A_155, %parallel_loop3A_161 : vector<16xf32>
          %parallel_loop3A_163 = arith.addf %parallel_loop3A_147, %parallel_loop3A_162 : vector<16xf32>
          %parallel_loop3A_164 = arith.constant 128 : i32
          %parallel_loop3A_165 = arith.muli %parallel_loop3A_126, %parallel_loop3A_164 : i32
          %parallel_loop3A_166 = arith.constant 16384 : i32
          %parallel_loop3A_167 = arith.addi %parallel_loop3A_166, %parallel_loop3A_165 : i32
          %parallel_loop3A_168 = arith.constant 0 : i32
          %parallel_loop3A_169 = arith.addi %parallel_loop3A_167, %parallel_loop3A_168 : i32
          %parallel_loop3A_170 = arith.index_cast %parallel_loop3A_169 : i32 to index
          %parallel_loop3A_171 = tpu.vector_load %arg6[%parallel_loop3A_170] {strides = array<i32>} : memref<65536xf32, #tpu.memory_space<vmem>>, vector<16xf32>,
          %parallel_loop3A_172 = arith.constant 256 : i32
          %parallel_loop3A_173 = arith.addi %parallel_loop3A_132, %parallel_loop3A_172 : i32
          %parallel_loop3A_174 = arith.constant 0 : i32
          %parallel_loop3A_175 = arith.addi %parallel_loop3A_173, %parallel_loop3A_174 : i32
          %parallel_loop3A_176 = arith.index_cast %parallel_loop3A_175 : i32 to index
          %parallel_loop3A_177 = tpu.vector_load %arg9[%parallel_loop3A_176] {strides = array<i32>} : memref<4096xf32, #tpu.memory_space<vmem>>, vector<16xf32>,
          %parallel_loop3A_178 = arith.mulf %parallel_loop3A_171, %parallel_loop3A_177 : vector<16xf32>
          %parallel_loop3A_179 = arith.addf %parallel_loop3A_163, %parallel_loop3A_178 : vector<16xf32>
          %parallel_loop3A_180 = arith.constant 128 : i32
          %parallel_loop3A_181 = arith.muli %parallel_loop3A_126, %parallel_loop3A_180 : i32
          %parallel_loop3A_182 = arith.constant 24576 : i32
          %parallel_loop3A_183 = arith.addi %parallel_loop3A_182, %parallel_loop3A_181 : i32
          %parallel_loop3A_184 = arith.constant 0 : i32
          %parallel_loop3A_185 = arith.addi %parallel_loop3A_183, %parallel_loop3A_184 : i32
          %parallel_loop3A_186 = arith.index_cast %parallel_loop3A_185 : i32 to index
          %parallel_loop3A_187 = tpu.vector_load %arg6[%parallel_loop3A_186] {strides = array<i32>} : memref<65536xf32, #tpu.memory_space<vmem>>, vector<16xf32>,
          %parallel_loop3A_188 = arith.constant 384 : i32
          %parallel_loop3A_189 = arith.addi %parallel_loop3A_132, %parallel_loop3A_188 : i32
          %parallel_loop3A_190 = arith.constant 0 : i32
          %parallel_loop3A_191 = arith.addi %parallel_loop3A_189, %parallel_loop3A_190 : i32
          %parallel_loop3A_192 = arith.index_cast %parallel_loop3A_191 : i32 to index
          %parallel_loop3A_193 = tpu.vector_load %arg9[%parallel_loop3A_192] {strides = array<i32>} : memref<4096xf32, #tpu.memory_space<vmem>>, vector<16xf32>,
          %parallel_loop3A_194 = arith.mulf %parallel_loop3A_187, %parallel_loop3A_193 : vector<16xf32>
          %parallel_loop3A_195 = arith.addf %parallel_loop3A_179, %parallel_loop3A_194 : vector<16xf32>
          %parallel_loop3A_196 = arith.constant 5.000000e-01 : f32
          %parallel_loop3A_197 = vector.broadcast %parallel_loop3A_196 : f32 to vector<16xf32>
          %parallel_loop3A_198 = arith.mulf %parallel_loop3A_195, %parallel_loop3A_197 : vector<16xf32>
          %parallel_loop3A_199 = arith.constant 128 : i32
          %parallel_loop3A_200 = arith.muli %parallel_loop3A_126, %parallel_loop3A_199 : i32
          %parallel_loop3A_201 = arith.constant 0 : i32
          %parallel_loop3A_202 = arith.addi %parallel_loop3A_201, %parallel_loop3A_200 : i32
          %parallel_loop3A_203 = arith.constant 0 : i32
          %parallel_loop3A_204 = arith.addi %parallel_loop3A_202, %parallel_loop3A_203 : i32
          %parallel_loop3A_205 = arith.index_cast %parallel_loop3A_204 : i32 to index
          %parallel_loop3A_206 = tpu.vector_load %arg7[%parallel_loop3A_205] {strides = array<i32>} : memref<16384xf32, #tpu.memory_space<vmem>>, vector<16xf32>,
          tpu.vector_store %arg7[%parallel_loop3A_205], %parallel_loop3A_198 {strides = array<i32>} : memref<16384xf32, #tpu.memory_space<vmem>>, vector<16xf32>,
          %parallel_loop3A_207 = arith.constant 128 : i32
          %parallel_loop3A_208 = arith.muli %parallel_loop3A_126, %parallel_loop3A_207 : i32
          %parallel_loop3A_209 = arith.constant 0 : i32
          %parallel_loop3A_210 = arith.addi %parallel_loop3A_209, %parallel_loop3A_208 : i32
          %parallel_loop3A_211 = arith.constant 16 : i32
          %parallel_loop3A_212 = arith.addi %parallel_loop3A_210, %parallel_loop3A_211 : i32
          %parallel_loop3A_213 = arith.index_cast %parallel_loop3A_212 : i32 to index
          %parallel_loop3A_214 = tpu.vector_load %arg6[%parallel_loop3A_213] {strides = array<i32>} : memref<65536xf32, #tpu.memory_space<vmem>>, vector<16xf32>,
          %parallel_loop3A_215 = arith.constant 0 : i32
          %parallel_loop3A_216 = arith.addi %parallel_loop3A_132, %parallel_loop3A_215 : i32
          %parallel_loop3A_217 = arith.constant 16 : i32
          %parallel_loop3A_218 = arith.addi %parallel_loop3A_216, %parallel_loop3A_217 : i32
          %parallel_loop3A_219 = arith.index_cast %parallel_loop3A_218 : i32 to index
          %parallel_loop3A_220 = tpu.vector_load %arg9[%parallel_loop3A_219] {strides = array<i32>} : memref<4096xf32, #tpu.memory_space<vmem>>, vector<16xf32>,
          %parallel_loop3A_221 = arith.mulf %parallel_loop3A_214, %parallel_loop3A_220 : vector<16xf32>
          %parallel_loop3A_222 = arith.constant 128 : i32
          %parallel_loop3A_223 = arith.muli %parallel_loop3A_126, %parallel_loop3A_222 : i32
          %parallel_loop3A_224 = arith.constant 8192 : i32
          %parallel_loop3A_225 = arith.addi %parallel_loop3A_224, %parallel_loop3A_223 : i32
          %parallel_loop3A_226 = arith.constant 16 : i32
          %parallel_loop3A_227 = arith.addi %parallel_loop3A_225, %parallel_loop3A_226 : i32
          %parallel_loop3A_228 = arith.index_cast %parallel_loop3A_227 : i32 to index
          %parallel_loop3A_229 = tpu.vector_load %arg6[%parallel_loop3A_228] {strides = array<i32>} : memref<65536xf32, #tpu.memory_space<vmem>>, vector<16xf32>,
          %parallel_loop3A_230 = arith.constant 128 : i32
          %parallel_loop3A_231 = arith.addi %parallel_loop3A_132, %parallel_loop3A_230 : i32
          %parallel_loop3A_232 = arith.constant 16 : i32
          %parallel_loop3A_233 = arith.addi %parallel_loop3A_231, %parallel_loop3A_232 : i32
          %parallel_loop3A_234 = arith.index_cast %parallel_loop3A_233 : i32 to index
          %parallel_loop3A_235 = tpu.vector_load %arg9[%parallel_loop3A_234] {strides = array<i32>} : memref<4096xf32, #tpu.memory_space<vmem>>, vector<16xf32>,
          %parallel_loop3A_236 = arith.mulf %parallel_loop3A_229, %parallel_loop3A_235 : vector<16xf32>
          %parallel_loop3A_237 = arith.addf %parallel_loop3A_221, %parallel_loop3A_236 : vector<16xf32>
          %parallel_loop3A_238 = arith.constant 128 : i32
          %parallel_loop3A_239 = arith.muli %parallel_loop3A_126, %parallel_loop3A_238 : i32
          %parallel_loop3A_240 = arith.constant 16384 : i32
          %parallel_loop3A_241 = arith.addi %parallel_loop3A_240, %parallel_loop3A_239 : i32
          %parallel_loop3A_242 = arith.constant 16 : i32
          %parallel_loop3A_243 = arith.addi %parallel_loop3A_241, %parallel_loop3A_242 : i32
          %parallel_loop3A_244 = arith.index_cast %parallel_loop3A_243 : i32 to index
          %parallel_loop3A_245 = tpu.vector_load %arg6[%parallel_loop3A_244] {strides = array<i32>} : memref<65536xf32, #tpu.memory_space<vmem>>, vector<16xf32>,
          %parallel_loop3A_246 = arith.constant 256 : i32
          %parallel_loop3A_247 = arith.addi %parallel_loop3A_132, %parallel_loop3A_246 : i32
          %parallel_loop3A_248 = arith.constant 16 : i32
          %parallel_loop3A_249 = arith.addi %parallel_loop3A_247, %parallel_loop3A_248 : i32
          %parallel_loop3A_250 = arith.index_cast %parallel_loop3A_249 : i32 to index
          %parallel_loop3A_251 = tpu.vector_load %arg9[%parallel_loop3A_250] {strides = array<i32>} : memref<4096xf32, #tpu.memory_space<vmem>>, vector<16xf32>,
          %parallel_loop3A_252 = arith.mulf %parallel_loop3A_245, %parallel_loop3A_251 : vector<16xf32>
          %parallel_loop3A_253 = arith.addf %parallel_loop3A_237, %parallel_loop3A_252 : vector<16xf32>
          %parallel_loop3A_254 = arith.constant 128 : i32
          %parallel_loop3A_255 = arith.muli %parallel_loop3A_126, %parallel_loop3A_254 : i32
          %parallel_loop3A_256 = arith.constant 24576 : i32
          %parallel_loop3A_257 = arith.addi %parallel_loop3A_256, %parallel_loop3A_255 : i32
          %parallel_loop3A_258 = arith.constant 16 : i32
          %parallel_loop3A_259 = arith.addi %parallel_loop3A_257, %parallel_loop3A_258 : i32
          %parallel_loop3A_260 = arith.index_cast %parallel_loop3A_259 : i32 to index
          %parallel_loop3A_261 = tpu.vector_load %arg6[%parallel_loop3A_260] {strides = array<i32>} : memref<65536xf32, #tpu.memory_space<vmem>>, vector<16xf32>,
          %parallel_loop3A_262 = arith.constant 384 : i32
          %parallel_loop3A_263 = arith.addi %parallel_loop3A_132, %parallel_loop3A_262 : i32
          %parallel_loop3A_264 = arith.constant 16 : i32
          %parallel_loop3A_265 = arith.addi %parallel_loop3A_263, %parallel_loop3A_264 : i32
          %parallel_loop3A_266 = arith.index_cast %parallel_loop3A_265 : i32 to index
          %parallel_loop3A_267 = tpu.vector_load %arg9[%parallel_loop3A_266] {strides = array<i32>} : memref<4096xf32, #tpu.memory_space<vmem>>, vector<16xf32>,
          %parallel_loop3A_268 = arith.mulf %parallel_loop3A_261, %parallel_loop3A_267 : vector<16xf32>
          %parallel_loop3A_269 = arith.addf %parallel_loop3A_253, %parallel_loop3A_268 : vector<16xf32>
          %parallel_loop3A_270 = arith.constant 5.000000e-01 : f32
          %parallel_loop3A_271 = vector.broadcast %parallel_loop3A_270 : f32 to vector<16xf32>
          %parallel_loop3A_272 = arith.mulf %parallel_loop3A_269, %parallel_loop3A_271 : vector<16xf32>
          %parallel_loop3A_273 = arith.constant 128 : i32
          %parallel_loop3A_274 = arith.muli %parallel_loop3A_126, %parallel_loop3A_273 : i32
          %parallel_loop3A_275 = arith.constant 0 : i32
          %parallel_loop3A_276 = arith.addi %parallel_loop3A_275, %parallel_loop3A_274 : i32
          %parallel_loop3A_277 = arith.constant 16 : i32
          %parallel_loop3A_278 = arith.addi %parallel_loop3A_276, %parallel_loop3A_277 : i32
          %parallel_loop3A_279 = arith.index_cast %parallel_loop3A_278 : i32 to index
          %parallel_loop3A_280 = tpu.vector_load %arg7[%parallel_loop3A_279] {strides = array<i32>} : memref<16384xf32, #tpu.memory_space<vmem>>, vector<16xf32>,
          tpu.vector_store %arg7[%parallel_loop3A_279], %parallel_loop3A_272 {strides = array<i32>} : memref<16384xf32, #tpu.memory_space<vmem>>, vector<16xf32>,
          %parallel_loop3A_281 = arith.constant 128 : i32
          %parallel_loop3A_282 = arith.muli %parallel_loop3A_126, %parallel_loop3A_281 : i32
          %parallel_loop3A_283 = arith.constant 0 : i32
          %parallel_loop3A_284 = arith.addi %parallel_loop3A_283, %parallel_loop3A_282 : i32
          %parallel_loop3A_285 = arith.constant 32 : i32
          %parallel_loop3A_286 = arith.addi %parallel_loop3A_284, %parallel_loop3A_285 : i32
          %parallel_loop3A_287 = arith.index_cast %parallel_loop3A_286 : i32 to index
          %parallel_loop3A_288 = tpu.vector_load %arg6[%parallel_loop3A_287] {strides = array<i32>} : memref<65536xf32, #tpu.memory_space<vmem>>, vector<16xf32>,
          %parallel_loop3A_289 = arith.constant 0 : i32
          %parallel_loop3A_290 = arith.addi %parallel_loop3A_132, %parallel_loop3A_289 : i32
          %parallel_loop3A_291 = arith.constant 32 : i32
          %parallel_loop3A_292 = arith.addi %parallel_loop3A_290, %parallel_loop3A_291 : i32
          %parallel_loop3A_293 = arith.index_cast %parallel_loop3A_292 : i32 to index
          %parallel_loop3A_294 = tpu.vector_load %arg9[%parallel_loop3A_293] {strides = array<i32>} : memref<4096xf32, #tpu.memory_space<vmem>>, vector<16xf32>,
          %parallel_loop3A_295 = arith.mulf %parallel_loop3A_288, %parallel_loop3A_294 : vector<16xf32>
          %parallel_loop3A_296 = arith.constant 128 : i32
          %parallel_loop3A_297 = arith.muli %parallel_loop3A_126, %parallel_loop3A_296 : i32
          %parallel_loop3A_298 = arith.constant 8192 : i32
          %parallel_loop3A_299 = arith.addi %parallel_loop3A_298, %parallel_loop3A_297 : i32
          %parallel_loop3A_300 = arith.constant 32 : i32
          %parallel_loop3A_301 = arith.addi %parallel_loop3A_299, %parallel_loop3A_300 : i32
          %parallel_loop3A_302 = arith.index_cast %parallel_loop3A_301 : i32 to index
          %parallel_loop3A_303 = tpu.vector_load %arg6[%parallel_loop3A_302] {strides = array<i32>} : memref<65536xf32, #tpu.memory_space<vmem>>, vector<16xf32>,
          %parallel_loop3A_304 = arith.constant 128 : i32
          %parallel_loop3A_305 = arith.addi %parallel_loop3A_132, %parallel_loop3A_304 : i32
          %parallel_loop3A_306 = arith.constant 32 : i32
          %parallel_loop3A_307 = arith.addi %parallel_loop3A_305, %parallel_loop3A_306 : i32
          %parallel_loop3A_308 = arith.index_cast %parallel_loop3A_307 : i32 to index
          %parallel_loop3A_309 = tpu.vector_load %arg9[%parallel_loop3A_308] {strides = array<i32>} : memref<4096xf32, #tpu.memory_space<vmem>>, vector<16xf32>,
          %parallel_loop3A_310 = arith.mulf %parallel_loop3A_303, %parallel_loop3A_309 : vector<16xf32>
          %parallel_loop3A_311 = arith.addf %parallel_loop3A_295, %parallel_loop3A_310 : vector<16xf32>
          %parallel_loop3A_312 = arith.constant 128 : i32
          %parallel_loop3A_313 = arith.muli %parallel_loop3A_126, %parallel_loop3A_312 : i32
          %parallel_loop3A_314 = arith.constant 16384 : i32
          %parallel_loop3A_315 = arith.addi %parallel_loop3A_314, %parallel_loop3A_313 : i32
          %parallel_loop3A_316 = arith.constant 32 : i32
          %parallel_loop3A_317 = arith.addi %parallel_loop3A_315, %parallel_loop3A_316 : i32
          %parallel_loop3A_318 = arith.index_cast %parallel_loop3A_317 : i32 to index
          %parallel_loop3A_319 = tpu.vector_load %arg6[%parallel_loop3A_318] {strides = array<i32>} : memref<65536xf32, #tpu.memory_space<vmem>>, vector<16xf32>,
          %parallel_loop3A_320 = arith.constant 256 : i32
          %parallel_loop3A_321 = arith.addi %parallel_loop3A_132, %parallel_loop3A_320 : i32
          %parallel_loop3A_322 = arith.constant 32 : i32
          %parallel_loop3A_323 = arith.addi %parallel_loop3A_321, %parallel_loop3A_322 : i32
          %parallel_loop3A_324 = arith.index_cast %parallel_loop3A_323 : i32 to index
          %parallel_loop3A_325 = tpu.vector_load %arg9[%parallel_loop3A_324] {strides = array<i32>} : memref<4096xf32, #tpu.memory_space<vmem>>, vector<16xf32>,
          %parallel_loop3A_326 = arith.mulf %parallel_loop3A_319, %parallel_loop3A_325 : vector<16xf32>
          %parallel_loop3A_327 = arith.addf %parallel_loop3A_311, %parallel_loop3A_326 : vector<16xf32>
          %parallel_loop3A_328 = arith.constant 128 : i32
          %parallel_loop3A_329 = arith.muli %parallel_loop3A_126, %parallel_loop3A_328 : i32
          %parallel_loop3A_330 = arith.constant 24576 : i32
          %parallel_loop3A_331 = arith.addi %parallel_loop3A_330, %parallel_loop3A_329 : i32
          %parallel_loop3A_332 = arith.constant 32 : i32
          %parallel_loop3A_333 = arith.addi %parallel_loop3A_331, %parallel_loop3A_332 : i32
          %parallel_loop3A_334 = arith.index_cast %parallel_loop3A_333 : i32 to index
          %parallel_loop3A_335 = tpu.vector_load %arg6[%parallel_loop3A_334] {strides = array<i32>} : memref<65536xf32, #tpu.memory_space<vmem>>, vector<16xf32>,
          %parallel_loop3A_336 = arith.constant 384 : i32
          %parallel_loop3A_337 = arith.addi %parallel_loop3A_132, %parallel_loop3A_336 : i32
          %parallel_loop3A_338 = arith.constant 32 : i32
          %parallel_loop3A_339 = arith.addi %parallel_loop3A_337, %parallel_loop3A_338 : i32
          %parallel_loop3A_340 = arith.index_cast %parallel_loop3A_339 : i32 to index
          %parallel_loop3A_341 = tpu.vector_load %arg9[%parallel_loop3A_340] {strides = array<i32>} : memref<4096xf32, #tpu.memory_space<vmem>>, vector<16xf32>,
          %parallel_loop3A_342 = arith.mulf %parallel_loop3A_335, %parallel_loop3A_341 : vector<16xf32>
          %parallel_loop3A_343 = arith.addf %parallel_loop3A_327, %parallel_loop3A_342 : vector<16xf32>
          %parallel_loop3A_344 = arith.constant 5.000000e-01 : f32
          %parallel_loop3A_345 = vector.broadcast %parallel_loop3A_344 : f32 to vector<16xf32>
          %parallel_loop3A_346 = arith.mulf %parallel_loop3A_343, %parallel_loop3A_345 : vector<16xf32>
          %parallel_loop3A_347 = arith.constant 128 : i32
          %parallel_loop3A_348 = arith.muli %parallel_loop3A_126, %parallel_loop3A_347 : i32
          %parallel_loop3A_349 = arith.constant 0 : i32
          %parallel_loop3A_350 = arith.addi %parallel_loop3A_349, %parallel_loop3A_348 : i32
          %parallel_loop3A_351 = arith.constant 32 : i32
          %parallel_loop3A_352 = arith.addi %parallel_loop3A_350, %parallel_loop3A_351 : i32
          %parallel_loop3A_353 = arith.index_cast %parallel_loop3A_352 : i32 to index
          %parallel_loop3A_354 = tpu.vector_load %arg7[%parallel_loop3A_353] {strides = array<i32>} : memref<16384xf32, #tpu.memory_space<vmem>>, vector<16xf32>,
          tpu.vector_store %arg7[%parallel_loop3A_353], %parallel_loop3A_346 {strides = array<i32>} : memref<16384xf32, #tpu.memory_space<vmem>>, vector<16xf32>,
          %parallel_loop3A_355 = arith.constant 128 : i32
          %parallel_loop3A_356 = arith.muli %parallel_loop3A_126, %parallel_loop3A_355 : i32
          %parallel_loop3A_357 = arith.constant 0 : i32
          %parallel_loop3A_358 = arith.addi %parallel_loop3A_357, %parallel_loop3A_356 : i32
          %parallel_loop3A_359 = arith.constant 48 : i32
          %parallel_loop3A_360 = arith.addi %parallel_loop3A_358, %parallel_loop3A_359 : i32
          %parallel_loop3A_361 = arith.index_cast %parallel_loop3A_360 : i32 to index
          %parallel_loop3A_362 = tpu.vector_load %arg6[%parallel_loop3A_361] {strides = array<i32>} : memref<65536xf32, #tpu.memory_space<vmem>>, vector<16xf32>,
          %parallel_loop3A_363 = arith.constant 0 : i32
          %parallel_loop3A_364 = arith.addi %parallel_loop3A_132, %parallel_loop3A_363 : i32
          %parallel_loop3A_365 = arith.constant 48 : i32
          %parallel_loop3A_366 = arith.addi %parallel_loop3A_364, %parallel_loop3A_365 : i32
          %parallel_loop3A_367 = arith.index_cast %parallel_loop3A_366 : i32 to index
          %parallel_loop3A_368 = tpu.vector_load %arg9[%parallel_loop3A_367] {strides = array<i32>} : memref<4096xf32, #tpu.memory_space<vmem>>, vector<16xf32>,
          %parallel_loop3A_369 = arith.mulf %parallel_loop3A_362, %parallel_loop3A_368 : vector<16xf32>
          %parallel_loop3A_370 = arith.constant 128 : i32
          %parallel_loop3A_371 = arith.muli %parallel_loop3A_126, %parallel_loop3A_370 : i32
          %parallel_loop3A_372 = arith.constant 8192 : i32
          %parallel_loop3A_373 = arith.addi %parallel_loop3A_372, %parallel_loop3A_371 : i32
          %parallel_loop3A_374 = arith.constant 48 : i32
          %parallel_loop3A_375 = arith.addi %parallel_loop3A_373, %parallel_loop3A_374 : i32
          %parallel_loop3A_376 = arith.index_cast %parallel_loop3A_375 : i32 to index
          %parallel_loop3A_377 = tpu.vector_load %arg6[%parallel_loop3A_376] {strides = array<i32>} : memref<65536xf32, #tpu.memory_space<vmem>>, vector<16xf32>,
          %parallel_loop3A_378 = arith.constant 128 : i32
          %parallel_loop3A_379 = arith.addi %parallel_loop3A_132, %parallel_loop3A_378 : i32
          %parallel_loop3A_380 = arith.constant 48 : i32
          %parallel_loop3A_381 = arith.addi %parallel_loop3A_379, %parallel_loop3A_380 : i32
          %parallel_loop3A_382 = arith.index_cast %parallel_loop3A_381 : i32 to index
          %parallel_loop3A_383 = tpu.vector_load %arg9[%parallel_loop3A_382] {strides = array<i32>} : memref<4096xf32, #tpu.memory_space<vmem>>, vector<16xf32>,
          %parallel_loop3A_384 = arith.mulf %parallel_loop3A_377, %parallel_loop3A_383 : vector<16xf32>
          %parallel_loop3A_385 = arith.addf %parallel_loop3A_369, %parallel_loop3A_384 : vector<16xf32>
          %parallel_loop3A_386 = arith.constant 128 : i32
          %parallel_loop3A_387 = arith.muli %parallel_loop3A_126, %parallel_loop3A_386 : i32
          %parallel_loop3A_388 = arith.constant 16384 : i32
          %parallel_loop3A_389 = arith.addi %parallel_loop3A_388, %parallel_loop3A_387 : i32
          %parallel_loop3A_390 = arith.constant 48 : i32
          %parallel_loop3A_391 = arith.addi %parallel_loop3A_389, %parallel_loop3A_390 : i32
          %parallel_loop3A_392 = arith.index_cast %parallel_loop3A_391 : i32 to index
          %parallel_loop3A_393 = tpu.vector_load %arg6[%parallel_loop3A_392] {strides = array<i32>} : memref<65536xf32, #tpu.memory_space<vmem>>, vector<16xf32>,
          %parallel_loop3A_394 = arith.constant 256 : i32
          %parallel_loop3A_395 = arith.addi %parallel_loop3A_132, %parallel_loop3A_394 : i32
          %parallel_loop3A_396 = arith.constant 48 : i32
          %parallel_loop3A_397 = arith.addi %parallel_loop3A_395, %parallel_loop3A_396 : i32
          %parallel_loop3A_398 = arith.index_cast %parallel_loop3A_397 : i32 to index
          %parallel_loop3A_399 = tpu.vector_load %arg9[%parallel_loop3A_398] {strides = array<i32>} : memref<4096xf32, #tpu.memory_space<vmem>>, vector<16xf32>,
          %parallel_loop3A_400 = arith.mulf %parallel_loop3A_393, %parallel_loop3A_399 : vector<16xf32>
          %parallel_loop3A_401 = arith.addf %parallel_loop3A_385, %parallel_loop3A_400 : vector<16xf32>
          %parallel_loop3A_402 = arith.constant 128 : i32
          %parallel_loop3A_403 = arith.muli %parallel_loop3A_126, %parallel_loop3A_402 : i32
          %parallel_loop3A_404 = arith.constant 24576 : i32
          %parallel_loop3A_405 = arith.addi %parallel_loop3A_404, %parallel_loop3A_403 : i32
          %parallel_loop3A_406 = arith.constant 48 : i32
          %parallel_loop3A_407 = arith.addi %parallel_loop3A_405, %parallel_loop3A_406 : i32
          %parallel_loop3A_408 = arith.index_cast %parallel_loop3A_407 : i32 to index
          %parallel_loop3A_409 = tpu.vector_load %arg6[%parallel_loop3A_408] {strides = array<i32>} : memref<65536xf32, #tpu.memory_space<vmem>>, vector<16xf32>,
          %parallel_loop3A_410 = arith.constant 384 : i32
          %parallel_loop3A_411 = arith.addi %parallel_loop3A_132, %parallel_loop3A_410 : i32
          %parallel_loop3A_412 = arith.constant 48 : i32
          %parallel_loop3A_413 = arith.addi %parallel_loop3A_411, %parallel_loop3A_412 : i32
          %parallel_loop3A_414 = arith.index_cast %parallel_loop3A_413 : i32 to index
          %parallel_loop3A_415 = tpu.vector_load %arg9[%parallel_loop3A_414] {strides = array<i32>} : memref<4096xf32, #tpu.memory_space<vmem>>, vector<16xf32>,
          %parallel_loop3A_416 = arith.mulf %parallel_loop3A_409, %parallel_loop3A_415 : vector<16xf32>
          %parallel_loop3A_417 = arith.addf %parallel_loop3A_401, %parallel_loop3A_416 : vector<16xf32>
          %parallel_loop3A_418 = arith.constant 5.000000e-01 : f32
          %parallel_loop3A_419 = vector.broadcast %parallel_loop3A_418 : f32 to vector<16xf32>
          %parallel_loop3A_420 = arith.mulf %parallel_loop3A_417, %parallel_loop3A_419 : vector<16xf32>
          %parallel_loop3A_421 = arith.constant 128 : i32
          %parallel_loop3A_422 = arith.muli %parallel_loop3A_126, %parallel_loop3A_421 : i32
          %parallel_loop3A_423 = arith.constant 0 : i32
          %parallel_loop3A_424 = arith.addi %parallel_loop3A_423, %parallel_loop3A_422 : i32
          %parallel_loop3A_425 = arith.constant 48 : i32
          %parallel_loop3A_426 = arith.addi %parallel_loop3A_424, %parallel_loop3A_425 : i32
          %parallel_loop3A_427 = arith.index_cast %parallel_loop3A_426 : i32 to index
          %parallel_loop3A_428 = tpu.vector_load %arg7[%parallel_loop3A_427] {strides = array<i32>} : memref<16384xf32, #tpu.memory_space<vmem>>, vector<16xf32>,
          tpu.vector_store %arg7[%parallel_loop3A_427], %parallel_loop3A_420 {strides = array<i32>} : memref<16384xf32, #tpu.memory_space<vmem>>, vector<16xf32>,
          %parallel_loop3A_429 = arith.constant 128 : i32
          %parallel_loop3A_430 = arith.muli %parallel_loop3A_126, %parallel_loop3A_429 : i32
          %parallel_loop3A_431 = arith.constant 0 : i32
          %parallel_loop3A_432 = arith.addi %parallel_loop3A_431, %parallel_loop3A_430 : i32
          %parallel_loop3A_433 = arith.constant 64 : i32
          %parallel_loop3A_434 = arith.addi %parallel_loop3A_432, %parallel_loop3A_433 : i32
          %parallel_loop3A_435 = arith.index_cast %parallel_loop3A_434 : i32 to index
          %parallel_loop3A_436 = tpu.vector_load %arg6[%parallel_loop3A_435] {strides = array<i32>} : memref<65536xf32, #tpu.memory_space<vmem>>, vector<16xf32>,
          %parallel_loop3A_437 = arith.constant 0 : i32
          %parallel_loop3A_438 = arith.addi %parallel_loop3A_132, %parallel_loop3A_437 : i32
          %parallel_loop3A_439 = arith.constant 64 : i32
          %parallel_loop3A_440 = arith.addi %parallel_loop3A_438, %parallel_loop3A_439 : i32
          %parallel_loop3A_441 = arith.index_cast %parallel_loop3A_440 : i32 to index
          %parallel_loop3A_442 = tpu.vector_load %arg9[%parallel_loop3A_441] {strides = array<i32>} : memref<4096xf32, #tpu.memory_space<vmem>>, vector<16xf32>,
          %parallel_loop3A_443 = arith.mulf %parallel_loop3A_436, %parallel_loop3A_442 : vector<16xf32>
          %parallel_loop3A_444 = arith.constant 128 : i32
          %parallel_loop3A_445 = arith.muli %parallel_loop3A_126, %parallel_loop3A_444 : i32
          %parallel_loop3A_446 = arith.constant 8192 : i32
          %parallel_loop3A_447 = arith.addi %parallel_loop3A_446, %parallel_loop3A_445 : i32
          %parallel_loop3A_448 = arith.constant 64 : i32
          %parallel_loop3A_449 = arith.addi %parallel_loop3A_447, %parallel_loop3A_448 : i32
          %parallel_loop3A_450 = arith.index_cast %parallel_loop3A_449 : i32 to index
          %parallel_loop3A_451 = tpu.vector_load %arg6[%parallel_loop3A_450] {strides = array<i32>} : memref<65536xf32, #tpu.memory_space<vmem>>, vector<16xf32>,
          %parallel_loop3A_452 = arith.constant 128 : i32
          %parallel_loop3A_453 = arith.addi %parallel_loop3A_132, %parallel_loop3A_452 : i32
          %parallel_loop3A_454 = arith.constant 64 : i32
          %parallel_loop3A_455 = arith.addi %parallel_loop3A_453, %parallel_loop3A_454 : i32
          %parallel_loop3A_456 = arith.index_cast %parallel_loop3A_455 : i32 to index
          %parallel_loop3A_457 = tpu.vector_load %arg9[%parallel_loop3A_456] {strides = array<i32>} : memref<4096xf32, #tpu.memory_space<vmem>>, vector<16xf32>,
          %parallel_loop3A_458 = arith.mulf %parallel_loop3A_451, %parallel_loop3A_457 : vector<16xf32>
          %parallel_loop3A_459 = arith.addf %parallel_loop3A_443, %parallel_loop3A_458 : vector<16xf32>
          %parallel_loop3A_460 = arith.constant 128 : i32
          %parallel_loop3A_461 = arith.muli %parallel_loop3A_126, %parallel_loop3A_460 : i32
          %parallel_loop3A_462 = arith.constant 16384 : i32
          %parallel_loop3A_463 = arith.addi %parallel_loop3A_462, %parallel_loop3A_461 : i32
          %parallel_loop3A_464 = arith.constant 64 : i32
          %parallel_loop3A_465 = arith.addi %parallel_loop3A_463, %parallel_loop3A_464 : i32
          %parallel_loop3A_466 = arith.index_cast %parallel_loop3A_465 : i32 to index
          %parallel_loop3A_467 = tpu.vector_load %arg6[%parallel_loop3A_466] {strides = array<i32>} : memref<65536xf32, #tpu.memory_space<vmem>>, vector<16xf32>,
          %parallel_loop3A_468 = arith.constant 256 : i32
          %parallel_loop3A_469 = arith.addi %parallel_loop3A_132, %parallel_loop3A_468 : i32
          %parallel_loop3A_470 = arith.constant 64 : i32
          %parallel_loop3A_471 = arith.addi %parallel_loop3A_469, %parallel_loop3A_470 : i32
          %parallel_loop3A_472 = arith.index_cast %parallel_loop3A_471 : i32 to index
          %parallel_loop3A_473 = tpu.vector_load %arg9[%parallel_loop3A_472] {strides = array<i32>} : memref<4096xf32, #tpu.memory_space<vmem>>, vector<16xf32>,
          %parallel_loop3A_474 = arith.mulf %parallel_loop3A_467, %parallel_loop3A_473 : vector<16xf32>
          %parallel_loop3A_475 = arith.addf %parallel_loop3A_459, %parallel_loop3A_474 : vector<16xf32>
          %parallel_loop3A_476 = arith.constant 128 : i32
          %parallel_loop3A_477 = arith.muli %parallel_loop3A_126, %parallel_loop3A_476 : i32
          %parallel_loop3A_478 = arith.constant 24576 : i32
          %parallel_loop3A_479 = arith.addi %parallel_loop3A_478, %parallel_loop3A_477 : i32
          %parallel_loop3A_480 = arith.constant 64 : i32
          %parallel_loop3A_481 = arith.addi %parallel_loop3A_479, %parallel_loop3A_480 : i32
          %parallel_loop3A_482 = arith.index_cast %parallel_loop3A_481 : i32 to index
          %parallel_loop3A_483 = tpu.vector_load %arg6[%parallel_loop3A_482] {strides = array<i32>} : memref<65536xf32, #tpu.memory_space<vmem>>, vector<16xf32>,
          %parallel_loop3A_484 = arith.constant 384 : i32
          %parallel_loop3A_485 = arith.addi %parallel_loop3A_132, %parallel_loop3A_484 : i32
          %parallel_loop3A_486 = arith.constant 64 : i32
          %parallel_loop3A_487 = arith.addi %parallel_loop3A_485, %parallel_loop3A_486 : i32
          %parallel_loop3A_488 = arith.index_cast %parallel_loop3A_487 : i32 to index
          %parallel_loop3A_489 = tpu.vector_load %arg9[%parallel_loop3A_488] {strides = array<i32>} : memref<4096xf32, #tpu.memory_space<vmem>>, vector<16xf32>,
          %parallel_loop3A_490 = arith.mulf %parallel_loop3A_483, %parallel_loop3A_489 : vector<16xf32>
          %parallel_loop3A_491 = arith.addf %parallel_loop3A_475, %parallel_loop3A_490 : vector<16xf32>
          %parallel_loop3A_492 = arith.constant 5.000000e-01 : f32
          %parallel_loop3A_493 = vector.broadcast %parallel_loop3A_492 : f32 to vector<16xf32>
          %parallel_loop3A_494 = arith.mulf %parallel_loop3A_491, %parallel_loop3A_493 : vector<16xf32>
          %parallel_loop3A_495 = arith.constant 128 : i32
          %parallel_loop3A_496 = arith.muli %parallel_loop3A_126, %parallel_loop3A_495 : i32
          %parallel_loop3A_497 = arith.constant 0 : i32
          %parallel_loop3A_498 = arith.addi %parallel_loop3A_497, %parallel_loop3A_496 : i32
          %parallel_loop3A_499 = arith.constant 64 : i32
          %parallel_loop3A_500 = arith.addi %parallel_loop3A_498, %parallel_loop3A_499 : i32
          %parallel_loop3A_501 = arith.index_cast %parallel_loop3A_500 : i32 to index
          %parallel_loop3A_502 = tpu.vector_load %arg7[%parallel_loop3A_501] {strides = array<i32>} : memref<16384xf32, #tpu.memory_space<vmem>>, vector<16xf32>,
          tpu.vector_store %arg7[%parallel_loop3A_501], %parallel_loop3A_494 {strides = array<i32>} : memref<16384xf32, #tpu.memory_space<vmem>>, vector<16xf32>,
          %parallel_loop3A_503 = arith.constant 128 : i32
          %parallel_loop3A_504 = arith.muli %parallel_loop3A_126, %parallel_loop3A_503 : i32
          %parallel_loop3A_505 = arith.constant 0 : i32
          %parallel_loop3A_506 = arith.addi %parallel_loop3A_505, %parallel_loop3A_504 : i32
          %parallel_loop3A_507 = arith.constant 80 : i32
          %parallel_loop3A_508 = arith.addi %parallel_loop3A_506, %parallel_loop3A_507 : i32
          %parallel_loop3A_509 = arith.index_cast %parallel_loop3A_508 : i32 to index
          %parallel_loop3A_510 = tpu.vector_load %arg6[%parallel_loop3A_509] {strides = array<i32>} : memref<65536xf32, #tpu.memory_space<vmem>>, vector<16xf32>,
          %parallel_loop3A_511 = arith.constant 0 : i32
          %parallel_loop3A_512 = arith.addi %parallel_loop3A_132, %parallel_loop3A_511 : i32
          %parallel_loop3A_513 = arith.constant 80 : i32
          %parallel_loop3A_514 = arith.addi %parallel_loop3A_512, %parallel_loop3A_513 : i32
          %parallel_loop3A_515 = arith.index_cast %parallel_loop3A_514 : i32 to index
          %parallel_loop3A_516 = tpu.vector_load %arg9[%parallel_loop3A_515] {strides = array<i32>} : memref<4096xf32, #tpu.memory_space<vmem>>, vector<16xf32>,
          %parallel_loop3A_517 = arith.mulf %parallel_loop3A_510, %parallel_loop3A_516 : vector<16xf32>
          %parallel_loop3A_518 = arith.constant 128 : i32
          %parallel_loop3A_519 = arith.muli %parallel_loop3A_126, %parallel_loop3A_518 : i32
          %parallel_loop3A_520 = arith.constant 8192 : i32
          %parallel_loop3A_521 = arith.addi %parallel_loop3A_520, %parallel_loop3A_519 : i32
          %parallel_loop3A_522 = arith.constant 80 : i32
          %parallel_loop3A_523 = arith.addi %parallel_loop3A_521, %parallel_loop3A_522 : i32
          %parallel_loop3A_524 = arith.index_cast %parallel_loop3A_523 : i32 to index
          %parallel_loop3A_525 = tpu.vector_load %arg6[%parallel_loop3A_524] {strides = array<i32>} : memref<65536xf32, #tpu.memory_space<vmem>>, vector<16xf32>,
          %parallel_loop3A_526 = arith.constant 128 : i32
          %parallel_loop3A_527 = arith.addi %parallel_loop3A_132, %parallel_loop3A_526 : i32
          %parallel_loop3A_528 = arith.constant 80 : i32
          %parallel_loop3A_529 = arith.addi %parallel_loop3A_527, %parallel_loop3A_528 : i32
          %parallel_loop3A_530 = arith.index_cast %parallel_loop3A_529 : i32 to index
          %parallel_loop3A_531 = tpu.vector_load %arg9[%parallel_loop3A_530] {strides = array<i32>} : memref<4096xf32, #tpu.memory_space<vmem>>, vector<16xf32>,
          %parallel_loop3A_532 = arith.mulf %parallel_loop3A_525, %parallel_loop3A_531 : vector<16xf32>
          %parallel_loop3A_533 = arith.addf %parallel_loop3A_517, %parallel_loop3A_532 : vector<16xf32>
          %parallel_loop3A_534 = arith.constant 128 : i32
          %parallel_loop3A_535 = arith.muli %parallel_loop3A_126, %parallel_loop3A_534 : i32
          %parallel_loop3A_536 = arith.constant 16384 : i32
          %parallel_loop3A_537 = arith.addi %parallel_loop3A_536, %parallel_loop3A_535 : i32
          %parallel_loop3A_538 = arith.constant 80 : i32
          %parallel_loop3A_539 = arith.addi %parallel_loop3A_537, %parallel_loop3A_538 : i32
          %parallel_loop3A_540 = arith.index_cast %parallel_loop3A_539 : i32 to index
          %parallel_loop3A_541 = tpu.vector_load %arg6[%parallel_loop3A_540] {strides = array<i32>} : memref<65536xf32, #tpu.memory_space<vmem>>, vector<16xf32>,
          %parallel_loop3A_542 = arith.constant 256 : i32
          %parallel_loop3A_543 = arith.addi %parallel_loop3A_132, %parallel_loop3A_542 : i32
          %parallel_loop3A_544 = arith.constant 80 : i32
          %parallel_loop3A_545 = arith.addi %parallel_loop3A_543, %parallel_loop3A_544 : i32
          %parallel_loop3A_546 = arith.index_cast %parallel_loop3A_545 : i32 to index
          %parallel_loop3A_547 = tpu.vector_load %arg9[%parallel_loop3A_546] {strides = array<i32>} : memref<4096xf32, #tpu.memory_space<vmem>>, vector<16xf32>,
          %parallel_loop3A_548 = arith.mulf %parallel_loop3A_541, %parallel_loop3A_547 : vector<16xf32>
          %parallel_loop3A_549 = arith.addf %parallel_loop3A_533, %parallel_loop3A_548 : vector<16xf32>
          %parallel_loop3A_550 = arith.constant 128 : i32
          %parallel_loop3A_551 = arith.muli %parallel_loop3A_126, %parallel_loop3A_550 : i32
          %parallel_loop3A_552 = arith.constant 24576 : i32
          %parallel_loop3A_553 = arith.addi %parallel_loop3A_552, %parallel_loop3A_551 : i32
          %parallel_loop3A_554 = arith.constant 80 : i32
          %parallel_loop3A_555 = arith.addi %parallel_loop3A_553, %parallel_loop3A_554 : i32
          %parallel_loop3A_556 = arith.index_cast %parallel_loop3A_555 : i32 to index
          %parallel_loop3A_557 = tpu.vector_load %arg6[%parallel_loop3A_556] {strides = array<i32>} : memref<65536xf32, #tpu.memory_space<vmem>>, vector<16xf32>,
          %parallel_loop3A_558 = arith.constant 384 : i32
          %parallel_loop3A_559 = arith.addi %parallel_loop3A_132, %parallel_loop3A_558 : i32
          %parallel_loop3A_560 = arith.constant 80 : i32
          %parallel_loop3A_561 = arith.addi %parallel_loop3A_559, %parallel_loop3A_560 : i32
          %parallel_loop3A_562 = arith.index_cast %parallel_loop3A_561 : i32 to index
          %parallel_loop3A_563 = tpu.vector_load %arg9[%parallel_loop3A_562] {strides = array<i32>} : memref<4096xf32, #tpu.memory_space<vmem>>, vector<16xf32>,
          %parallel_loop3A_564 = arith.mulf %parallel_loop3A_557, %parallel_loop3A_563 : vector<16xf32>
          %parallel_loop3A_565 = arith.addf %parallel_loop3A_549, %parallel_loop3A_564 : vector<16xf32>
          %parallel_loop3A_566 = arith.constant 5.000000e-01 : f32
          %parallel_loop3A_567 = vector.broadcast %parallel_loop3A_566 : f32 to vector<16xf32>
          %parallel_loop3A_568 = arith.mulf %parallel_loop3A_565, %parallel_loop3A_567 : vector<16xf32>
          %parallel_loop3A_569 = arith.constant 128 : i32
          %parallel_loop3A_570 = arith.muli %parallel_loop3A_126, %parallel_loop3A_569 : i32
          %parallel_loop3A_571 = arith.constant 0 : i32
          %parallel_loop3A_572 = arith.addi %parallel_loop3A_571, %parallel_loop3A_570 : i32
          %parallel_loop3A_573 = arith.constant 80 : i32
          %parallel_loop3A_574 = arith.addi %parallel_loop3A_572, %parallel_loop3A_573 : i32
          %parallel_loop3A_575 = arith.index_cast %parallel_loop3A_574 : i32 to index
          %parallel_loop3A_576 = tpu.vector_load %arg7[%parallel_loop3A_575] {strides = array<i32>} : memref<16384xf32, #tpu.memory_space<vmem>>, vector<16xf32>,
          tpu.vector_store %arg7[%parallel_loop3A_575], %parallel_loop3A_568 {strides = array<i32>} : memref<16384xf32, #tpu.memory_space<vmem>>, vector<16xf32>,
          %parallel_loop3A_577 = arith.constant 128 : i32
          %parallel_loop3A_578 = arith.muli %parallel_loop3A_126, %parallel_loop3A_577 : i32
          %parallel_loop3A_579 = arith.constant 0 : i32
          %parallel_loop3A_580 = arith.addi %parallel_loop3A_579, %parallel_loop3A_578 : i32
          %parallel_loop3A_581 = arith.constant 96 : i32
          %parallel_loop3A_582 = arith.addi %parallel_loop3A_580, %parallel_loop3A_581 : i32
          %parallel_loop3A_583 = arith.index_cast %parallel_loop3A_582 : i32 to index
          %parallel_loop3A_584 = tpu.vector_load %arg6[%parallel_loop3A_583] {strides = array<i32>} : memref<65536xf32, #tpu.memory_space<vmem>>, vector<16xf32>,
          %parallel_loop3A_585 = arith.constant 0 : i32
          %parallel_loop3A_586 = arith.addi %parallel_loop3A_132, %parallel_loop3A_585 : i32
          %parallel_loop3A_587 = arith.constant 96 : i32
          %parallel_loop3A_588 = arith.addi %parallel_loop3A_586, %parallel_loop3A_587 : i32
          %parallel_loop3A_589 = arith.index_cast %parallel_loop3A_588 : i32 to index
          %parallel_loop3A_590 = tpu.vector_load %arg9[%parallel_loop3A_589] {strides = array<i32>} : memref<4096xf32, #tpu.memory_space<vmem>>, vector<16xf32>,
          %parallel_loop3A_591 = arith.mulf %parallel_loop3A_584, %parallel_loop3A_590 : vector<16xf32>
          %parallel_loop3A_592 = arith.constant 128 : i32
          %parallel_loop3A_593 = arith.muli %parallel_loop3A_126, %parallel_loop3A_592 : i32
          %parallel_loop3A_594 = arith.constant 8192 : i32
          %parallel_loop3A_595 = arith.addi %parallel_loop3A_594, %parallel_loop3A_593 : i32
          %parallel_loop3A_596 = arith.constant 96 : i32
          %parallel_loop3A_597 = arith.addi %parallel_loop3A_595, %parallel_loop3A_596 : i32
          %parallel_loop3A_598 = arith.index_cast %parallel_loop3A_597 : i32 to index
          %parallel_loop3A_599 = tpu.vector_load %arg6[%parallel_loop3A_598] {strides = array<i32>} : memref<65536xf32, #tpu.memory_space<vmem>>, vector<16xf32>,
          %parallel_loop3A_600 = arith.constant 128 : i32
          %parallel_loop3A_601 = arith.addi %parallel_loop3A_132, %parallel_loop3A_600 : i32
          %parallel_loop3A_602 = arith.constant 96 : i32
          %parallel_loop3A_603 = arith.addi %parallel_loop3A_601, %parallel_loop3A_602 : i32
          %parallel_loop3A_604 = arith.index_cast %parallel_loop3A_603 : i32 to index
          %parallel_loop3A_605 = tpu.vector_load %arg9[%parallel_loop3A_604] {strides = array<i32>} : memref<4096xf32, #tpu.memory_space<vmem>>, vector<16xf32>,
          %parallel_loop3A_606 = arith.mulf %parallel_loop3A_599, %parallel_loop3A_605 : vector<16xf32>
          %parallel_loop3A_607 = arith.addf %parallel_loop3A_591, %parallel_loop3A_606 : vector<16xf32>
          %parallel_loop3A_608 = arith.constant 128 : i32
          %parallel_loop3A_609 = arith.muli %parallel_loop3A_126, %parallel_loop3A_608 : i32
          %parallel_loop3A_610 = arith.constant 16384 : i32
          %parallel_loop3A_611 = arith.addi %parallel_loop3A_610, %parallel_loop3A_609 : i32
          %parallel_loop3A_612 = arith.constant 96 : i32
          %parallel_loop3A_613 = arith.addi %parallel_loop3A_611, %parallel_loop3A_612 : i32
          %parallel_loop3A_614 = arith.index_cast %parallel_loop3A_613 : i32 to index
          %parallel_loop3A_615 = tpu.vector_load %arg6[%parallel_loop3A_614] {strides = array<i32>} : memref<65536xf32, #tpu.memory_space<vmem>>, vector<16xf32>,
          %parallel_loop3A_616 = arith.constant 256 : i32
          %parallel_loop3A_617 = arith.addi %parallel_loop3A_132, %parallel_loop3A_616 : i32
          %parallel_loop3A_618 = arith.constant 96 : i32
          %parallel_loop3A_619 = arith.addi %parallel_loop3A_617, %parallel_loop3A_618 : i32
          %parallel_loop3A_620 = arith.index_cast %parallel_loop3A_619 : i32 to index
          %parallel_loop3A_621 = tpu.vector_load %arg9[%parallel_loop3A_620] {strides = array<i32>} : memref<4096xf32, #tpu.memory_space<vmem>>, vector<16xf32>,
          %parallel_loop3A_622 = arith.mulf %parallel_loop3A_615, %parallel_loop3A_621 : vector<16xf32>
          %parallel_loop3A_623 = arith.addf %parallel_loop3A_607, %parallel_loop3A_622 : vector<16xf32>
          %parallel_loop3A_624 = arith.constant 128 : i32
          %parallel_loop3A_625 = arith.muli %parallel_loop3A_126, %parallel_loop3A_624 : i32
          %parallel_loop3A_626 = arith.constant 24576 : i32
          %parallel_loop3A_627 = arith.addi %parallel_loop3A_626, %parallel_loop3A_625 : i32
          %parallel_loop3A_628 = arith.constant 96 : i32
          %parallel_loop3A_629 = arith.addi %parallel_loop3A_627, %parallel_loop3A_628 : i32
          %parallel_loop3A_630 = arith.index_cast %parallel_loop3A_629 : i32 to index
          %parallel_loop3A_631 = tpu.vector_load %arg6[%parallel_loop3A_630] {strides = array<i32>} : memref<65536xf32, #tpu.memory_space<vmem>>, vector<16xf32>,
          %parallel_loop3A_632 = arith.constant 384 : i32
          %parallel_loop3A_633 = arith.addi %parallel_loop3A_132, %parallel_loop3A_632 : i32
          %parallel_loop3A_634 = arith.constant 96 : i32
          %parallel_loop3A_635 = arith.addi %parallel_loop3A_633, %parallel_loop3A_634 : i32
          %parallel_loop3A_636 = arith.index_cast %parallel_loop3A_635 : i32 to index
          %parallel_loop3A_637 = tpu.vector_load %arg9[%parallel_loop3A_636] {strides = array<i32>} : memref<4096xf32, #tpu.memory_space<vmem>>, vector<16xf32>,
          %parallel_loop3A_638 = arith.mulf %parallel_loop3A_631, %parallel_loop3A_637 : vector<16xf32>
          %parallel_loop3A_639 = arith.addf %parallel_loop3A_623, %parallel_loop3A_638 : vector<16xf32>
          %parallel_loop3A_640 = arith.constant 5.000000e-01 : f32
          %parallel_loop3A_641 = vector.broadcast %parallel_loop3A_640 : f32 to vector<16xf32>
          %parallel_loop3A_642 = arith.mulf %parallel_loop3A_639, %parallel_loop3A_641 : vector<16xf32>
          %parallel_loop3A_643 = arith.constant 128 : i32
          %parallel_loop3A_644 = arith.muli %parallel_loop3A_126, %parallel_loop3A_643 : i32
          %parallel_loop3A_645 = arith.constant 0 : i32
          %parallel_loop3A_646 = arith.addi %parallel_loop3A_645, %parallel_loop3A_644 : i32
          %parallel_loop3A_647 = arith.constant 96 : i32
          %parallel_loop3A_648 = arith.addi %parallel_loop3A_646, %parallel_loop3A_647 : i32
          %parallel_loop3A_649 = arith.index_cast %parallel_loop3A_648 : i32 to index
          %parallel_loop3A_650 = tpu.vector_load %arg7[%parallel_loop3A_649] {strides = array<i32>} : memref<16384xf32, #tpu.memory_space<vmem>>, vector<16xf32>,
          tpu.vector_store %arg7[%parallel_loop3A_649], %parallel_loop3A_642 {strides = array<i32>} : memref<16384xf32, #tpu.memory_space<vmem>>, vector<16xf32>,
          %parallel_loop3A_651 = arith.constant 128 : i32
          %parallel_loop3A_652 = arith.muli %parallel_loop3A_126, %parallel_loop3A_651 : i32
          %parallel_loop3A_653 = arith.constant 0 : i32
          %parallel_loop3A_654 = arith.addi %parallel_loop3A_653, %parallel_loop3A_652 : i32
          %parallel_loop3A_655 = arith.constant 112 : i32
          %parallel_loop3A_656 = arith.addi %parallel_loop3A_654, %parallel_loop3A_655 : i32
          %parallel_loop3A_657 = arith.index_cast %parallel_loop3A_656 : i32 to index
          %parallel_loop3A_658 = tpu.vector_load %arg6[%parallel_loop3A_657] {strides = array<i32>} : memref<65536xf32, #tpu.memory_space<vmem>>, vector<16xf32>,
          %parallel_loop3A_659 = arith.constant 0 : i32
          %parallel_loop3A_660 = arith.addi %parallel_loop3A_132, %parallel_loop3A_659 : i32
          %parallel_loop3A_661 = arith.constant 112 : i32
          %parallel_loop3A_662 = arith.addi %parallel_loop3A_660, %parallel_loop3A_661 : i32
          %parallel_loop3A_663 = arith.index_cast %parallel_loop3A_662 : i32 to index
          %parallel_loop3A_664 = tpu.vector_load %arg9[%parallel_loop3A_663] {strides = array<i32>} : memref<4096xf32, #tpu.memory_space<vmem>>, vector<16xf32>,
          %parallel_loop3A_665 = arith.mulf %parallel_loop3A_658, %parallel_loop3A_664 : vector<16xf32>
          %parallel_loop3A_666 = arith.constant 128 : i32
          %parallel_loop3A_667 = arith.muli %parallel_loop3A_126, %parallel_loop3A_666 : i32
          %parallel_loop3A_668 = arith.constant 8192 : i32
          %parallel_loop3A_669 = arith.addi %parallel_loop3A_668, %parallel_loop3A_667 : i32
          %parallel_loop3A_670 = arith.constant 112 : i32
          %parallel_loop3A_671 = arith.addi %parallel_loop3A_669, %parallel_loop3A_670 : i32
          %parallel_loop3A_672 = arith.index_cast %parallel_loop3A_671 : i32 to index
          %parallel_loop3A_673 = tpu.vector_load %arg6[%parallel_loop3A_672] {strides = array<i32>} : memref<65536xf32, #tpu.memory_space<vmem>>, vector<16xf32>,
          %parallel_loop3A_674 = arith.constant 128 : i32
          %parallel_loop3A_675 = arith.addi %parallel_loop3A_132, %parallel_loop3A_674 : i32
          %parallel_loop3A_676 = arith.constant 112 : i32
          %parallel_loop3A_677 = arith.addi %parallel_loop3A_675, %parallel_loop3A_676 : i32
          %parallel_loop3A_678 = arith.index_cast %parallel_loop3A_677 : i32 to index
          %parallel_loop3A_679 = tpu.vector_load %arg9[%parallel_loop3A_678] {strides = array<i32>} : memref<4096xf32, #tpu.memory_space<vmem>>, vector<16xf32>,
          %parallel_loop3A_680 = arith.mulf %parallel_loop3A_673, %parallel_loop3A_679 : vector<16xf32>
          %parallel_loop3A_681 = arith.addf %parallel_loop3A_665, %parallel_loop3A_680 : vector<16xf32>
          %parallel_loop3A_682 = arith.constant 128 : i32
          %parallel_loop3A_683 = arith.muli %parallel_loop3A_126, %parallel_loop3A_682 : i32
          %parallel_loop3A_684 = arith.constant 16384 : i32
          %parallel_loop3A_685 = arith.addi %parallel_loop3A_684, %parallel_loop3A_683 : i32
          %parallel_loop3A_686 = arith.constant 112 : i32
          %parallel_loop3A_687 = arith.addi %parallel_loop3A_685, %parallel_loop3A_686 : i32
          %parallel_loop3A_688 = arith.index_cast %parallel_loop3A_687 : i32 to index
          %parallel_loop3A_689 = tpu.vector_load %arg6[%parallel_loop3A_688] {strides = array<i32>} : memref<65536xf32, #tpu.memory_space<vmem>>, vector<16xf32>,
          %parallel_loop3A_690 = arith.constant 256 : i32
          %parallel_loop3A_691 = arith.addi %parallel_loop3A_132, %parallel_loop3A_690 : i32
          %parallel_loop3A_692 = arith.constant 112 : i32
          %parallel_loop3A_693 = arith.addi %parallel_loop3A_691, %parallel_loop3A_692 : i32
          %parallel_loop3A_694 = arith.index_cast %parallel_loop3A_693 : i32 to index
          %parallel_loop3A_695 = tpu.vector_load %arg9[%parallel_loop3A_694] {strides = array<i32>} : memref<4096xf32, #tpu.memory_space<vmem>>, vector<16xf32>,
          %parallel_loop3A_696 = arith.mulf %parallel_loop3A_689, %parallel_loop3A_695 : vector<16xf32>
          %parallel_loop3A_697 = arith.addf %parallel_loop3A_681, %parallel_loop3A_696 : vector<16xf32>
          %parallel_loop3A_698 = arith.constant 128 : i32
          %parallel_loop3A_699 = arith.muli %parallel_loop3A_126, %parallel_loop3A_698 : i32
          %parallel_loop3A_700 = arith.constant 24576 : i32
          %parallel_loop3A_701 = arith.addi %parallel_loop3A_700, %parallel_loop3A_699 : i32
          %parallel_loop3A_702 = arith.constant 112 : i32
          %parallel_loop3A_703 = arith.addi %parallel_loop3A_701, %parallel_loop3A_702 : i32
          %parallel_loop3A_704 = arith.index_cast %parallel_loop3A_703 : i32 to index
          %parallel_loop3A_705 = tpu.vector_load %arg6[%parallel_loop3A_704] {strides = array<i32>} : memref<65536xf32, #tpu.memory_space<vmem>>, vector<16xf32>,
          %parallel_loop3A_706 = arith.constant 384 : i32
          %parallel_loop3A_707 = arith.addi %parallel_loop3A_132, %parallel_loop3A_706 : i32
          %parallel_loop3A_708 = arith.constant 112 : i32
          %parallel_loop3A_709 = arith.addi %parallel_loop3A_707, %parallel_loop3A_708 : i32
          %parallel_loop3A_710 = arith.index_cast %parallel_loop3A_709 : i32 to index
          %parallel_loop3A_711 = tpu.vector_load %arg9[%parallel_loop3A_710] {strides = array<i32>} : memref<4096xf32, #tpu.memory_space<vmem>>, vector<16xf32>,
          %parallel_loop3A_712 = arith.mulf %parallel_loop3A_705, %parallel_loop3A_711 : vector<16xf32>
          %parallel_loop3A_713 = arith.addf %parallel_loop3A_697, %parallel_loop3A_712 : vector<16xf32>
          %parallel_loop3A_714 = arith.constant 5.000000e-01 : f32
          %parallel_loop3A_715 = vector.broadcast %parallel_loop3A_714 : f32 to vector<16xf32>
          %parallel_loop3A_716 = arith.mulf %parallel_loop3A_713, %parallel_loop3A_715 : vector<16xf32>
          %parallel_loop3A_717 = arith.constant 128 : i32
          %parallel_loop3A_718 = arith.muli %parallel_loop3A_126, %parallel_loop3A_717 : i32
          %parallel_loop3A_719 = arith.constant 0 : i32
          %parallel_loop3A_720 = arith.addi %parallel_loop3A_719, %parallel_loop3A_718 : i32
          %parallel_loop3A_721 = arith.constant 112 : i32
          %parallel_loop3A_722 = arith.addi %parallel_loop3A_720, %parallel_loop3A_721 : i32
          %parallel_loop3A_723 = arith.index_cast %parallel_loop3A_722 : i32 to index
          %parallel_loop3A_724 = tpu.vector_load %arg7[%parallel_loop3A_723] {strides = array<i32>} : memref<16384xf32, #tpu.memory_space<vmem>>, vector<16xf32>,
          tpu.vector_store %arg7[%parallel_loop3A_723], %parallel_loop3A_716 {strides = array<i32>} : memref<16384xf32, #tpu.memory_space<vmem>>, vector<16xf32>,
        } {sc.loop_unroll_factor = 4 : i64, sc.parallel_access}
        %mul3A_113 = arith.constant 32 : i32
        %mul3A_114 = arith.muli %add3A_28, %mul3A_113 : i32
        %add3A_115 = arith.addi %mul3A_114, %add3A : i32
        %mul3A_116 = arith.constant 64 : i32
        %mul3A_117 = arith.muli %add3A_115, %mul3A_116 : i32
        %min3A = arith.constant 99936 : i32
        %min3A_118 = arith.minsi %mul3A_117, %min3A : i32
        %mul3A_119 = arith.constant 128 : i32
        %mul3A_120 = arith.muli %min3A_118, %mul3A_119 : i32
        %dma_start3A = arith.constant 0 : i32
        %dma_start3A_121 = tpu.memref_slice %arg7[%dma_start3A] : memref<16384xf32, #tpu.memory_space<vmem>> -> memref<8192xf32, #tpu.memory_space<vmem>>
        %dma_start3A_122 = tpu.memref_slice %arg5[%mul3A_120] : memref<12800000xf32, #tpu.memory_space<hbm>> -> memref<8192xf32, #tpu.memory_space<hbm>>
        %dma_start3A_123 = tpu.memref_slice %arg5[%mul3A_120] : memref<12800000xf32, #tpu.memory_space<hbm>> -> memref<8192xf32, #tpu.memory_space<hbm>>
        %dma_start3A_124 = arith.constant 0 : i32
        %dma_start3A_125 = tpu.memref_slice %arg7[%dma_start3A_124] : memref<16384xf32, #tpu.memory_space<vmem>> -> memref<8192xf32, #tpu.memory_space<vmem>>
        tpu.enqueue_dma source(%dma_start3A_125 : memref<8192xf32, #tpu.memory_space<vmem>>) target(%dma_start3A_123 : memref<8192xf32, #tpu.memory_space<hbm>>) target_semaphore(%arg13 : memref<!tpu.dma_semaphore, #tpu.memory_space<semaphore_mem>>)
      } else {
      }
      %mul3A_65 = arith.constant 2 : i32
      %mul3A_66 = arith.muli %mul3A_65, %scan3A_24 : i32
      %add3A_67 = arith.constant 1 : i32
      %add3A_68 = arith.addi %mul3A_66, %add3A_67 : i32
      %mul3A_69 = arith.constant 32 : i32
      %mul3A_70 = arith.muli %add3A_68, %mul3A_69 : i32
      %add3A_71 = arith.addi %mul3A_70, %add3A : i32
      %lt3A_72 = arith.constant 1563 : i32
      %lt3A_73 = arith.cmpi slt, %add3A_71, %lt3A_72 : i32
      %convert_element_type3A_74 = arith.extui %lt3A_73 : i1 to i32
      %cond3A_75 = arith.constant 0 : i32
      %cond3A_76 = arith.cmpi ne, %convert_element_type3A_74, %cond3A_75 : i32
      scf.if %cond3A_76 {
        %mul3A_108 = arith.constant 32 : i32
        %mul3A_109 = arith.muli %add3A_68, %mul3A_108 : i32
        %add3A_110 = arith.addi %mul3A_109, %add3A : i32
        %mul3A_111 = arith.constant 64 : i32
        %mul3A_112 = arith.muli %add3A_110, %mul3A_111 : i32
        %min3A = arith.constant 99936 : i32
        %min3A_113 = arith.minsi %mul3A_112, %min3A : i32
        %mul3A_114 = arith.constant 128 : i32
        %mul3A_115 = arith.muli %min3A_113, %mul3A_114 : i32
        %add3A_116 = arith.constant 0 : i32
        %add3A_117 = arith.addi %add3A_116, %mul3A_115 : i32
        %mul3A_118 = arith.constant 128 : i32
        %mul3A_119 = arith.muli %min3A_113, %mul3A_118 : i32
        %add3A_120 = arith.constant 12800000 : i32
        %add3A_121 = arith.addi %add3A_120, %mul3A_119 : i32
        %mul3A_122 = arith.constant 128 : i32
        %mul3A_123 = arith.muli %min3A_113, %mul3A_122 : i32
        %add3A_124 = arith.constant 25600000 : i32
        %add3A_125 = arith.addi %add3A_124, %mul3A_123 : i32
        %mul3A_126 = arith.constant 128 : i32
        %mul3A_127 = arith.muli %min3A_113, %mul3A_126 : i32
        %add3A_128 = arith.constant 38400000 : i32
        %add3A_129 = arith.addi %add3A_128, %mul3A_127 : i32
        %add3A_130 = arith.constant 0 : i32
        %add3A_131 = arith.addi %add3A_130, %min3A_113 : i32
        %add3A_132 = arith.constant 100000 : i32
        %add3A_133 = arith.addi %add3A_132, %min3A_113 : i32
        %add3A_134 = arith.constant 200000 : i32
        %add3A_135 = arith.addi %add3A_134, %min3A_113 : i32
        %add3A_136 = arith.constant 300000 : i32
        %add3A_137 = arith.addi %add3A_136, %min3A_113 : i32
        %add3A_138 = arith.constant 400000 : i32
        %add3A_139 = arith.addi %add3A_138, %min3A_113 : i32
        %add3A_140 = arith.constant 500000 : i32
        %add3A_141 = arith.addi %add3A_140, %min3A_113 : i32
        %add3A_142 = arith.constant 600000 : i32
        %add3A_143 = arith.addi %add3A_142, %min3A_113 : i32
        %add3A_144 = arith.constant 700000 : i32
        %add3A_145 = arith.addi %add3A_144, %min3A_113 : i32
        %dma_wait3A = arith.constant 32768 : i32
        %dma_wait3A_146 = tpu.memref_slice %arg6[%dma_wait3A] : memref<65536xf32, #tpu.memory_space<vmem>> -> memref<8192xf32, #tpu.memory_space<vmem>>
        %dma_wait3A_147 = tpu.memref_slice %arg2[%add3A_117] : memref<51200000xf32, #tpu.memory_space<hbm>> -> memref<8192xf32, #tpu.memory_space<hbm>>
        %dma_wait3A_148 = arith.constant 32768 : i32
        %dma_wait3A_149 = tpu.memref_slice %arg6[%dma_wait3A_148] : memref<65536xf32, #tpu.memory_space<vmem>> -> memref<8192xf32, #tpu.memory_space<vmem>>
        %dma_wait3A_150 = tpu.memref_slice %arg2[%add3A_117] : memref<51200000xf32, #tpu.memory_space<hbm>> -> memref<8192xf32, #tpu.memory_space<hbm>>
        tpu.wait_dma2 semaphore(%arg12 : memref<!tpu.dma_semaphore, #tpu.memory_space<semaphore_mem>>) src(%dma_wait3A_150 : memref<8192xf32, #tpu.memory_space<hbm>>) dst(%dma_wait3A_149 : memref<8192xf32, #tpu.memory_space<vmem>>)
        %dma_wait3A_151 = arith.constant 40960 : i32
        %dma_wait3A_152 = tpu.memref_slice %arg6[%dma_wait3A_151] : memref<65536xf32, #tpu.memory_space<vmem>> -> memref<8192xf32, #tpu.memory_space<vmem>>
        %dma_wait3A_153 = tpu.memref_slice %arg2[%add3A_121] : memref<51200000xf32, #tpu.memory_space<hbm>> -> memref<8192xf32, #tpu.memory_space<hbm>>
        %dma_wait3A_154 = arith.constant 40960 : i32
        %dma_wait3A_155 = tpu.memref_slice %arg6[%dma_wait3A_154] : memref<65536xf32, #tpu.memory_space<vmem>> -> memref<8192xf32, #tpu.memory_space<vmem>>
        %dma_wait3A_156 = tpu.memref_slice %arg2[%add3A_121] : memref<51200000xf32, #tpu.memory_space<hbm>> -> memref<8192xf32, #tpu.memory_space<hbm>>
        tpu.wait_dma2 semaphore(%arg12 : memref<!tpu.dma_semaphore, #tpu.memory_space<semaphore_mem>>) src(%dma_wait3A_156 : memref<8192xf32, #tpu.memory_space<hbm>>) dst(%dma_wait3A_155 : memref<8192xf32, #tpu.memory_space<vmem>>)
        %dma_wait3A_157 = arith.constant 49152 : i32
        %dma_wait3A_158 = tpu.memref_slice %arg6[%dma_wait3A_157] : memref<65536xf32, #tpu.memory_space<vmem>> -> memref<8192xf32, #tpu.memory_space<vmem>>
        %dma_wait3A_159 = tpu.memref_slice %arg2[%add3A_125] : memref<51200000xf32, #tpu.memory_space<hbm>> -> memref<8192xf32, #tpu.memory_space<hbm>>
        %dma_wait3A_160 = arith.constant 49152 : i32
        %dma_wait3A_161 = tpu.memref_slice %arg6[%dma_wait3A_160] : memref<65536xf32, #tpu.memory_space<vmem>> -> memref<8192xf32, #tpu.memory_space<vmem>>
        %dma_wait3A_162 = tpu.memref_slice %arg2[%add3A_125] : memref<51200000xf32, #tpu.memory_space<hbm>> -> memref<8192xf32, #tpu.memory_space<hbm>>
        tpu.wait_dma2 semaphore(%arg12 : memref<!tpu.dma_semaphore, #tpu.memory_space<semaphore_mem>>) src(%dma_wait3A_162 : memref<8192xf32, #tpu.memory_space<hbm>>) dst(%dma_wait3A_161 : memref<8192xf32, #tpu.memory_space<vmem>>)
        %dma_wait3A_163 = arith.constant 57344 : i32
        %dma_wait3A_164 = tpu.memref_slice %arg6[%dma_wait3A_163] : memref<65536xf32, #tpu.memory_space<vmem>> -> memref<8192xf32, #tpu.memory_space<vmem>>
        %dma_wait3A_165 = tpu.memref_slice %arg2[%add3A_129] : memref<51200000xf32, #tpu.memory_space<hbm>> -> memref<8192xf32, #tpu.memory_space<hbm>>
        %dma_wait3A_166 = arith.constant 57344 : i32
        %dma_wait3A_167 = tpu.memref_slice %arg6[%dma_wait3A_166] : memref<65536xf32, #tpu.memory_space<vmem>> -> memref<8192xf32, #tpu.memory_space<vmem>>
        %dma_wait3A_168 = tpu.memref_slice %arg2[%add3A_129] : memref<51200000xf32, #tpu.memory_space<hbm>> -> memref<8192xf32, #tpu.memory_space<hbm>>
        tpu.wait_dma2 semaphore(%arg12 : memref<!tpu.dma_semaphore, #tpu.memory_space<semaphore_mem>>) src(%dma_wait3A_168 : memref<8192xf32, #tpu.memory_space<hbm>>) dst(%dma_wait3A_167 : memref<8192xf32, #tpu.memory_space<vmem>>)
        %dma_wait3A_169 = arith.constant 1 : i32
        %dma_wait3A_170 = arith.constant 0 : i32
        %dma_wait3A_171 = arith.constant 0 : i32
        %dma_wait3A_172 = tpu.memref_slice %arg8[%dma_wait3A_169, %dma_wait3A_170, %dma_wait3A_171] : memref<2x8x64xf32, #tpu.memory_space<vmem>> -> memref<1x1x64xf32, #tpu.memory_space<vmem>>
        %dma_wait3A_173 = tpu.memref_squeeze %dma_wait3A_172 : memref<1x1x64xf32, #tpu.memory_space<vmem>> -> memref<64xf32, #tpu.memory_space<vmem>>
        %dma_wait3A_174 = tpu.memref_slice %arg3[%add3A_131] : memref<800000xf32, #tpu.memory_space<hbm>> -> memref<64xf32, #tpu.memory_space<hbm>>
        %dma_wait3A_175 = arith.constant 0 : i32
        %dma_wait3A_176 = tpu.memref_slice %arg8[%dma_wait3A_169, %dma_wait3A_170, %dma_wait3A_175] : memref<2x8x64xf32, #tpu.memory_space<vmem>> -> memref<1x1x64xf32, #tpu.memory_space<vmem>>
        %dma_wait3A_177 = tpu.memref_squeeze %dma_wait3A_176 : memref<1x1x64xf32, #tpu.memory_space<vmem>> -> memref<64xf32, #tpu.memory_space<vmem>>
        %dma_wait3A_178 = tpu.memref_slice %arg3[%add3A_131] : memref<800000xf32, #tpu.memory_space<hbm>> -> memref<64xf32, #tpu.memory_space<hbm>>
        tpu.wait_dma2 semaphore(%arg12 : memref<!tpu.dma_semaphore, #tpu.memory_space<semaphore_mem>>) src(%dma_wait3A_178 : memref<64xf32, #tpu.memory_space<hbm>>) dst(%dma_wait3A_177 : memref<64xf32, #tpu.memory_space<vmem>>)
        %dma_wait3A_179 = arith.constant 1 : i32
        %dma_wait3A_180 = arith.constant 1 : i32
        %dma_wait3A_181 = arith.constant 0 : i32
        %dma_wait3A_182 = tpu.memref_slice %arg8[%dma_wait3A_179, %dma_wait3A_180, %dma_wait3A_181] : memref<2x8x64xf32, #tpu.memory_space<vmem>> -> memref<1x1x64xf32, #tpu.memory_space<vmem>>
        %dma_wait3A_183 = tpu.memref_squeeze %dma_wait3A_182 : memref<1x1x64xf32, #tpu.memory_space<vmem>> -> memref<64xf32, #tpu.memory_space<vmem>>
        %dma_wait3A_184 = tpu.memref_slice %arg3[%add3A_133] : memref<800000xf32, #tpu.memory_space<hbm>> -> memref<64xf32, #tpu.memory_space<hbm>>
        %dma_wait3A_185 = arith.constant 0 : i32
        %dma_wait3A_186 = tpu.memref_slice %arg8[%dma_wait3A_179, %dma_wait3A_180, %dma_wait3A_185] : memref<2x8x64xf32, #tpu.memory_space<vmem>> -> memref<1x1x64xf32, #tpu.memory_space<vmem>>
        %dma_wait3A_187 = tpu.memref_squeeze %dma_wait3A_186 : memref<1x1x64xf32, #tpu.memory_space<vmem>> -> memref<64xf32, #tpu.memory_space<vmem>>
        %dma_wait3A_188 = tpu.memref_slice %arg3[%add3A_133] : memref<800000xf32, #tpu.memory_space<hbm>> -> memref<64xf32, #tpu.memory_space<hbm>>
        tpu.wait_dma2 semaphore(%arg12 : memref<!tpu.dma_semaphore, #tpu.memory_space<semaphore_mem>>) src(%dma_wait3A_188 : memref<64xf32, #tpu.memory_space<hbm>>) dst(%dma_wait3A_187 : memref<64xf32, #tpu.memory_space<vmem>>)
        %dma_wait3A_189 = arith.constant 1 : i32
        %dma_wait3A_190 = arith.constant 2 : i32
        %dma_wait3A_191 = arith.constant 0 : i32
        %dma_wait3A_192 = tpu.memref_slice %arg8[%dma_wait3A_189, %dma_wait3A_190, %dma_wait3A_191] : memref<2x8x64xf32, #tpu.memory_space<vmem>> -> memref<1x1x64xf32, #tpu.memory_space<vmem>>
        %dma_wait3A_193 = tpu.memref_squeeze %dma_wait3A_192 : memref<1x1x64xf32, #tpu.memory_space<vmem>> -> memref<64xf32, #tpu.memory_space<vmem>>
        %dma_wait3A_194 = tpu.memref_slice %arg3[%add3A_135] : memref<800000xf32, #tpu.memory_space<hbm>> -> memref<64xf32, #tpu.memory_space<hbm>>
        %dma_wait3A_195 = arith.constant 0 : i32
        %dma_wait3A_196 = tpu.memref_slice %arg8[%dma_wait3A_189, %dma_wait3A_190, %dma_wait3A_195] : memref<2x8x64xf32, #tpu.memory_space<vmem>> -> memref<1x1x64xf32, #tpu.memory_space<vmem>>
        %dma_wait3A_197 = tpu.memref_squeeze %dma_wait3A_196 : memref<1x1x64xf32, #tpu.memory_space<vmem>> -> memref<64xf32, #tpu.memory_space<vmem>>
        %dma_wait3A_198 = tpu.memref_slice %arg3[%add3A_135] : memref<800000xf32, #tpu.memory_space<hbm>> -> memref<64xf32, #tpu.memory_space<hbm>>
        tpu.wait_dma2 semaphore(%arg12 : memref<!tpu.dma_semaphore, #tpu.memory_space<semaphore_mem>>) src(%dma_wait3A_198 : memref<64xf32, #tpu.memory_space<hbm>>) dst(%dma_wait3A_197 : memref<64xf32, #tpu.memory_space<vmem>>)
        %dma_wait3A_199 = arith.constant 1 : i32
        %dma_wait3A_200 = arith.constant 3 : i32
        %dma_wait3A_201 = arith.constant 0 : i32
        %dma_wait3A_202 = tpu.memref_slice %arg8[%dma_wait3A_199, %dma_wait3A_200, %dma_wait3A_201] : memref<2x8x64xf32, #tpu.memory_space<vmem>> -> memref<1x1x64xf32, #tpu.memory_space<vmem>>
        %dma_wait3A_203 = tpu.memref_squeeze %dma_wait3A_202 : memref<1x1x64xf32, #tpu.memory_space<vmem>> -> memref<64xf32, #tpu.memory_space<vmem>>
        %dma_wait3A_204 = tpu.memref_slice %arg3[%add3A_137] : memref<800000xf32, #tpu.memory_space<hbm>> -> memref<64xf32, #tpu.memory_space<hbm>>
        %dma_wait3A_205 = arith.constant 0 : i32
        %dma_wait3A_206 = tpu.memref_slice %arg8[%dma_wait3A_199, %dma_wait3A_200, %dma_wait3A_205] : memref<2x8x64xf32, #tpu.memory_space<vmem>> -> memref<1x1x64xf32, #tpu.memory_space<vmem>>
        %dma_wait3A_207 = tpu.memref_squeeze %dma_wait3A_206 : memref<1x1x64xf32, #tpu.memory_space<vmem>> -> memref<64xf32, #tpu.memory_space<vmem>>
        %dma_wait3A_208 = tpu.memref_slice %arg3[%add3A_137] : memref<800000xf32, #tpu.memory_space<hbm>> -> memref<64xf32, #tpu.memory_space<hbm>>
        tpu.wait_dma2 semaphore(%arg12 : memref<!tpu.dma_semaphore, #tpu.memory_space<semaphore_mem>>) src(%dma_wait3A_208 : memref<64xf32, #tpu.memory_space<hbm>>) dst(%dma_wait3A_207 : memref<64xf32, #tpu.memory_space<vmem>>)
        %dma_wait3A_209 = arith.constant 1 : i32
        %dma_wait3A_210 = arith.constant 4 : i32
        %dma_wait3A_211 = arith.constant 0 : i32
        %dma_wait3A_212 = tpu.memref_slice %arg8[%dma_wait3A_209, %dma_wait3A_210, %dma_wait3A_211] : memref<2x8x64xf32, #tpu.memory_space<vmem>> -> memref<1x1x64xf32, #tpu.memory_space<vmem>>
        %dma_wait3A_213 = tpu.memref_squeeze %dma_wait3A_212 : memref<1x1x64xf32, #tpu.memory_space<vmem>> -> memref<64xf32, #tpu.memory_space<vmem>>
        %dma_wait3A_214 = tpu.memref_slice %arg3[%add3A_139] : memref<800000xf32, #tpu.memory_space<hbm>> -> memref<64xf32, #tpu.memory_space<hbm>>
        %dma_wait3A_215 = arith.constant 0 : i32
        %dma_wait3A_216 = tpu.memref_slice %arg8[%dma_wait3A_209, %dma_wait3A_210, %dma_wait3A_215] : memref<2x8x64xf32, #tpu.memory_space<vmem>> -> memref<1x1x64xf32, #tpu.memory_space<vmem>>
        %dma_wait3A_217 = tpu.memref_squeeze %dma_wait3A_216 : memref<1x1x64xf32, #tpu.memory_space<vmem>> -> memref<64xf32, #tpu.memory_space<vmem>>
        %dma_wait3A_218 = tpu.memref_slice %arg3[%add3A_139] : memref<800000xf32, #tpu.memory_space<hbm>> -> memref<64xf32, #tpu.memory_space<hbm>>
        tpu.wait_dma2 semaphore(%arg12 : memref<!tpu.dma_semaphore, #tpu.memory_space<semaphore_mem>>) src(%dma_wait3A_218 : memref<64xf32, #tpu.memory_space<hbm>>) dst(%dma_wait3A_217 : memref<64xf32, #tpu.memory_space<vmem>>)
        %dma_wait3A_219 = arith.constant 1 : i32
        %dma_wait3A_220 = arith.constant 5 : i32
        %dma_wait3A_221 = arith.constant 0 : i32
        %dma_wait3A_222 = tpu.memref_slice %arg8[%dma_wait3A_219, %dma_wait3A_220, %dma_wait3A_221] : memref<2x8x64xf32, #tpu.memory_space<vmem>> -> memref<1x1x64xf32, #tpu.memory_space<vmem>>
        %dma_wait3A_223 = tpu.memref_squeeze %dma_wait3A_222 : memref<1x1x64xf32, #tpu.memory_space<vmem>> -> memref<64xf32, #tpu.memory_space<vmem>>
        %dma_wait3A_224 = tpu.memref_slice %arg3[%add3A_141] : memref<800000xf32, #tpu.memory_space<hbm>> -> memref<64xf32, #tpu.memory_space<hbm>>
        %dma_wait3A_225 = arith.constant 0 : i32
        %dma_wait3A_226 = tpu.memref_slice %arg8[%dma_wait3A_219, %dma_wait3A_220, %dma_wait3A_225] : memref<2x8x64xf32, #tpu.memory_space<vmem>> -> memref<1x1x64xf32, #tpu.memory_space<vmem>>
        %dma_wait3A_227 = tpu.memref_squeeze %dma_wait3A_226 : memref<1x1x64xf32, #tpu.memory_space<vmem>> -> memref<64xf32, #tpu.memory_space<vmem>>
        %dma_wait3A_228 = tpu.memref_slice %arg3[%add3A_141] : memref<800000xf32, #tpu.memory_space<hbm>> -> memref<64xf32, #tpu.memory_space<hbm>>
        tpu.wait_dma2 semaphore(%arg12 : memref<!tpu.dma_semaphore, #tpu.memory_space<semaphore_mem>>) src(%dma_wait3A_228 : memref<64xf32, #tpu.memory_space<hbm>>) dst(%dma_wait3A_227 : memref<64xf32, #tpu.memory_space<vmem>>)
        %dma_wait3A_229 = arith.constant 1 : i32
        %dma_wait3A_230 = arith.constant 6 : i32
        %dma_wait3A_231 = arith.constant 0 : i32
        %dma_wait3A_232 = tpu.memref_slice %arg8[%dma_wait3A_229, %dma_wait3A_230, %dma_wait3A_231] : memref<2x8x64xf32, #tpu.memory_space<vmem>> -> memref<1x1x64xf32, #tpu.memory_space<vmem>>
        %dma_wait3A_233 = tpu.memref_squeeze %dma_wait3A_232 : memref<1x1x64xf32, #tpu.memory_space<vmem>> -> memref<64xf32, #tpu.memory_space<vmem>>
        %dma_wait3A_234 = tpu.memref_slice %arg3[%add3A_143] : memref<800000xf32, #tpu.memory_space<hbm>> -> memref<64xf32, #tpu.memory_space<hbm>>
        %dma_wait3A_235 = arith.constant 0 : i32
        %dma_wait3A_236 = tpu.memref_slice %arg8[%dma_wait3A_229, %dma_wait3A_230, %dma_wait3A_235] : memref<2x8x64xf32, #tpu.memory_space<vmem>> -> memref<1x1x64xf32, #tpu.memory_space<vmem>>
        %dma_wait3A_237 = tpu.memref_squeeze %dma_wait3A_236 : memref<1x1x64xf32, #tpu.memory_space<vmem>> -> memref<64xf32, #tpu.memory_space<vmem>>
        %dma_wait3A_238 = tpu.memref_slice %arg3[%add3A_143] : memref<800000xf32, #tpu.memory_space<hbm>> -> memref<64xf32, #tpu.memory_space<hbm>>
        tpu.wait_dma2 semaphore(%arg12 : memref<!tpu.dma_semaphore, #tpu.memory_space<semaphore_mem>>) src(%dma_wait3A_238 : memref<64xf32, #tpu.memory_space<hbm>>) dst(%dma_wait3A_237 : memref<64xf32, #tpu.memory_space<vmem>>)
        %dma_wait3A_239 = arith.constant 1 : i32
        %dma_wait3A_240 = arith.constant 7 : i32
        %dma_wait3A_241 = arith.constant 0 : i32
        %dma_wait3A_242 = tpu.memref_slice %arg8[%dma_wait3A_239, %dma_wait3A_240, %dma_wait3A_241] : memref<2x8x64xf32, #tpu.memory_space<vmem>> -> memref<1x1x64xf32, #tpu.memory_space<vmem>>
        %dma_wait3A_243 = tpu.memref_squeeze %dma_wait3A_242 : memref<1x1x64xf32, #tpu.memory_space<vmem>> -> memref<64xf32, #tpu.memory_space<vmem>>
        %dma_wait3A_244 = tpu.memref_slice %arg3[%add3A_145] : memref<800000xf32, #tpu.memory_space<hbm>> -> memref<64xf32, #tpu.memory_space<hbm>>
        %dma_wait3A_245 = arith.constant 0 : i32
        %dma_wait3A_246 = tpu.memref_slice %arg8[%dma_wait3A_239, %dma_wait3A_240, %dma_wait3A_245] : memref<2x8x64xf32, #tpu.memory_space<vmem>> -> memref<1x1x64xf32, #tpu.memory_space<vmem>>
        %dma_wait3A_247 = tpu.memref_squeeze %dma_wait3A_246 : memref<1x1x64xf32, #tpu.memory_space<vmem>> -> memref<64xf32, #tpu.memory_space<vmem>>
        %dma_wait3A_248 = tpu.memref_slice %arg3[%add3A_145] : memref<800000xf32, #tpu.memory_space<hbm>> -> memref<64xf32, #tpu.memory_space<hbm>>
        tpu.wait_dma2 semaphore(%arg12 : memref<!tpu.dma_semaphore, #tpu.memory_space<semaphore_mem>>) src(%dma_wait3A_248 : memref<64xf32, #tpu.memory_space<hbm>>) dst(%dma_wait3A_247 : memref<64xf32, #tpu.memory_space<vmem>>)
      } else {
      }
      %add3A_77 = arith.constant 1 : i32
      %add3A_78 = arith.addi %add3A_68, %add3A_77 : i32
      %mul3A_79 = arith.constant 32 : i32
      %mul3A_80 = arith.muli %add3A_78, %mul3A_79 : i32
      %add3A_81 = arith.addi %mul3A_80, %add3A : i32
      %lt3A_82 = arith.constant 1563 : i32
      %lt3A_83 = arith.cmpi slt, %add3A_81, %lt3A_82 : i32
      %convert_element_type3A_84 = arith.extui %lt3A_83 : i1 to i32
      %cond3A_85 = arith.constant 0 : i32
      %cond3A_86 = arith.cmpi ne, %convert_element_type3A_84, %cond3A_85 : i32
      scf.if %cond3A_86 {
        %mul3A_108 = arith.constant 32 : i32
        %mul3A_109 = arith.muli %add3A_78, %mul3A_108 : i32
        %add3A_110 = arith.addi %mul3A_109, %add3A : i32
        %mul3A_111 = arith.constant 64 : i32
        %mul3A_112 = arith.muli %add3A_110, %mul3A_111 : i32
        %min3A = arith.constant 99936 : i32
        %min3A_113 = arith.minsi %mul3A_112, %min3A : i32
        %mul3A_114 = arith.constant 128 : i32
        %mul3A_115 = arith.muli %min3A_113, %mul3A_114 : i32
        %add3A_116 = arith.constant 0 : i32
        %add3A_117 = arith.addi %add3A_116, %mul3A_115 : i32
        %mul3A_118 = arith.constant 128 : i32
        %mul3A_119 = arith.muli %min3A_113, %mul3A_118 : i32
        %add3A_120 = arith.constant 12800000 : i32
        %add3A_121 = arith.addi %add3A_120, %mul3A_119 : i32
        %mul3A_122 = arith.constant 128 : i32
        %mul3A_123 = arith.muli %min3A_113, %mul3A_122 : i32
        %add3A_124 = arith.constant 25600000 : i32
        %add3A_125 = arith.addi %add3A_124, %mul3A_123 : i32
        %mul3A_126 = arith.constant 128 : i32
        %mul3A_127 = arith.muli %min3A_113, %mul3A_126 : i32
        %add3A_128 = arith.constant 38400000 : i32
        %add3A_129 = arith.addi %add3A_128, %mul3A_127 : i32
        %add3A_130 = arith.constant 0 : i32
        %add3A_131 = arith.addi %add3A_130, %min3A_113 : i32
        %add3A_132 = arith.constant 100000 : i32
        %add3A_133 = arith.addi %add3A_132, %min3A_113 : i32
        %add3A_134 = arith.constant 200000 : i32
        %add3A_135 = arith.addi %add3A_134, %min3A_113 : i32
        %add3A_136 = arith.constant 300000 : i32
        %add3A_137 = arith.addi %add3A_136, %min3A_113 : i32
        %add3A_138 = arith.constant 400000 : i32
        %add3A_139 = arith.addi %add3A_138, %min3A_113 : i32
        %add3A_140 = arith.constant 500000 : i32
        %add3A_141 = arith.addi %add3A_140, %min3A_113 : i32
        %add3A_142 = arith.constant 600000 : i32
        %add3A_143 = arith.addi %add3A_142, %min3A_113 : i32
        %add3A_144 = arith.constant 700000 : i32
        %add3A_145 = arith.addi %add3A_144, %min3A_113 : i32
        %dma_start3A = arith.constant 0 : i32
        %dma_start3A_146 = tpu.memref_slice %arg6[%dma_start3A] : memref<65536xf32, #tpu.memory_space<vmem>> -> memref<8192xf32, #tpu.memory_space<vmem>>
        %dma_start3A_147 = tpu.memref_slice %arg2[%add3A_117] : memref<51200000xf32, #tpu.memory_space<hbm>> -> memref<8192xf32, #tpu.memory_space<hbm>>
        %dma_start3A_148 = arith.constant 0 : i32
        %dma_start3A_149 = tpu.memref_slice %arg6[%dma_start3A_148] : memref<65536xf32, #tpu.memory_space<vmem>> -> memref<8192xf32, #tpu.memory_space<vmem>>
        %dma_start3A_150 = tpu.memref_slice %arg2[%add3A_117] : memref<51200000xf32, #tpu.memory_space<hbm>> -> memref<8192xf32, #tpu.memory_space<hbm>>
        tpu.enqueue_dma source(%dma_start3A_150 : memref<8192xf32, #tpu.memory_space<hbm>>) target(%dma_start3A_149 : memref<8192xf32, #tpu.memory_space<vmem>>) target_semaphore(%arg11 : memref<!tpu.dma_semaphore, #tpu.memory_space<semaphore_mem>>)
        %dma_start3A_151 = arith.constant 8192 : i32
        %dma_start3A_152 = tpu.memref_slice %arg6[%dma_start3A_151] : memref<65536xf32, #tpu.memory_space<vmem>> -> memref<8192xf32, #tpu.memory_space<vmem>>
        %dma_start3A_153 = tpu.memref_slice %arg2[%add3A_121] : memref<51200000xf32, #tpu.memory_space<hbm>> -> memref<8192xf32, #tpu.memory_space<hbm>>
        %dma_start3A_154 = arith.constant 8192 : i32
        %dma_start3A_155 = tpu.memref_slice %arg6[%dma_start3A_154] : memref<65536xf32, #tpu.memory_space<vmem>> -> memref<8192xf32, #tpu.memory_space<vmem>>
        %dma_start3A_156 = tpu.memref_slice %arg2[%add3A_121] : memref<51200000xf32, #tpu.memory_space<hbm>> -> memref<8192xf32, #tpu.memory_space<hbm>>
        tpu.enqueue_dma source(%dma_start3A_156 : memref<8192xf32, #tpu.memory_space<hbm>>) target(%dma_start3A_155 : memref<8192xf32, #tpu.memory_space<vmem>>) target_semaphore(%arg11 : memref<!tpu.dma_semaphore, #tpu.memory_space<semaphore_mem>>)
        %dma_start3A_157 = arith.constant 16384 : i32
        %dma_start3A_158 = tpu.memref_slice %arg6[%dma_start3A_157] : memref<65536xf32, #tpu.memory_space<vmem>> -> memref<8192xf32, #tpu.memory_space<vmem>>
        %dma_start3A_159 = tpu.memref_slice %arg2[%add3A_125] : memref<51200000xf32, #tpu.memory_space<hbm>> -> memref<8192xf32, #tpu.memory_space<hbm>>
        %dma_start3A_160 = arith.constant 16384 : i32
        %dma_start3A_161 = tpu.memref_slice %arg6[%dma_start3A_160] : memref<65536xf32, #tpu.memory_space<vmem>> -> memref<8192xf32, #tpu.memory_space<vmem>>
        %dma_start3A_162 = tpu.memref_slice %arg2[%add3A_125] : memref<51200000xf32, #tpu.memory_space<hbm>> -> memref<8192xf32, #tpu.memory_space<hbm>>
        tpu.enqueue_dma source(%dma_start3A_162 : memref<8192xf32, #tpu.memory_space<hbm>>) target(%dma_start3A_161 : memref<8192xf32, #tpu.memory_space<vmem>>) target_semaphore(%arg11 : memref<!tpu.dma_semaphore, #tpu.memory_space<semaphore_mem>>)
        %dma_start3A_163 = arith.constant 24576 : i32
        %dma_start3A_164 = tpu.memref_slice %arg6[%dma_start3A_163] : memref<65536xf32, #tpu.memory_space<vmem>> -> memref<8192xf32, #tpu.memory_space<vmem>>
        %dma_start3A_165 = tpu.memref_slice %arg2[%add3A_129] : memref<51200000xf32, #tpu.memory_space<hbm>> -> memref<8192xf32, #tpu.memory_space<hbm>>
        %dma_start3A_166 = arith.constant 24576 : i32
        %dma_start3A_167 = tpu.memref_slice %arg6[%dma_start3A_166] : memref<65536xf32, #tpu.memory_space<vmem>> -> memref<8192xf32, #tpu.memory_space<vmem>>
        %dma_start3A_168 = tpu.memref_slice %arg2[%add3A_129] : memref<51200000xf32, #tpu.memory_space<hbm>> -> memref<8192xf32, #tpu.memory_space<hbm>>
        tpu.enqueue_dma source(%dma_start3A_168 : memref<8192xf32, #tpu.memory_space<hbm>>) target(%dma_start3A_167 : memref<8192xf32, #tpu.memory_space<vmem>>) target_semaphore(%arg11 : memref<!tpu.dma_semaphore, #tpu.memory_space<semaphore_mem>>)
        %dma_start3A_169 = arith.constant 0 : i32
        %dma_start3A_170 = arith.constant 0 : i32
        %dma_start3A_171 = arith.constant 0 : i32
        %dma_start3A_172 = tpu.memref_slice %arg8[%dma_start3A_169, %dma_start3A_170, %dma_start3A_171] : memref<2x8x64xf32, #tpu.memory_space<vmem>> -> memref<1x1x64xf32, #tpu.memory_space<vmem>>
        %dma_start3A_173 = tpu.memref_squeeze %dma_start3A_172 : memref<1x1x64xf32, #tpu.memory_space<vmem>> -> memref<64xf32, #tpu.memory_space<vmem>>
        %dma_start3A_174 = tpu.memref_slice %arg3[%add3A_131] : memref<800000xf32, #tpu.memory_space<hbm>> -> memref<64xf32, #tpu.memory_space<hbm>>
        %dma_start3A_175 = arith.constant 0 : i32
        %dma_start3A_176 = tpu.memref_slice %arg8[%dma_start3A_169, %dma_start3A_170, %dma_start3A_175] : memref<2x8x64xf32, #tpu.memory_space<vmem>> -> memref<1x1x64xf32, #tpu.memory_space<vmem>>
        %dma_start3A_177 = tpu.memref_squeeze %dma_start3A_176 : memref<1x1x64xf32, #tpu.memory_space<vmem>> -> memref<64xf32, #tpu.memory_space<vmem>>
        %dma_start3A_178 = tpu.memref_slice %arg3[%add3A_131] : memref<800000xf32, #tpu.memory_space<hbm>> -> memref<64xf32, #tpu.memory_space<hbm>>
        tpu.enqueue_dma source(%dma_start3A_178 : memref<64xf32, #tpu.memory_space<hbm>>) target(%dma_start3A_177 : memref<64xf32, #tpu.memory_space<vmem>>) target_semaphore(%arg11 : memref<!tpu.dma_semaphore, #tpu.memory_space<semaphore_mem>>)
        %dma_start3A_179 = arith.constant 0 : i32
        %dma_start3A_180 = arith.constant 1 : i32
        %dma_start3A_181 = arith.constant 0 : i32
        %dma_start3A_182 = tpu.memref_slice %arg8[%dma_start3A_179, %dma_start3A_180, %dma_start3A_181] : memref<2x8x64xf32, #tpu.memory_space<vmem>> -> memref<1x1x64xf32, #tpu.memory_space<vmem>>
        %dma_start3A_183 = tpu.memref_squeeze %dma_start3A_182 : memref<1x1x64xf32, #tpu.memory_space<vmem>> -> memref<64xf32, #tpu.memory_space<vmem>>
        %dma_start3A_184 = tpu.memref_slice %arg3[%add3A_133] : memref<800000xf32, #tpu.memory_space<hbm>> -> memref<64xf32, #tpu.memory_space<hbm>>
        %dma_start3A_185 = arith.constant 0 : i32
        %dma_start3A_186 = tpu.memref_slice %arg8[%dma_start3A_179, %dma_start3A_180, %dma_start3A_185] : memref<2x8x64xf32, #tpu.memory_space<vmem>> -> memref<1x1x64xf32, #tpu.memory_space<vmem>>
        %dma_start3A_187 = tpu.memref_squeeze %dma_start3A_186 : memref<1x1x64xf32, #tpu.memory_space<vmem>> -> memref<64xf32, #tpu.memory_space<vmem>>
        %dma_start3A_188 = tpu.memref_slice %arg3[%add3A_133] : memref<800000xf32, #tpu.memory_space<hbm>> -> memref<64xf32, #tpu.memory_space<hbm>>
        tpu.enqueue_dma source(%dma_start3A_188 : memref<64xf32, #tpu.memory_space<hbm>>) target(%dma_start3A_187 : memref<64xf32, #tpu.memory_space<vmem>>) target_semaphore(%arg11 : memref<!tpu.dma_semaphore, #tpu.memory_space<semaphore_mem>>)
        %dma_start3A_189 = arith.constant 0 : i32
        %dma_start3A_190 = arith.constant 2 : i32
        %dma_start3A_191 = arith.constant 0 : i32
        %dma_start3A_192 = tpu.memref_slice %arg8[%dma_start3A_189, %dma_start3A_190, %dma_start3A_191] : memref<2x8x64xf32, #tpu.memory_space<vmem>> -> memref<1x1x64xf32, #tpu.memory_space<vmem>>
        %dma_start3A_193 = tpu.memref_squeeze %dma_start3A_192 : memref<1x1x64xf32, #tpu.memory_space<vmem>> -> memref<64xf32, #tpu.memory_space<vmem>>
        %dma_start3A_194 = tpu.memref_slice %arg3[%add3A_135] : memref<800000xf32, #tpu.memory_space<hbm>> -> memref<64xf32, #tpu.memory_space<hbm>>
        %dma_start3A_195 = arith.constant 0 : i32
        %dma_start3A_196 = tpu.memref_slice %arg8[%dma_start3A_189, %dma_start3A_190, %dma_start3A_195] : memref<2x8x64xf32, #tpu.memory_space<vmem>> -> memref<1x1x64xf32, #tpu.memory_space<vmem>>
        %dma_start3A_197 = tpu.memref_squeeze %dma_start3A_196 : memref<1x1x64xf32, #tpu.memory_space<vmem>> -> memref<64xf32, #tpu.memory_space<vmem>>
        %dma_start3A_198 = tpu.memref_slice %arg3[%add3A_135] : memref<800000xf32, #tpu.memory_space<hbm>> -> memref<64xf32, #tpu.memory_space<hbm>>
        tpu.enqueue_dma source(%dma_start3A_198 : memref<64xf32, #tpu.memory_space<hbm>>) target(%dma_start3A_197 : memref<64xf32, #tpu.memory_space<vmem>>) target_semaphore(%arg11 : memref<!tpu.dma_semaphore, #tpu.memory_space<semaphore_mem>>)
        %dma_start3A_199 = arith.constant 0 : i32
        %dma_start3A_200 = arith.constant 3 : i32
        %dma_start3A_201 = arith.constant 0 : i32
        %dma_start3A_202 = tpu.memref_slice %arg8[%dma_start3A_199, %dma_start3A_200, %dma_start3A_201] : memref<2x8x64xf32, #tpu.memory_space<vmem>> -> memref<1x1x64xf32, #tpu.memory_space<vmem>>
        %dma_start3A_203 = tpu.memref_squeeze %dma_start3A_202 : memref<1x1x64xf32, #tpu.memory_space<vmem>> -> memref<64xf32, #tpu.memory_space<vmem>>
        %dma_start3A_204 = tpu.memref_slice %arg3[%add3A_137] : memref<800000xf32, #tpu.memory_space<hbm>> -> memref<64xf32, #tpu.memory_space<hbm>>
        %dma_start3A_205 = arith.constant 0 : i32
        %dma_start3A_206 = tpu.memref_slice %arg8[%dma_start3A_199, %dma_start3A_200, %dma_start3A_205] : memref<2x8x64xf32, #tpu.memory_space<vmem>> -> memref<1x1x64xf32, #tpu.memory_space<vmem>>
        %dma_start3A_207 = tpu.memref_squeeze %dma_start3A_206 : memref<1x1x64xf32, #tpu.memory_space<vmem>> -> memref<64xf32, #tpu.memory_space<vmem>>
        %dma_start3A_208 = tpu.memref_slice %arg3[%add3A_137] : memref<800000xf32, #tpu.memory_space<hbm>> -> memref<64xf32, #tpu.memory_space<hbm>>
        tpu.enqueue_dma source(%dma_start3A_208 : memref<64xf32, #tpu.memory_space<hbm>>) target(%dma_start3A_207 : memref<64xf32, #tpu.memory_space<vmem>>) target_semaphore(%arg11 : memref<!tpu.dma_semaphore, #tpu.memory_space<semaphore_mem>>)
        %dma_start3A_209 = arith.constant 0 : i32
        %dma_start3A_210 = arith.constant 4 : i32
        %dma_start3A_211 = arith.constant 0 : i32
        %dma_start3A_212 = tpu.memref_slice %arg8[%dma_start3A_209, %dma_start3A_210, %dma_start3A_211] : memref<2x8x64xf32, #tpu.memory_space<vmem>> -> memref<1x1x64xf32, #tpu.memory_space<vmem>>
        %dma_start3A_213 = tpu.memref_squeeze %dma_start3A_212 : memref<1x1x64xf32, #tpu.memory_space<vmem>> -> memref<64xf32, #tpu.memory_space<vmem>>
        %dma_start3A_214 = tpu.memref_slice %arg3[%add3A_139] : memref<800000xf32, #tpu.memory_space<hbm>> -> memref<64xf32, #tpu.memory_space<hbm>>
        %dma_start3A_215 = arith.constant 0 : i32
        %dma_start3A_216 = tpu.memref_slice %arg8[%dma_start3A_209, %dma_start3A_210, %dma_start3A_215] : memref<2x8x64xf32, #tpu.memory_space<vmem>> -> memref<1x1x64xf32, #tpu.memory_space<vmem>>
        %dma_start3A_217 = tpu.memref_squeeze %dma_start3A_216 : memref<1x1x64xf32, #tpu.memory_space<vmem>> -> memref<64xf32, #tpu.memory_space<vmem>>
        %dma_start3A_218 = tpu.memref_slice %arg3[%add3A_139] : memref<800000xf32, #tpu.memory_space<hbm>> -> memref<64xf32, #tpu.memory_space<hbm>>
        tpu.enqueue_dma source(%dma_start3A_218 : memref<64xf32, #tpu.memory_space<hbm>>) target(%dma_start3A_217 : memref<64xf32, #tpu.memory_space<vmem>>) target_semaphore(%arg11 : memref<!tpu.dma_semaphore, #tpu.memory_space<semaphore_mem>>)
        %dma_start3A_219 = arith.constant 0 : i32
        %dma_start3A_220 = arith.constant 5 : i32
        %dma_start3A_221 = arith.constant 0 : i32
        %dma_start3A_222 = tpu.memref_slice %arg8[%dma_start3A_219, %dma_start3A_220, %dma_start3A_221] : memref<2x8x64xf32, #tpu.memory_space<vmem>> -> memref<1x1x64xf32, #tpu.memory_space<vmem>>
        %dma_start3A_223 = tpu.memref_squeeze %dma_start3A_222 : memref<1x1x64xf32, #tpu.memory_space<vmem>> -> memref<64xf32, #tpu.memory_space<vmem>>
        %dma_start3A_224 = tpu.memref_slice %arg3[%add3A_141] : memref<800000xf32, #tpu.memory_space<hbm>> -> memref<64xf32, #tpu.memory_space<hbm>>
        %dma_start3A_225 = arith.constant 0 : i32
        %dma_start3A_226 = tpu.memref_slice %arg8[%dma_start3A_219, %dma_start3A_220, %dma_start3A_225] : memref<2x8x64xf32, #tpu.memory_space<vmem>> -> memref<1x1x64xf32, #tpu.memory_space<vmem>>
        %dma_start3A_227 = tpu.memref_squeeze %dma_start3A_226 : memref<1x1x64xf32, #tpu.memory_space<vmem>> -> memref<64xf32, #tpu.memory_space<vmem>>
        %dma_start3A_228 = tpu.memref_slice %arg3[%add3A_141] : memref<800000xf32, #tpu.memory_space<hbm>> -> memref<64xf32, #tpu.memory_space<hbm>>
        tpu.enqueue_dma source(%dma_start3A_228 : memref<64xf32, #tpu.memory_space<hbm>>) target(%dma_start3A_227 : memref<64xf32, #tpu.memory_space<vmem>>) target_semaphore(%arg11 : memref<!tpu.dma_semaphore, #tpu.memory_space<semaphore_mem>>)
        %dma_start3A_229 = arith.constant 0 : i32
        %dma_start3A_230 = arith.constant 6 : i32
        %dma_start3A_231 = arith.constant 0 : i32
        %dma_start3A_232 = tpu.memref_slice %arg8[%dma_start3A_229, %dma_start3A_230, %dma_start3A_231] : memref<2x8x64xf32, #tpu.memory_space<vmem>> -> memref<1x1x64xf32, #tpu.memory_space<vmem>>
        %dma_start3A_233 = tpu.memref_squeeze %dma_start3A_232 : memref<1x1x64xf32, #tpu.memory_space<vmem>> -> memref<64xf32, #tpu.memory_space<vmem>>
        %dma_start3A_234 = tpu.memref_slice %arg3[%add3A_143] : memref<800000xf32, #tpu.memory_space<hbm>> -> memref<64xf32, #tpu.memory_space<hbm>>
        %dma_start3A_235 = arith.constant 0 : i32
        %dma_start3A_236 = tpu.memref_slice %arg8[%dma_start3A_229, %dma_start3A_230, %dma_start3A_235] : memref<2x8x64xf32, #tpu.memory_space<vmem>> -> memref<1x1x64xf32, #tpu.memory_space<vmem>>
        %dma_start3A_237 = tpu.memref_squeeze %dma_start3A_236 : memref<1x1x64xf32, #tpu.memory_space<vmem>> -> memref<64xf32, #tpu.memory_space<vmem>>
        %dma_start3A_238 = tpu.memref_slice %arg3[%add3A_143] : memref<800000xf32, #tpu.memory_space<hbm>> -> memref<64xf32, #tpu.memory_space<hbm>>
        tpu.enqueue_dma source(%dma_start3A_238 : memref<64xf32, #tpu.memory_space<hbm>>) target(%dma_start3A_237 : memref<64xf32, #tpu.memory_space<vmem>>) target_semaphore(%arg11 : memref<!tpu.dma_semaphore, #tpu.memory_space<semaphore_mem>>)
        %dma_start3A_239 = arith.constant 0 : i32
        %dma_start3A_240 = arith.constant 7 : i32
        %dma_start3A_241 = arith.constant 0 : i32
        %dma_start3A_242 = tpu.memref_slice %arg8[%dma_start3A_239, %dma_start3A_240, %dma_start3A_241] : memref<2x8x64xf32, #tpu.memory_space<vmem>> -> memref<1x1x64xf32, #tpu.memory_space<vmem>>
        %dma_start3A_243 = tpu.memref_squeeze %dma_start3A_242 : memref<1x1x64xf32, #tpu.memory_space<vmem>> -> memref<64xf32, #tpu.memory_space<vmem>>
        %dma_start3A_244 = tpu.memref_slice %arg3[%add3A_145] : memref<800000xf32, #tpu.memory_space<hbm>> -> memref<64xf32, #tpu.memory_space<hbm>>
        %dma_start3A_245 = arith.constant 0 : i32
        %dma_start3A_246 = tpu.memref_slice %arg8[%dma_start3A_239, %dma_start3A_240, %dma_start3A_245] : memref<2x8x64xf32, #tpu.memory_space<vmem>> -> memref<1x1x64xf32, #tpu.memory_space<vmem>>
        %dma_start3A_247 = tpu.memref_squeeze %dma_start3A_246 : memref<1x1x64xf32, #tpu.memory_space<vmem>> -> memref<64xf32, #tpu.memory_space<vmem>>
        %dma_start3A_248 = tpu.memref_slice %arg3[%add3A_145] : memref<800000xf32, #tpu.memory_space<hbm>> -> memref<64xf32, #tpu.memory_space<hbm>>
        tpu.enqueue_dma source(%dma_start3A_248 : memref<64xf32, #tpu.memory_space<hbm>>) target(%dma_start3A_247 : memref<64xf32, #tpu.memory_space<vmem>>) target_semaphore(%arg11 : memref<!tpu.dma_semaphore, #tpu.memory_space<semaphore_mem>>)
      } else {
      }
      %ge3A_87 = arith.constant 2 : i32
      %ge3A_88 = arith.cmpi sge, %add3A_68, %ge3A_87 : i32
      %sub3A_89 = arith.constant 2 : i32
      %sub3A_90 = arith.subi %add3A_68, %sub3A_89 : i32
      %mul3A_91 = arith.constant 32 : i32
      %mul3A_92 = arith.muli %sub3A_90, %mul3A_91 : i32
      %add3A_93 = arith.addi %mul3A_92, %add3A : i32
      %lt3A_94 = arith.constant 1563 : i32
      %lt3A_95 = arith.cmpi slt, %add3A_93, %lt3A_94 : i32
      %and3A_96 = arith.andi %ge3A_88, %lt3A_95 : i1
      %convert_element_type3A_97 = arith.extui %and3A_96 : i1 to i32
      %cond3A_98 = arith.constant 0 : i32
      %cond3A_99 = arith.cmpi ne, %convert_element_type3A_97, %cond3A_98 : i32
      scf.if %cond3A_99 {
        %sub3A_108 = arith.constant 2 : i32
        %sub3A_109 = arith.subi %add3A_68, %sub3A_108 : i32
        %mul3A_110 = arith.constant 32 : i32
        %mul3A_111 = arith.muli %sub3A_109, %mul3A_110 : i32
        %add3A_112 = arith.addi %mul3A_111, %add3A : i32
        %mul3A_113 = arith.constant 64 : i32
        %mul3A_114 = arith.muli %add3A_112, %mul3A_113 : i32
        %min3A = arith.constant 99936 : i32
        %min3A_115 = arith.minsi %mul3A_114, %min3A : i32
        %mul3A_116 = arith.constant 128 : i32
        %mul3A_117 = arith.muli %min3A_115, %mul3A_116 : i32
        %dma_wait3A = arith.constant 8192 : i32
        %dma_wait3A_118 = tpu.memref_slice %arg7[%dma_wait3A] : memref<16384xf32, #tpu.memory_space<vmem>> -> memref<8192xf32, #tpu.memory_space<vmem>>
        %dma_wait3A_119 = tpu.memref_slice %arg5[%mul3A_117] : memref<12800000xf32, #tpu.memory_space<hbm>> -> memref<8192xf32, #tpu.memory_space<hbm>>
        %dma_wait3A_120 = tpu.memref_slice %arg5[%mul3A_117] : memref<12800000xf32, #tpu.memory_space<hbm>> -> memref<8192xf32, #tpu.memory_space<hbm>>
        %dma_wait3A_121 = arith.constant 8192 : i32
        %dma_wait3A_122 = tpu.memref_slice %arg7[%dma_wait3A_121] : memref<16384xf32, #tpu.memory_space<vmem>> -> memref<8192xf32, #tpu.memory_space<vmem>>
        tpu.wait_dma2 semaphore(%arg14 : memref<!tpu.dma_semaphore, #tpu.memory_space<semaphore_mem>>) src(%dma_wait3A_122 : memref<8192xf32, #tpu.memory_space<vmem>>) dst(%dma_wait3A_120 : memref<8192xf32, #tpu.memory_space<hbm>>)
      } else {
      }
      %mul3A_100 = arith.constant 32 : i32
      %mul3A_101 = arith.muli %add3A_68, %mul3A_100 : i32
      %add3A_102 = arith.addi %mul3A_101, %add3A : i32
      %lt3A_103 = arith.constant 1563 : i32
      %lt3A_104 = arith.cmpi slt, %add3A_102, %lt3A_103 : i32
      %convert_element_type3A_105 = arith.extui %lt3A_104 : i1 to i32
      %cond3A_106 = arith.constant 0 : i32
      %cond3A_107 = arith.cmpi ne, %convert_element_type3A_105, %cond3A_106 : i32
      scf.if %cond3A_107 {
        %parallel_loop3A = arith.constant 0 : i32
        %parallel_loop3A_108 = arith.constant 4 : i32
        %parallel_loop3A_109 = arith.constant 1 : i32
        scf.for %parallel_loop3A_126 = %parallel_loop3A to %parallel_loop3A_108 step %parallel_loop3A_109  : i32 {
          %parallel_loop3A_127 = arith.constant 16 : i32
          %parallel_loop3A_128 = arith.muli %parallel_loop3A_126, %parallel_loop3A_127 : i32
          %parallel_loop3A_129 = arith.constant 1 : i32
          %parallel_loop3A_130 = arith.constant 0 : i32
          %parallel_loop3A_131 = arith.index_cast %parallel_loop3A_129 : i32 to index
          %parallel_loop3A_132 = arith.index_cast %parallel_loop3A_130 : i32 to index
          %parallel_loop3A_133 = arith.index_cast %parallel_loop3A_128 : i32 to index
          %parallel_loop3A_134 = tpu.vector_load %arg8[%parallel_loop3A_131, %parallel_loop3A_132, %parallel_loop3A_133] {strides = array<i32>} : memref<2x8x64xf32, #tpu.memory_space<vmem>>, vector<16xf32>,
          %parallel_loop3A_135 = arith.constant 0 : i32
          %parallel_loop3A_136 = vector.broadcast %parallel_loop3A_135 : i32 to vector<16xi32>
          %parallel_loop3A_137 = arith.constant 1 : i32
          %parallel_loop3A_138 = arith.constant 1 : i32
          %parallel_loop3A_139 = arith.index_cast %parallel_loop3A_137 : i32 to index
          %parallel_loop3A_140 = arith.index_cast %parallel_loop3A_138 : i32 to index
          %parallel_loop3A_141 = arith.index_cast %parallel_loop3A_128 : i32 to index
          %parallel_loop3A_142 = tpu.vector_load %arg8[%parallel_loop3A_139, %parallel_loop3A_140, %parallel_loop3A_141] {strides = array<i32>} : memref<2x8x64xf32, #tpu.memory_space<vmem>>, vector<16xf32>,
          %parallel_loop3A_143 = arith.cmpf ogt, %parallel_loop3A_142, %parallel_loop3A_134 : vector<16xf32>
          %parallel_loop3A_144 = arith.select %parallel_loop3A_143, %parallel_loop3A_142, %parallel_loop3A_134 : vector<16xi1>, vector<16xf32>
          %parallel_loop3A_145 = arith.constant 1 : i32
          %parallel_loop3A_146 = vector.broadcast %parallel_loop3A_145 : i32 to vector<16xi32>
          %parallel_loop3A_147 = arith.select %parallel_loop3A_143, %parallel_loop3A_146, %parallel_loop3A_136 : vector<16xi1>, vector<16xi32>
          %parallel_loop3A_148 = arith.constant 1 : i32
          %parallel_loop3A_149 = arith.constant 2 : i32
          %parallel_loop3A_150 = arith.index_cast %parallel_loop3A_148 : i32 to index
          %parallel_loop3A_151 = arith.index_cast %parallel_loop3A_149 : i32 to index
          %parallel_loop3A_152 = arith.index_cast %parallel_loop3A_128 : i32 to index
          %parallel_loop3A_153 = tpu.vector_load %arg8[%parallel_loop3A_150, %parallel_loop3A_151, %parallel_loop3A_152] {strides = array<i32>} : memref<2x8x64xf32, #tpu.memory_space<vmem>>, vector<16xf32>,
          %parallel_loop3A_154 = arith.cmpf ogt, %parallel_loop3A_153, %parallel_loop3A_144 : vector<16xf32>
          %parallel_loop3A_155 = arith.select %parallel_loop3A_154, %parallel_loop3A_153, %parallel_loop3A_144 : vector<16xi1>, vector<16xf32>
          %parallel_loop3A_156 = arith.constant 2 : i32
          %parallel_loop3A_157 = vector.broadcast %parallel_loop3A_156 : i32 to vector<16xi32>
          %parallel_loop3A_158 = arith.select %parallel_loop3A_154, %parallel_loop3A_157, %parallel_loop3A_147 : vector<16xi1>, vector<16xi32>
          %parallel_loop3A_159 = arith.constant 1 : i32
          %parallel_loop3A_160 = arith.constant 3 : i32
          %parallel_loop3A_161 = arith.index_cast %parallel_loop3A_159 : i32 to index
          %parallel_loop3A_162 = arith.index_cast %parallel_loop3A_160 : i32 to index
          %parallel_loop3A_163 = arith.index_cast %parallel_loop3A_128 : i32 to index
          %parallel_loop3A_164 = tpu.vector_load %arg8[%parallel_loop3A_161, %parallel_loop3A_162, %parallel_loop3A_163] {strides = array<i32>} : memref<2x8x64xf32, #tpu.memory_space<vmem>>, vector<16xf32>,
          %parallel_loop3A_165 = arith.cmpf ogt, %parallel_loop3A_164, %parallel_loop3A_155 : vector<16xf32>
          %parallel_loop3A_166 = arith.select %parallel_loop3A_165, %parallel_loop3A_164, %parallel_loop3A_155 : vector<16xi1>, vector<16xf32>
          %parallel_loop3A_167 = arith.constant 3 : i32
          %parallel_loop3A_168 = vector.broadcast %parallel_loop3A_167 : i32 to vector<16xi32>
          %parallel_loop3A_169 = arith.select %parallel_loop3A_165, %parallel_loop3A_168, %parallel_loop3A_158 : vector<16xi1>, vector<16xi32>
          %parallel_loop3A_170 = arith.constant 1 : i32
          %parallel_loop3A_171 = arith.constant 4 : i32
          %parallel_loop3A_172 = arith.index_cast %parallel_loop3A_170 : i32 to index
          %parallel_loop3A_173 = arith.index_cast %parallel_loop3A_171 : i32 to index
          %parallel_loop3A_174 = arith.index_cast %parallel_loop3A_128 : i32 to index
          %parallel_loop3A_175 = tpu.vector_load %arg8[%parallel_loop3A_172, %parallel_loop3A_173, %parallel_loop3A_174] {strides = array<i32>} : memref<2x8x64xf32, #tpu.memory_space<vmem>>, vector<16xf32>,
          %parallel_loop3A_176 = arith.cmpf ogt, %parallel_loop3A_175, %parallel_loop3A_166 : vector<16xf32>
          %parallel_loop3A_177 = arith.select %parallel_loop3A_176, %parallel_loop3A_175, %parallel_loop3A_166 : vector<16xi1>, vector<16xf32>
          %parallel_loop3A_178 = arith.constant 4 : i32
          %parallel_loop3A_179 = vector.broadcast %parallel_loop3A_178 : i32 to vector<16xi32>
          %parallel_loop3A_180 = arith.select %parallel_loop3A_176, %parallel_loop3A_179, %parallel_loop3A_169 : vector<16xi1>, vector<16xi32>
          %parallel_loop3A_181 = arith.constant 1 : i32
          %parallel_loop3A_182 = arith.constant 5 : i32
          %parallel_loop3A_183 = arith.index_cast %parallel_loop3A_181 : i32 to index
          %parallel_loop3A_184 = arith.index_cast %parallel_loop3A_182 : i32 to index
          %parallel_loop3A_185 = arith.index_cast %parallel_loop3A_128 : i32 to index
          %parallel_loop3A_186 = tpu.vector_load %arg8[%parallel_loop3A_183, %parallel_loop3A_184, %parallel_loop3A_185] {strides = array<i32>} : memref<2x8x64xf32, #tpu.memory_space<vmem>>, vector<16xf32>,
          %parallel_loop3A_187 = arith.cmpf ogt, %parallel_loop3A_186, %parallel_loop3A_177 : vector<16xf32>
          %parallel_loop3A_188 = arith.select %parallel_loop3A_187, %parallel_loop3A_186, %parallel_loop3A_177 : vector<16xi1>, vector<16xf32>
          %parallel_loop3A_189 = arith.constant 5 : i32
          %parallel_loop3A_190 = vector.broadcast %parallel_loop3A_189 : i32 to vector<16xi32>
          %parallel_loop3A_191 = arith.select %parallel_loop3A_187, %parallel_loop3A_190, %parallel_loop3A_180 : vector<16xi1>, vector<16xi32>
          %parallel_loop3A_192 = arith.constant 1 : i32
          %parallel_loop3A_193 = arith.constant 6 : i32
          %parallel_loop3A_194 = arith.index_cast %parallel_loop3A_192 : i32 to index
          %parallel_loop3A_195 = arith.index_cast %parallel_loop3A_193 : i32 to index
          %parallel_loop3A_196 = arith.index_cast %parallel_loop3A_128 : i32 to index
          %parallel_loop3A_197 = tpu.vector_load %arg8[%parallel_loop3A_194, %parallel_loop3A_195, %parallel_loop3A_196] {strides = array<i32>} : memref<2x8x64xf32, #tpu.memory_space<vmem>>, vector<16xf32>,
          %parallel_loop3A_198 = arith.cmpf ogt, %parallel_loop3A_197, %parallel_loop3A_188 : vector<16xf32>
          %parallel_loop3A_199 = arith.select %parallel_loop3A_198, %parallel_loop3A_197, %parallel_loop3A_188 : vector<16xi1>, vector<16xf32>
          %parallel_loop3A_200 = arith.constant 6 : i32
          %parallel_loop3A_201 = vector.broadcast %parallel_loop3A_200 : i32 to vector<16xi32>
          %parallel_loop3A_202 = arith.select %parallel_loop3A_198, %parallel_loop3A_201, %parallel_loop3A_191 : vector<16xi1>, vector<16xi32>
          %parallel_loop3A_203 = arith.constant 1 : i32
          %parallel_loop3A_204 = arith.constant 7 : i32
          %parallel_loop3A_205 = arith.index_cast %parallel_loop3A_203 : i32 to index
          %parallel_loop3A_206 = arith.index_cast %parallel_loop3A_204 : i32 to index
          %parallel_loop3A_207 = arith.index_cast %parallel_loop3A_128 : i32 to index
          %parallel_loop3A_208 = tpu.vector_load %arg8[%parallel_loop3A_205, %parallel_loop3A_206, %parallel_loop3A_207] {strides = array<i32>} : memref<2x8x64xf32, #tpu.memory_space<vmem>>, vector<16xf32>,
          %parallel_loop3A_209 = arith.cmpf ogt, %parallel_loop3A_208, %parallel_loop3A_199 : vector<16xf32>
          %parallel_loop3A_210 = arith.select %parallel_loop3A_209, %parallel_loop3A_208, %parallel_loop3A_199 : vector<16xi1>, vector<16xf32>
          %parallel_loop3A_211 = arith.constant 7 : i32
          %parallel_loop3A_212 = vector.broadcast %parallel_loop3A_211 : i32 to vector<16xi32>
          %parallel_loop3A_213 = arith.select %parallel_loop3A_209, %parallel_loop3A_212, %parallel_loop3A_202 : vector<16xi1>, vector<16xi32>
          %parallel_loop3A_214 = arith.index_cast %parallel_loop3A_128 : i32 to index
          %parallel_loop3A_215 = tpu.vector_load %arg10[%parallel_loop3A_214] {strides = array<i32>} : memref<80xi32, #tpu.memory_space<vmem>>, vector<16xi32>,
          tpu.vector_store %arg10[%parallel_loop3A_214], %parallel_loop3A_213 {strides = array<i32>} : memref<80xi32, #tpu.memory_space<vmem>>, vector<16xi32>,
        } {sc.loop_unroll_factor = 4 : i64, sc.parallel_access}
        %parallel_loop3A_110 = arith.constant 0 : i32
        %parallel_loop3A_111 = arith.constant 64 : i32
        %parallel_loop3A_112 = arith.constant 1 : i32
        scf.for %parallel_loop3A_126 = %parallel_loop3A_110 to %parallel_loop3A_111 step %parallel_loop3A_112  : i32 {
          %parallel_loop3A_127 = arith.index_cast %parallel_loop3A_126 : i32 to index
          %parallel_loop3A_128 = tpu.vector_load %arg10[%parallel_loop3A_127] {strides = array<i32>} : memref<80xi32, #tpu.memory_space<vmem>>, vector<16xi32>,
          %parallel_loop3A_129 = vector.extract_strided_slice %parallel_loop3A_128 {offsets = [0], sizes = [1], strides = [1]} : vector<16xi32> to vector<1xi32>
          %parallel_loop3A_130 = vector.extract %parallel_loop3A_129[0] : i32 from vector<1xi32>
          %parallel_loop3A_131 = arith.constant 512 : i32
          %parallel_loop3A_132 = arith.muli %parallel_loop3A_130, %parallel_loop3A_131 : i32
          %parallel_loop3A_133 = arith.constant 128 : i32
          %parallel_loop3A_134 = arith.muli %parallel_loop3A_126, %parallel_loop3A_133 : i32
          %parallel_loop3A_135 = arith.constant 32768 : i32
          %parallel_loop3A_136 = arith.addi %parallel_loop3A_135, %parallel_loop3A_134 : i32
          %parallel_loop3A_137 = arith.constant 0 : i32
          %parallel_loop3A_138 = arith.addi %parallel_loop3A_136, %parallel_loop3A_137 : i32
          %parallel_loop3A_139 = arith.index_cast %parallel_loop3A_138 : i32 to index
          %parallel_loop3A_140 = tpu.vector_load %arg6[%parallel_loop3A_139] {strides = array<i32>} : memref<65536xf32, #tpu.memory_space<vmem>>, vector<16xf32>,
          %parallel_loop3A_141 = arith.constant 0 : i32
          %parallel_loop3A_142 = arith.addi %parallel_loop3A_132, %parallel_loop3A_141 : i32
          %parallel_loop3A_143 = arith.constant 0 : i32
          %parallel_loop3A_144 = arith.addi %parallel_loop3A_142, %parallel_loop3A_143 : i32
          %parallel_loop3A_145 = arith.index_cast %parallel_loop3A_144 : i32 to index
          %parallel_loop3A_146 = tpu.vector_load %arg9[%parallel_loop3A_145] {strides = array<i32>} : memref<4096xf32, #tpu.memory_space<vmem>>, vector<16xf32>,
          %parallel_loop3A_147 = arith.mulf %parallel_loop3A_140, %parallel_loop3A_146 : vector<16xf32>
          %parallel_loop3A_148 = arith.constant 128 : i32
          %parallel_loop3A_149 = arith.muli %parallel_loop3A_126, %parallel_loop3A_148 : i32
          %parallel_loop3A_150 = arith.constant 40960 : i32
          %parallel_loop3A_151 = arith.addi %parallel_loop3A_150, %parallel_loop3A_149 : i32
          %parallel_loop3A_152 = arith.constant 0 : i32
          %parallel_loop3A_153 = arith.addi %parallel_loop3A_151, %parallel_loop3A_152 : i32
          %parallel_loop3A_154 = arith.index_cast %parallel_loop3A_153 : i32 to index
          %parallel_loop3A_155 = tpu.vector_load %arg6[%parallel_loop3A_154] {strides = array<i32>} : memref<65536xf32, #tpu.memory_space<vmem>>, vector<16xf32>,
          %parallel_loop3A_156 = arith.constant 128 : i32
          %parallel_loop3A_157 = arith.addi %parallel_loop3A_132, %parallel_loop3A_156 : i32
          %parallel_loop3A_158 = arith.constant 0 : i32
          %parallel_loop3A_159 = arith.addi %parallel_loop3A_157, %parallel_loop3A_158 : i32
          %parallel_loop3A_160 = arith.index_cast %parallel_loop3A_159 : i32 to index
          %parallel_loop3A_161 = tpu.vector_load %arg9[%parallel_loop3A_160] {strides = array<i32>} : memref<4096xf32, #tpu.memory_space<vmem>>, vector<16xf32>,
          %parallel_loop3A_162 = arith.mulf %parallel_loop3A_155, %parallel_loop3A_161 : vector<16xf32>
          %parallel_loop3A_163 = arith.addf %parallel_loop3A_147, %parallel_loop3A_162 : vector<16xf32>
          %parallel_loop3A_164 = arith.constant 128 : i32
          %parallel_loop3A_165 = arith.muli %parallel_loop3A_126, %parallel_loop3A_164 : i32
          %parallel_loop3A_166 = arith.constant 49152 : i32
          %parallel_loop3A_167 = arith.addi %parallel_loop3A_166, %parallel_loop3A_165 : i32
          %parallel_loop3A_168 = arith.constant 0 : i32
          %parallel_loop3A_169 = arith.addi %parallel_loop3A_167, %parallel_loop3A_168 : i32
          %parallel_loop3A_170 = arith.index_cast %parallel_loop3A_169 : i32 to index
          %parallel_loop3A_171 = tpu.vector_load %arg6[%parallel_loop3A_170] {strides = array<i32>} : memref<65536xf32, #tpu.memory_space<vmem>>, vector<16xf32>,
          %parallel_loop3A_172 = arith.constant 256 : i32
          %parallel_loop3A_173 = arith.addi %parallel_loop3A_132, %parallel_loop3A_172 : i32
          %parallel_loop3A_174 = arith.constant 0 : i32
          %parallel_loop3A_175 = arith.addi %parallel_loop3A_173, %parallel_loop3A_174 : i32
          %parallel_loop3A_176 = arith.index_cast %parallel_loop3A_175 : i32 to index
          %parallel_loop3A_177 = tpu.vector_load %arg9[%parallel_loop3A_176] {strides = array<i32>} : memref<4096xf32, #tpu.memory_space<vmem>>, vector<16xf32>,
          %parallel_loop3A_178 = arith.mulf %parallel_loop3A_171, %parallel_loop3A_177 : vector<16xf32>
          %parallel_loop3A_179 = arith.addf %parallel_loop3A_163, %parallel_loop3A_178 : vector<16xf32>
          %parallel_loop3A_180 = arith.constant 128 : i32
          %parallel_loop3A_181 = arith.muli %parallel_loop3A_126, %parallel_loop3A_180 : i32
          %parallel_loop3A_182 = arith.constant 57344 : i32
          %parallel_loop3A_183 = arith.addi %parallel_loop3A_182, %parallel_loop3A_181 : i32
          %parallel_loop3A_184 = arith.constant 0 : i32
          %parallel_loop3A_185 = arith.addi %parallel_loop3A_183, %parallel_loop3A_184 : i32
          %parallel_loop3A_186 = arith.index_cast %parallel_loop3A_185 : i32 to index
          %parallel_loop3A_187 = tpu.vector_load %arg6[%parallel_loop3A_186] {strides = array<i32>} : memref<65536xf32, #tpu.memory_space<vmem>>, vector<16xf32>,
          %parallel_loop3A_188 = arith.constant 384 : i32
          %parallel_loop3A_189 = arith.addi %parallel_loop3A_132, %parallel_loop3A_188 : i32
          %parallel_loop3A_190 = arith.constant 0 : i32
          %parallel_loop3A_191 = arith.addi %parallel_loop3A_189, %parallel_loop3A_190 : i32
          %parallel_loop3A_192 = arith.index_cast %parallel_loop3A_191 : i32 to index
          %parallel_loop3A_193 = tpu.vector_load %arg9[%parallel_loop3A_192] {strides = array<i32>} : memref<4096xf32, #tpu.memory_space<vmem>>, vector<16xf32>,
          %parallel_loop3A_194 = arith.mulf %parallel_loop3A_187, %parallel_loop3A_193 : vector<16xf32>
          %parallel_loop3A_195 = arith.addf %parallel_loop3A_179, %parallel_loop3A_194 : vector<16xf32>
          %parallel_loop3A_196 = arith.constant 5.000000e-01 : f32
          %parallel_loop3A_197 = vector.broadcast %parallel_loop3A_196 : f32 to vector<16xf32>
          %parallel_loop3A_198 = arith.mulf %parallel_loop3A_195, %parallel_loop3A_197 : vector<16xf32>
          %parallel_loop3A_199 = arith.constant 128 : i32
          %parallel_loop3A_200 = arith.muli %parallel_loop3A_126, %parallel_loop3A_199 : i32
          %parallel_loop3A_201 = arith.constant 8192 : i32
          %parallel_loop3A_202 = arith.addi %parallel_loop3A_201, %parallel_loop3A_200 : i32
          %parallel_loop3A_203 = arith.constant 0 : i32
          %parallel_loop3A_204 = arith.addi %parallel_loop3A_202, %parallel_loop3A_203 : i32
          %parallel_loop3A_205 = arith.index_cast %parallel_loop3A_204 : i32 to index
          %parallel_loop3A_206 = tpu.vector_load %arg7[%parallel_loop3A_205] {strides = array<i32>} : memref<16384xf32, #tpu.memory_space<vmem>>, vector<16xf32>,
          tpu.vector_store %arg7[%parallel_loop3A_205], %parallel_loop3A_198 {strides = array<i32>} : memref<16384xf32, #tpu.memory_space<vmem>>, vector<16xf32>,
          %parallel_loop3A_207 = arith.constant 128 : i32
          %parallel_loop3A_208 = arith.muli %parallel_loop3A_126, %parallel_loop3A_207 : i32
          %parallel_loop3A_209 = arith.constant 32768 : i32
          %parallel_loop3A_210 = arith.addi %parallel_loop3A_209, %parallel_loop3A_208 : i32
          %parallel_loop3A_211 = arith.constant 16 : i32
          %parallel_loop3A_212 = arith.addi %parallel_loop3A_210, %parallel_loop3A_211 : i32
          %parallel_loop3A_213 = arith.index_cast %parallel_loop3A_212 : i32 to index
          %parallel_loop3A_214 = tpu.vector_load %arg6[%parallel_loop3A_213] {strides = array<i32>} : memref<65536xf32, #tpu.memory_space<vmem>>, vector<16xf32>,
          %parallel_loop3A_215 = arith.constant 0 : i32
          %parallel_loop3A_216 = arith.addi %parallel_loop3A_132, %parallel_loop3A_215 : i32
          %parallel_loop3A_217 = arith.constant 16 : i32
          %parallel_loop3A_218 = arith.addi %parallel_loop3A_216, %parallel_loop3A_217 : i32
          %parallel_loop3A_219 = arith.index_cast %parallel_loop3A_218 : i32 to index
          %parallel_loop3A_220 = tpu.vector_load %arg9[%parallel_loop3A_219] {strides = array<i32>} : memref<4096xf32, #tpu.memory_space<vmem>>, vector<16xf32>,
          %parallel_loop3A_221 = arith.mulf %parallel_loop3A_214, %parallel_loop3A_220 : vector<16xf32>
          %parallel_loop3A_222 = arith.constant 128 : i32
          %parallel_loop3A_223 = arith.muli %parallel_loop3A_126, %parallel_loop3A_222 : i32
          %parallel_loop3A_224 = arith.constant 40960 : i32
          %parallel_loop3A_225 = arith.addi %parallel_loop3A_224, %parallel_loop3A_223 : i32
          %parallel_loop3A_226 = arith.constant 16 : i32
          %parallel_loop3A_227 = arith.addi %parallel_loop3A_225, %parallel_loop3A_226 : i32
          %parallel_loop3A_228 = arith.index_cast %parallel_loop3A_227 : i32 to index
          %parallel_loop3A_229 = tpu.vector_load %arg6[%parallel_loop3A_228] {strides = array<i32>} : memref<65536xf32, #tpu.memory_space<vmem>>, vector<16xf32>,
          %parallel_loop3A_230 = arith.constant 128 : i32
          %parallel_loop3A_231 = arith.addi %parallel_loop3A_132, %parallel_loop3A_230 : i32
          %parallel_loop3A_232 = arith.constant 16 : i32
          %parallel_loop3A_233 = arith.addi %parallel_loop3A_231, %parallel_loop3A_232 : i32
          %parallel_loop3A_234 = arith.index_cast %parallel_loop3A_233 : i32 to index
          %parallel_loop3A_235 = tpu.vector_load %arg9[%parallel_loop3A_234] {strides = array<i32>} : memref<4096xf32, #tpu.memory_space<vmem>>, vector<16xf32>,
          %parallel_loop3A_236 = arith.mulf %parallel_loop3A_229, %parallel_loop3A_235 : vector<16xf32>
          %parallel_loop3A_237 = arith.addf %parallel_loop3A_221, %parallel_loop3A_236 : vector<16xf32>
          %parallel_loop3A_238 = arith.constant 128 : i32
          %parallel_loop3A_239 = arith.muli %parallel_loop3A_126, %parallel_loop3A_238 : i32
          %parallel_loop3A_240 = arith.constant 49152 : i32
          %parallel_loop3A_241 = arith.addi %parallel_loop3A_240, %parallel_loop3A_239 : i32
          %parallel_loop3A_242 = arith.constant 16 : i32
          %parallel_loop3A_243 = arith.addi %parallel_loop3A_241, %parallel_loop3A_242 : i32
          %parallel_loop3A_244 = arith.index_cast %parallel_loop3A_243 : i32 to index
          %parallel_loop3A_245 = tpu.vector_load %arg6[%parallel_loop3A_244] {strides = array<i32>} : memref<65536xf32, #tpu.memory_space<vmem>>, vector<16xf32>,
          %parallel_loop3A_246 = arith.constant 256 : i32
          %parallel_loop3A_247 = arith.addi %parallel_loop3A_132, %parallel_loop3A_246 : i32
          %parallel_loop3A_248 = arith.constant 16 : i32
          %parallel_loop3A_249 = arith.addi %parallel_loop3A_247, %parallel_loop3A_248 : i32
          %parallel_loop3A_250 = arith.index_cast %parallel_loop3A_249 : i32 to index
          %parallel_loop3A_251 = tpu.vector_load %arg9[%parallel_loop3A_250] {strides = array<i32>} : memref<4096xf32, #tpu.memory_space<vmem>>, vector<16xf32>,
          %parallel_loop3A_252 = arith.mulf %parallel_loop3A_245, %parallel_loop3A_251 : vector<16xf32>
          %parallel_loop3A_253 = arith.addf %parallel_loop3A_237, %parallel_loop3A_252 : vector<16xf32>
          %parallel_loop3A_254 = arith.constant 128 : i32
          %parallel_loop3A_255 = arith.muli %parallel_loop3A_126, %parallel_loop3A_254 : i32
          %parallel_loop3A_256 = arith.constant 57344 : i32
          %parallel_loop3A_257 = arith.addi %parallel_loop3A_256, %parallel_loop3A_255 : i32
          %parallel_loop3A_258 = arith.constant 16 : i32
          %parallel_loop3A_259 = arith.addi %parallel_loop3A_257, %parallel_loop3A_258 : i32
          %parallel_loop3A_260 = arith.index_cast %parallel_loop3A_259 : i32 to index
          %parallel_loop3A_261 = tpu.vector_load %arg6[%parallel_loop3A_260] {strides = array<i32>} : memref<65536xf32, #tpu.memory_space<vmem>>, vector<16xf32>,
          %parallel_loop3A_262 = arith.constant 384 : i32
          %parallel_loop3A_263 = arith.addi %parallel_loop3A_132, %parallel_loop3A_262 : i32
          %parallel_loop3A_264 = arith.constant 16 : i32
          %parallel_loop3A_265 = arith.addi %parallel_loop3A_263, %parallel_loop3A_264 : i32
          %parallel_loop3A_266 = arith.index_cast %parallel_loop3A_265 : i32 to index
          %parallel_loop3A_267 = tpu.vector_load %arg9[%parallel_loop3A_266] {strides = array<i32>} : memref<4096xf32, #tpu.memory_space<vmem>>, vector<16xf32>,
          %parallel_loop3A_268 = arith.mulf %parallel_loop3A_261, %parallel_loop3A_267 : vector<16xf32>
          %parallel_loop3A_269 = arith.addf %parallel_loop3A_253, %parallel_loop3A_268 : vector<16xf32>
          %parallel_loop3A_270 = arith.constant 5.000000e-01 : f32
          %parallel_loop3A_271 = vector.broadcast %parallel_loop3A_270 : f32 to vector<16xf32>
          %parallel_loop3A_272 = arith.mulf %parallel_loop3A_269, %parallel_loop3A_271 : vector<16xf32>
          %parallel_loop3A_273 = arith.constant 128 : i32
          %parallel_loop3A_274 = arith.muli %parallel_loop3A_126, %parallel_loop3A_273 : i32
          %parallel_loop3A_275 = arith.constant 8192 : i32
          %parallel_loop3A_276 = arith.addi %parallel_loop3A_275, %parallel_loop3A_274 : i32
          %parallel_loop3A_277 = arith.constant 16 : i32
          %parallel_loop3A_278 = arith.addi %parallel_loop3A_276, %parallel_loop3A_277 : i32
          %parallel_loop3A_279 = arith.index_cast %parallel_loop3A_278 : i32 to index
          %parallel_loop3A_280 = tpu.vector_load %arg7[%parallel_loop3A_279] {strides = array<i32>} : memref<16384xf32, #tpu.memory_space<vmem>>, vector<16xf32>,
          tpu.vector_store %arg7[%parallel_loop3A_279], %parallel_loop3A_272 {strides = array<i32>} : memref<16384xf32, #tpu.memory_space<vmem>>, vector<16xf32>,
          %parallel_loop3A_281 = arith.constant 128 : i32
          %parallel_loop3A_282 = arith.muli %parallel_loop3A_126, %parallel_loop3A_281 : i32
          %parallel_loop3A_283 = arith.constant 32768 : i32
          %parallel_loop3A_284 = arith.addi %parallel_loop3A_283, %parallel_loop3A_282 : i32
          %parallel_loop3A_285 = arith.constant 32 : i32
          %parallel_loop3A_286 = arith.addi %parallel_loop3A_284, %parallel_loop3A_285 : i32
          %parallel_loop3A_287 = arith.index_cast %parallel_loop3A_286 : i32 to index
          %parallel_loop3A_288 = tpu.vector_load %arg6[%parallel_loop3A_287] {strides = array<i32>} : memref<65536xf32, #tpu.memory_space<vmem>>, vector<16xf32>,
          %parallel_loop3A_289 = arith.constant 0 : i32
          %parallel_loop3A_290 = arith.addi %parallel_loop3A_132, %parallel_loop3A_289 : i32
          %parallel_loop3A_291 = arith.constant 32 : i32
          %parallel_loop3A_292 = arith.addi %parallel_loop3A_290, %parallel_loop3A_291 : i32
          %parallel_loop3A_293 = arith.index_cast %parallel_loop3A_292 : i32 to index
          %parallel_loop3A_294 = tpu.vector_load %arg9[%parallel_loop3A_293] {strides = array<i32>} : memref<4096xf32, #tpu.memory_space<vmem>>, vector<16xf32>,
          %parallel_loop3A_295 = arith.mulf %parallel_loop3A_288, %parallel_loop3A_294 : vector<16xf32>
          %parallel_loop3A_296 = arith.constant 128 : i32
          %parallel_loop3A_297 = arith.muli %parallel_loop3A_126, %parallel_loop3A_296 : i32
          %parallel_loop3A_298 = arith.constant 40960 : i32
          %parallel_loop3A_299 = arith.addi %parallel_loop3A_298, %parallel_loop3A_297 : i32
          %parallel_loop3A_300 = arith.constant 32 : i32
          %parallel_loop3A_301 = arith.addi %parallel_loop3A_299, %parallel_loop3A_300 : i32
          %parallel_loop3A_302 = arith.index_cast %parallel_loop3A_301 : i32 to index
          %parallel_loop3A_303 = tpu.vector_load %arg6[%parallel_loop3A_302] {strides = array<i32>} : memref<65536xf32, #tpu.memory_space<vmem>>, vector<16xf32>,
          %parallel_loop3A_304 = arith.constant 128 : i32
          %parallel_loop3A_305 = arith.addi %parallel_loop3A_132, %parallel_loop3A_304 : i32
          %parallel_loop3A_306 = arith.constant 32 : i32
          %parallel_loop3A_307 = arith.addi %parallel_loop3A_305, %parallel_loop3A_306 : i32
          %parallel_loop3A_308 = arith.index_cast %parallel_loop3A_307 : i32 to index
          %parallel_loop3A_309 = tpu.vector_load %arg9[%parallel_loop3A_308] {strides = array<i32>} : memref<4096xf32, #tpu.memory_space<vmem>>, vector<16xf32>,
          %parallel_loop3A_310 = arith.mulf %parallel_loop3A_303, %parallel_loop3A_309 : vector<16xf32>
          %parallel_loop3A_311 = arith.addf %parallel_loop3A_295, %parallel_loop3A_310 : vector<16xf32>
          %parallel_loop3A_312 = arith.constant 128 : i32
          %parallel_loop3A_313 = arith.muli %parallel_loop3A_126, %parallel_loop3A_312 : i32
          %parallel_loop3A_314 = arith.constant 49152 : i32
          %parallel_loop3A_315 = arith.addi %parallel_loop3A_314, %parallel_loop3A_313 : i32
          %parallel_loop3A_316 = arith.constant 32 : i32
          %parallel_loop3A_317 = arith.addi %parallel_loop3A_315, %parallel_loop3A_316 : i32
          %parallel_loop3A_318 = arith.index_cast %parallel_loop3A_317 : i32 to index
          %parallel_loop3A_319 = tpu.vector_load %arg6[%parallel_loop3A_318] {strides = array<i32>} : memref<65536xf32, #tpu.memory_space<vmem>>, vector<16xf32>,
          %parallel_loop3A_320 = arith.constant 256 : i32
          %parallel_loop3A_321 = arith.addi %parallel_loop3A_132, %parallel_loop3A_320 : i32
          %parallel_loop3A_322 = arith.constant 32 : i32
          %parallel_loop3A_323 = arith.addi %parallel_loop3A_321, %parallel_loop3A_322 : i32
          %parallel_loop3A_324 = arith.index_cast %parallel_loop3A_323 : i32 to index
          %parallel_loop3A_325 = tpu.vector_load %arg9[%parallel_loop3A_324] {strides = array<i32>} : memref<4096xf32, #tpu.memory_space<vmem>>, vector<16xf32>,
          %parallel_loop3A_326 = arith.mulf %parallel_loop3A_319, %parallel_loop3A_325 : vector<16xf32>
          %parallel_loop3A_327 = arith.addf %parallel_loop3A_311, %parallel_loop3A_326 : vector<16xf32>
          %parallel_loop3A_328 = arith.constant 128 : i32
          %parallel_loop3A_329 = arith.muli %parallel_loop3A_126, %parallel_loop3A_328 : i32
          %parallel_loop3A_330 = arith.constant 57344 : i32
          %parallel_loop3A_331 = arith.addi %parallel_loop3A_330, %parallel_loop3A_329 : i32
          %parallel_loop3A_332 = arith.constant 32 : i32
          %parallel_loop3A_333 = arith.addi %parallel_loop3A_331, %parallel_loop3A_332 : i32
          %parallel_loop3A_334 = arith.index_cast %parallel_loop3A_333 : i32 to index
          %parallel_loop3A_335 = tpu.vector_load %arg6[%parallel_loop3A_334] {strides = array<i32>} : memref<65536xf32, #tpu.memory_space<vmem>>, vector<16xf32>,
          %parallel_loop3A_336 = arith.constant 384 : i32
          %parallel_loop3A_337 = arith.addi %parallel_loop3A_132, %parallel_loop3A_336 : i32
          %parallel_loop3A_338 = arith.constant 32 : i32
          %parallel_loop3A_339 = arith.addi %parallel_loop3A_337, %parallel_loop3A_338 : i32
          %parallel_loop3A_340 = arith.index_cast %parallel_loop3A_339 : i32 to index
          %parallel_loop3A_341 = tpu.vector_load %arg9[%parallel_loop3A_340] {strides = array<i32>} : memref<4096xf32, #tpu.memory_space<vmem>>, vector<16xf32>,
          %parallel_loop3A_342 = arith.mulf %parallel_loop3A_335, %parallel_loop3A_341 : vector<16xf32>
          %parallel_loop3A_343 = arith.addf %parallel_loop3A_327, %parallel_loop3A_342 : vector<16xf32>
          %parallel_loop3A_344 = arith.constant 5.000000e-01 : f32
          %parallel_loop3A_345 = vector.broadcast %parallel_loop3A_344 : f32 to vector<16xf32>
          %parallel_loop3A_346 = arith.mulf %parallel_loop3A_343, %parallel_loop3A_345 : vector<16xf32>
          %parallel_loop3A_347 = arith.constant 128 : i32
          %parallel_loop3A_348 = arith.muli %parallel_loop3A_126, %parallel_loop3A_347 : i32
          %parallel_loop3A_349 = arith.constant 8192 : i32
          %parallel_loop3A_350 = arith.addi %parallel_loop3A_349, %parallel_loop3A_348 : i32
          %parallel_loop3A_351 = arith.constant 32 : i32
          %parallel_loop3A_352 = arith.addi %parallel_loop3A_350, %parallel_loop3A_351 : i32
          %parallel_loop3A_353 = arith.index_cast %parallel_loop3A_352 : i32 to index
          %parallel_loop3A_354 = tpu.vector_load %arg7[%parallel_loop3A_353] {strides = array<i32>} : memref<16384xf32, #tpu.memory_space<vmem>>, vector<16xf32>,
          tpu.vector_store %arg7[%parallel_loop3A_353], %parallel_loop3A_346 {strides = array<i32>} : memref<16384xf32, #tpu.memory_space<vmem>>, vector<16xf32>,
          %parallel_loop3A_355 = arith.constant 128 : i32
          %parallel_loop3A_356 = arith.muli %parallel_loop3A_126, %parallel_loop3A_355 : i32
          %parallel_loop3A_357 = arith.constant 32768 : i32
          %parallel_loop3A_358 = arith.addi %parallel_loop3A_357, %parallel_loop3A_356 : i32
          %parallel_loop3A_359 = arith.constant 48 : i32
          %parallel_loop3A_360 = arith.addi %parallel_loop3A_358, %parallel_loop3A_359 : i32
          %parallel_loop3A_361 = arith.index_cast %parallel_loop3A_360 : i32 to index
          %parallel_loop3A_362 = tpu.vector_load %arg6[%parallel_loop3A_361] {strides = array<i32>} : memref<65536xf32, #tpu.memory_space<vmem>>, vector<16xf32>,
          %parallel_loop3A_363 = arith.constant 0 : i32
          %parallel_loop3A_364 = arith.addi %parallel_loop3A_132, %parallel_loop3A_363 : i32
          %parallel_loop3A_365 = arith.constant 48 : i32
          %parallel_loop3A_366 = arith.addi %parallel_loop3A_364, %parallel_loop3A_365 : i32
          %parallel_loop3A_367 = arith.index_cast %parallel_loop3A_366 : i32 to index
          %parallel_loop3A_368 = tpu.vector_load %arg9[%parallel_loop3A_367] {strides = array<i32>} : memref<4096xf32, #tpu.memory_space<vmem>>, vector<16xf32>,
          %parallel_loop3A_369 = arith.mulf %parallel_loop3A_362, %parallel_loop3A_368 : vector<16xf32>
          %parallel_loop3A_370 = arith.constant 128 : i32
          %parallel_loop3A_371 = arith.muli %parallel_loop3A_126, %parallel_loop3A_370 : i32
          %parallel_loop3A_372 = arith.constant 40960 : i32
          %parallel_loop3A_373 = arith.addi %parallel_loop3A_372, %parallel_loop3A_371 : i32
          %parallel_loop3A_374 = arith.constant 48 : i32
          %parallel_loop3A_375 = arith.addi %parallel_loop3A_373, %parallel_loop3A_374 : i32
          %parallel_loop3A_376 = arith.index_cast %parallel_loop3A_375 : i32 to index
          %parallel_loop3A_377 = tpu.vector_load %arg6[%parallel_loop3A_376] {strides = array<i32>} : memref<65536xf32, #tpu.memory_space<vmem>>, vector<16xf32>,
          %parallel_loop3A_378 = arith.constant 128 : i32
          %parallel_loop3A_379 = arith.addi %parallel_loop3A_132, %parallel_loop3A_378 : i32
          %parallel_loop3A_380 = arith.constant 48 : i32
          %parallel_loop3A_381 = arith.addi %parallel_loop3A_379, %parallel_loop3A_380 : i32
          %parallel_loop3A_382 = arith.index_cast %parallel_loop3A_381 : i32 to index
          %parallel_loop3A_383 = tpu.vector_load %arg9[%parallel_loop3A_382] {strides = array<i32>} : memref<4096xf32, #tpu.memory_space<vmem>>, vector<16xf32>,
          %parallel_loop3A_384 = arith.mulf %parallel_loop3A_377, %parallel_loop3A_383 : vector<16xf32>
          %parallel_loop3A_385 = arith.addf %parallel_loop3A_369, %parallel_loop3A_384 : vector<16xf32>
          %parallel_loop3A_386 = arith.constant 128 : i32
          %parallel_loop3A_387 = arith.muli %parallel_loop3A_126, %parallel_loop3A_386 : i32
          %parallel_loop3A_388 = arith.constant 49152 : i32
          %parallel_loop3A_389 = arith.addi %parallel_loop3A_388, %parallel_loop3A_387 : i32
          %parallel_loop3A_390 = arith.constant 48 : i32
          %parallel_loop3A_391 = arith.addi %parallel_loop3A_389, %parallel_loop3A_390 : i32
          %parallel_loop3A_392 = arith.index_cast %parallel_loop3A_391 : i32 to index
          %parallel_loop3A_393 = tpu.vector_load %arg6[%parallel_loop3A_392] {strides = array<i32>} : memref<65536xf32, #tpu.memory_space<vmem>>, vector<16xf32>,
          %parallel_loop3A_394 = arith.constant 256 : i32
          %parallel_loop3A_395 = arith.addi %parallel_loop3A_132, %parallel_loop3A_394 : i32
          %parallel_loop3A_396 = arith.constant 48 : i32
          %parallel_loop3A_397 = arith.addi %parallel_loop3A_395, %parallel_loop3A_396 : i32
          %parallel_loop3A_398 = arith.index_cast %parallel_loop3A_397 : i32 to index
          %parallel_loop3A_399 = tpu.vector_load %arg9[%parallel_loop3A_398] {strides = array<i32>} : memref<4096xf32, #tpu.memory_space<vmem>>, vector<16xf32>,
          %parallel_loop3A_400 = arith.mulf %parallel_loop3A_393, %parallel_loop3A_399 : vector<16xf32>
          %parallel_loop3A_401 = arith.addf %parallel_loop3A_385, %parallel_loop3A_400 : vector<16xf32>
          %parallel_loop3A_402 = arith.constant 128 : i32
          %parallel_loop3A_403 = arith.muli %parallel_loop3A_126, %parallel_loop3A_402 : i32
          %parallel_loop3A_404 = arith.constant 57344 : i32
          %parallel_loop3A_405 = arith.addi %parallel_loop3A_404, %parallel_loop3A_403 : i32
          %parallel_loop3A_406 = arith.constant 48 : i32
          %parallel_loop3A_407 = arith.addi %parallel_loop3A_405, %parallel_loop3A_406 : i32
          %parallel_loop3A_408 = arith.index_cast %parallel_loop3A_407 : i32 to index
          %parallel_loop3A_409 = tpu.vector_load %arg6[%parallel_loop3A_408] {strides = array<i32>} : memref<65536xf32, #tpu.memory_space<vmem>>, vector<16xf32>,
          %parallel_loop3A_410 = arith.constant 384 : i32
          %parallel_loop3A_411 = arith.addi %parallel_loop3A_132, %parallel_loop3A_410 : i32
          %parallel_loop3A_412 = arith.constant 48 : i32
          %parallel_loop3A_413 = arith.addi %parallel_loop3A_411, %parallel_loop3A_412 : i32
          %parallel_loop3A_414 = arith.index_cast %parallel_loop3A_413 : i32 to index
          %parallel_loop3A_415 = tpu.vector_load %arg9[%parallel_loop3A_414] {strides = array<i32>} : memref<4096xf32, #tpu.memory_space<vmem>>, vector<16xf32>,
          %parallel_loop3A_416 = arith.mulf %parallel_loop3A_409, %parallel_loop3A_415 : vector<16xf32>
          %parallel_loop3A_417 = arith.addf %parallel_loop3A_401, %parallel_loop3A_416 : vector<16xf32>
          %parallel_loop3A_418 = arith.constant 5.000000e-01 : f32
          %parallel_loop3A_419 = vector.broadcast %parallel_loop3A_418 : f32 to vector<16xf32>
          %parallel_loop3A_420 = arith.mulf %parallel_loop3A_417, %parallel_loop3A_419 : vector<16xf32>
          %parallel_loop3A_421 = arith.constant 128 : i32
          %parallel_loop3A_422 = arith.muli %parallel_loop3A_126, %parallel_loop3A_421 : i32
          %parallel_loop3A_423 = arith.constant 8192 : i32
          %parallel_loop3A_424 = arith.addi %parallel_loop3A_423, %parallel_loop3A_422 : i32
          %parallel_loop3A_425 = arith.constant 48 : i32
          %parallel_loop3A_426 = arith.addi %parallel_loop3A_424, %parallel_loop3A_425 : i32
          %parallel_loop3A_427 = arith.index_cast %parallel_loop3A_426 : i32 to index
          %parallel_loop3A_428 = tpu.vector_load %arg7[%parallel_loop3A_427] {strides = array<i32>} : memref<16384xf32, #tpu.memory_space<vmem>>, vector<16xf32>,
          tpu.vector_store %arg7[%parallel_loop3A_427], %parallel_loop3A_420 {strides = array<i32>} : memref<16384xf32, #tpu.memory_space<vmem>>, vector<16xf32>,
          %parallel_loop3A_429 = arith.constant 128 : i32
          %parallel_loop3A_430 = arith.muli %parallel_loop3A_126, %parallel_loop3A_429 : i32
          %parallel_loop3A_431 = arith.constant 32768 : i32
          %parallel_loop3A_432 = arith.addi %parallel_loop3A_431, %parallel_loop3A_430 : i32
          %parallel_loop3A_433 = arith.constant 64 : i32
          %parallel_loop3A_434 = arith.addi %parallel_loop3A_432, %parallel_loop3A_433 : i32
          %parallel_loop3A_435 = arith.index_cast %parallel_loop3A_434 : i32 to index
          %parallel_loop3A_436 = tpu.vector_load %arg6[%parallel_loop3A_435] {strides = array<i32>} : memref<65536xf32, #tpu.memory_space<vmem>>, vector<16xf32>,
          %parallel_loop3A_437 = arith.constant 0 : i32
          %parallel_loop3A_438 = arith.addi %parallel_loop3A_132, %parallel_loop3A_437 : i32
          %parallel_loop3A_439 = arith.constant 64 : i32
          %parallel_loop3A_440 = arith.addi %parallel_loop3A_438, %parallel_loop3A_439 : i32
          %parallel_loop3A_441 = arith.index_cast %parallel_loop3A_440 : i32 to index
          %parallel_loop3A_442 = tpu.vector_load %arg9[%parallel_loop3A_441] {strides = array<i32>} : memref<4096xf32, #tpu.memory_space<vmem>>, vector<16xf32>,
          %parallel_loop3A_443 = arith.mulf %parallel_loop3A_436, %parallel_loop3A_442 : vector<16xf32>
          %parallel_loop3A_444 = arith.constant 128 : i32
          %parallel_loop3A_445 = arith.muli %parallel_loop3A_126, %parallel_loop3A_444 : i32
          %parallel_loop3A_446 = arith.constant 40960 : i32
          %parallel_loop3A_447 = arith.addi %parallel_loop3A_446, %parallel_loop3A_445 : i32
          %parallel_loop3A_448 = arith.constant 64 : i32
          %parallel_loop3A_449 = arith.addi %parallel_loop3A_447, %parallel_loop3A_448 : i32
          %parallel_loop3A_450 = arith.index_cast %parallel_loop3A_449 : i32 to index
          %parallel_loop3A_451 = tpu.vector_load %arg6[%parallel_loop3A_450] {strides = array<i32>} : memref<65536xf32, #tpu.memory_space<vmem>>, vector<16xf32>,
          %parallel_loop3A_452 = arith.constant 128 : i32
          %parallel_loop3A_453 = arith.addi %parallel_loop3A_132, %parallel_loop3A_452 : i32
          %parallel_loop3A_454 = arith.constant 64 : i32
          %parallel_loop3A_455 = arith.addi %parallel_loop3A_453, %parallel_loop3A_454 : i32
          %parallel_loop3A_456 = arith.index_cast %parallel_loop3A_455 : i32 to index
          %parallel_loop3A_457 = tpu.vector_load %arg9[%parallel_loop3A_456] {strides = array<i32>} : memref<4096xf32, #tpu.memory_space<vmem>>, vector<16xf32>,
          %parallel_loop3A_458 = arith.mulf %parallel_loop3A_451, %parallel_loop3A_457 : vector<16xf32>
          %parallel_loop3A_459 = arith.addf %parallel_loop3A_443, %parallel_loop3A_458 : vector<16xf32>
          %parallel_loop3A_460 = arith.constant 128 : i32
          %parallel_loop3A_461 = arith.muli %parallel_loop3A_126, %parallel_loop3A_460 : i32
          %parallel_loop3A_462 = arith.constant 49152 : i32
          %parallel_loop3A_463 = arith.addi %parallel_loop3A_462, %parallel_loop3A_461 : i32
          %parallel_loop3A_464 = arith.constant 64 : i32
          %parallel_loop3A_465 = arith.addi %parallel_loop3A_463, %parallel_loop3A_464 : i32
          %parallel_loop3A_466 = arith.index_cast %parallel_loop3A_465 : i32 to index
          %parallel_loop3A_467 = tpu.vector_load %arg6[%parallel_loop3A_466] {strides = array<i32>} : memref<65536xf32, #tpu.memory_space<vmem>>, vector<16xf32>,
          %parallel_loop3A_468 = arith.constant 256 : i32
          %parallel_loop3A_469 = arith.addi %parallel_loop3A_132, %parallel_loop3A_468 : i32
          %parallel_loop3A_470 = arith.constant 64 : i32
          %parallel_loop3A_471 = arith.addi %parallel_loop3A_469, %parallel_loop3A_470 : i32
          %parallel_loop3A_472 = arith.index_cast %parallel_loop3A_471 : i32 to index
          %parallel_loop3A_473 = tpu.vector_load %arg9[%parallel_loop3A_472] {strides = array<i32>} : memref<4096xf32, #tpu.memory_space<vmem>>, vector<16xf32>,
          %parallel_loop3A_474 = arith.mulf %parallel_loop3A_467, %parallel_loop3A_473 : vector<16xf32>
          %parallel_loop3A_475 = arith.addf %parallel_loop3A_459, %parallel_loop3A_474 : vector<16xf32>
          %parallel_loop3A_476 = arith.constant 128 : i32
          %parallel_loop3A_477 = arith.muli %parallel_loop3A_126, %parallel_loop3A_476 : i32
          %parallel_loop3A_478 = arith.constant 57344 : i32
          %parallel_loop3A_479 = arith.addi %parallel_loop3A_478, %parallel_loop3A_477 : i32
          %parallel_loop3A_480 = arith.constant 64 : i32
          %parallel_loop3A_481 = arith.addi %parallel_loop3A_479, %parallel_loop3A_480 : i32
          %parallel_loop3A_482 = arith.index_cast %parallel_loop3A_481 : i32 to index
          %parallel_loop3A_483 = tpu.vector_load %arg6[%parallel_loop3A_482] {strides = array<i32>} : memref<65536xf32, #tpu.memory_space<vmem>>, vector<16xf32>,
          %parallel_loop3A_484 = arith.constant 384 : i32
          %parallel_loop3A_485 = arith.addi %parallel_loop3A_132, %parallel_loop3A_484 : i32
          %parallel_loop3A_486 = arith.constant 64 : i32
          %parallel_loop3A_487 = arith.addi %parallel_loop3A_485, %parallel_loop3A_486 : i32
          %parallel_loop3A_488 = arith.index_cast %parallel_loop3A_487 : i32 to index
          %parallel_loop3A_489 = tpu.vector_load %arg9[%parallel_loop3A_488] {strides = array<i32>} : memref<4096xf32, #tpu.memory_space<vmem>>, vector<16xf32>,
          %parallel_loop3A_490 = arith.mulf %parallel_loop3A_483, %parallel_loop3A_489 : vector<16xf32>
          %parallel_loop3A_491 = arith.addf %parallel_loop3A_475, %parallel_loop3A_490 : vector<16xf32>
          %parallel_loop3A_492 = arith.constant 5.000000e-01 : f32
          %parallel_loop3A_493 = vector.broadcast %parallel_loop3A_492 : f32 to vector<16xf32>
          %parallel_loop3A_494 = arith.mulf %parallel_loop3A_491, %parallel_loop3A_493 : vector<16xf32>
          %parallel_loop3A_495 = arith.constant 128 : i32
          %parallel_loop3A_496 = arith.muli %parallel_loop3A_126, %parallel_loop3A_495 : i32
          %parallel_loop3A_497 = arith.constant 8192 : i32
          %parallel_loop3A_498 = arith.addi %parallel_loop3A_497, %parallel_loop3A_496 : i32
          %parallel_loop3A_499 = arith.constant 64 : i32
          %parallel_loop3A_500 = arith.addi %parallel_loop3A_498, %parallel_loop3A_499 : i32
          %parallel_loop3A_501 = arith.index_cast %parallel_loop3A_500 : i32 to index
          %parallel_loop3A_502 = tpu.vector_load %arg7[%parallel_loop3A_501] {strides = array<i32>} : memref<16384xf32, #tpu.memory_space<vmem>>, vector<16xf32>,
          tpu.vector_store %arg7[%parallel_loop3A_501], %parallel_loop3A_494 {strides = array<i32>} : memref<16384xf32, #tpu.memory_space<vmem>>, vector<16xf32>,
          %parallel_loop3A_503 = arith.constant 128 : i32
          %parallel_loop3A_504 = arith.muli %parallel_loop3A_126, %parallel_loop3A_503 : i32
          %parallel_loop3A_505 = arith.constant 32768 : i32
          %parallel_loop3A_506 = arith.addi %parallel_loop3A_505, %parallel_loop3A_504 : i32
          %parallel_loop3A_507 = arith.constant 80 : i32
          %parallel_loop3A_508 = arith.addi %parallel_loop3A_506, %parallel_loop3A_507 : i32
          %parallel_loop3A_509 = arith.index_cast %parallel_loop3A_508 : i32 to index
          %parallel_loop3A_510 = tpu.vector_load %arg6[%parallel_loop3A_509] {strides = array<i32>} : memref<65536xf32, #tpu.memory_space<vmem>>, vector<16xf32>,
          %parallel_loop3A_511 = arith.constant 0 : i32
          %parallel_loop3A_512 = arith.addi %parallel_loop3A_132, %parallel_loop3A_511 : i32
          %parallel_loop3A_513 = arith.constant 80 : i32
          %parallel_loop3A_514 = arith.addi %parallel_loop3A_512, %parallel_loop3A_513 : i32
          %parallel_loop3A_515 = arith.index_cast %parallel_loop3A_514 : i32 to index
          %parallel_loop3A_516 = tpu.vector_load %arg9[%parallel_loop3A_515] {strides = array<i32>} : memref<4096xf32, #tpu.memory_space<vmem>>, vector<16xf32>,
          %parallel_loop3A_517 = arith.mulf %parallel_loop3A_510, %parallel_loop3A_516 : vector<16xf32>
          %parallel_loop3A_518 = arith.constant 128 : i32
          %parallel_loop3A_519 = arith.muli %parallel_loop3A_126, %parallel_loop3A_518 : i32
          %parallel_loop3A_520 = arith.constant 40960 : i32
          %parallel_loop3A_521 = arith.addi %parallel_loop3A_520, %parallel_loop3A_519 : i32
          %parallel_loop3A_522 = arith.constant 80 : i32
          %parallel_loop3A_523 = arith.addi %parallel_loop3A_521, %parallel_loop3A_522 : i32
          %parallel_loop3A_524 = arith.index_cast %parallel_loop3A_523 : i32 to index
          %parallel_loop3A_525 = tpu.vector_load %arg6[%parallel_loop3A_524] {strides = array<i32>} : memref<65536xf32, #tpu.memory_space<vmem>>, vector<16xf32>,
          %parallel_loop3A_526 = arith.constant 128 : i32
          %parallel_loop3A_527 = arith.addi %parallel_loop3A_132, %parallel_loop3A_526 : i32
          %parallel_loop3A_528 = arith.constant 80 : i32
          %parallel_loop3A_529 = arith.addi %parallel_loop3A_527, %parallel_loop3A_528 : i32
          %parallel_loop3A_530 = arith.index_cast %parallel_loop3A_529 : i32 to index
          %parallel_loop3A_531 = tpu.vector_load %arg9[%parallel_loop3A_530] {strides = array<i32>} : memref<4096xf32, #tpu.memory_space<vmem>>, vector<16xf32>,
          %parallel_loop3A_532 = arith.mulf %parallel_loop3A_525, %parallel_loop3A_531 : vector<16xf32>
          %parallel_loop3A_533 = arith.addf %parallel_loop3A_517, %parallel_loop3A_532 : vector<16xf32>
          %parallel_loop3A_534 = arith.constant 128 : i32
          %parallel_loop3A_535 = arith.muli %parallel_loop3A_126, %parallel_loop3A_534 : i32
          %parallel_loop3A_536 = arith.constant 49152 : i32
          %parallel_loop3A_537 = arith.addi %parallel_loop3A_536, %parallel_loop3A_535 : i32
          %parallel_loop3A_538 = arith.constant 80 : i32
          %parallel_loop3A_539 = arith.addi %parallel_loop3A_537, %parallel_loop3A_538 : i32
          %parallel_loop3A_540 = arith.index_cast %parallel_loop3A_539 : i32 to index
          %parallel_loop3A_541 = tpu.vector_load %arg6[%parallel_loop3A_540] {strides = array<i32>} : memref<65536xf32, #tpu.memory_space<vmem>>, vector<16xf32>,
          %parallel_loop3A_542 = arith.constant 256 : i32
          %parallel_loop3A_543 = arith.addi %parallel_loop3A_132, %parallel_loop3A_542 : i32
          %parallel_loop3A_544 = arith.constant 80 : i32
          %parallel_loop3A_545 = arith.addi %parallel_loop3A_543, %parallel_loop3A_544 : i32
          %parallel_loop3A_546 = arith.index_cast %parallel_loop3A_545 : i32 to index
          %parallel_loop3A_547 = tpu.vector_load %arg9[%parallel_loop3A_546] {strides = array<i32>} : memref<4096xf32, #tpu.memory_space<vmem>>, vector<16xf32>,
          %parallel_loop3A_548 = arith.mulf %parallel_loop3A_541, %parallel_loop3A_547 : vector<16xf32>
          %parallel_loop3A_549 = arith.addf %parallel_loop3A_533, %parallel_loop3A_548 : vector<16xf32>
          %parallel_loop3A_550 = arith.constant 128 : i32
          %parallel_loop3A_551 = arith.muli %parallel_loop3A_126, %parallel_loop3A_550 : i32
          %parallel_loop3A_552 = arith.constant 57344 : i32
          %parallel_loop3A_553 = arith.addi %parallel_loop3A_552, %parallel_loop3A_551 : i32
          %parallel_loop3A_554 = arith.constant 80 : i32
          %parallel_loop3A_555 = arith.addi %parallel_loop3A_553, %parallel_loop3A_554 : i32
          %parallel_loop3A_556 = arith.index_cast %parallel_loop3A_555 : i32 to index
          %parallel_loop3A_557 = tpu.vector_load %arg6[%parallel_loop3A_556] {strides = array<i32>} : memref<65536xf32, #tpu.memory_space<vmem>>, vector<16xf32>,
          %parallel_loop3A_558 = arith.constant 384 : i32
          %parallel_loop3A_559 = arith.addi %parallel_loop3A_132, %parallel_loop3A_558 : i32
          %parallel_loop3A_560 = arith.constant 80 : i32
          %parallel_loop3A_561 = arith.addi %parallel_loop3A_559, %parallel_loop3A_560 : i32
          %parallel_loop3A_562 = arith.index_cast %parallel_loop3A_561 : i32 to index
          %parallel_loop3A_563 = tpu.vector_load %arg9[%parallel_loop3A_562] {strides = array<i32>} : memref<4096xf32, #tpu.memory_space<vmem>>, vector<16xf32>,
          %parallel_loop3A_564 = arith.mulf %parallel_loop3A_557, %parallel_loop3A_563 : vector<16xf32>
          %parallel_loop3A_565 = arith.addf %parallel_loop3A_549, %parallel_loop3A_564 : vector<16xf32>
          %parallel_loop3A_566 = arith.constant 5.000000e-01 : f32
          %parallel_loop3A_567 = vector.broadcast %parallel_loop3A_566 : f32 to vector<16xf32>
          %parallel_loop3A_568 = arith.mulf %parallel_loop3A_565, %parallel_loop3A_567 : vector<16xf32>
          %parallel_loop3A_569 = arith.constant 128 : i32
          %parallel_loop3A_570 = arith.muli %parallel_loop3A_126, %parallel_loop3A_569 : i32
          %parallel_loop3A_571 = arith.constant 8192 : i32
          %parallel_loop3A_572 = arith.addi %parallel_loop3A_571, %parallel_loop3A_570 : i32
          %parallel_loop3A_573 = arith.constant 80 : i32
          %parallel_loop3A_574 = arith.addi %parallel_loop3A_572, %parallel_loop3A_573 : i32
          %parallel_loop3A_575 = arith.index_cast %parallel_loop3A_574 : i32 to index
          %parallel_loop3A_576 = tpu.vector_load %arg7[%parallel_loop3A_575] {strides = array<i32>} : memref<16384xf32, #tpu.memory_space<vmem>>, vector<16xf32>,
          tpu.vector_store %arg7[%parallel_loop3A_575], %parallel_loop3A_568 {strides = array<i32>} : memref<16384xf32, #tpu.memory_space<vmem>>, vector<16xf32>,
          %parallel_loop3A_577 = arith.constant 128 : i32
          %parallel_loop3A_578 = arith.muli %parallel_loop3A_126, %parallel_loop3A_577 : i32
          %parallel_loop3A_579 = arith.constant 32768 : i32
          %parallel_loop3A_580 = arith.addi %parallel_loop3A_579, %parallel_loop3A_578 : i32
          %parallel_loop3A_581 = arith.constant 96 : i32
          %parallel_loop3A_582 = arith.addi %parallel_loop3A_580, %parallel_loop3A_581 : i32
          %parallel_loop3A_583 = arith.index_cast %parallel_loop3A_582 : i32 to index
          %parallel_loop3A_584 = tpu.vector_load %arg6[%parallel_loop3A_583] {strides = array<i32>} : memref<65536xf32, #tpu.memory_space<vmem>>, vector<16xf32>,
          %parallel_loop3A_585 = arith.constant 0 : i32
          %parallel_loop3A_586 = arith.addi %parallel_loop3A_132, %parallel_loop3A_585 : i32
          %parallel_loop3A_587 = arith.constant 96 : i32
          %parallel_loop3A_588 = arith.addi %parallel_loop3A_586, %parallel_loop3A_587 : i32
          %parallel_loop3A_589 = arith.index_cast %parallel_loop3A_588 : i32 to index
          %parallel_loop3A_590 = tpu.vector_load %arg9[%parallel_loop3A_589] {strides = array<i32>} : memref<4096xf32, #tpu.memory_space<vmem>>, vector<16xf32>,
          %parallel_loop3A_591 = arith.mulf %parallel_loop3A_584, %parallel_loop3A_590 : vector<16xf32>
          %parallel_loop3A_592 = arith.constant 128 : i32
          %parallel_loop3A_593 = arith.muli %parallel_loop3A_126, %parallel_loop3A_592 : i32
          %parallel_loop3A_594 = arith.constant 40960 : i32
          %parallel_loop3A_595 = arith.addi %parallel_loop3A_594, %parallel_loop3A_593 : i32
          %parallel_loop3A_596 = arith.constant 96 : i32
          %parallel_loop3A_597 = arith.addi %parallel_loop3A_595, %parallel_loop3A_596 : i32
          %parallel_loop3A_598 = arith.index_cast %parallel_loop3A_597 : i32 to index
          %parallel_loop3A_599 = tpu.vector_load %arg6[%parallel_loop3A_598] {strides = array<i32>} : memref<65536xf32, #tpu.memory_space<vmem>>, vector<16xf32>,
          %parallel_loop3A_600 = arith.constant 128 : i32
          %parallel_loop3A_601 = arith.addi %parallel_loop3A_132, %parallel_loop3A_600 : i32
          %parallel_loop3A_602 = arith.constant 96 : i32
          %parallel_loop3A_603 = arith.addi %parallel_loop3A_601, %parallel_loop3A_602 : i32
          %parallel_loop3A_604 = arith.index_cast %parallel_loop3A_603 : i32 to index
          %parallel_loop3A_605 = tpu.vector_load %arg9[%parallel_loop3A_604] {strides = array<i32>} : memref<4096xf32, #tpu.memory_space<vmem>>, vector<16xf32>,
          %parallel_loop3A_606 = arith.mulf %parallel_loop3A_599, %parallel_loop3A_605 : vector<16xf32>
          %parallel_loop3A_607 = arith.addf %parallel_loop3A_591, %parallel_loop3A_606 : vector<16xf32>
          %parallel_loop3A_608 = arith.constant 128 : i32
          %parallel_loop3A_609 = arith.muli %parallel_loop3A_126, %parallel_loop3A_608 : i32
          %parallel_loop3A_610 = arith.constant 49152 : i32
          %parallel_loop3A_611 = arith.addi %parallel_loop3A_610, %parallel_loop3A_609 : i32
          %parallel_loop3A_612 = arith.constant 96 : i32
          %parallel_loop3A_613 = arith.addi %parallel_loop3A_611, %parallel_loop3A_612 : i32
          %parallel_loop3A_614 = arith.index_cast %parallel_loop3A_613 : i32 to index
          %parallel_loop3A_615 = tpu.vector_load %arg6[%parallel_loop3A_614] {strides = array<i32>} : memref<65536xf32, #tpu.memory_space<vmem>>, vector<16xf32>,
          %parallel_loop3A_616 = arith.constant 256 : i32
          %parallel_loop3A_617 = arith.addi %parallel_loop3A_132, %parallel_loop3A_616 : i32
          %parallel_loop3A_618 = arith.constant 96 : i32
          %parallel_loop3A_619 = arith.addi %parallel_loop3A_617, %parallel_loop3A_618 : i32
          %parallel_loop3A_620 = arith.index_cast %parallel_loop3A_619 : i32 to index
          %parallel_loop3A_621 = tpu.vector_load %arg9[%parallel_loop3A_620] {strides = array<i32>} : memref<4096xf32, #tpu.memory_space<vmem>>, vector<16xf32>,
          %parallel_loop3A_622 = arith.mulf %parallel_loop3A_615, %parallel_loop3A_621 : vector<16xf32>
          %parallel_loop3A_623 = arith.addf %parallel_loop3A_607, %parallel_loop3A_622 : vector<16xf32>
          %parallel_loop3A_624 = arith.constant 128 : i32
          %parallel_loop3A_625 = arith.muli %parallel_loop3A_126, %parallel_loop3A_624 : i32
          %parallel_loop3A_626 = arith.constant 57344 : i32
          %parallel_loop3A_627 = arith.addi %parallel_loop3A_626, %parallel_loop3A_625 : i32
          %parallel_loop3A_628 = arith.constant 96 : i32
          %parallel_loop3A_629 = arith.addi %parallel_loop3A_627, %parallel_loop3A_628 : i32
          %parallel_loop3A_630 = arith.index_cast %parallel_loop3A_629 : i32 to index
          %parallel_loop3A_631 = tpu.vector_load %arg6[%parallel_loop3A_630] {strides = array<i32>} : memref<65536xf32, #tpu.memory_space<vmem>>, vector<16xf32>,
          %parallel_loop3A_632 = arith.constant 384 : i32
          %parallel_loop3A_633 = arith.addi %parallel_loop3A_132, %parallel_loop3A_632 : i32
          %parallel_loop3A_634 = arith.constant 96 : i32
          %parallel_loop3A_635 = arith.addi %parallel_loop3A_633, %parallel_loop3A_634 : i32
          %parallel_loop3A_636 = arith.index_cast %parallel_loop3A_635 : i32 to index
          %parallel_loop3A_637 = tpu.vector_load %arg9[%parallel_loop3A_636] {strides = array<i32>} : memref<4096xf32, #tpu.memory_space<vmem>>, vector<16xf32>,
          %parallel_loop3A_638 = arith.mulf %parallel_loop3A_631, %parallel_loop3A_637 : vector<16xf32>
          %parallel_loop3A_639 = arith.addf %parallel_loop3A_623, %parallel_loop3A_638 : vector<16xf32>
          %parallel_loop3A_640 = arith.constant 5.000000e-01 : f32
          %parallel_loop3A_641 = vector.broadcast %parallel_loop3A_640 : f32 to vector<16xf32>
          %parallel_loop3A_642 = arith.mulf %parallel_loop3A_639, %parallel_loop3A_641 : vector<16xf32>
          %parallel_loop3A_643 = arith.constant 128 : i32
          %parallel_loop3A_644 = arith.muli %parallel_loop3A_126, %parallel_loop3A_643 : i32
          %parallel_loop3A_645 = arith.constant 8192 : i32
          %parallel_loop3A_646 = arith.addi %parallel_loop3A_645, %parallel_loop3A_644 : i32
          %parallel_loop3A_647 = arith.constant 96 : i32
          %parallel_loop3A_648 = arith.addi %parallel_loop3A_646, %parallel_loop3A_647 : i32
          %parallel_loop3A_649 = arith.index_cast %parallel_loop3A_648 : i32 to index
          %parallel_loop3A_650 = tpu.vector_load %arg7[%parallel_loop3A_649] {strides = array<i32>} : memref<16384xf32, #tpu.memory_space<vmem>>, vector<16xf32>,
          tpu.vector_store %arg7[%parallel_loop3A_649], %parallel_loop3A_642 {strides = array<i32>} : memref<16384xf32, #tpu.memory_space<vmem>>, vector<16xf32>,
          %parallel_loop3A_651 = arith.constant 128 : i32
          %parallel_loop3A_652 = arith.muli %parallel_loop3A_126, %parallel_loop3A_651 : i32
          %parallel_loop3A_653 = arith.constant 32768 : i32
          %parallel_loop3A_654 = arith.addi %parallel_loop3A_653, %parallel_loop3A_652 : i32
          %parallel_loop3A_655 = arith.constant 112 : i32
          %parallel_loop3A_656 = arith.addi %parallel_loop3A_654, %parallel_loop3A_655 : i32
          %parallel_loop3A_657 = arith.index_cast %parallel_loop3A_656 : i32 to index
          %parallel_loop3A_658 = tpu.vector_load %arg6[%parallel_loop3A_657] {strides = array<i32>} : memref<65536xf32, #tpu.memory_space<vmem>>, vector<16xf32>,
          %parallel_loop3A_659 = arith.constant 0 : i32
          %parallel_loop3A_660 = arith.addi %parallel_loop3A_132, %parallel_loop3A_659 : i32
          %parallel_loop3A_661 = arith.constant 112 : i32
          %parallel_loop3A_662 = arith.addi %parallel_loop3A_660, %parallel_loop3A_661 : i32
          %parallel_loop3A_663 = arith.index_cast %parallel_loop3A_662 : i32 to index
          %parallel_loop3A_664 = tpu.vector_load %arg9[%parallel_loop3A_663] {strides = array<i32>} : memref<4096xf32, #tpu.memory_space<vmem>>, vector<16xf32>,
          %parallel_loop3A_665 = arith.mulf %parallel_loop3A_658, %parallel_loop3A_664 : vector<16xf32>
          %parallel_loop3A_666 = arith.constant 128 : i32
          %parallel_loop3A_667 = arith.muli %parallel_loop3A_126, %parallel_loop3A_666 : i32
          %parallel_loop3A_668 = arith.constant 40960 : i32
          %parallel_loop3A_669 = arith.addi %parallel_loop3A_668, %parallel_loop3A_667 : i32
          %parallel_loop3A_670 = arith.constant 112 : i32
          %parallel_loop3A_671 = arith.addi %parallel_loop3A_669, %parallel_loop3A_670 : i32
          %parallel_loop3A_672 = arith.index_cast %parallel_loop3A_671 : i32 to index
          %parallel_loop3A_673 = tpu.vector_load %arg6[%parallel_loop3A_672] {strides = array<i32>} : memref<65536xf32, #tpu.memory_space<vmem>>, vector<16xf32>,
          %parallel_loop3A_674 = arith.constant 128 : i32
          %parallel_loop3A_675 = arith.addi %parallel_loop3A_132, %parallel_loop3A_674 : i32
          %parallel_loop3A_676 = arith.constant 112 : i32
          %parallel_loop3A_677 = arith.addi %parallel_loop3A_675, %parallel_loop3A_676 : i32
          %parallel_loop3A_678 = arith.index_cast %parallel_loop3A_677 : i32 to index
          %parallel_loop3A_679 = tpu.vector_load %arg9[%parallel_loop3A_678] {strides = array<i32>} : memref<4096xf32, #tpu.memory_space<vmem>>, vector<16xf32>,
          %parallel_loop3A_680 = arith.mulf %parallel_loop3A_673, %parallel_loop3A_679 : vector<16xf32>
          %parallel_loop3A_681 = arith.addf %parallel_loop3A_665, %parallel_loop3A_680 : vector<16xf32>
          %parallel_loop3A_682 = arith.constant 128 : i32
          %parallel_loop3A_683 = arith.muli %parallel_loop3A_126, %parallel_loop3A_682 : i32
          %parallel_loop3A_684 = arith.constant 49152 : i32
          %parallel_loop3A_685 = arith.addi %parallel_loop3A_684, %parallel_loop3A_683 : i32
          %parallel_loop3A_686 = arith.constant 112 : i32
          %parallel_loop3A_687 = arith.addi %parallel_loop3A_685, %parallel_loop3A_686 : i32
          %parallel_loop3A_688 = arith.index_cast %parallel_loop3A_687 : i32 to index
          %parallel_loop3A_689 = tpu.vector_load %arg6[%parallel_loop3A_688] {strides = array<i32>} : memref<65536xf32, #tpu.memory_space<vmem>>, vector<16xf32>,
          %parallel_loop3A_690 = arith.constant 256 : i32
          %parallel_loop3A_691 = arith.addi %parallel_loop3A_132, %parallel_loop3A_690 : i32
          %parallel_loop3A_692 = arith.constant 112 : i32
          %parallel_loop3A_693 = arith.addi %parallel_loop3A_691, %parallel_loop3A_692 : i32
          %parallel_loop3A_694 = arith.index_cast %parallel_loop3A_693 : i32 to index
          %parallel_loop3A_695 = tpu.vector_load %arg9[%parallel_loop3A_694] {strides = array<i32>} : memref<4096xf32, #tpu.memory_space<vmem>>, vector<16xf32>,
          %parallel_loop3A_696 = arith.mulf %parallel_loop3A_689, %parallel_loop3A_695 : vector<16xf32>
          %parallel_loop3A_697 = arith.addf %parallel_loop3A_681, %parallel_loop3A_696 : vector<16xf32>
          %parallel_loop3A_698 = arith.constant 128 : i32
          %parallel_loop3A_699 = arith.muli %parallel_loop3A_126, %parallel_loop3A_698 : i32
          %parallel_loop3A_700 = arith.constant 57344 : i32
          %parallel_loop3A_701 = arith.addi %parallel_loop3A_700, %parallel_loop3A_699 : i32
          %parallel_loop3A_702 = arith.constant 112 : i32
          %parallel_loop3A_703 = arith.addi %parallel_loop3A_701, %parallel_loop3A_702 : i32
          %parallel_loop3A_704 = arith.index_cast %parallel_loop3A_703 : i32 to index
          %parallel_loop3A_705 = tpu.vector_load %arg6[%parallel_loop3A_704] {strides = array<i32>} : memref<65536xf32, #tpu.memory_space<vmem>>, vector<16xf32>,
          %parallel_loop3A_706 = arith.constant 384 : i32
          %parallel_loop3A_707 = arith.addi %parallel_loop3A_132, %parallel_loop3A_706 : i32
          %parallel_loop3A_708 = arith.constant 112 : i32
          %parallel_loop3A_709 = arith.addi %parallel_loop3A_707, %parallel_loop3A_708 : i32
          %parallel_loop3A_710 = arith.index_cast %parallel_loop3A_709 : i32 to index
          %parallel_loop3A_711 = tpu.vector_load %arg9[%parallel_loop3A_710] {strides = array<i32>} : memref<4096xf32, #tpu.memory_space<vmem>>, vector<16xf32>,
          %parallel_loop3A_712 = arith.mulf %parallel_loop3A_705, %parallel_loop3A_711 : vector<16xf32>
          %parallel_loop3A_713 = arith.addf %parallel_loop3A_697, %parallel_loop3A_712 : vector<16xf32>
          %parallel_loop3A_714 = arith.constant 5.000000e-01 : f32
          %parallel_loop3A_715 = vector.broadcast %parallel_loop3A_714 : f32 to vector<16xf32>
          %parallel_loop3A_716 = arith.mulf %parallel_loop3A_713, %parallel_loop3A_715 : vector<16xf32>
          %parallel_loop3A_717 = arith.constant 128 : i32
          %parallel_loop3A_718 = arith.muli %parallel_loop3A_126, %parallel_loop3A_717 : i32
          %parallel_loop3A_719 = arith.constant 8192 : i32
          %parallel_loop3A_720 = arith.addi %parallel_loop3A_719, %parallel_loop3A_718 : i32
          %parallel_loop3A_721 = arith.constant 112 : i32
          %parallel_loop3A_722 = arith.addi %parallel_loop3A_720, %parallel_loop3A_721 : i32
          %parallel_loop3A_723 = arith.index_cast %parallel_loop3A_722 : i32 to index
          %parallel_loop3A_724 = tpu.vector_load %arg7[%parallel_loop3A_723] {strides = array<i32>} : memref<16384xf32, #tpu.memory_space<vmem>>, vector<16xf32>,
          tpu.vector_store %arg7[%parallel_loop3A_723], %parallel_loop3A_716 {strides = array<i32>} : memref<16384xf32, #tpu.memory_space<vmem>>, vector<16xf32>,
        } {sc.loop_unroll_factor = 4 : i64, sc.parallel_access}
        %mul3A_113 = arith.constant 32 : i32
        %mul3A_114 = arith.muli %add3A_68, %mul3A_113 : i32
        %add3A_115 = arith.addi %mul3A_114, %add3A : i32
        %mul3A_116 = arith.constant 64 : i32
        %mul3A_117 = arith.muli %add3A_115, %mul3A_116 : i32
        %min3A = arith.constant 99936 : i32
        %min3A_118 = arith.minsi %mul3A_117, %min3A : i32
        %mul3A_119 = arith.constant 128 : i32
        %mul3A_120 = arith.muli %min3A_118, %mul3A_119 : i32
        %dma_start3A = arith.constant 8192 : i32
        %dma_start3A_121 = tpu.memref_slice %arg7[%dma_start3A] : memref<16384xf32, #tpu.memory_space<vmem>> -> memref<8192xf32, #tpu.memory_space<vmem>>
        %dma_start3A_122 = tpu.memref_slice %arg5[%mul3A_120] : memref<12800000xf32, #tpu.memory_space<hbm>> -> memref<8192xf32, #tpu.memory_space<hbm>>
        %dma_start3A_123 = tpu.memref_slice %arg5[%mul3A_120] : memref<12800000xf32, #tpu.memory_space<hbm>> -> memref<8192xf32, #tpu.memory_space<hbm>>
        %dma_start3A_124 = arith.constant 8192 : i32
        %dma_start3A_125 = tpu.memref_slice %arg7[%dma_start3A_124] : memref<16384xf32, #tpu.memory_space<vmem>> -> memref<8192xf32, #tpu.memory_space<vmem>>
        tpu.enqueue_dma source(%dma_start3A_125 : memref<8192xf32, #tpu.memory_space<vmem>>) target(%dma_start3A_123 : memref<8192xf32, #tpu.memory_space<hbm>>) target_semaphore(%arg14 : memref<!tpu.dma_semaphore, #tpu.memory_space<semaphore_mem>>)
      } else {
      }
    }
    %scan3A_9 = arith.constant 25 : i32
    %add3A_10 = arith.constant 1536 : i32
    %add3A_11 = arith.addi %add3A_10, %add3A : i32
    %lt3A_12 = arith.constant 1563 : i32
    %lt3A_13 = arith.cmpi slt, %add3A_11, %lt3A_12 : i32
    %convert_element_type3A_14 = arith.extui %lt3A_13 : i1 to i32
    %cond3A_15 = arith.constant 0 : i32
    %cond3A_16 = arith.cmpi ne, %convert_element_type3A_14, %cond3A_15 : i32
    scf.if %cond3A_16 {
      %add3A_24 = arith.constant 1536 : i32
      %add3A_25 = arith.addi %add3A_24, %add3A : i32
      %mul3A_26 = arith.constant 64 : i32
      %mul3A_27 = arith.muli %add3A_25, %mul3A_26 : i32
      %min3A = arith.constant 99936 : i32
      %min3A_28 = arith.minsi %mul3A_27, %min3A : i32
      %mul3A_29 = arith.constant 128 : i32
      %mul3A_30 = arith.muli %min3A_28, %mul3A_29 : i32
      %dma_wait3A = arith.constant 0 : i32
      %dma_wait3A_31 = tpu.memref_slice %arg7[%dma_wait3A] : memref<16384xf32, #tpu.memory_space<vmem>> -> memref<8192xf32, #tpu.memory_space<vmem>>
      %dma_wait3A_32 = tpu.memref_slice %arg5[%mul3A_30] : memref<12800000xf32, #tpu.memory_space<hbm>> -> memref<8192xf32, #tpu.memory_space<hbm>>
      %dma_wait3A_33 = tpu.memref_slice %arg5[%mul3A_30] : memref<12800000xf32, #tpu.memory_space<hbm>> -> memref<8192xf32, #tpu.memory_space<hbm>>
      %dma_wait3A_34 = arith.constant 0 : i32
      %dma_wait3A_35 = tpu.memref_slice %arg7[%dma_wait3A_34] : memref<16384xf32, #tpu.memory_space<vmem>> -> memref<8192xf32, #tpu.memory_space<vmem>>
      tpu.wait_dma2 semaphore(%arg13 : memref<!tpu.dma_semaphore, #tpu.memory_space<semaphore_mem>>) src(%dma_wait3A_35 : memref<8192xf32, #tpu.memory_space<vmem>>) dst(%dma_wait3A_33 : memref<8192xf32, #tpu.memory_space<hbm>>)
    } else {
    }
    %add3A_17 = arith.constant 1568 : i32
    %add3A_18 = arith.addi %add3A_17, %add3A : i32
    %lt3A_19 = arith.constant 1563 : i32
    %lt3A_20 = arith.cmpi slt, %add3A_18, %lt3A_19 : i32
    %convert_element_type3A_21 = arith.extui %lt3A_20 : i1 to i32
    %cond3A_22 = arith.constant 0 : i32
    %cond3A_23 = arith.cmpi ne, %convert_element_type3A_21, %cond3A_22 : i32
    scf.if %cond3A_23 {
      %add3A_24 = arith.constant 1568 : i32
      %add3A_25 = arith.addi %add3A_24, %add3A : i32
      %mul3A_26 = arith.constant 64 : i32
      %mul3A_27 = arith.muli %add3A_25, %mul3A_26 : i32
      %min3A = arith.constant 99936 : i32
      %min3A_28 = arith.minsi %mul3A_27, %min3A : i32
      %mul3A_29 = arith.constant 128 : i32
      %mul3A_30 = arith.muli %min3A_28, %mul3A_29 : i32
      %dma_wait3A = arith.constant 8192 : i32
      %dma_wait3A_31 = tpu.memref_slice %arg7[%dma_wait3A] : memref<16384xf32, #tpu.memory_space<vmem>> -> memref<8192xf32, #tpu.memory_space<vmem>>
      %dma_wait3A_32 = tpu.memref_slice %arg5[%mul3A_30] : memref<12800000xf32, #tpu.memory_space<hbm>> -> memref<8192xf32, #tpu.memory_space<hbm>>
      %dma_wait3A_33 = tpu.memref_slice %arg5[%mul3A_30] : memref<12800000xf32, #tpu.memory_space<hbm>> -> memref<8192xf32, #tpu.memory_space<hbm>>
      %dma_wait3A_34 = arith.constant 8192 : i32
      %dma_wait3A_35 = tpu.memref_slice %arg7[%dma_wait3A_34] : memref<16384xf32, #tpu.memory_space<vmem>> -> memref<8192xf32, #tpu.memory_space<vmem>>
      tpu.wait_dma2 semaphore(%arg14 : memref<!tpu.dma_semaphore, #tpu.memory_space<semaphore_mem>>) src(%dma_wait3A_35 : memref<8192xf32, #tpu.memory_space<vmem>>) dst(%dma_wait3A_33 : memref<8192xf32, #tpu.memory_space<hbm>>)
    } else {
    }
    return
  }
}

</mosaic_0001>

<sc_bundles>
// kernel: kernel.3.cloned.1.call-start
scs
__scs_entry_jumppad:
0x0: {  	(pc) =	sbr.rel $0x88, $3  }
0x1: {  	(tag) =	ssettag $0x0;
	lr =	simm.s32 $0x1  }
0x2: {  	[smem:$0x3F9E] =	sst lr;
	_ =	strace $0xD0000000  }
0x3: {  	_ = 	snop  }
0x4: {  	_ = 	snop  }
0x5: {  	_ = 	snop  }
0x6: {  	_ = 	snop  }
0x7: {  	_ = 	snop  }
__scs_overlays_trampoline_lowered:
0x8: {  	[smem:$0x3FAD] =	sst s0  }
0x9: {  	[smem:$0x3FAE] =	sst s1  }
0xa: {  	[smem:$0x3FAF] =	sst s2  }
0xb: {  	[smem:$0x3FB0] =	sst s3  }
0xc: {  	[smem:$0x3FB1] =	sst s4  }
0xd: {  	[smem:$0x3FB2] =	sst s5  }
0xe: {  	[smem:$0x3FB3] =	sst s6  }
0xf: {  	[smem:$0x3FB4] =	sst s7  }
0x10: {  	[smem:$0x3FB5] =	sst s8  }
0x11: {  	[smem:$0x3FB6] =	sst s9;
	s0 =	simm.s32 @!p0 $0x0  }
0x12: {  	s1 =	sld [smem:$0x3F9C];
	s0 =	simm.s32 @p0 $0x1  }
0x13: {  	[smem:$0x3FB7] =	sst s0;
	s0 =	simm.s32 @!p1 $0x0  }
0x14: {  	s2 =	sld [smem:$0x3F9B];
	s0 =	simm.s32 @p1 $0x1  }
0x15: {  	[smem:$0x3FB8] =	sst s0;
	s0 =	simm.s32 @!p2 $0x0  }
0x16: {  	s3 =	sld [smem:$0x3FDB];
	s0 =	simm.s32 @p2 $0x1  }
0x17: {  	s4 =	simm.s32 $0x1BF5;
	[smem:$0x3FBA] =	sst s0  }
0x18: {  	s0 =	sld [smem:$0x3F9D];
	_ =	swait.ge [sflag:s4], $0x0  }
0x19: {  	s7 =	sld [smem:$0x3F9E]  }
0x1a: {  	s8 =	sadd.s32 $0xFFFFE003, lr  }
0x1b: {  	s9 =	sadd.s32 $0xFFFFFEF7, lr;
	s5 =	simm.s32 $0xFFFFFFFF;
	p2 =	slt.u32 s8, $0xFFFFF086  }
0x1c: {  	p1 =	slt.u32 s9, $0xF7A;
	s5 =	simm.s32 @!p2 $0x0  }
0x1d: {  	s5 =	simm.s32 @p1 $0x1;
	p0 =	seq.s32 s7, s2  }
0x1e: {  	s7 =	smul.u32 @!p0 $0xF7A, s2;
	p2 =	seq.s32 @!p0 s5, $0x0  }
0x1f: {  	s9 =	smul.u32 $0xF7A, s1;
	s8 =	simm.s32 @!p0 $0x1BF5;
	p2 =	por !p2, p0  }
0x20: {  	[sflag:s8] =	ssyncset.s32 @!p0 $0xFFFFF086;
	s6 =	sadd.s32 @!p0 s3, s7;
	s7 =	simm.s32 @!p0 $0x108  }
0x21: {  	s3 =	sadd.s32 s3, s9;
	s6 =	sadd.s32 @!p0 $0x88, s6;
	s7 =	simm.s32 @p2 $0x1082  }
0x22: {  	[simem:s7], [sflag:s8] =	dma.local @!p0 [hbm:s6], $0xF7A  }
0x23: {  	s9 =	sor.u32 $0xD0000000, s2;
	s6 =	simm.s32 $0x108;
	_ =	swait.ge @!p0 [sflag:s8], $0x0  }
0x24: {  	s3 =	sadd.s32 $0x88, s3;
	s6 =	simm.s32 @!p1 $0x1082;
	[sflag:s4] =	ssyncset.s32 $0xFFFFF086  }
0x25: {  	[simem:s6], [sflag:s4] =	dma.local [hbm:s3], $0xF7A  }
0x26: {  	[smem:$0x3F9E] =	sst s1;
	(tag) =	ssettag s2;
	_ =	strace s9  }
0x27: {  	s1 =	sld [smem:$0x3FAE]  }
0x28: {  	s2 =	sld [smem:$0x3FAF]  }
0x29: {  	s4 =	sld [smem:$0x3FB1]  }
0x2a: {  	p0 =	seq.s32 s5, $0x0;
	s5 =	sld [smem:$0x3FB2]  }
0x2b: {  	s6 =	sld [smem:$0x3FB3]  }
0x2c: {  	s7 =	sld [smem:$0x3FB4]  }
0x2d: {  	s3 =	simm.s32 $0x108;
	s8 =	sld [smem:$0x3FB5]  }
0x2e: {  	s3 =	simm.s32 @!p0 $0x1082;
	s9 =	sld [smem:$0x3FB6]  }
0x2f: {  	lr =	sadd.s32 s0, s3;
	s0 =	sld [smem:$0x3FAD]  }
0x30: {  	s3 =	sld [smem:$0x3FB0]  }
0x31: {  	[smem:$0x3FB9] =	sst s10  }
0x32: {  	s10 =	sld [smem:$0x3FB7];
	_ =	sdelay $0x3  }
0x33: {  	p0 =	seq.s32 s10, $0x1;
	s10 =	sld [smem:$0x3FB9];
	_ =	sdelay $0x3  }
0x34: {  	[smem:$0x3FB9] =	sst s10  }
0x35: {  	s10 =	sld [smem:$0x3FB8];
	_ =	sdelay $0x3  }
0x36: {  	p1 =	seq.s32 s10, $0x1;
	s10 =	sld [smem:$0x3FB9];
	_ =	sdelay $0x3  }
0x37: {  	[smem:$0x3FB9] =	sst s10  }
0x38: {  	s10 =	sld [smem:$0x3FBA]  }
0x39: {  	_ = 	snop;
	(pc) =	sbr.ind lr, $3  }
0x3a: {  	_ = 	snop  }
0x3b: {  	_ = 	snop  }
0x3c: {  	p2 =	seq.s32 s10, $0x1;
	s10 =	sld [smem:$0x3FB9]  }
0x3d: {  	_ =	shalt  }
0x3e: {  	_ =	shalt  }
0x3f: {  	_ =	shalt  }
0x40: {  	_ =	shalt  }
0x41: {  	_ =	shalt  }
0x42: {  	_ =	shalt  }
0x43: {  	_ =	shalt  }
0x44: {  	_ =	shalt  }
0x45: {  	_ =	shalt  }
0x46: {  	_ =	shalt  }
0x47: {  	_ =	shalt  }
0x48: {  	_ =	shalt  }
0x49: {  	_ =	shalt  }
0x4a: {  	_ =	shalt  }
0x4b: {  	_ =	shalt  }
0x4c: {  	_ =	shalt  }
0x4d: {  	_ =	shalt  }
0x4e: {  	_ =	shalt  }
0x4f: {  	_ =	shalt  }
0x50: {  	_ =	shalt  }
0x51: {  	_ =	shalt  }
0x52: {  	_ =	shalt  }
0x53: {  	_ =	shalt  }
0x54: {  	_ =	shalt  }
0x55: {  	_ =	shalt  }
0x56: {  	_ =	shalt  }
0x57: {  	_ =	shalt  }
0x58: {  	_ =	shalt  }
0x59: {  	_ =	shalt  }
0x5a: {  	_ =	shalt  }
0x5b: {  	_ =	shalt  }
0x5c: {  	_ =	shalt  }
0x5d: {  	_ =	shalt  }
0x5e: {  	_ =	shalt  }
0x5f: {  	_ =	shalt  }
0x60: {  	_ =	shalt  }
0x61: {  	_ =	shalt  }
0x62: {  	_ =	shalt  }
0x63: {  	_ =	shalt  }
0x64: {  	_ =	shalt  }
0x65: {  	_ =	shalt  }
0x66: {  	_ =	shalt  }
0x67: {  	_ =	shalt  }
0x68: {  	_ =	shalt  }
0x69: {  	_ =	shalt  }
0x6a: {  	_ =	shalt  }
0x6b: {  	_ =	shalt  }
0x6c: {  	_ =	shalt  }
0x6d: {  	_ =	shalt  }
0x6e: {  	_ =	shalt  }
0x6f: {  	_ =	shalt  }
0x70: {  	_ =	shalt  }
0x71: {  	_ =	shalt  }
0x72: {  	_ =	shalt  }
0x73: {  	_ =	shalt  }
0x74: {  	_ =	shalt  }
0x75: {  	_ =	shalt  }
0x76: {  	_ =	shalt  }
0x77: {  	_ =	shalt  }
0x78: {  	_ =	shalt  }
0x79: {  	_ =	shalt  }
0x7a: {  	_ =	shalt  }
0x7b: {  	_ =	shalt  }
0x7c: {  	_ =	shalt  }
0x7d: {  	_ =	shalt  }
0x7e: {  	_ =	shalt  }
0x7f: {  	_ =	shalt  }
0x80: {  	_ =	shalt  }
0x81: {  	_ =	shalt  }
0x82: {  	_ =	shalt  }
0x83: {  	_ =	shalt  }
0x84: {  	_ =	shalt  }
0x85: {  	_ =	shalt  }
0x86: {  	_ =	shalt  }
0x87: {  	_ =	shalt  }
.Lfunc_end0:
.L_simem_size_0:
called_computation_lowered:
.L_overlay_start_0:
0x88: {  	s2 =	sld [smem:$0x3FD9]  }
0x89: {  	s3 =	sld [smem:$0x3FFE];
	_ =	sdelay $0x1  }
0x8a: {  	s1 =	srdreg.scid  }
0x8b: {  	s0 =	sand.u32 $0x1, s1  }
0x8c: {  	s17 =	sshll.u32 s0, $0xA;
	s2 =	sadd.s32 s3, s2  }
0x8d: {  	s2 =	sadd.s32 s2, s17  }
0x8e: {  	[smem:$0x3FC5] =	sst s2  }
0x8f: {  	_ = 	snop  }
0x90: {  	s2 =	sld [smem:$0x3FC9]  }
0x91: {  	s18 =	sld [smem:$0x3FC7]  }
0x92: {  	s4 =	sld [smem:$0x3FD0];
	(tm) =	ssettm $0x1  }
0x93: {  	s5 =	sld [smem:$0x3FFB];
	_ =	sdelay $0x3  }
0x94: {  	_ =	strace s5  }
0x95: {  	s5 =	sld [smem:$0x3FFC];
	_ =	sdelay $0x3  }
0x96: {  	_ =	strace s5  }
0x97: {  	s5 =	sld [smem:$0x3FFD];
	_ =	sdelay $0x3  }
0x98: {  	_ =	strace s5  }
0x99: {  	_ =	strace $0x8FFFFFFF  }
0x9a: {  	s19 =	sld [smem:$0x3FDB];
	_ =	sdelay $0x1  }
0x9b: {  	s6 =	simm.s32 $_scs_section_size  }
0x9c: {  	s7 =	simm.s32 $_size__tile_overlayer_lowered;
	s8 =	simm.s32 $_tile_overlayer_lowered  }
0x9d: {  	s22 =	simm.s32 $0x1BFF;
	s21 =	sshll.u32 s8, $0x1;
	s5 =	sadd.s32 s6, s19  }
0x9e: {  	s9 =	simm.s32 $0x0;
	s20 =	sshll.u32 s7, $0x1;
	s7 =	sadd.s32 s21, s5  }
0x9f: {  	[timem:s9], [sflag:s22] =	dma.local [hbm:s7], s20  }
0xa0: {  	_ =	swait.ge [sflag:s22], s20  }
0xa1: {  	s6 =	ssub.s32 $0x0, s20;
	[sflag:s22] =	ssyncset.done $0x0  }
0xa2: {  	[sflag:s22] =	ssyncadd.s32 s6;
	_ =	sdelay $0x1  }
0xa3: {  	s23 =	simm.s32 $0x1B8B  }
0xa4: {  	_ =	swait.ge [sflag:s23], $0x1  }
0xa5: {  	[sflag:s23] =	ssyncset.done $0x0  }
0xa6: {  	s25 =	simm.s32 $0x1B8E;
	s24 =	sld [smem:$0x3FFE];
	[sflag:s23] =	ssyncadd.s32 $0xFFFFFFFF  }
0xa7: {  	s26 =	simm.s32 $execute0_lowered;
	[smem:$0x3FD2] =	sst s25  }
0xa8: {  	s7 =	sshll.u32 s26, $0x1;
	_ =	strace $0x80000046;
	[dreg:$0x1] =	wrdreg $0xFFFFFFFF  }
0xa9: {  	s28 =	simm.s32 $_size_execute0_lowered;
	s5 =	sadd.s32 s5, s7;
	[dreg:$0x0] =	wrdreg $0x0  }
0xaa: {  	s7 =	sshll.u32 s28, $0x1;
	[dreg:$0x2] =	wrdreg s5  }
0xab: {  	[dreg:$0x3] =	wrdreg s7  }
0xac: {  	[dreg:$0x4] =	wrdreg $0xC0  }
0xad: {  	_ =	task [dreg:s9], $0x5FFFF  }
0xae: {  	[dreg:$0x1] =	wrdreg $0xFFFFFFFF  }
0xaf: {  	[dreg:$0x0] =	wrdreg $0x60  }
0xb0: {  	[dreg:$0x2] =	wrdreg s2  }
0xb1: {  	[dreg:$0x3] =	wrdreg s24  }
0xb2: {  	[dreg:$0x4] =	wrdreg s18  }
0xb3: {  	[dreg:$0x5] =	wrdreg s4  }
0xb4: {  	[dreg:$0x6] =	wrdreg $0x9  }
0xb5: {  	_ =	task.clear_ibuf [dreg:s9], $0x7FFFF;
	_ =	strace $0x90000046  }
0xb6: {  	s29 =	simm.s32 $0x9;
	_ =	strace $0x80000048  }
0xb7: {  	_ =	swait.ge [sflag:s29], $0x1  }
0xb8: {  	[sflag:s29] =	ssyncadd.s32 $0xFFFFFFFF  }
0xb9: {  	_ =	strace $0x90000048  }
0xba: {  	_ =	sfence  }
0xbb: {  	s30 =	sld [smem:$0x0];
	_ =	sdelay $0x2  }
0xbc: {  	s31 =	sshll.u32 s1, $0xD;
	s1 =	sshrl.u32 s1, $0x2  }
0xbd: {  	s3 =	sand.u32 $0x4000, s31;
	s1 =	sadd.s32 s1, s30  }
0xbe: {  	s0 =	sor.u32 s3, s0;
	s1 =	sshll.u32 s1, $0x11  }
0xbf: {  	s0 =	sor.u32 s1, s0  }
0xc0: {  	s0 =	sadd.s32 $0x8F2B, s0  }
0xc1: {  	[sflag:s0] =	ssyncadd.remote.s32 $0x1  }
0xc2: {  	_ =	sfence.sel $0xFFFF  }
0xc3: {  	[dreg:$0x0] =	wrdreg $0xFFFFFFFF;
	(pc) =	sbr.abs _section_cstart, $3  }
0xc4: {  	[dreg:$0x1] =	wrdreg $0xFFFFFFFF  }
0xc5: {  	_ =	task.clear_ibuf [dreg:s9], $0x2FFFF;
	_ =	strace $0x9FFFFFFF  }
0xc6: {  	(tm) =	ssettm $0x7FFFFFFF  }
0xc7: {  	_ =	shalt  }
tec
execute0_lowered:
.L_overlay_start_1:
0x0: {  	(tag) =	ssettag $0x1  }
0x1: {  	s1 =	rddreg [dreg:$0x0]  }
0x2: {  	s0 =	rddreg [dreg:$0x1]  }
0x3: {  	s3 =	rddreg [dreg:$0x3];
	s2 =	srdreg.scid  }
0x4: {  	s5 =	simm.s32 $0x0;
	s6 =	stileid.u32;
	s2 =	sand.u32 $0x1, s2  }
0x5: {  	s23 =	simm.s32 $0x5;
	[smem:$0x7FF] =	sst s5;
	s4 =	sshll.u32 s2, $0x4  }
0x6: {  	s7 =	sadd.s32 $0x400, s0;
	s2 =	ssub.s32 $0x2, s2;
	s6 =	sor.u32 s6, s4  }
0x7: {  	_ =	strace $0x80000047;
	s24 =	sshrl.u32 s2, $0x1;
	s4 =	sshll.u32 s6, $0xA  }
0x8: {  	s0 =	ssub.s32 s2, s24;
	s25 =	sshll.u32 s6, $0x3;
	s20 =	sor.u32 $0x40, s6  }
0x9: {  	p0 =	sgt.u32 s6, $0x1A;
	s24 =	simm.s32 $0x10000;
	s8 =	sadd.s32 s1, s4  }
0xa: {  	s11 =	sadd.s32 s7, s25;
	s21 =	smax.u32 s0, $0x1;
	s4 =	sadd.s32 $0x186A00, s8  }
0xb: {  	s25 =	simm.s32 $0x12000;
	s26 =	sadd.s32 $0x30D400, s8;
	[dreg:$0x5] =	wrdreg s4  }
.Ltmp0:
0xc: {  	s28 =	sadd.s32 $0x493E00, s8;
	[dreg:$0x6] =	wrdreg s26;
	(pc) =	sbr.rel .LBB2_1-.Ltmp0, $4  }
0xd: {  	s29 =	sadd.s32 $0x30D4, s11;
	s30 =	sadd.s32 $0x61A8, s11;
	[dreg:$0x7] =	wrdreg s28  }
0xe: {  	s31 =	sadd.s32 $0x927C, s11;
	s16 =	sadd.s32 $0xC350, s11;
	[dreg:$0x8] =	wrdreg s29  }
0xf: {  	s17 =	sadd.s32 $0xF424, s11;
	s18 =	sadd.s32 $0x124F8, s11;
	[dreg:$0x9] =	wrdreg s30  }
0x10: {  	v0 =	vimm.s32 $0x0;
	s19 =	sadd.s32 $0x155CC, s11;
	[dreg:$0xa] =	wrdreg s31;
	s26 =	simm.s32 $0x0  }
.LBB2_11:
0x11: {  	s26 =	sadd.s32 $0x1, s26  }
0x12: {  	p1 =	sne.s32 s26, s21  }
.Ltmp1:
0x13: {  	_ = 	snop;
	(pc) =	sbr.rel @!p1 .LBB2_12-.Ltmp1, $4  }
0x14: {  	s0 =	simm.s32 @!p0 $0x3  }
0x15: {  	_ =	swait.ge @!p0 [sflag:s0], $0x2000  }
0x16: {  	[sflag:s0] =	ssyncset.done @!p0 $0x0  }
0x17: {  	[sflag:s0] =	ssyncadd.s32 @!p0 $0xFFFFE000  }
.LBB2_1:
0x18: {  	s0 =	rddreg [dreg:$0x2];
	s2 =	simm.s32 $0x14800  }
0x19: {  	[tilespmem:s2], [sflag:$0x5] =	stream.linear.gather [hbm4b:s0+s5], $0x1000, $0x38;
	[tilespmem:$0x15880] =	vst v63  }
0x1a: {  	_ =	swait.ge [sflag:s23], $0x1000  }
0x1b: {  	[sflag:s23] =	ssyncset.done $0x0  }
0x1c: {  	[sflag:s23] =	ssyncadd.s32 $0xFFFFF000  }
0x1d: {  	[tilespmem:s5], [sflag:$0x1] =	stream.linear.gather [hbm4b:s8+s5], $0x2000, $0x38;
	[tilespmem:$0x15880] =	vst v63  }
0x1e: {  	s15 =	simm.s32 $0x2000;
	s14 =	rddreg [dreg:$0x5]  }
0x1f: {  	[tilespmem:s15], [sflag:$0x1] =	stream.linear.gather [hbm4b:s14+s5], $0x2000, $0x38;
	[tilespmem:$0x15880] =	vst v63  }
0x20: {  	s29 =	simm.s32 $0x4000;
	s22 =	rddreg [dreg:$0x6]  }
0x21: {  	[tilespmem:s29], [sflag:$0x1] =	stream.linear.gather [hbm4b:s22+s5], $0x2000, $0x38;
	[tilespmem:$0x15880] =	vst v63  }
0x22: {  	s31 =	simm.s32 $0x6000;
	s30 =	rddreg [dreg:$0x7]  }
0x23: {  	[tilespmem:s31], [sflag:$0x1] =	stream.linear.gather [hbm4b:s30+s5], $0x2000, $0x38;
	[tilespmem:$0x15880] =	vst v63  }
0x24: {  	s4 =	simm.s32 $0x14000  }
0x25: {  	[tilespmem:s4], [sflag:$0x1] =	stream.linear.gather [hbm4b:s11+s5], $0x40, $0x38;
	[tilespmem:$0x15880] =	vst v63  }
0x26: {  	s10 =	simm.s32 $0x14080;
	s9 =	rddreg [dreg:$0x8]  }
0x27: {  	[tilespmem:s10], [sflag:$0x1] =	stream.linear.gather [hbm4b:s9+s5], $0x40, $0x38;
	[tilespmem:$0x15880] =	vst v63  }
0x28: {  	s13 =	simm.s32 $0x14100;
	s12 =	rddreg [dreg:$0x9]  }
0x29: {  	[tilespmem:s13], [sflag:$0x1] =	stream.linear.gather [hbm4b:s12+s5], $0x40, $0x38;
	[tilespmem:$0x15880] =	vst v63  }
0x2a: {  	s14 =	rddreg [dreg:$0xa];
	s15 =	simm.s32 $0x14180  }
0x2b: {  	[tilespmem:s15], [sflag:$0x1] =	stream.linear.gather [hbm4b:s14+s5], $0x40, $0x38;
	[tilespmem:$0x15880] =	vst v63  }
0x2c: {  	s22 =	simm.s32 $0x14200  }
0x2d: {  	[tilespmem:s22], [sflag:$0x1] =	stream.linear.gather [hbm4b:s16+s5], $0x40, $0x38;
	[tilespmem:$0x15880] =	vst v63  }
0x2e: {  	s29 =	simm.s32 $0x14280  }
0x2f: {  	[tilespmem:s29], [sflag:$0x1] =	stream.linear.gather [hbm4b:s17+s5], $0x40, $0x38;
	[tilespmem:$0x15880] =	vst v63  }
.Ltmp2:
0x30: {  	_ = 	snop;
	(pc) =	sbr.rel .LBB2_2-.Ltmp2, $4  }
0x31: {  	s30 =	simm.s32 $0x14300  }
0x32: {  	[tilespmem:s30], [sflag:$0x1] =	stream.linear.gather [hbm4b:s18+s5], $0x40, $0x38;
	[tilespmem:$0x15880] =	vst v63  }
0x33: {  	s28 =	simm.s32 $0x0;
	s31 =	simm.s32 $0x14380  }
0x34: {  	[tilespmem:s31], [sflag:$0x1] =	stream.linear.gather [hbm4b:s19+s5], $0x40, $0x38;
	[tilespmem:$0x15880] =	vst v63  }
.LBB2_10:
0x35: {  	s28 =	sadd.s32 $0x1, s28  }
0x36: {  	p1 =	sne.s32 s28, $0x19  }
.Ltmp3:
0x37: {  	_ = 	snop;
	(pc) =	sbr.rel @!p1 .LBB2_11-.Ltmp3, $1  }
0x38: {  	_ =	sdelay $0x3  }
.LBB2_2:
0x39: {  	s30 =	sshll.u32 s28, $0x6  }
0x3a: {  	s31 =	sor.u32 s6, s30  }
0x3b: {  	p3 =	sgt.u32 s31, $0x61A  }
0x3c: {  	s0 =	simm.s32 @!p3 $0x1  }
0x3d: {  	_ =	swait.ge @!p3 [sflag:s0], $0x2000  }
0x3e: {  	[sflag:s0] =	ssyncset.done @!p3 $0x0  }
0x3f: {  	[sflag:s0] =	ssyncadd.s32 @!p3 $0xFFFFE000  }
0x40: {  	_ =	swait.ge @!p3 [sflag:s0], $0x2000  }
0x41: {  	[sflag:s0] =	ssyncset.done @!p3 $0x0  }
0x42: {  	[sflag:s0] =	ssyncadd.s32 @!p3 $0xFFFFE000  }
0x43: {  	_ =	swait.ge @!p3 [sflag:s0], $0x2000  }
0x44: {  	[sflag:s0] =	ssyncset.done @!p3 $0x0  }
0x45: {  	[sflag:s0] =	ssyncadd.s32 @!p3 $0xFFFFE000  }
0x46: {  	_ =	swait.ge @!p3 [sflag:s0], $0x2000  }
0x47: {  	[sflag:s0] =	ssyncset.done @!p3 $0x0  }
0x48: {  	[sflag:s0] =	ssyncadd.s32 @!p3 $0xFFFFE000  }
0x49: {  	_ =	swait.ge @!p3 [sflag:s0], $0x40  }
0x4a: {  	[sflag:s0] =	ssyncset.done @!p3 $0x0  }
0x4b: {  	[sflag:s0] =	ssyncadd.s32 @!p3 $0xFFFFFFC0  }
0x4c: {  	_ =	swait.ge @!p3 [sflag:s0], $0x40  }
0x4d: {  	[sflag:s0] =	ssyncset.done @!p3 $0x0  }
0x4e: {  	[sflag:s0] =	ssyncadd.s32 @!p3 $0xFFFFFFC0  }
0x4f: {  	_ =	swait.ge @!p3 [sflag:s0], $0x40  }
0x50: {  	[sflag:s0] =	ssyncset.done @!p3 $0x0  }
0x51: {  	[sflag:s0] =	ssyncadd.s32 @!p3 $0xFFFFFFC0  }
0x52: {  	_ =	swait.ge @!p3 [sflag:s0], $0x40  }
0x53: {  	[sflag:s0] =	ssyncset.done @!p3 $0x0  }
0x54: {  	[sflag:s0] =	ssyncadd.s32 @!p3 $0xFFFFFFC0  }
0x55: {  	_ =	swait.ge @!p3 [sflag:s0], $0x40  }
0x56: {  	[sflag:s0] =	ssyncset.done @!p3 $0x0  }
0x57: {  	[sflag:s0] =	ssyncadd.s32 @!p3 $0xFFFFFFC0  }
0x58: {  	_ =	swait.ge @!p3 [sflag:s0], $0x40  }
0x59: {  	[sflag:s0] =	ssyncset.done @!p3 $0x0  }
0x5a: {  	[sflag:s0] =	ssyncadd.s32 @!p3 $0xFFFFFFC0  }
0x5b: {  	_ =	swait.ge @!p3 [sflag:s0], $0x40  }
0x5c: {  	s29 =	sor.u32 $0x20, s31;
	[sflag:s0] =	ssyncset.done @!p3 $0x0  }
0x5d: {  	p1 =	sgt.u32 s29, $0x61A;
	[sflag:s0] =	ssyncadd.s32 @!p3 $0xFFFFFFC0  }
0x5e: {  	s2 =	sshll.u32 @!p1 s29, $0x6;
	_ =	swait.ge @!p3 [sflag:s0], $0x40  }
0x5f: {  	s2 =	smin.u32 @!p1 s2, $0x18660;
	[sflag:s0] =	ssyncset.done @!p3 $0x0  }
0x60: {  	[sflag:s0] =	ssyncadd.s32 @!p3 $0xFFFFFFC0;
	s0 =	sshll.u32 @!p1 s2, $0x4  }
0x61: {  	s4 =	simm.s32 @!p1 $0x0;
	s9 =	simm.s32 @!p1 $0x8000;
	s0 =	sadd.s32 @!p1 s1, s0  }
0x62: {  	[tilespmem:s9], [sflag:$0x2] =	stream.linear.gather @!p1 [hbm4b:s0+s4], $0x2000, $0x38;
	[tilespmem:$0x15880] =	vst v63  }
0x63: {  	s10 =	simm.s32 @!p1 $0xA000;
	s9 =	sadd.s32 @!p1 $0x186A00, s0  }
0x64: {  	[tilespmem:s10], [sflag:$0x2] =	stream.linear.gather @!p1 [hbm4b:s9+s4], $0x2000, $0x38;
	[tilespmem:$0x15880] =	vst v63  }
0x65: {  	s9 =	sadd.s32 @!p1 $0x30D400, s0;
	s10 =	simm.s32 @!p1 $0xC000  }
0x66: {  	[tilespmem:s10], [sflag:$0x2] =	stream.linear.gather @!p1 [hbm4b:s9+s4], $0x2000, $0x38;
	[tilespmem:$0x15880] =	vst v63  }
0x67: {  	s0 =	sadd.s32 @!p1 $0x493E00, s0;
	s9 =	simm.s32 @!p1 $0xE000  }
0x68: {  	[tilespmem:s9], [sflag:$0x2] =	stream.linear.gather @!p1 [hbm4b:s0+s4], $0x2000, $0x38;
	[tilespmem:$0x15880] =	vst v63  }
0x69: {  	s0 =	sshrl.u32 @!p1 s2, $0x3  }
0x6a: {  	s2 =	simm.s32 @!p1 $0x14400;
	s0 =	sadd.s32 @!p1 s7, s0  }
0x6b: {  	[tilespmem:s2], [sflag:$0x2] =	stream.linear.gather @!p1 [hbm4b:s0+s4], $0x40, $0x38;
	[tilespmem:$0x15880] =	vst v63  }
0x6c: {  	s9 =	simm.s32 @!p1 $0x14480;
	s2 =	sadd.s32 @!p1 $0x30D4, s0  }
0x6d: {  	[tilespmem:s9], [sflag:$0x2] =	stream.linear.gather @!p1 [hbm4b:s2+s4], $0x40, $0x38;
	[tilespmem:$0x15880] =	vst v63  }
0x6e: {  	s2 =	sadd.s32 @!p1 $0x61A8, s0;
	s9 =	simm.s32 @!p1 $0x14500  }
0x6f: {  	[tilespmem:s9], [sflag:$0x2] =	stream.linear.gather @!p1 [hbm4b:s2+s4], $0x40, $0x38;
	[tilespmem:$0x15880] =	vst v63  }
0x70: {  	s2 =	sadd.s32 @!p1 $0x927C, s0;
	s9 =	simm.s32 @!p1 $0x14580  }
0x71: {  	[tilespmem:s9], [sflag:$0x2] =	stream.linear.gather @!p1 [hbm4b:s2+s4], $0x40, $0x38;
	[tilespmem:$0x15880] =	vst v63  }
0x72: {  	s2 =	sadd.s32 @!p1 $0xC350, s0;
	s9 =	simm.s32 @!p1 $0x14600  }
0x73: {  	[tilespmem:s9], [sflag:$0x2] =	stream.linear.gather @!p1 [hbm4b:s2+s4], $0x40, $0x38;
	[tilespmem:$0x15880] =	vst v63  }
0x74: {  	s2 =	sadd.s32 @!p1 $0xF424, s0;
	s9 =	simm.s32 @!p1 $0x14680  }
0x75: {  	[tilespmem:s9], [sflag:$0x2] =	stream.linear.gather @!p1 [hbm4b:s2+s4], $0x40, $0x38;
	[tilespmem:$0x15880] =	vst v63  }
0x76: {  	s2 =	sadd.s32 @!p1 $0x124F8, s0;
	s9 =	simm.s32 @!p1 $0x14700  }
0x77: {  	[tilespmem:s9], [sflag:$0x2] =	stream.linear.gather @!p1 [hbm4b:s2+s4], $0x40, $0x38;
	[tilespmem:$0x15880] =	vst v63  }
0x78: {  	s0 =	sadd.s32 @!p1 $0x155CC, s0;
	s2 =	simm.s32 @!p1 $0x14780  }
0x79: {  	[tilespmem:s2], [sflag:$0x2] =	stream.linear.gather @!p1 [hbm4b:s0+s4], $0x40, $0x38;
	[tilespmem:$0x15880] =	vst v63  }
.Ltmp4:
0x7a: {  	p2 =	seq.s32 s28, $0x0;
	(pc) =	sbr.rel @p3 .LBB2_6-.Ltmp4, $4  }
0x7b: {  	s0 =	simm.s32 @!p2 $0x3  }
0x7c: {  	_ =	swait.ge @!p2 [sflag:s0], $0x2000  }
0x7d: {  	[sflag:s0] =	ssyncset.done @!p2 $0x0  }
0x7e: {  	[sflag:s0] =	ssyncadd.s32 @!p2 $0xFFFFE000  }
0x7f: {  	v1 =	vld [tilespmem:$0x14000]  }
0x80: {  	v2 =	vld [tilespmem:$0x14080]  }
0x81: {  	v3 =	vld [tilespmem:$0x14100]  }
0x82: {  	v4 =	vld [tilespmem:$0x14180]  }
0x83: {  	v5 =	vld [tilespmem:$0x14200]  }
0x84: {  	v6 =	vld [tilespmem:$0x14280]  }
0x85: {  	v8 =	vld [tilespmem:$0x14010]  }
0x86: {  	v9 =	vld [tilespmem:$0x14090]  }
0x87: {  	v7 =	vld [tilespmem:$0x14300];
	vm0 =	vgt.f32 v2, v1  }
0x88: {  	v10 =	vld [tilespmem:$0x14110];
	v1 =	vsel vm0, v2, v1  }
0x89: {  	v11 =	vld [tilespmem:$0x14210];
	vm1 =	vgt.f32 v3, v1  }
0x8a: {  	v36 =	vld [tilespmem:$0x14030];
	v1 =	vsel vm1, v3, v1  }
0x8b: {  	vm3 =	vgt.f32 v9, v8;
	v3 =	vld [tilespmem:$0x14190];
	vm2 =	vgt.f32 v4, v1  }
0x8c: {  	v2 =	vld [tilespmem:$0x14380];
	v8 =	vsel vm3, v9, v8;
	v1 =	vsel vm2, v4, v1  }
0x8d: {  	v12 =	vsel vm0, $0x1, v0;
	v9 =	vld [tilespmem:$0x14310];
	vm11 =	vgt.f32 v10, v8;
	vm10 =	vgt.f32 v5, v1  }
0x8e: {  	v12 =	vsel vm1, $0x2, v12;
	v8 =	vsel vm11, v10, v8;
	v10 =	vld [tilespmem:$0x14020];
	v1 =	vsel vm10, v5, v1  }
0x8f: {  	v4 =	vld [tilespmem:$0x14290];
	v12 =	vsel vm2, $0x3, v12;
	vm12 =	vgt.f32 v6, v1  }
0x90: {  	v12 =	vsel vm10, $0x4, v12;
	vm13 =	vgt.f32 v3, v8;
	v1 =	vsel vm12, v6, v1;
	v6 =	vld [tilespmem:$0x140A0]  }
0x91: {  	v5 =	vld [tilespmem:$0x14390];
	v12 =	vsel vm12, $0x5, v12;
	v3 =	vsel vm13, v3, v8;
	vm14 =	vgt.f32 v7, v1  }
0x92: {  	v8 =	vld [tilespmem:$0x14120];
	vm15 =	vgt.f32 v11, v3;
	v1 =	vsel vm14, v7, v1;
	v7 =	vsel vm14, $0x6, v12  }
0x93: {  	vm4 =	vgt.f32 v2, v1;
	v1 =	vsel vm3, $0x1, v0;
	v2 =	vsel vm15, v11, v3;
	v3 =	vld [tilespmem:$0x140B0]  }
0x94: {  	v11 =	vld [tilespmem:$0x141A0];
	v7 =	vsel vm4, $0x7, v7;
	v1 =	vsel vm11, $0x2, v1;
	vm7 =	vgt.f32 v4, v2  }
0x95: {  	v1 =	vsel vm13, $0x3, v1;
	v2 =	vsel vm7, v4, v2;
	vm8 =	vgt.f32 v6, v10;
	v4 =	vld [tilespmem:$0x14130]  }
0x96: {  	v1 =	vsel vm15, $0x4, v1;
	vm9 =	vgt.f32 v9, v2;
	v6 =	vsel vm8, v6, v10;
	v10 =	vld [tilespmem:$0x14220]  }
0x97: {  	v1 =	vsel vm7, $0x5, v1;
	v2 =	vsel vm9, v9, v2;
	vm10 =	vgt.f32 v8, v6;
	v9 =	vld [tilespmem:$0x141B0]  }
0x98: {  	v1 =	vsel vm9, $0x6, v1;
	v6 =	vsel vm10, v8, v6;
	v8 =	vld [tilespmem:$0x142A0];
	vm11 =	vgt.f32 v3, v36  }
0x99: {  	vm12 =	vgt.f32 v5, v2;
	vm13 =	vgt.f32 v11, v6;
	v2 =	vsel vm11, v3, v36;
	v3 =	vld [tilespmem:$0x14230]  }
0x9a: {  	v1 =	vsel vm12, $0x7, v1;
	v5 =	vsel vm13, v11, v6;
	v6 =	vld [tilespmem:$0x14320];
	vm14 =	vgt.f32 v4, v2  }
0x9b: {  	v11 =	vsel vm8, $0x1, v0;
	vm15 =	vgt.f32 v10, v5;
	v2 =	vsel vm14, v4, v2;
	v4 =	vld [tilespmem:$0x142B0]  }
0x9c: {  	v11 =	vsel vm10, $0x2, v11;
	v5 =	vsel vm15, v10, v5;
	vm8 =	vgt.f32 v9, v2  }
0x9d: {  	v10 =	vsel vm13, $0x3, v11;
	vm9 =	vgt.f32 v8, v5;
	v2 =	vsel vm8, v9, v2;
	v9 =	vld [tilespmem:$0x14330]  }
0x9e: {  	v11 =	vsel vm11, $0x1, v0;
	v5 =	vsel vm9, v8, v5;
	v8 =	vld [tilespmem:$0x143A0];
	vm10 =	vgt.f32 v3, v2  }
0x9f: {  	v10 =	vsel vm15, $0x4, v10;
	v11 =	vsel vm14, $0x2, v11;
	v2 =	vsel vm10, v3, v2;
	v3 =	vld [tilespmem:$0x143B0]  }
0xa0: {  	v10 =	vsel vm9, $0x5, v10;
	vm11 =	vgt.f32 v6, v5;
	vm12 =	vgt.f32 v4, v2  }
0xa1: {  	v11 =	vsel vm8, $0x3, v11;
	v5 =	vsel vm11, v6, v5;
	v2 =	vsel vm12, v4, v2  }
0xa2: {  	v6 =	vsel vm10, $0x4, v11;
	v4 =	vsel vm11, $0x6, v10;
	vm13 =	vgt.f32 v9, v2  }
0xa3: {  	[tilespmem:$0x15800] =	vst v7;
	v6 =	vsel vm12, $0x5, v6;
	vm14 =	vgt.f32 v8, v5;
	v2 =	vsel vm13, v9, v2  }
0xa4: {  	[tilespmem:$0x15810] =	vst v1;
	v1 =	vsel vm13, $0x6, v6;
	v4 =	vsel vm14, $0x7, v4;
	vm15 =	vgt.f32 v3, v2  }
0xa5: {  	[tilespmem:$0x15820] =	vst v4;
	v1 =	vsel vm15, $0x7, v1  }
0xa6: {  	s0 =	simm.s32 $0x15802;
	[tilespmem:$0x15830] =	vst v1  }
0xa7: {  	v1 =	vld [tilespmem:s0+$0x1];
	_ =	sdelay $0x4  }
0xa8: {  	v2 =	vld [tilespmem:s0+$0x0];
	(v2sf) =	vpush v1, $0x0  }
0xa9: {  	v3 =	vld [tilespmem:s0+$0xFFFFFFFE]  }
0xaa: {  	v1 =	vld [tilespmem:s0+$0xFFFFFFFF];
	s0 =	simm.s32 $0x0  }
0xab: {  	v5 =	vld [tilespmem:s0+$0x4180]  }
0xac: {  	v7 =	vld [tilespmem:s0+$0x6180]  }
0xad: {  	v9 =	vld [tilespmem:s0+$0x4190]  }
0xae: {  	v11 =	vld [tilespmem:s0+$0x6190]  }
0xaf: {  	v38 =	vld [tilespmem:s0+$0x100]  }
0xb0: {  	v15 =	vld [tilespmem:s0+$0x1A0]  }
0xb1: {  	v19 =	vld [tilespmem:s0+$0x41A0]  }
0xb2: {  	v21 =	vld [tilespmem:s0+$0x61A0]  }
0xb3: {  	v39 =	vld [tilespmem:s0+$0x4000]  }
0xb4: {  	v40 =	vld [tilespmem:s0+$0x4080]  }
0xb5: {  	v42 =	vld [tilespmem:s0+$0x4100]  }
0xb6: {  	v47 =	vld [tilespmem:s0+$0x6000]  }
0xb7: {  	v24 =	vld [tilespmem:s0+$0x6080];
	s2 =	spop (v2sf)  }
0xb8: {  	(v2sf) =	vpush v1, $0x0;
	v1 =	vld [tilespmem:s0+$0x180];
	s2 =	sshll.u32 s2, $0xB  }
0xb9: {  	(v2sf) =	vpush v2, $0x0;
	v2 =	vld [tilespmem:s0+$0x2180];
	s9 =	sshra.s32 s2, $0x2  }
0xba: {  	(v2sf) =	vpush v3, $0x0;
	v3 =	vld [tilespmem:s9+$0x14800]  }
0xbb: {  	v4 =	vld [tilespmem:s9+$0x14880]  }
0xbc: {  	v25 =	vld [tilespmem:s0+$0x1B0]  }
0xbd: {  	v6 =	vld [tilespmem:s9+$0x14900]  }
0xbe: {  	v26 =	vld [tilespmem:s0+$0x6100]  }
0xbf: {  	v8 =	vld [tilespmem:s9+$0x14980]  }
0xc0: {  	v48 =	vld [tilespmem:s0+$0x61B0];
	v1 =	vmul.f32 v3, v1;
	v2 =	vmul.f32 v4, v2  }
0xc1: {  	v51 =	vld [tilespmem:s0+$0x41C0]  }
0xc2: {  	v53 =	vld [tilespmem:s0+$0x61C0];
	v1 =	vadd.f32 v2, v1;
	v2 =	vmul.f32 v6, v5  }
0xc3: {  	v55 =	vld [tilespmem:s0+$0x2090]  }
0xc4: {  	v56 =	vld [tilespmem:s0+$0x110];
	v1 =	vadd.f32 v2, v1;
	v2 =	vmul.f32 v8, v7  }
0xc5: {  	v57 =	vld [tilespmem:s0+$0x2110]  }
0xc6: {  	v61 =	vld [tilespmem:s0+$0x4010];
	v1 =	vadd.f32 v2, v1  }
0xc7: {  	v62 =	vld [tilespmem:s0+$0x4110]  }
0xc8: {  	v63 =	vld [tilespmem:s0+$0x1D0];
	v1 =	vmul.f32 $5.000000000e-01, v1  }
0xc9: {  	v5 =	vld [tilespmem:s0+$0x190]  }
0xca: {  	[tilespmem:s0+$0x10180] =	vst v1;
	v1 =	vld [tilespmem:s0+$0x2190]  }
0xcb: {  	v7 =	vld [tilespmem:s9+$0x14810]  }
0xcc: {  	v8 =	vld [tilespmem:s9+$0x14890]  }
0xcd: {  	v35 =	vld [tilespmem:s0+$0x41D0]  }
0xce: {  	s4 =	spop (v2sf);
	v10 =	vld [tilespmem:s9+$0x14910]  }
0xcf: {  	v30 =	vld [tilespmem:s0+$0x6020];
	s4 =	sshll.u32 s4, $0xB  }
0xd0: {  	s4 =	sshra.s32 s4, $0x2;
	v37 =	vld [tilespmem:s9+$0x14990]  }
0xd1: {  	s10 =	spop (v2sf);
	v4 =	vld [tilespmem:s4+$0x14800];
	v5 =	vmul.f32 v7, v5;
	v1 =	vmul.f32 v8, v1  }
0xd2: {  	s22 =	spop (v2sf);
	s10 =	sshll.u32 s10, $0xB;
	v16 =	vld [tilespmem:s4+$0x14900]  }
0xd3: {  	s2 =	sshll.u32 s22, $0xB;
	s22 =	sshra.s32 s10, $0x2;
	v45 =	vld [tilespmem:s4+$0x14980];
	v1 =	vadd.f32 v1, v5;
	v5 =	vmul.f32 v10, v9  }
0xd4: {  	v13 =	vld [tilespmem:s22+$0x14800]  }
0xd5: {  	v23 =	vld [tilespmem:s22+$0x14900];
	v1 =	vadd.f32 v5, v1;
	v5 =	vmul.f32 v37, v11  }
0xd6: {  	s2 =	sshra.s32 s2, $0x2;
	v46 =	vld [tilespmem:s22+$0x14980]  }
0xd7: {  	v3 =	vld [tilespmem:s2+$0x14800];
	v1 =	vadd.f32 v5, v1  }
0xd8: {  	v6 =	vld [tilespmem:s4+$0x14880]  }
0xd9: {  	v7 =	vld [tilespmem:s22+$0x14880];
	v1 =	vmul.f32 $5.000000000e-01, v1  }
0xda: {  	v10 =	vld [tilespmem:s0+$0x80]  }
0xdb: {  	[tilespmem:s0+$0x10190] =	vst v1;
	v1 =	vld [tilespmem:s0+$0x21A0]  }
0xdc: {  	v17 =	vld [tilespmem:s9+$0x14820]  }
0xdd: {  	v18 =	vld [tilespmem:s9+$0x148A0]  }
0xde: {  	v11 =	vld [tilespmem:s0+$0x2080]  }
0xdf: {  	v20 =	vld [tilespmem:s9+$0x14920]  }
0xe0: {  	v5 =	vld [tilespmem:s0+$0x2100]  }
0xe1: {  	v22 =	vld [tilespmem:s9+$0x149A0]  }
0xe2: {  	v14 =	vld [tilespmem:s2+$0x14900];
	v15 =	vmul.f32 v17, v15;
	v1 =	vmul.f32 v18, v1  }
0xe3: {  	v43 =	vld [tilespmem:s2+$0x14980]  }
0xe4: {  	v2 =	vld [tilespmem:s2+$0x14880];
	v4 =	vmul.f32 v4, v10;
	v41 =	vmul.f32 v20, v19;
	v1 =	vadd.f32 v1, v15  }
0xe5: {  	v8 =	vld [tilespmem:s0+$0x0];
	v10 =	vmul.f32 v13, v38;
	v6 =	vmul.f32 v6, v11  }
0xe6: {  	v9 =	vld [tilespmem:s0+$0x2000];
	v5 =	vmul.f32 v7, v5;
	v44 =	vmul.f32 v22, v21;
	v1 =	vadd.f32 v41, v1  }
0xe7: {  	v37 =	vld [tilespmem:s0+$0x61D0];
	v4 =	vadd.f32 v6, v4;
	v7 =	vmul.f32 v16, v40  }
0xe8: {  	v6 =	vld [tilespmem:s0+$0x41B0];
	v5 =	vadd.f32 v5, v10;
	v1 =	vadd.f32 v44, v1  }
0xe9: {  	v10 =	vmul.f32 v23, v42;
	v4 =	vadd.f32 v7, v4;
	v7 =	vmul.f32 v45, v24;
	v42 =	vld [tilespmem:s0+$0x6110]  }
0xea: {  	v45 =	vld [tilespmem:s0+$0x2020];
	v1 =	vmul.f32 $5.000000000e-01, v1  }
0xeb: {  	v4 =	vadd.f32 v7, v4;
	v7 =	vld [tilespmem:s0+$0x2010]  }
0xec: {  	v2 =	vmul.f32 v2, v9;
	[tilespmem:s0+$0x101A0] =	vst v1;
	v1 =	vmul.f32 v3, v8;
	v3 =	vld [tilespmem:s0+$0x21B0]  }
0xed: {  	v5 =	vadd.f32 v10, v5;
	v10 =	vmul.f32 v46, v26;
	v8 =	vld [tilespmem:s9+$0x14830]  }
0xee: {  	v9 =	vld [tilespmem:s9+$0x148B0];
	v1 =	vadd.f32 v2, v1;
	v2 =	vmul.f32 v14, v39  }
0xef: {  	v46 =	vld [tilespmem:s0+$0x20A0];
	v5 =	vadd.f32 v10, v5  }
0xf0: {  	v4 =	vmul.f32 $5.000000000e-01, v4;
	v11 =	vld [tilespmem:s9+$0x14930];
	v1 =	vadd.f32 v2, v1;
	v2 =	vmul.f32 v43, v47  }
0xf1: {  	v10 =	vld [tilespmem:s0+$0x1C0]  }
0xf2: {  	v5 =	vmul.f32 $5.000000000e-01, v5;
	[tilespmem:s0+$0x10080] =	vst v4;
	v1 =	vadd.f32 v2, v1;
	v2 =	vld [tilespmem:s9+$0x149B0]  }
0xf3: {  	v59 =	vld [tilespmem:s4+$0x14910];
	v8 =	vmul.f32 v8, v25;
	v3 =	vmul.f32 v9, v3  }
0xf4: {  	v28 =	vld [tilespmem:s4+$0x14990]  }
0xf5: {  	v41 =	vld [tilespmem:s0+$0x6090];
	[tilespmem:s0+$0x10100] =	vst v5;
	v6 =	vmul.f32 v11, v6;
	v3 =	vadd.f32 v3, v8  }
0xf6: {  	v5 =	vld [tilespmem:s22+$0x14810]  }
0xf7: {  	v60 =	vld [tilespmem:s22+$0x14910];
	v3 =	vadd.f32 v6, v3;
	v2 =	vmul.f32 v2, v48  }
0xf8: {  	v38 =	vld [tilespmem:s22+$0x14990]  }
0xf9: {  	v44 =	vld [tilespmem:s0+$0x20];
	v2 =	vadd.f32 v2, v3  }
0xfa: {  	v39 =	vld [tilespmem:s0+$0x6010]  }
0xfb: {  	v47 =	vld [tilespmem:s0+$0x120];
	v2 =	vmul.f32 $5.000000000e-01, v2  }
0xfc: {  	v9 =	vld [tilespmem:s0+$0x10]  }
0xfd: {  	[tilespmem:s0+$0x101B0] =	vst v2;
	v2 =	vld [tilespmem:s0+$0x21C0]  }
0xfe: {  	v49 =	vld [tilespmem:s9+$0x14840]  }
0xff: {  	v50 =	vld [tilespmem:s9+$0x148C0]  }
0x100: {  	v11 =	vld [tilespmem:s22+$0x14890]  }
0x101: {  	v52 =	vld [tilespmem:s9+$0x14940]  }
0x102: {  	v1 =	vmul.f32 $5.000000000e-01, v1;
	v8 =	vld [tilespmem:s0+$0x90]  }
0x103: {  	v54 =	vld [tilespmem:s9+$0x149C0]  }
0x104: {  	[tilespmem:s0+$0x10000] =	vst v1;
	v6 =	vld [tilespmem:s4+$0x14810];
	v10 =	vmul.f32 v49, v10;
	v2 =	vmul.f32 v50, v2  }
0x105: {  	v1 =	vld [tilespmem:s2+$0x14810]  }
0x106: {  	v4 =	vld [tilespmem:s2+$0x14890];
	v2 =	vadd.f32 v2, v10;
	v10 =	vmul.f32 v52, v51  }
0x107: {  	v58 =	vld [tilespmem:s2+$0x14910]  }
0x108: {  	v32 =	vld [tilespmem:s2+$0x14990];
	v2 =	vadd.f32 v10, v2;
	v10 =	vmul.f32 v54, v53  }
0x109: {  	v48 =	vld [tilespmem:s0+$0x61E0]  }
0x10a: {  	v3 =	vld [tilespmem:s4+$0x14890];
	v2 =	vadd.f32 v10, v2  }
0x10b: {  	v1 =	vmul.f32 v1, v9;
	v9 =	vld [tilespmem:s0+$0xA0];
	v4 =	vmul.f32 v4, v7  }
0x10c: {  	v7 =	vld [tilespmem:s0+$0x1E0];
	v2 =	vmul.f32 $5.000000000e-01, v2  }
0x10d: {  	v1 =	vadd.f32 v4, v1;
	v4 =	vmul.f32 v58, v61;
	v58 =	vld [tilespmem:s0+$0x4020]  }
0x10e: {  	[tilespmem:s0+$0x101C0] =	vst v2;
	v2 =	vld [tilespmem:s0+$0x21D0]  }
0x10f: {  	v6 =	vmul.f32 v6, v8;
	v3 =	vmul.f32 v3, v55;
	v33 =	vld [tilespmem:s9+$0x14850]  }
0x110: {  	v1 =	vadd.f32 v4, v1;
	v4 =	vmul.f32 v32, v39;
	v34 =	vld [tilespmem:s9+$0x148D0]  }
0x111: {  	v3 =	vadd.f32 v3, v6;
	v6 =	vld [tilespmem:s0+$0x21E0]  }
0x112: {  	v1 =	vadd.f32 v4, v1;
	v36 =	vld [tilespmem:s9+$0x14950]  }
0x113: {  	v32 =	vld [tilespmem:s0+$0x6120]  }
0x114: {  	v1 =	vmul.f32 $5.000000000e-01, v1;
	v27 =	vld [tilespmem:s9+$0x149D0]  }
0x115: {  	v4 =	vld [tilespmem:s0+$0x41E0];
	v20 =	vmul.f32 v33, v63;
	v2 =	vmul.f32 v34, v2  }
0x116: {  	v50 =	vld [tilespmem:s0+$0x2120];
	[tilespmem:s0+$0x10010] =	vst v1  }
0x117: {  	v55 =	vld [tilespmem:s2+$0x14920];
	v40 =	vmul.f32 v36, v35;
	v2 =	vadd.f32 v2, v20  }
0x118: {  	v61 =	vld [tilespmem:s2+$0x149A0]  }
0x119: {  	v10 =	vld [tilespmem:s0+$0x4090];
	v43 =	vmul.f32 v27, v37;
	v2 =	vadd.f32 v40, v2  }
0x11a: {  	v63 =	vld [tilespmem:s0+$0x60A0]  }
0x11b: {  	v33 =	vld [tilespmem:s0+$0x30];
	v2 =	vadd.f32 v43, v2  }
0x11c: {  	v34 =	vld [tilespmem:s0+$0x2030]  }
0x11d: {  	v36 =	vld [tilespmem:s0+$0xB0];
	v2 =	vmul.f32 $5.000000000e-01, v2  }
0x11e: {  	v40 =	vld [tilespmem:s0+$0x2130]  }
0x11f: {  	[tilespmem:s0+$0x101D0] =	vst v2;
	v2 =	vmul.f32 v5, v56;
	v5 =	vmul.f32 v59, v10;
	v59 =	vld [tilespmem:s0+$0x40A0]  }
0x120: {  	v10 =	vld [tilespmem:s9+$0x14860]  }
0x121: {  	v8 =	vmul.f32 v11, v57;
	v11 =	vld [tilespmem:s9+$0x148E0]  }
0x122: {  	v49 =	vld [tilespmem:s9+$0x149E0];
	v3 =	vadd.f32 v5, v3  }
0x123: {  	v5 =	vmul.f32 v28, v41;
	v2 =	vadd.f32 v8, v2;
	v8 =	vmul.f32 v60, v62;
	v60 =	vld [tilespmem:s0+$0x4120]  }
0x124: {  	v41 =	vld [tilespmem:s0+$0x4030]  }
0x125: {  	v3 =	vadd.f32 v5, v3;
	v5 =	vld [tilespmem:s9+$0x14960]  }
0x126: {  	v2 =	vadd.f32 v8, v2;
	v8 =	vmul.f32 v38, v42;
	v38 =	vld [tilespmem:s0+$0x20B0]  }
0x127: {  	v42 =	vld [tilespmem:s0+$0x40B0];
	v3 =	vmul.f32 $5.000000000e-01, v3  }
0x128: {  	v1 =	vmul.f32 v10, v7;
	v10 =	vld [tilespmem:s2+$0x14820]  }
0x129: {  	v6 =	vmul.f32 v11, v6;
	v11 =	vld [tilespmem:s2+$0x148A0];
	[tilespmem:s0+$0x10090] =	vst v3  }
0x12a: {  	v2 =	vadd.f32 v8, v2;
	v51 =	vld [tilespmem:s4+$0x14820]  }
0x12b: {  	v52 =	vld [tilespmem:s4+$0x148A0]  }
0x12c: {  	v2 =	vmul.f32 $5.000000000e-01, v2;
	v56 =	vld [tilespmem:s4+$0x14920]  }
0x12d: {  	v3 =	vmul.f32 v5, v4;
	v4 =	vld [tilespmem:s0+$0x21F0]  }
0x12e: {  	v62 =	vld [tilespmem:s4+$0x149A0];
	[tilespmem:s0+$0x10110] =	vst v2  }
0x12f: {  	v53 =	vld [tilespmem:s22+$0x14820]  }
0x130: {  	v1 =	vadd.f32 v6, v1;
	v54 =	vld [tilespmem:s22+$0x148A0]  }
0x131: {  	v57 =	vld [tilespmem:s22+$0x14920]  }
0x132: {  	v1 =	vadd.f32 v3, v1;
	v3 =	vld [tilespmem:s0+$0x61F0];
	v10 =	vmul.f32 v10, v44;
	v11 =	vmul.f32 v11, v45  }
0x133: {  	v29 =	vld [tilespmem:s22+$0x149A0]  }
0x134: {  	v10 =	vadd.f32 v11, v10;
	v11 =	vmul.f32 v55, v58;
	v55 =	vld [tilespmem:s0+$0x60B0]  }
0x135: {  	v2 =	vmul.f32 v49, v48;
	v58 =	vld [tilespmem:s0+$0x2040]  }
0x136: {  	v35 =	vmul.f32 v56, v59;
	v56 =	vld [tilespmem:s0+$0x6130]  }
0x137: {  	v1 =	vadd.f32 v2, v1;
	v39 =	vmul.f32 v62, v63;
	v62 =	vld [tilespmem:s0+$0x20C0]  }
0x138: {  	v63 =	vld [tilespmem:s0+$0x140]  }
0x139: {  	v2 =	vmul.f32 $5.000000000e-01, v1;
	v1 =	vld [tilespmem:s0+$0x1F0]  }
0x13a: {  	v10 =	vadd.f32 v11, v10;
	v11 =	vmul.f32 v61, v30;
	v61 =	vld [tilespmem:s0+$0xC0]  }
0x13b: {  	v13 =	vmul.f32 v54, v50;
	v54 =	vld [tilespmem:s0+$0x6030]  }
0x13c: {  	v37 =	vmul.f32 v57, v60;
	v57 =	vld [tilespmem:s0+$0x40]  }
0x13d: {  	v9 =	vmul.f32 v51, v9;
	v31 =	vmul.f32 v52, v46;
	[tilespmem:s0+$0x101E0] =	vst v2;
	v2 =	vld [tilespmem:s0+$0x41F0]  }
0x13e: {  	v10 =	vadd.f32 v11, v10;
	v11 =	vld [tilespmem:s0+$0x130]  }
0x13f: {  	v9 =	vadd.f32 v31, v9;
	v7 =	vld [tilespmem:s9+$0x14870]  }
0x140: {  	v8 =	vld [tilespmem:s9+$0x148F0]  }
0x141: {  	v12 =	vmul.f32 v53, v47;
	v5 =	vld [tilespmem:s9+$0x14970];
	v9 =	vadd.f32 v35, v9;
	v10 =	vmul.f32 $5.000000000e-01, v10  }
0x142: {  	v6 =	vld [tilespmem:s9+$0x149F0]  }
0x143: {  	v12 =	vadd.f32 v13, v12;
	v9 =	vadd.f32 v39, v9;
	[tilespmem:s0+$0x10020] =	vst v10;
	v10 =	vld [tilespmem:s0+$0x4130]  }
0x144: {  	v43 =	vld [tilespmem:s2+$0x14830]  }
0x145: {  	v17 =	vmul.f32 v29, v32;
	v12 =	vadd.f32 v37, v12;
	v9 =	vmul.f32 $5.000000000e-01, v9;
	v48 =	vld [tilespmem:s2+$0x14930]  }
0x146: {  	v51 =	vld [tilespmem:s2+$0x149B0]  }
0x147: {  	v12 =	vadd.f32 v17, v12;
	[tilespmem:s0+$0x100A0] =	vst v9;
	v9 =	vld [tilespmem:s2+$0x148B0]  }
0x148: {  	v44 =	vld [tilespmem:s4+$0x14830]  }
0x149: {  	v12 =	vmul.f32 $5.000000000e-01, v12;
	v45 =	vld [tilespmem:s4+$0x148B0]  }
0x14a: {  	v49 =	vld [tilespmem:s4+$0x14930]  }
0x14b: {  	v52 =	vld [tilespmem:s4+$0x149B0];
	[tilespmem:s0+$0x10120] =	vst v12  }
0x14c: {  	v46 =	vld [tilespmem:s22+$0x14830]  }
0x14d: {  	v47 =	vld [tilespmem:s22+$0x148B0]  }
0x14e: {  	v50 =	vld [tilespmem:s22+$0x14930]  }
0x14f: {  	v53 =	vld [tilespmem:s22+$0x149B0]  }
0x150: {  	v17 =	vmul.f32 v43, v33;
	v33 =	vld [tilespmem:s0+$0x4040]  }
0x151: {  	v60 =	vmul.f32 v51, v54;
	v51 =	vld [tilespmem:s0+$0x2050]  }
0x152: {  	v54 =	vld [tilespmem:s0+$0x20D0];
	v9 =	vmul.f32 v9, v34  }
0x153: {  	v34 =	vld [tilespmem:s0+$0x40C0]  }
0x154: {  	v15 =	vmul.f32 v48, v41;
	v59 =	vmul.f32 v49, v42;
	v49 =	vld [tilespmem:s0+$0x6140];
	v9 =	vadd.f32 v9, v17  }
0x155: {  	v16 =	vmul.f32 v44, v36;
	v14 =	vmul.f32 v52, v55;
	v55 =	vld [tilespmem:s0+$0x150]  }
0x156: {  	v12 =	vmul.f32 v45, v38;
	v11 =	vmul.f32 v46, v11;
	v46 =	vld [tilespmem:s0+$0x6040];
	v9 =	vadd.f32 v15, v9  }
0x157: {  	v13 =	vmul.f32 v47, v40;
	v47 =	vld [tilespmem:s0+$0x60C0]  }
0x158: {  	v12 =	vadd.f32 v12, v16;
	v10 =	vmul.f32 v50, v10;
	v50 =	vld [tilespmem:s0+$0x50];
	v9 =	vadd.f32 v60, v9  }
0x159: {  	v18 =	vmul.f32 v53, v56;
	v53 =	vld [tilespmem:s0+$0xD0];
	v11 =	vadd.f32 v13, v11  }
0x15a: {  	v56 =	vld [tilespmem:s0+$0x4050];
	v12 =	vadd.f32 v59, v12;
	v9 =	vmul.f32 $5.000000000e-01, v9  }
0x15b: {  	v10 =	vadd.f32 v10, v11;
	v11 =	vld [tilespmem:s0+$0x2140]  }
0x15c: {  	v12 =	vadd.f32 v14, v12;
	[tilespmem:s0+$0x10030] =	vst v9;
	v9 =	vld [tilespmem:s0+$0x4140]  }
0x15d: {  	v35 =	vld [tilespmem:s2+$0x14840]  }
0x15e: {  	v12 =	vmul.f32 $5.000000000e-01, v12;
	v36 =	vld [tilespmem:s2+$0x148C0]  }
0x15f: {  	v40 =	vld [tilespmem:s2+$0x14940]  }
0x160: {  	v10 =	vadd.f32 v18, v10;
	[tilespmem:s0+$0x100B0] =	vst v12;
	v43 =	vld [tilespmem:s2+$0x149C0]  }
0x161: {  	v37 =	vld [tilespmem:s4+$0x14840]  }
0x162: {  	v10 =	vmul.f32 $5.000000000e-01, v10;
	v41 =	vld [tilespmem:s4+$0x14940]  }
0x163: {  	v44 =	vld [tilespmem:s4+$0x149C0]  }
0x164: {  	[tilespmem:s0+$0x10130] =	vst v10;
	v10 =	vld [tilespmem:s4+$0x148C0]  }
0x165: {  	v38 =	vld [tilespmem:s22+$0x14840]  }
0x166: {  	v39 =	vld [tilespmem:s22+$0x148C0]  }
0x167: {  	v42 =	vld [tilespmem:s22+$0x14940]  }
0x168: {  	v45 =	vld [tilespmem:s22+$0x149C0];
	v17 =	vmul.f32 v35, v57;
	v12 =	vmul.f32 v36, v58  }
0x169: {  	v57 =	vld [tilespmem:s0+$0x40D0]  }
0x16a: {  	v14 =	vmul.f32 v40, v33;
	v58 =	vld [tilespmem:s0+$0x4150];
	v12 =	vadd.f32 v12, v17  }
0x16b: {  	v52 =	vmul.f32 v43, v46;
	v43 =	vld [tilespmem:s0+$0x60];
	v48 =	vmul.f32 v37, v61  }
0x16c: {  	v46 =	vld [tilespmem:s0+$0xE0];
	v19 =	vmul.f32 v41, v34;
	v10 =	vmul.f32 v10, v62;
	v12 =	vadd.f32 v14, v12  }
0x16d: {  	v16 =	vmul.f32 v44, v47;
	v41 =	vld [tilespmem:s0+$0x6150];
	v15 =	vmul.f32 v38, v63  }
0x16e: {  	v44 =	vld [tilespmem:s0+$0x2060];
	v11 =	vmul.f32 v39, v11;
	v10 =	vadd.f32 v10, v48;
	v12 =	vadd.f32 v52, v12  }
0x16f: {  	v47 =	vld [tilespmem:s0+$0x20E0];
	v9 =	vmul.f32 v42, v9  }
0x170: {  	v38 =	vld [tilespmem:s0+$0x6050];
	v11 =	vadd.f32 v11, v15;
	v10 =	vadd.f32 v19, v10;
	v12 =	vmul.f32 $5.000000000e-01, v12  }
0x171: {  	v39 =	vld [tilespmem:s0+$0x60D0]  }
0x172: {  	v13 =	vmul.f32 v45, v49;
	v9 =	vadd.f32 v9, v11;
	v11 =	vld [tilespmem:s0+$0x2150];
	v10 =	vadd.f32 v16, v10;
	[tilespmem:s0+$0x10040] =	vst v12  }
0x173: {  	v59 =	vld [tilespmem:s2+$0x14850]  }
0x174: {  	v9 =	vadd.f32 v13, v9;
	v10 =	vmul.f32 $5.000000000e-01, v10;
	v63 =	vld [tilespmem:s2+$0x14950]  }
0x175: {  	v35 =	vld [tilespmem:s2+$0x149D0]  }
0x176: {  	v9 =	vmul.f32 $5.000000000e-01, v9;
	[tilespmem:s0+$0x100C0] =	vst v10;
	v10 =	vld [tilespmem:s2+$0x148D0]  }
0x177: {  	v60 =	vld [tilespmem:s4+$0x14850]  }
0x178: {  	[tilespmem:s0+$0x10140] =	vst v9;
	v9 =	vld [tilespmem:s4+$0x148D0]  }
0x179: {  	v33 =	vld [tilespmem:s4+$0x14950]  }
0x17a: {  	v36 =	vld [tilespmem:s4+$0x149D0]  }
0x17b: {  	v61 =	vld [tilespmem:s22+$0x14850];
	v13 =	vmul.f32 v59, v50;
	v10 =	vmul.f32 v10, v51  }
0x17c: {  	v62 =	vld [tilespmem:s22+$0x148D0];
	v42 =	vmul.f32 v63, v56  }
0x17d: {  	v34 =	vld [tilespmem:s22+$0x14950];
	v40 =	vmul.f32 v60, v53;
	v9 =	vmul.f32 v9, v54;
	v10 =	vadd.f32 v10, v13  }
0x17e: {  	v49 =	vld [tilespmem:s0+$0x2160];
	v45 =	vmul.f32 v35, v38  }
0x17f: {  	v48 =	vld [tilespmem:s0+$0x160];
	v19 =	vmul.f32 v33, v57;
	v9 =	vadd.f32 v9, v40;
	v10 =	vadd.f32 v42, v10  }
0x180: {  	v37 =	vld [tilespmem:s22+$0x149D0];
	v17 =	vmul.f32 v36, v39;
	v14 =	vmul.f32 v61, v55  }
0x181: {  	v50 =	vld [tilespmem:s0+$0x4060];
	v11 =	vmul.f32 v62, v11;
	v9 =	vadd.f32 v19, v9;
	v10 =	vadd.f32 v45, v10  }
0x182: {  	v59 =	vld [tilespmem:s0+$0x60E0];
	v12 =	vmul.f32 v34, v58  }
0x183: {  	v51 =	vld [tilespmem:s0+$0x40E0];
	v11 =	vadd.f32 v11, v14;
	v9 =	vadd.f32 v17, v9;
	v10 =	vmul.f32 $5.000000000e-01, v10  }
0x184: {  	v61 =	vld [tilespmem:s0+$0x6160]  }
0x185: {  	v15 =	vmul.f32 v37, v41;
	v11 =	vadd.f32 v12, v11;
	v9 =	vmul.f32 $5.000000000e-01, v9;
	[tilespmem:s0+$0x10050] =	vst v10;
	v10 =	vld [tilespmem:s0+$0x4160]  }
0x186: {  	v52 =	vld [tilespmem:s2+$0x14860]  }
0x187: {  	v11 =	vadd.f32 v15, v11;
	[tilespmem:s0+$0x100D0] =	vst v9;
	v9 =	vld [tilespmem:s2+$0x148E0]  }
0x188: {  	v56 =	vld [tilespmem:s2+$0x14960]  }
0x189: {  	v4 =	vmul.f32 v8, v4;
	v11 =	vmul.f32 $5.000000000e-01, v11;
	v8 =	vld [tilespmem:s2+$0x149E0]  }
0x18a: {  	v53 =	vld [tilespmem:s4+$0x14860]  }
0x18b: {  	[tilespmem:s0+$0x10150] =	vst v11;
	v11 =	vld [tilespmem:s4+$0x148E0]  }
0x18c: {  	v57 =	vld [tilespmem:s4+$0x14960]  }
0x18d: {  	v1 =	vmul.f32 v7, v1;
	v54 =	vld [tilespmem:s22+$0x14860]  }
0x18e: {  	v55 =	vld [tilespmem:s22+$0x148E0]  }
0x18f: {  	v2 =	vmul.f32 v5, v2;
	v1 =	vadd.f32 v4, v1;
	v7 =	vld [tilespmem:s22+$0x14960]  }
0x190: {  	v3 =	vmul.f32 v6, v3;
	v6 =	vld [tilespmem:s22+$0x149E0]  }
0x191: {  	v1 =	vadd.f32 v2, v1;
	v2 =	vmul.f32 v52, v43;
	v4 =	vmul.f32 v9, v44;
	v9 =	vld [tilespmem:s0+$0x6060]  }
0x192: {  	v5 =	vld [tilespmem:s4+$0x149E0];
	v58 =	vmul.f32 v53, v46;
	v11 =	vmul.f32 v11, v47  }
0x193: {  	v60 =	vadd.f32 v3, v1;
	v3 =	vmul.f32 v54, v48;
	v12 =	vmul.f32 v55, v49  }
0x194: {  	v1 =	vld [tilespmem:s0+$0x70];
	v62 =	vmul.f32 v56, v50;
	v63 =	vmul.f32 v57, v51;
	v4 =	vadd.f32 v4, v2  }
0x195: {  	v7 =	vmul.f32 v7, v10;
	v2 =	vld [tilespmem:s0+$0x2070];
	v11 =	vadd.f32 v11, v58;
	v12 =	vadd.f32 v12, v3  }
0x196: {  	v13 =	vmul.f32 v6, v61;
	v6 =	vld [tilespmem:s0+$0x2170];
	v10 =	vadd.f32 v62, v4;
	v8 =	vmul.f32 v8, v9  }
0x197: {  	v3 =	vld [tilespmem:s0+$0xF0];
	v11 =	vadd.f32 v63, v11;
	v12 =	vadd.f32 v7, v12;
	v7 =	vmul.f32 v5, v59  }
0x198: {  	v4 =	vld [tilespmem:s0+$0x20F0];
	v9 =	vmul.f32 $5.000000000e-01, v60;
	v10 =	vadd.f32 v8, v10  }
0x199: {  	v5 =	vld [tilespmem:s0+$0x170];
	v8 =	vadd.f32 v7, v11  }
0x19a: {  	s12 =	simm.s32 $0x15806;
	s10 =	simm.s32 $0x0;
	s9 =	simm.s32 $0x0;
	[tilespmem:s0+$0x101F0] =	vst v9;
	v7 =	vld [tilespmem:s0+$0x4070];
	v9 =	vmul.f32 $5.000000000e-01, v10;
	v10 =	vadd.f32 v13, v12  }
.LBB2_4:
0x19b: {  	v11 =	vld [tilespmem:s12+$0x1];
	v8 =	vmul.f32 $5.000000000e-01, v8  }
0x19c: {  	v12 =	vld [tilespmem:s12+$0xFFFFFFFF];
	[tilespmem:s0+$0x10060] =	vst v9;
	v9 =	vmul.f32 $5.000000000e-01, v10  }
0x19d: {  	v10 =	vld [tilespmem:s12+$0x0];
	[tilespmem:s0+$0x100E0] =	vst v8  }
0x19e: {  	v8 =	vld [tilespmem:s12+$0xFFFFFFFE];
	[tilespmem:s0+$0x10160] =	vst v9  }
0x19f: {  	v9 =	vld [tilespmem:s2+$0x14870]  }
0x1a0: {  	(v2sf) =	vpush v11, $0x0;
	v11 =	vld [tilespmem:s2+$0x148F0]  }
0x1a1: {  	(v2sf) =	vpush v12, $0x0;
	v12 =	vld [tilespmem:s4+$0x14870]  }
0x1a2: {  	(v2sf) =	vpush v10, $0x0;
	v10 =	vld [tilespmem:s4+$0x148F0]  }
0x1a3: {  	s10 =	sadd.s32 $0x4, s10;
	(v2sf) =	vpush v8, $0x0;
	v8 =	vld [tilespmem:s22+$0x14870]  }
0x1a4: {  	p3 =	slt.u32 s10, $0x3C;
	v1 =	vmul.f32 v9, v1;
	v9 =	vld [tilespmem:s22+$0x148F0]  }
0x1a5: {  	v2 =	vmul.f32 v11, v2;
	v11 =	vld [tilespmem:s2+$0x14970]  }
0x1a6: {  	v3 =	vmul.f32 v12, v3;
	v12 =	vld [tilespmem:s4+$0x14970]  }
0x1a7: {  	v1 =	vadd.f32 v2, v1;
	v2 =	vmul.f32 v10, v4;
	v4 =	vld [tilespmem:s22+$0x14970]  }
0x1a8: {  	v10 =	vld [tilespmem:s0+$0x40F0];
	v5 =	vmul.f32 v8, v5  }
0x1a9: {  	v2 =	vadd.f32 v2, v3;
	v3 =	vmul.f32 v9, v6;
	v6 =	vld [tilespmem:s0+$0x4170]  }
0x1aa: {  	v7 =	vmul.f32 v11, v7;
	v8 =	vld [tilespmem:s2+$0x149F0]  }
0x1ab: {  	v9 =	vld [tilespmem:s4+$0x149F0];
	v3 =	vadd.f32 v3, v5  }
0x1ac: {  	v1 =	vadd.f32 v7, v1;
	v5 =	vld [tilespmem:s22+$0x149F0]  }
0x1ad: {  	v7 =	vld [tilespmem:s0+$0x6070];
	v10 =	vmul.f32 v12, v10  }
0x1ae: {  	s9 =	sadd.s32 $0x800, s9;
	v11 =	vld [tilespmem:s0+$0x60F0];
	v4 =	vmul.f32 v4, v6  }
0x1af: {  	s14 =	sshra.s32 s9, $0x2;
	s2 =	spop (v2sf);
	v2 =	vadd.f32 v10, v2;
	v6 =	vld [tilespmem:s0+$0x6170]  }
0x1b0: {  	v10 =	vld [tilespmem:s14+$0x180];
	s2 =	sshll.u32 s2, $0xB;
	s4 =	spop (v2sf);
	v3 =	vadd.f32 v4, v3  }
0x1b1: {  	s4 =	sshll.u32 s4, $0xB;
	s13 =	sshra.s32 s2, $0x2;
	v4 =	vld [tilespmem:s14+$0x2180];
	s2 =	spop (v2sf)  }
0x1b2: {  	s4 =	sshra.s32 s4, $0x2;
	s2 =	sshll.u32 s2, $0xB;
	v12 =	vld [tilespmem:s13+$0x14800];
	s22 =	spop (v2sf);
	v7 =	vmul.f32 v8, v7  }
0x1b3: {  	s15 =	sshll.u32 s22, $0xB;
	s22 =	sshra.s32 s2, $0x2;
	v8 =	vld [tilespmem:s13+$0x14880];
	v9 =	vmul.f32 v9, v11  }
0x1b4: {  	s2 =	sshra.s32 s15, $0x2;
	v11 =	vld [tilespmem:s14+$0x4180];
	v1 =	vadd.f32 v7, v1;
	v5 =	vmul.f32 v5, v6  }
0x1b5: {  	v6 =	vld [tilespmem:s13+$0x14900];
	v2 =	vadd.f32 v9, v2  }
0x1b6: {  	v7 =	vld [tilespmem:s14+$0x6180];
	v1 =	vmul.f32 $5.000000000e-01, v1;
	v3 =	vadd.f32 v5, v3  }
0x1b7: {  	v5 =	vld [tilespmem:s13+$0x14980];
	v2 =	vmul.f32 $5.000000000e-01, v2  }
0x1b8: {  	v10 =	vmul.f32 v12, v10;
	v9 =	vld [tilespmem:s2+$0x14800];
	v4 =	vmul.f32 v8, v4;
	[tilespmem:s0+$0x10070] =	vst v1  }
0x1b9: {  	v1 =	vld [tilespmem:s2+$0x14880];
	[tilespmem:s0+$0x100F0] =	vst v2;
	v2 =	vmul.f32 $5.000000000e-01, v3  }
0x1ba: {  	v3 =	vld [tilespmem:s4+$0x14800];
	v4 =	vadd.f32 v4, v10;
	v6 =	vmul.f32 v6, v11  }
0x1bb: {  	v8 =	vld [tilespmem:s4+$0x14880];
	[tilespmem:s0+$0x10170] =	vst v2;
	s0 =	smov.u32 s14  }
0x1bc: {  	v2 =	vld [tilespmem:s22+$0x14800];
	v4 =	vadd.f32 v6, v4;
	v5 =	vmul.f32 v5, v7  }
0x1bd: {  	v6 =	vld [tilespmem:s22+$0x14880]  }
0x1be: {  	v7 =	vld [tilespmem:s0+$0x0];
	v4 =	vadd.f32 v5, v4  }
0x1bf: {  	v5 =	vld [tilespmem:s0+$0x2000]  }
0x1c0: {  	v10 =	vld [tilespmem:s0+$0x80];
	v4 =	vmul.f32 $5.000000000e-01, v4  }
0x1c1: {  	v11 =	vld [tilespmem:s0+$0x190]  }
0x1c2: {  	[tilespmem:s0+$0x10180] =	vst v4;
	v4 =	vld [tilespmem:s0+$0x2190]  }
0x1c3: {  	v7 =	vmul.f32 v9, v7;
	v9 =	vld [tilespmem:s13+$0x14810]  }
0x1c4: {  	v1 =	vmul.f32 v1, v5;
	v5 =	vld [tilespmem:s13+$0x14890]  }
0x1c5: {  	v3 =	vmul.f32 v3, v10;
	v10 =	vld [tilespmem:s0+$0x4190]  }
0x1c6: {  	v1 =	vadd.f32 v1, v7;
	v7 =	vld [tilespmem:s13+$0x14910]  }
0x1c7: {  	v12 =	vld [tilespmem:s0+$0x6190]  }
0x1c8: {  	v13 =	vld [tilespmem:s13+$0x14990]  }
0x1c9: {  	v9 =	vmul.f32 v9, v11;
	v14 =	vld [tilespmem:s0+$0x2080];
	v4 =	vmul.f32 v5, v4  }
0x1ca: {  	v5 =	vld [tilespmem:s0+$0x100]  }
0x1cb: {  	v11 =	vld [tilespmem:s0+$0x2100];
	v4 =	vadd.f32 v4, v9;
	v7 =	vmul.f32 v7, v10  }
0x1cc: {  	v9 =	vld [tilespmem:s2+$0x14900]  }
0x1cd: {  	v10 =	vld [tilespmem:s4+$0x14900];
	v4 =	vadd.f32 v7, v4;
	v7 =	vmul.f32 v13, v12  }
0x1ce: {  	v8 =	vmul.f32 v8, v14;
	v12 =	vld [tilespmem:s22+$0x14900]  }
0x1cf: {  	v13 =	vld [tilespmem:s0+$0x4000];
	v2 =	vmul.f32 v2, v5;
	v4 =	vadd.f32 v7, v4  }
0x1d0: {  	v3 =	vadd.f32 v8, v3;
	v5 =	vld [tilespmem:s0+$0x4080];
	v6 =	vmul.f32 v6, v11  }
0x1d1: {  	v7 =	vld [tilespmem:s0+$0x4100];
	v4 =	vmul.f32 $5.000000000e-01, v4  }
0x1d2: {  	v2 =	vadd.f32 v6, v2;
	v6 =	vld [tilespmem:s0+$0x1A0]  }
0x1d3: {  	[tilespmem:s0+$0x10190] =	vst v4;
	v4 =	vld [tilespmem:s0+$0x21A0]  }
0x1d4: {  	v8 =	vmul.f32 v9, v13;
	v9 =	vld [tilespmem:s13+$0x14820]  }
0x1d5: {  	v5 =	vmul.f32 v10, v5;
	v10 =	vld [tilespmem:s13+$0x148A0]  }
0x1d6: {  	v1 =	vadd.f32 v8, v1;
	v7 =	vmul.f32 v12, v7;
	v8 =	vld [tilespmem:s0+$0x41A0]  }
0x1d7: {  	v3 =	vadd.f32 v5, v3;
	v5 =	vld [tilespmem:s13+$0x14920]  }
0x1d8: {  	v2 =	vadd.f32 v7, v2;
	v7 =	vld [tilespmem:s0+$0x61A0]  }
0x1d9: {  	v11 =	vld [tilespmem:s13+$0x149A0]  }
0x1da: {  	v6 =	vmul.f32 v9, v6;
	v12 =	vld [tilespmem:s2+$0x14980];
	v4 =	vmul.f32 v10, v4  }
0x1db: {  	v9 =	vld [tilespmem:s4+$0x14980]  }
0x1dc: {  	v10 =	vld [tilespmem:s22+$0x14980];
	v4 =	vadd.f32 v4, v6;
	v5 =	vmul.f32 v5, v8  }
0x1dd: {  	v6 =	vld [tilespmem:s0+$0x6000]  }
0x1de: {  	v8 =	vld [tilespmem:s0+$0x6080];
	v4 =	vadd.f32 v5, v4;
	v5 =	vmul.f32 v11, v7  }
0x1df: {  	v7 =	vld [tilespmem:s0+$0x6100]  }
0x1e0: {  	v11 =	vld [tilespmem:s0+$0x10];
	v4 =	vadd.f32 v5, v4  }
0x1e1: {  	v5 =	vld [tilespmem:s0+$0x2010]  }
0x1e2: {  	v6 =	vmul.f32 v12, v6;
	v12 =	vld [tilespmem:s0+$0x90];
	v4 =	vmul.f32 $5.000000000e-01, v4  }
0x1e3: {  	v8 =	vmul.f32 v9, v8;
	v9 =	vld [tilespmem:s0+$0x1B0]  }
0x1e4: {  	v1 =	vadd.f32 v6, v1;
	v6 =	vmul.f32 v10, v7;
	[tilespmem:s0+$0x101A0] =	vst v4;
	v4 =	vld [tilespmem:s0+$0x21B0]  }
0x1e5: {  	v3 =	vadd.f32 v8, v3;
	v7 =	vld [tilespmem:s13+$0x14830]  }
0x1e6: {  	v1 =	vmul.f32 $5.000000000e-01, v1;
	v2 =	vadd.f32 v6, v2;
	v6 =	vld [tilespmem:s13+$0x148B0]  }
0x1e7: {  	v3 =	vmul.f32 $5.000000000e-01, v3;
	v8 =	vld [tilespmem:s0+$0x41B0]  }
0x1e8: {  	[tilespmem:s0+$0x10000] =	vst v1;
	v1 =	vmul.f32 $5.000000000e-01, v2;
	v2 =	vld [tilespmem:s13+$0x14930]  }
0x1e9: {  	[tilespmem:s0+$0x10080] =	vst v3;
	v3 =	vld [tilespmem:s0+$0x61B0]  }
0x1ea: {  	[tilespmem:s0+$0x10100] =	vst v1;
	v1 =	vld [tilespmem:s13+$0x149B0]  }
0x1eb: {  	v7 =	vmul.f32 v7, v9;
	v10 =	vld [tilespmem:s2+$0x14810];
	v4 =	vmul.f32 v6, v4  }
0x1ec: {  	v6 =	vld [tilespmem:s2+$0x14890]  }
0x1ed: {  	v9 =	vld [tilespmem:s4+$0x14810];
	v4 =	vadd.f32 v4, v7;
	v2 =	vmul.f32 v2, v8  }
0x1ee: {  	v7 =	vld [tilespmem:s4+$0x14890]  }
0x1ef: {  	v8 =	vld [tilespmem:s22+$0x14810];
	v2 =	vadd.f32 v2, v4;
	v1 =	vmul.f32 v1, v3  }
0x1f0: {  	v3 =	vmul.f32 v10, v11;
	v4 =	vld [tilespmem:s22+$0x14890]  }
0x1f1: {  	v5 =	vmul.f32 v6, v5;
	v6 =	vld [tilespmem:s0+$0x2090];
	v1 =	vadd.f32 v1, v2  }
0x1f2: {  	v2 =	vmul.f32 v9, v12;
	v9 =	vld [tilespmem:s0+$0x110]  }
0x1f3: {  	v3 =	vadd.f32 v5, v3;
	v5 =	vld [tilespmem:s0+$0x2110];
	v1 =	vmul.f32 $5.000000000e-01, v1  }
0x1f4: {  	v10 =	vld [tilespmem:s0+$0x1C0]  }
0x1f5: {  	[tilespmem:s0+$0x101B0] =	vst v1;
	v1 =	vld [tilespmem:s0+$0x21C0]  }
0x1f6: {  	v6 =	vmul.f32 v7, v6;
	v7 =	vld [tilespmem:s13+$0x14840]  }
0x1f7: {  	v8 =	vmul.f32 v8, v9;
	v9 =	vld [tilespmem:s13+$0x148C0]  }
0x1f8: {  	v2 =	vadd.f32 v6, v2;
	v4 =	vmul.f32 v4, v5;
	v5 =	vld [tilespmem:s0+$0x41C0]  }
0x1f9: {  	v6 =	vld [tilespmem:s13+$0x14940]  }
0x1fa: {  	v4 =	vadd.f32 v4, v8;
	v8 =	vld [tilespmem:s0+$0x61C0]  }
0x1fb: {  	v11 =	vld [tilespmem:s13+$0x149C0]  }
0x1fc: {  	v7 =	vmul.f32 v7, v10;
	v12 =	vld [tilespmem:s2+$0x14910];
	v1 =	vmul.f32 v9, v1  }
0x1fd: {  	v9 =	vld [tilespmem:s4+$0x14910]  }
0x1fe: {  	v10 =	vld [tilespmem:s22+$0x14910];
	v1 =	vadd.f32 v1, v7;
	v5 =	vmul.f32 v6, v5  }
0x1ff: {  	v6 =	vld [tilespmem:s0+$0x4010]  }
0x200: {  	v7 =	vld [tilespmem:s0+$0x4090];
	v1 =	vadd.f32 v5, v1;
	v5 =	vmul.f32 v11, v8  }
0x201: {  	v8 =	vld [tilespmem:s0+$0x4110]  }
0x202: {  	v11 =	vld [tilespmem:s2+$0x14990];
	v1 =	vadd.f32 v5, v1  }
0x203: {  	v5 =	vld [tilespmem:s4+$0x14990]  }
0x204: {  	v6 =	vmul.f32 v12, v6;
	v12 =	vld [tilespmem:s22+$0x14990];
	v1 =	vmul.f32 $5.000000000e-01, v1  }
0x205: {  	v7 =	vmul.f32 v9, v7;
	v9 =	vld [tilespmem:s0+$0x1D0]  }
0x206: {  	v3 =	vadd.f32 v6, v3;
	v6 =	vmul.f32 v10, v8;
	[tilespmem:s0+$0x101C0] =	vst v1;
	v1 =	vld [tilespmem:s0+$0x21D0]  }
0x207: {  	v2 =	vadd.f32 v7, v2;
	v7 =	vld [tilespmem:s13+$0x14850]  }
0x208: {  	v4 =	vadd.f32 v6, v4;
	v6 =	vld [tilespmem:s13+$0x148D0]  }
0x209: {  	v8 =	vld [tilespmem:s0+$0x41D0]  }
0x20a: {  	v10 =	vld [tilespmem:s13+$0x14950]  }
0x20b: {  	v13 =	vld [tilespmem:s0+$0x61D0]  }
0x20c: {  	v14 =	vld [tilespmem:s13+$0x149D0]  }
0x20d: {  	v7 =	vmul.f32 v7, v9;
	v15 =	vld [tilespmem:s0+$0x6010];
	v1 =	vmul.f32 v6, v1  }
0x20e: {  	v6 =	vld [tilespmem:s0+$0x6090]  }
0x20f: {  	v9 =	vld [tilespmem:s0+$0x6110];
	v1 =	vadd.f32 v1, v7;
	v7 =	vmul.f32 v10, v8  }
0x210: {  	v8 =	vld [tilespmem:s0+$0x20]  }
0x211: {  	v10 =	vld [tilespmem:s0+$0x2020];
	v1 =	vadd.f32 v7, v1;
	v7 =	vmul.f32 v14, v13  }
0x212: {  	v11 =	vmul.f32 v11, v15;
	v13 =	vld [tilespmem:s0+$0xA0]  }
0x213: {  	v5 =	vmul.f32 v5, v6;
	v6 =	vld [tilespmem:s0+$0x20A0];
	v1 =	vadd.f32 v7, v1  }
0x214: {  	v3 =	vadd.f32 v11, v3;
	v7 =	vmul.f32 v12, v9;
	v9 =	vld [tilespmem:s0+$0x120]  }
0x215: {  	v2 =	vadd.f32 v5, v2;
	v5 =	vld [tilespmem:s0+$0x2120];
	v1 =	vmul.f32 $5.000000000e-01, v1  }
0x216: {  	v3 =	vmul.f32 $5.000000000e-01, v3;
	v4 =	vadd.f32 v7, v4;
	v7 =	vld [tilespmem:s0+$0x1E0]  }
0x217: {  	v2 =	vmul.f32 $5.000000000e-01, v2;
	[tilespmem:s0+$0x101D0] =	vst v1;
	v1 =	vld [tilespmem:s0+$0x21E0]  }
0x218: {  	[tilespmem:s0+$0x10010] =	vst v3;
	v3 =	vmul.f32 $5.000000000e-01, v4;
	v4 =	vld [tilespmem:s13+$0x14860]  }
0x219: {  	[tilespmem:s0+$0x10090] =	vst v2;
	v2 =	vld [tilespmem:s13+$0x148E0]  }
0x21a: {  	[tilespmem:s0+$0x10110] =	vst v3;
	v3 =	vld [tilespmem:s0+$0x41E0]  }
0x21b: {  	v11 =	vld [tilespmem:s13+$0x14960]  }
0x21c: {  	v12 =	vld [tilespmem:s0+$0x61E0]  }
0x21d: {  	v14 =	vld [tilespmem:s13+$0x149E0]  }
0x21e: {  	v4 =	vmul.f32 v4, v7;
	v15 =	vld [tilespmem:s2+$0x14820];
	v1 =	vmul.f32 v2, v1  }
0x21f: {  	v2 =	vld [tilespmem:s2+$0x148A0]  }
0x220: {  	v7 =	vld [tilespmem:s4+$0x14820];
	v1 =	vadd.f32 v1, v4;
	v3 =	vmul.f32 v11, v3  }
0x221: {  	v4 =	vld [tilespmem:s4+$0x148A0]  }
0x222: {  	v11 =	vld [tilespmem:s22+$0x14820];
	v1 =	vadd.f32 v3, v1;
	v3 =	vmul.f32 v14, v12  }
0x223: {  	v8 =	vmul.f32 v15, v8;
	v12 =	vld [tilespmem:s22+$0x148A0]  }
0x224: {  	v2 =	vmul.f32 v2, v10;
	v10 =	vld [tilespmem:s2+$0x14920];
	v1 =	vadd.f32 v3, v1  }
0x225: {  	v3 =	vmul.f32 v7, v13;
	v7 =	vld [tilespmem:s4+$0x14920]  }
0x226: {  	v2 =	vadd.f32 v2, v8;
	v4 =	vmul.f32 v4, v6;
	v6 =	vld [tilespmem:s22+$0x14920];
	v1 =	vmul.f32 $5.000000000e-01, v1  }
0x227: {  	v8 =	vmul.f32 v11, v9;
	v9 =	vld [tilespmem:s0+$0x1F0]  }
0x228: {  	v3 =	vadd.f32 v4, v3;
	v4 =	vmul.f32 v12, v5;
	[tilespmem:s0+$0x101E0] =	vst v1;
	v1 =	vld [tilespmem:s0+$0x21F0]  }
0x229: {  	v5 =	vld [tilespmem:s13+$0x14870]  }
0x22a: {  	v4 =	vadd.f32 v4, v8;
	v8 =	vld [tilespmem:s13+$0x148F0]  }
0x22b: {  	v11 =	vld [tilespmem:s0+$0x41F0]  }
0x22c: {  	v12 =	vld [tilespmem:s13+$0x14970]  }
0x22d: {  	v13 =	vld [tilespmem:s0+$0x61F0]  }
0x22e: {  	v14 =	vld [tilespmem:s13+$0x149F0]  }
0x22f: {  	v5 =	vmul.f32 v5, v9;
	v15 =	vld [tilespmem:s0+$0x4020];
	v1 =	vmul.f32 v8, v1  }
0x230: {  	v8 =	vld [tilespmem:s0+$0x40A0]  }
0x231: {  	v9 =	vld [tilespmem:s0+$0x4120];
	v1 =	vadd.f32 v1, v5;
	v5 =	vmul.f32 v12, v11  }
0x232: {  	v11 =	vld [tilespmem:s2+$0x149A0]  }
0x233: {  	v12 =	vld [tilespmem:s4+$0x149A0];
	v1 =	vadd.f32 v5, v1;
	v5 =	vmul.f32 v14, v13  }
0x234: {  	v10 =	vmul.f32 v10, v15;
	v13 =	vld [tilespmem:s22+$0x149A0]  }
0x235: {  	v14 =	vld [tilespmem:s0+$0x6020];
	v7 =	vmul.f32 v7, v8;
	v1 =	vadd.f32 v5, v1  }
0x236: {  	v2 =	vadd.f32 v10, v2;
	v5 =	vld [tilespmem:s0+$0x60A0];
	v6 =	vmul.f32 v6, v9  }
0x237: {  	v3 =	vadd.f32 v7, v3;
	v7 =	vld [tilespmem:s0+$0x6120];
	v1 =	vmul.f32 $5.000000000e-01, v1  }
0x238: {  	v8 =	vld [tilespmem:s0+$0x30];
	v4 =	vadd.f32 v6, v4  }
0x239: {  	v6 =	vld [tilespmem:s0+$0x2030];
	[tilespmem:s0+$0x101F0] =	vst v1  }
0x23a: {  	v1 =	vmul.f32 v11, v14;
	v9 =	vld [tilespmem:s0+$0xB0]  }
0x23b: {  	v5 =	vmul.f32 v12, v5;
	v10 =	vld [tilespmem:s0+$0x20B0]  }
0x23c: {  	v1 =	vadd.f32 v1, v2;
	v2 =	vmul.f32 v13, v7;
	v7 =	vld [tilespmem:s0+$0x130]  }
0x23d: {  	v3 =	vadd.f32 v5, v3;
	v5 =	vld [tilespmem:s0+$0x2130]  }
0x23e: {  	v1 =	vmul.f32 $5.000000000e-01, v1;
	v11 =	vld [tilespmem:s0+$0x4030];
	v2 =	vadd.f32 v2, v4  }
0x23f: {  	v3 =	vmul.f32 $5.000000000e-01, v3;
	v4 =	vld [tilespmem:s0+$0x40B0]  }
0x240: {  	[tilespmem:s0+$0x10020] =	vst v1;
	v1 =	vmul.f32 $5.000000000e-01, v2;
	v2 =	vld [tilespmem:s0+$0x4130]  }
0x241: {  	v12 =	vld [tilespmem:s2+$0x14830];
	[tilespmem:s0+$0x100A0] =	vst v3  }
0x242: {  	v3 =	vld [tilespmem:s2+$0x148B0];
	[tilespmem:s0+$0x10120] =	vst v1  }
0x243: {  	v1 =	vld [tilespmem:s4+$0x14830]  }
0x244: {  	v13 =	vld [tilespmem:s4+$0x148B0]  }
0x245: {  	v14 =	vld [tilespmem:s22+$0x14830]  }
0x246: {  	v8 =	vmul.f32 v12, v8;
	v12 =	vld [tilespmem:s22+$0x148B0]  }
0x247: {  	v3 =	vmul.f32 v3, v6;
	v6 =	vld [tilespmem:s2+$0x14930]  }
0x248: {  	v1 =	vmul.f32 v1, v9;
	v9 =	vld [tilespmem:s4+$0x14930]  }
0x249: {  	v3 =	vadd.f32 v3, v8;
	v8 =	vmul.f32 v13, v10;
	v10 =	vld [tilespmem:s22+$0x14930]  }
0x24a: {  	v13 =	vld [tilespmem:s2+$0x149B0];
	v7 =	vmul.f32 v14, v7  }
0x24b: {  	v1 =	vadd.f32 v8, v1;
	v8 =	vld [tilespmem:s4+$0x149B0];
	v5 =	vmul.f32 v12, v5  }
0x24c: {  	v6 =	vmul.f32 v6, v11;
	v11 =	vld [tilespmem:s22+$0x149B0]  }
0x24d: {  	v12 =	vld [tilespmem:s0+$0x6030];
	v4 =	vmul.f32 v9, v4;
	v5 =	vadd.f32 v5, v7  }
0x24e: {  	v3 =	vadd.f32 v6, v3;
	v6 =	vld [tilespmem:s0+$0x60B0];
	v2 =	vmul.f32 v10, v2  }
0x24f: {  	v1 =	vadd.f32 v4, v1;
	v4 =	vld [tilespmem:s0+$0x6130]  }
0x250: {  	v7 =	vld [tilespmem:s0+$0x40];
	v2 =	vadd.f32 v2, v5  }
0x251: {  	v5 =	vld [tilespmem:s0+$0x2040]  }
0x252: {  	v9 =	vmul.f32 v13, v12;
	v10 =	vld [tilespmem:s0+$0xC0]  }
0x253: {  	v6 =	vmul.f32 v8, v6;
	v8 =	vld [tilespmem:s0+$0x20C0]  }
0x254: {  	v3 =	vadd.f32 v9, v3;
	v4 =	vmul.f32 v11, v4;
	v9 =	vld [tilespmem:s0+$0x140]  }
0x255: {  	v1 =	vadd.f32 v6, v1;
	v6 =	vld [tilespmem:s0+$0x2140]  }
0x256: {  	v3 =	vmul.f32 $5.000000000e-01, v3;
	v11 =	vld [tilespmem:s0+$0x4040];
	v2 =	vadd.f32 v4, v2  }
0x257: {  	v1 =	vmul.f32 $5.000000000e-01, v1;
	v4 =	vld [tilespmem:s0+$0x40C0]  }
0x258: {  	[tilespmem:s0+$0x10030] =	vst v3;
	v2 =	vmul.f32 $5.000000000e-01, v2;
	v3 =	vld [tilespmem:s0+$0x4140]  }
0x259: {  	v12 =	vld [tilespmem:s2+$0x14840];
	[tilespmem:s0+$0x100B0] =	vst v1  }
0x25a: {  	v1 =	vld [tilespmem:s2+$0x148C0];
	[tilespmem:s0+$0x10130] =	vst v2  }
0x25b: {  	v2 =	vld [tilespmem:s4+$0x14840]  }
0x25c: {  	v13 =	vld [tilespmem:s4+$0x148C0]  }
0x25d: {  	v14 =	vld [tilespmem:s22+$0x14840]  }
0x25e: {  	v7 =	vmul.f32 v12, v7;
	v12 =	vld [tilespmem:s22+$0x148C0]  }
0x25f: {  	v1 =	vmul.f32 v1, v5;
	v5 =	vld [tilespmem:s2+$0x14940]  }
0x260: {  	v2 =	vmul.f32 v2, v10;
	v10 =	vld [tilespmem:s4+$0x14940]  }
0x261: {  	v1 =	vadd.f32 v1, v7;
	v7 =	vmul.f32 v13, v8;
	v8 =	vld [tilespmem:s22+$0x14940]  }
0x262: {  	v13 =	vld [tilespmem:s2+$0x149C0];
	v9 =	vmul.f32 v14, v9  }
0x263: {  	v2 =	vadd.f32 v7, v2;
	v7 =	vld [tilespmem:s4+$0x149C0];
	v6 =	vmul.f32 v12, v6  }
0x264: {  	v5 =	vmul.f32 v5, v11;
	v11 =	vld [tilespmem:s22+$0x149C0]  }
0x265: {  	v12 =	vld [tilespmem:s0+$0x6040];
	v4 =	vmul.f32 v10, v4;
	v6 =	vadd.f32 v6, v9  }
0x266: {  	v1 =	vadd.f32 v5, v1;
	v5 =	vld [tilespmem:s0+$0x60C0];
	v3 =	vmul.f32 v8, v3  }
0x267: {  	v2 =	vadd.f32 v4, v2;
	v4 =	vld [tilespmem:s0+$0x6140]  }
0x268: {  	v8 =	vld [tilespmem:s0+$0x50];
	v3 =	vadd.f32 v3, v6  }
0x269: {  	v6 =	vld [tilespmem:s0+$0x2050]  }
0x26a: {  	v9 =	vmul.f32 v13, v12;
	v10 =	vld [tilespmem:s0+$0xD0]  }
0x26b: {  	v5 =	vmul.f32 v7, v5;
	v7 =	vld [tilespmem:s0+$0x20D0]  }
0x26c: {  	v1 =	vadd.f32 v9, v1;
	v4 =	vmul.f32 v11, v4;
	v9 =	vld [tilespmem:s0+$0x150]  }
0x26d: {  	v2 =	vadd.f32 v5, v2;
	v5 =	vld [tilespmem:s0+$0x2150]  }
0x26e: {  	v1 =	vmul.f32 $5.000000000e-01, v1;
	v11 =	vld [tilespmem:s0+$0x4050];
	v3 =	vadd.f32 v4, v3  }
0x26f: {  	v2 =	vmul.f32 $5.000000000e-01, v2;
	v4 =	vld [tilespmem:s0+$0x40D0]  }
0x270: {  	[tilespmem:s0+$0x10040] =	vst v1;
	v1 =	vmul.f32 $5.000000000e-01, v3;
	v3 =	vld [tilespmem:s0+$0x4150]  }
0x271: {  	v12 =	vld [tilespmem:s2+$0x14850];
	[tilespmem:s0+$0x100C0] =	vst v2  }
0x272: {  	v2 =	vld [tilespmem:s2+$0x148D0];
	[tilespmem:s0+$0x10140] =	vst v1  }
0x273: {  	v1 =	vld [tilespmem:s4+$0x14850]  }
0x274: {  	v13 =	vld [tilespmem:s4+$0x148D0]  }
0x275: {  	v14 =	vld [tilespmem:s22+$0x14850]  }
0x276: {  	v8 =	vmul.f32 v12, v8;
	v12 =	vld [tilespmem:s22+$0x148D0]  }
0x277: {  	v2 =	vmul.f32 v2, v6;
	v6 =	vld [tilespmem:s2+$0x14950]  }
0x278: {  	v1 =	vmul.f32 v1, v10;
	v10 =	vld [tilespmem:s4+$0x14950]  }
0x279: {  	v2 =	vadd.f32 v2, v8;
	v7 =	vmul.f32 v13, v7;
	v8 =	vld [tilespmem:s22+$0x14950]  }
0x27a: {  	v13 =	vld [tilespmem:s2+$0x149D0];
	v9 =	vmul.f32 v14, v9  }
0x27b: {  	v1 =	vadd.f32 v7, v1;
	v7 =	vld [tilespmem:s4+$0x149D0];
	v5 =	vmul.f32 v12, v5  }
0x27c: {  	v6 =	vmul.f32 v6, v11;
	v11 =	vld [tilespmem:s22+$0x149D0]  }
0x27d: {  	v12 =	vld [tilespmem:s0+$0x6050];
	v4 =	vmul.f32 v10, v4;
	v5 =	vadd.f32 v5, v9  }
0x27e: {  	v2 =	vadd.f32 v6, v2;
	v6 =	vld [tilespmem:s0+$0x60D0];
	v3 =	vmul.f32 v8, v3  }
0x27f: {  	v1 =	vadd.f32 v4, v1;
	v4 =	vld [tilespmem:s0+$0x6150]  }
0x280: {  	v8 =	vld [tilespmem:s0+$0x60];
	v3 =	vadd.f32 v3, v5  }
0x281: {  	v5 =	vld [tilespmem:s0+$0x2060]  }
0x282: {  	v9 =	vmul.f32 v13, v12;
	v10 =	vld [tilespmem:s0+$0xE0]  }
0x283: {  	v6 =	vmul.f32 v7, v6;
	v7 =	vld [tilespmem:s0+$0x20E0]  }
0x284: {  	v2 =	vadd.f32 v9, v2;
	v4 =	vmul.f32 v11, v4;
	v9 =	vld [tilespmem:s0+$0x160]  }
0x285: {  	v1 =	vadd.f32 v6, v1;
	v6 =	vld [tilespmem:s0+$0x2160]  }
0x286: {  	v2 =	vmul.f32 $5.000000000e-01, v2;
	v11 =	vld [tilespmem:s0+$0x4060];
	v3 =	vadd.f32 v4, v3  }
0x287: {  	v1 =	vmul.f32 $5.000000000e-01, v1;
	v4 =	vld [tilespmem:s0+$0x40E0]  }
0x288: {  	[tilespmem:s0+$0x10050] =	vst v2;
	v2 =	vmul.f32 $5.000000000e-01, v3;
	v3 =	vld [tilespmem:s0+$0x4160]  }
0x289: {  	v12 =	vld [tilespmem:s2+$0x14860];
	[tilespmem:s0+$0x100D0] =	vst v1  }
0x28a: {  	v1 =	vld [tilespmem:s2+$0x148E0];
	[tilespmem:s0+$0x10150] =	vst v2  }
0x28b: {  	v2 =	vld [tilespmem:s4+$0x14860]  }
0x28c: {  	v13 =	vld [tilespmem:s4+$0x148E0]  }
0x28d: {  	v14 =	vld [tilespmem:s22+$0x14860]  }
0x28e: {  	v8 =	vmul.f32 v12, v8;
	v12 =	vld [tilespmem:s22+$0x148E0]  }
0x28f: {  	v1 =	vmul.f32 v1, v5;
	v5 =	vld [tilespmem:s2+$0x14960]  }
0x290: {  	v2 =	vmul.f32 v2, v10;
	v10 =	vld [tilespmem:s4+$0x14960]  }
0x291: {  	v1 =	vadd.f32 v1, v8;
	v7 =	vmul.f32 v13, v7;
	v8 =	vld [tilespmem:s22+$0x14960]  }
0x292: {  	v13 =	vld [tilespmem:s2+$0x149E0];
	v9 =	vmul.f32 v14, v9  }
0x293: {  	v2 =	vadd.f32 v7, v2;
	v7 =	vld [tilespmem:s4+$0x149E0];
	v6 =	vmul.f32 v12, v6  }
0x294: {  	v5 =	vmul.f32 v5, v11;
	v11 =	vld [tilespmem:s22+$0x149E0]  }
0x295: {  	v12 =	vld [tilespmem:s0+$0x6060];
	v4 =	vmul.f32 v10, v4;
	v6 =	vadd.f32 v6, v9  }
0x296: {  	v5 =	vadd.f32 v5, v1;
	v9 =	vld [tilespmem:s0+$0x60E0];
	v3 =	vmul.f32 v8, v3  }
0x297: {  	v8 =	vadd.f32 v4, v2;
	v10 =	vld [tilespmem:s0+$0x6160]  }
0x298: {  	v1 =	vld [tilespmem:s0+$0x70];
	v14 =	vadd.f32 v3, v6  }
0x299: {  	v2 =	vld [tilespmem:s0+$0x2070]  }
.Ltmp5:
0x29a: {  	v6 =	vmul.f32 v13, v12;
	v3 =	vld [tilespmem:s0+$0xF0];
	(pc) =	sbr.rel @p3 .LBB2_4-.Ltmp5, $4  }
0x29b: {  	v7 =	vmul.f32 v7, v9;
	v4 =	vld [tilespmem:s0+$0x20F0]  }
0x29c: {  	v9 =	vadd.f32 v6, v5;
	v10 =	vmul.f32 v11, v10;
	v5 =	vld [tilespmem:s0+$0x170]  }
0x29d: {  	v8 =	vadd.f32 v7, v8;
	v6 =	vld [tilespmem:s0+$0x2170]  }
0x29e: {  	s12 =	sadd.s32 $0x4, s12;
	v9 =	vmul.f32 $5.000000000e-01, v9;
	v7 =	vld [tilespmem:s0+$0x4070];
	v10 =	vadd.f32 v10, v14  }
0x29f: {  	v17 =	vld [tilespmem:s0+$0x40F0]  }
0x2a0: {  	v18 =	vld [tilespmem:s0+$0x4170]  }
0x2a1: {  	v56 =	vld [tilespmem:s0+$0x6070]  }
0x2a2: {  	v57 =	vld [tilespmem:s0+$0x60F0]  }
0x2a3: {  	v58 =	vld [tilespmem:s0+$0x6170];
	[tilespmem:s0+$0x10060] =	vst v9  }
0x2a4: {  	v9 =	vld [tilespmem:s2+$0x14870]  }
0x2a5: {  	v8 =	vmul.f32 $5.000000000e-01, v8;
	v54 =	vld [tilespmem:s2+$0x148F0]  }
0x2a6: {  	v14 =	vld [tilespmem:s2+$0x14970]  }
0x2a7: {  	v10 =	vmul.f32 $5.000000000e-01, v10;
	[tilespmem:s0+$0x100E0] =	vst v8;
	v19 =	vld [tilespmem:s2+$0x149F0]  }
0x2a8: {  	v11 =	vld [tilespmem:s4+$0x14870]  }
0x2a9: {  	[tilespmem:s0+$0x10160] =	vst v10;
	v55 =	vld [tilespmem:s4+$0x148F0]  }
0x2aa: {  	v12 =	vld [tilespmem:s22+$0x14870]  }
0x2ab: {  	v13 =	vld [tilespmem:s22+$0x148F0]  }
0x2ac: {  	v15 =	vld [tilespmem:s4+$0x14970]  }
0x2ad: {  	v16 =	vld [tilespmem:s22+$0x14970];
	v1 =	vmul.f32 v9, v1  }
0x2ae: {  	v20 =	vld [tilespmem:s4+$0x149F0];
	v2 =	vmul.f32 v54, v2;
	v3 =	vmul.f32 v11, v3  }
0x2af: {  	v21 =	vld [tilespmem:s22+$0x149F0];
	v4 =	vmul.f32 v55, v4;
	v5 =	vmul.f32 v12, v5  }
0x2b0: {  	v6 =	vmul.f32 v13, v6;
	v1 =	vadd.f32 v2, v1;
	v2 =	vmul.f32 v14, v7  }
0x2b1: {  	v61 =	vmul.f32 v19, v56;
	v60 =	vmul.f32 v15, v17;
	v3 =	vadd.f32 v4, v3  }
0x2b2: {  	v59 =	vadd.f32 v6, v5;
	v1 =	vadd.f32 v2, v1;
	v2 =	vmul.f32 v16, v18  }
0x2b3: {  	v62 =	vmul.f32 v20, v57;
	v3 =	vadd.f32 v60, v3  }
0x2b4: {  	v63 =	vmul.f32 v21, v58;
	v2 =	vadd.f32 v2, v59;
	v1 =	vadd.f32 v61, v1  }
0x2b5: {  	v3 =	vadd.f32 v62, v3  }
0x2b6: {  	v1 =	vmul.f32 $5.000000000e-01, v1;
	v2 =	vadd.f32 v63, v2  }
0x2b7: {  	s22 =	sshll.u32 s31, $0x6;
	v3 =	vmul.f32 $5.000000000e-01, v3  }
0x2b8: {  	s2 =	smin.u32 s22, $0x18660;
	[tilespmem:s0+$0x10070] =	vst v1;
	v1 =	vmul.f32 $5.000000000e-01, v2  }
0x2b9: {  	s2 =	sshll.u32 s2, $0x4;
	[tilespmem:s0+$0x100F0] =	vst v3  }
0x2ba: {  	s31 =	sadd.s32 s3, s2;
	[tilespmem:s0+$0x10170] =	vst v1;
	s0 =	simm.s32 @!p1 $0x2  }
0x2bb: {  	[hbm4b:s31+s5] =	stream.linear.scatter [tilespmem:s24], [sflag:$0x3], $0x2000, $0x38;
	[tilespmem:$0x15880] =	vst v63  }
0x2bc: {  	_ =	swait.ge @!p1 [sflag:s0], $0x2000  }
0x2bd: {  	[sflag:s0] =	ssyncset.done @!p1 $0x0  }
0x2be: {  	[sflag:s0] =	ssyncadd.s32 @!p1 $0xFFFFE000  }
0x2bf: {  	_ =	swait.ge @!p1 [sflag:s0], $0x2000  }
0x2c0: {  	[sflag:s0] =	ssyncset.done @!p1 $0x0  }
0x2c1: {  	[sflag:s0] =	ssyncadd.s32 @!p1 $0xFFFFE000  }
0x2c2: {  	_ =	swait.ge @!p1 [sflag:s0], $0x2000  }
0x2c3: {  	[sflag:s0] =	ssyncset.done @!p1 $0x0  }
0x2c4: {  	[sflag:s0] =	ssyncadd.s32 @!p1 $0xFFFFE000  }
0x2c5: {  	_ =	swait.ge @!p1 [sflag:s0], $0x2000  }
0x2c6: {  	[sflag:s0] =	ssyncset.done @!p1 $0x0  }
0x2c7: {  	[sflag:s0] =	ssyncadd.s32 @!p1 $0xFFFFE000  }
0x2c8: {  	_ =	swait.ge @!p1 [sflag:s0], $0x40  }
0x2c9: {  	[sflag:s0] =	ssyncset.done @!p1 $0x0  }
0x2ca: {  	[sflag:s0] =	ssyncadd.s32 @!p1 $0xFFFFFFC0  }
0x2cb: {  	_ =	swait.ge @!p1 [sflag:s0], $0x40  }
0x2cc: {  	[sflag:s0] =	ssyncset.done @!p1 $0x0  }
0x2cd: {  	[sflag:s0] =	ssyncadd.s32 @!p1 $0xFFFFFFC0  }
0x2ce: {  	_ =	swait.ge @!p1 [sflag:s0], $0x40  }
0x2cf: {  	[sflag:s0] =	ssyncset.done @!p1 $0x0  }
0x2d0: {  	[sflag:s0] =	ssyncadd.s32 @!p1 $0xFFFFFFC0  }
0x2d1: {  	_ =	swait.ge @!p1 [sflag:s0], $0x40  }
0x2d2: {  	[sflag:s0] =	ssyncset.done @!p1 $0x0  }
0x2d3: {  	[sflag:s0] =	ssyncadd.s32 @!p1 $0xFFFFFFC0  }
0x2d4: {  	_ =	swait.ge @!p1 [sflag:s0], $0x40  }
0x2d5: {  	[sflag:s0] =	ssyncset.done @!p1 $0x0  }
0x2d6: {  	[sflag:s0] =	ssyncadd.s32 @!p1 $0xFFFFFFC0  }
0x2d7: {  	_ =	swait.ge @!p1 [sflag:s0], $0x40  }
0x2d8: {  	[sflag:s0] =	ssyncset.done @!p1 $0x0  }
0x2d9: {  	[sflag:s0] =	ssyncadd.s32 @!p1 $0xFFFFFFC0  }
0x2da: {  	_ =	swait.ge @!p1 [sflag:s0], $0x40  }
0x2db: {  	[sflag:s0] =	ssyncset.done @!p1 $0x0  }
0x2dc: {  	[sflag:s0] =	ssyncadd.s32 @!p1 $0xFFFFFFC0  }
0x2dd: {  	_ =	swait.ge @!p1 [sflag:s0], $0x40  }
0x2de: {  	[sflag:s0] =	ssyncset.done @!p1 $0x0  }
0x2df: {  	[sflag:s0] =	ssyncadd.s32 @!p1 $0xFFFFFFC0  }
.LBB2_6:
0x2e0: {  	s0 =	sadd.s32 s20, s30  }
0x2e1: {  	p3 =	sgt.u32 s0, $0x61A  }
0x2e2: {  	s0 =	sshll.u32 @!p3 s0, $0x6  }
0x2e3: {  	s0 =	smin.u32 @!p3 s0, $0x18660  }
0x2e4: {  	s2 =	sshll.u32 @!p3 s0, $0x4  }
0x2e5: {  	s4 =	simm.s32 @!p3 $0x0;
	s2 =	sadd.s32 @!p3 s1, s2  }
0x2e6: {  	[tilespmem:s4], [sflag:$0x1] =	stream.linear.gather @!p3 [hbm4b:s2+s4], $0x2000, $0x38;
	[tilespmem:$0x15880] =	vst v63  }
0x2e7: {  	s10 =	simm.s32 @!p3 $0x2000;
	s9 =	sadd.s32 @!p3 $0x186A00, s2  }
0x2e8: {  	[tilespmem:s10], [sflag:$0x1] =	stream.linear.gather @!p3 [hbm4b:s9+s4], $0x2000, $0x38;
	[tilespmem:$0x15880] =	vst v63  }
0x2e9: {  	s9 =	sadd.s32 @!p3 $0x30D400, s2;
	s10 =	simm.s32 @!p3 $0x4000  }
0x2ea: {  	[tilespmem:s10], [sflag:$0x1] =	stream.linear.gather @!p3 [hbm4b:s9+s4], $0x2000, $0x38;
	[tilespmem:$0x15880] =	vst v63  }
0x2eb: {  	s0 =	sshrl.u32 @!p3 s0, $0x3;
	s2 =	sadd.s32 @!p3 $0x493E00, s2;
	s9 =	simm.s32 @!p3 $0x6000  }
0x2ec: {  	[tilespmem:s9], [sflag:$0x1] =	stream.linear.gather @!p3 [hbm4b:s2+s4], $0x2000, $0x38;
	[tilespmem:$0x15880] =	vst v63  }
0x2ed: {  	s0 =	sadd.s32 @!p3 s7, s0;
	s2 =	simm.s32 @!p3 $0x14000  }
0x2ee: {  	[tilespmem:s2], [sflag:$0x1] =	stream.linear.gather @!p3 [hbm4b:s0+s4], $0x40, $0x38;
	[tilespmem:$0x15880] =	vst v63  }
0x2ef: {  	s9 =	simm.s32 @!p3 $0x14080;
	s2 =	sadd.s32 @!p3 $0x30D4, s0  }
0x2f0: {  	[tilespmem:s9], [sflag:$0x1] =	stream.linear.gather @!p3 [hbm4b:s2+s4], $0x40, $0x38;
	[tilespmem:$0x15880] =	vst v63  }
0x2f1: {  	s2 =	sadd.s32 @!p3 $0x61A8, s0;
	s9 =	simm.s32 @!p3 $0x14100  }
0x2f2: {  	[tilespmem:s9], [sflag:$0x1] =	stream.linear.gather @!p3 [hbm4b:s2+s4], $0x40, $0x38;
	[tilespmem:$0x15880] =	vst v63  }
0x2f3: {  	s2 =	sadd.s32 @!p3 $0x927C, s0;
	s9 =	simm.s32 @!p3 $0x14180  }
0x2f4: {  	[tilespmem:s9], [sflag:$0x1] =	stream.linear.gather @!p3 [hbm4b:s2+s4], $0x40, $0x38;
	[tilespmem:$0x15880] =	vst v63  }
0x2f5: {  	s2 =	sadd.s32 @!p3 $0xC350, s0;
	s9 =	simm.s32 @!p3 $0x14200  }
0x2f6: {  	[tilespmem:s9], [sflag:$0x1] =	stream.linear.gather @!p3 [hbm4b:s2+s4], $0x40, $0x38;
	[tilespmem:$0x15880] =	vst v63  }
0x2f7: {  	s2 =	sadd.s32 @!p3 $0xF424, s0;
	s9 =	simm.s32 @!p3 $0x14280  }
0x2f8: {  	[tilespmem:s9], [sflag:$0x1] =	stream.linear.gather @!p3 [hbm4b:s2+s4], $0x40, $0x38;
	[tilespmem:$0x15880] =	vst v63  }
0x2f9: {  	s2 =	sadd.s32 @!p3 $0x124F8, s0;
	s9 =	simm.s32 @!p3 $0x14300  }
0x2fa: {  	[tilespmem:s9], [sflag:$0x1] =	stream.linear.gather @!p3 [hbm4b:s2+s4], $0x40, $0x38;
	[tilespmem:$0x15880] =	vst v63  }
0x2fb: {  	s0 =	sadd.s32 @!p3 $0x155CC, s0;
	s2 =	simm.s32 @!p3 $0x14380  }
0x2fc: {  	[tilespmem:s2], [sflag:$0x1] =	stream.linear.gather @!p3 [hbm4b:s0+s4], $0x40, $0x38;
	[tilespmem:$0x15880] =	vst v63  }
.Ltmp6:
0x2fd: {  	_ = 	snop;
	(pc) =	sbr.rel @p1 .LBB2_10-.Ltmp6, $4  }
0x2fe: {  	s0 =	simm.s32 @!p2 $0x4  }
0x2ff: {  	_ =	swait.ge @!p2 [sflag:s0], $0x2000  }
0x300: {  	[sflag:s0] =	ssyncset.done @!p2 $0x0  }
0x301: {  	[sflag:s0] =	ssyncadd.s32 @!p2 $0xFFFFE000  }
0x302: {  	v1 =	vld [tilespmem:$0x14400]  }
0x303: {  	v2 =	vld [tilespmem:$0x14480]  }
0x304: {  	v3 =	vld [tilespmem:$0x14500]  }
0x305: {  	v4 =	vld [tilespmem:$0x14580]  }
0x306: {  	v5 =	vld [tilespmem:$0x14600]  }
0x307: {  	v6 =	vld [tilespmem:$0x14680]  }
0x308: {  	v8 =	vld [tilespmem:$0x14410]  }
0x309: {  	v9 =	vld [tilespmem:$0x14490]  }
0x30a: {  	v7 =	vld [tilespmem:$0x14700];
	vm0 =	vgt.f32 v2, v1  }
0x30b: {  	v10 =	vld [tilespmem:$0x14510];
	v1 =	vsel vm0, v2, v1  }
0x30c: {  	v11 =	vld [tilespmem:$0x14610];
	vm1 =	vgt.f32 v3, v1  }
0x30d: {  	v36 =	vld [tilespmem:$0x14430];
	v1 =	vsel vm1, v3, v1  }
0x30e: {  	vm3 =	vgt.f32 v9, v8;
	v3 =	vld [tilespmem:$0x14590];
	vm2 =	vgt.f32 v4, v1  }
0x30f: {  	v2 =	vld [tilespmem:$0x14780];
	v8 =	vsel vm3, v9, v8;
	v1 =	vsel vm2, v4, v1  }
0x310: {  	v12 =	vsel vm0, $0x1, v0;
	v9 =	vld [tilespmem:$0x14710];
	vm11 =	vgt.f32 v10, v8;
	vm10 =	vgt.f32 v5, v1  }
0x311: {  	v12 =	vsel vm1, $0x2, v12;
	v8 =	vsel vm11, v10, v8;
	v10 =	vld [tilespmem:$0x14420];
	v1 =	vsel vm10, v5, v1  }
0x312: {  	v4 =	vld [tilespmem:$0x14690];
	v12 =	vsel vm2, $0x3, v12;
	vm12 =	vgt.f32 v6, v1  }
0x313: {  	v12 =	vsel vm10, $0x4, v12;
	vm13 =	vgt.f32 v3, v8;
	v1 =	vsel vm12, v6, v1;
	v6 =	vld [tilespmem:$0x144A0]  }
0x314: {  	v5 =	vld [tilespmem:$0x14790];
	v12 =	vsel vm12, $0x5, v12;
	v3 =	vsel vm13, v3, v8;
	vm14 =	vgt.f32 v7, v1  }
0x315: {  	v8 =	vld [tilespmem:$0x14520];
	vm15 =	vgt.f32 v11, v3;
	v1 =	vsel vm14, v7, v1;
	v7 =	vsel vm14, $0x6, v12  }
0x316: {  	vm4 =	vgt.f32 v2, v1;
	v1 =	vsel vm3, $0x1, v0;
	v2 =	vsel vm15, v11, v3;
	v3 =	vld [tilespmem:$0x144B0]  }
0x317: {  	v11 =	vld [tilespmem:$0x145A0];
	v7 =	vsel vm4, $0x7, v7;
	v1 =	vsel vm11, $0x2, v1;
	vm7 =	vgt.f32 v4, v2  }
0x318: {  	v1 =	vsel vm13, $0x3, v1;
	v2 =	vsel vm7, v4, v2;
	vm8 =	vgt.f32 v6, v10;
	v4 =	vld [tilespmem:$0x14530]  }
0x319: {  	v1 =	vsel vm15, $0x4, v1;
	vm9 =	vgt.f32 v9, v2;
	v6 =	vsel vm8, v6, v10;
	v10 =	vld [tilespmem:$0x14620]  }
0x31a: {  	v1 =	vsel vm7, $0x5, v1;
	v2 =	vsel vm9, v9, v2;
	vm10 =	vgt.f32 v8, v6;
	v9 =	vld [tilespmem:$0x145B0]  }
0x31b: {  	v1 =	vsel vm9, $0x6, v1;
	v6 =	vsel vm10, v8, v6;
	v8 =	vld [tilespmem:$0x146A0];
	vm11 =	vgt.f32 v3, v36  }
0x31c: {  	vm12 =	vgt.f32 v5, v2;
	vm13 =	vgt.f32 v11, v6;
	v2 =	vsel vm11, v3, v36;
	v3 =	vld [tilespmem:$0x14630]  }
0x31d: {  	v1 =	vsel vm12, $0x7, v1;
	v5 =	vsel vm13, v11, v6;
	v6 =	vld [tilespmem:$0x14720];
	vm14 =	vgt.f32 v4, v2  }
0x31e: {  	v11 =	vsel vm8, $0x1, v0;
	vm15 =	vgt.f32 v10, v5;
	v2 =	vsel vm14, v4, v2;
	v4 =	vld [tilespmem:$0x146B0]  }
0x31f: {  	v11 =	vsel vm10, $0x2, v11;
	v5 =	vsel vm15, v10, v5;
	vm8 =	vgt.f32 v9, v2  }
0x320: {  	v10 =	vsel vm13, $0x3, v11;
	vm9 =	vgt.f32 v8, v5;
	v2 =	vsel vm8, v9, v2;
	v9 =	vld [tilespmem:$0x14730]  }
0x321: {  	v11 =	vsel vm11, $0x1, v0;
	v5 =	vsel vm9, v8, v5;
	v8 =	vld [tilespmem:$0x147A0];
	vm10 =	vgt.f32 v3, v2  }
0x322: {  	v10 =	vsel vm15, $0x4, v10;
	v11 =	vsel vm14, $0x2, v11;
	v2 =	vsel vm10, v3, v2;
	v3 =	vld [tilespmem:$0x147B0]  }
0x323: {  	v10 =	vsel vm9, $0x5, v10;
	vm11 =	vgt.f32 v6, v5;
	vm12 =	vgt.f32 v4, v2  }
0x324: {  	v11 =	vsel vm8, $0x3, v11;
	v5 =	vsel vm11, v6, v5;
	v2 =	vsel vm12, v4, v2  }
0x325: {  	v6 =	vsel vm10, $0x4, v11;
	v4 =	vsel vm11, $0x6, v10;
	vm13 =	vgt.f32 v9, v2  }
0x326: {  	[tilespmem:$0x15800] =	vst v7;
	v6 =	vsel vm12, $0x5, v6;
	vm14 =	vgt.f32 v8, v5;
	v2 =	vsel vm13, v9, v2  }
0x327: {  	[tilespmem:$0x15810] =	vst v1;
	v1 =	vsel vm13, $0x6, v6;
	v4 =	vsel vm14, $0x7, v4;
	vm15 =	vgt.f32 v3, v2  }
0x328: {  	[tilespmem:$0x15820] =	vst v4;
	v1 =	vsel vm15, $0x7, v1  }
0x329: {  	s0 =	simm.s32 $0x15802;
	[tilespmem:$0x15830] =	vst v1  }
0x32a: {  	v1 =	vld [tilespmem:s0+$0x1];
	_ =	sdelay $0x4  }
0x32b: {  	v2 =	vld [tilespmem:s0+$0x0];
	(v2sf) =	vpush v1, $0x0  }
0x32c: {  	v3 =	vld [tilespmem:s0+$0xFFFFFFFE]  }
0x32d: {  	v1 =	vld [tilespmem:s0+$0xFFFFFFFF];
	s0 =	simm.s32 $0x0  }
0x32e: {  	v5 =	vld [tilespmem:s0+$0xC180]  }
0x32f: {  	v7 =	vld [tilespmem:s0+$0xE180]  }
0x330: {  	v9 =	vld [tilespmem:s0+$0xC190]  }
0x331: {  	v11 =	vld [tilespmem:s0+$0xE190]  }
0x332: {  	v38 =	vld [tilespmem:s0+$0x8100]  }
0x333: {  	v15 =	vld [tilespmem:s0+$0x81A0]  }
0x334: {  	v19 =	vld [tilespmem:s0+$0xC1A0]  }
0x335: {  	v21 =	vld [tilespmem:s0+$0xE1A0]  }
0x336: {  	v39 =	vld [tilespmem:s0+$0xC000]  }
0x337: {  	v40 =	vld [tilespmem:s0+$0xC080]  }
0x338: {  	v42 =	vld [tilespmem:s0+$0xC100]  }
0x339: {  	v47 =	vld [tilespmem:s0+$0xE000]  }
0x33a: {  	v24 =	vld [tilespmem:s0+$0xE080];
	s2 =	spop (v2sf)  }
0x33b: {  	(v2sf) =	vpush v1, $0x0;
	v1 =	vld [tilespmem:s0+$0x8180];
	s2 =	sshll.u32 s2, $0xB  }
0x33c: {  	(v2sf) =	vpush v2, $0x0;
	v2 =	vld [tilespmem:s0+$0xA180];
	s9 =	sshra.s32 s2, $0x2  }
0x33d: {  	(v2sf) =	vpush v3, $0x0;
	v3 =	vld [tilespmem:s9+$0x14800]  }
0x33e: {  	v4 =	vld [tilespmem:s9+$0x14880]  }
0x33f: {  	v25 =	vld [tilespmem:s0+$0x81B0]  }
0x340: {  	v6 =	vld [tilespmem:s9+$0x14900]  }
0x341: {  	v26 =	vld [tilespmem:s0+$0xE100]  }
0x342: {  	v8 =	vld [tilespmem:s9+$0x14980]  }
0x343: {  	v48 =	vld [tilespmem:s0+$0xE1B0];
	v1 =	vmul.f32 v3, v1;
	v2 =	vmul.f32 v4, v2  }
0x344: {  	v51 =	vld [tilespmem:s0+$0xC1C0]  }
0x345: {  	v53 =	vld [tilespmem:s0+$0xE1C0];
	v1 =	vadd.f32 v2, v1;
	v2 =	vmul.f32 v6, v5  }
0x346: {  	v55 =	vld [tilespmem:s0+$0xA090]  }
0x347: {  	v56 =	vld [tilespmem:s0+$0x8110];
	v1 =	vadd.f32 v2, v1;
	v2 =	vmul.f32 v8, v7  }
0x348: {  	v57 =	vld [tilespmem:s0+$0xA110]  }
0x349: {  	v61 =	vld [tilespmem:s0+$0xC010];
	v1 =	vadd.f32 v2, v1  }
0x34a: {  	v62 =	vld [tilespmem:s0+$0xC110]  }
0x34b: {  	v63 =	vld [tilespmem:s0+$0x81D0];
	v1 =	vmul.f32 $5.000000000e-01, v1  }
0x34c: {  	v5 =	vld [tilespmem:s0+$0x8190]  }
0x34d: {  	[tilespmem:s0+$0x12180] =	vst v1;
	v1 =	vld [tilespmem:s0+$0xA190]  }
0x34e: {  	v7 =	vld [tilespmem:s9+$0x14810]  }
0x34f: {  	v8 =	vld [tilespmem:s9+$0x14890]  }
0x350: {  	v35 =	vld [tilespmem:s0+$0xC1D0]  }
0x351: {  	s4 =	spop (v2sf);
	v10 =	vld [tilespmem:s9+$0x14910]  }
0x352: {  	v30 =	vld [tilespmem:s0+$0xE020];
	s4 =	sshll.u32 s4, $0xB  }
0x353: {  	s4 =	sshra.s32 s4, $0x2;
	v37 =	vld [tilespmem:s9+$0x14990]  }
0x354: {  	s10 =	spop (v2sf);
	v4 =	vld [tilespmem:s4+$0x14800];
	v5 =	vmul.f32 v7, v5;
	v1 =	vmul.f32 v8, v1  }
0x355: {  	s10 =	sshll.u32 s10, $0xB;
	v16 =	vld [tilespmem:s4+$0x14900]  }
0x356: {  	s22 =	sshra.s32 s10, $0x2;
	v45 =	vld [tilespmem:s4+$0x14980];
	v1 =	vadd.f32 v1, v5;
	v5 =	vmul.f32 v10, v9  }
0x357: {  	s31 =	spop (v2sf);
	v13 =	vld [tilespmem:s22+$0x14800]  }
0x358: {  	s2 =	sshll.u32 s31, $0xB;
	v23 =	vld [tilespmem:s22+$0x14900];
	v1 =	vadd.f32 v5, v1;
	v5 =	vmul.f32 v37, v11  }
0x359: {  	s2 =	sshra.s32 s2, $0x2;
	v46 =	vld [tilespmem:s22+$0x14980]  }
0x35a: {  	v3 =	vld [tilespmem:s2+$0x14800];
	v1 =	vadd.f32 v5, v1  }
0x35b: {  	v6 =	vld [tilespmem:s4+$0x14880]  }
0x35c: {  	v7 =	vld [tilespmem:s22+$0x14880];
	v1 =	vmul.f32 $5.000000000e-01, v1  }
0x35d: {  	v10 =	vld [tilespmem:s0+$0x8080]  }
0x35e: {  	[tilespmem:s0+$0x12190] =	vst v1;
	v1 =	vld [tilespmem:s0+$0xA1A0]  }
0x35f: {  	v17 =	vld [tilespmem:s9+$0x14820]  }
0x360: {  	v18 =	vld [tilespmem:s9+$0x148A0]  }
0x361: {  	v11 =	vld [tilespmem:s0+$0xA080]  }
0x362: {  	v20 =	vld [tilespmem:s9+$0x14920]  }
0x363: {  	v5 =	vld [tilespmem:s0+$0xA100]  }
0x364: {  	v22 =	vld [tilespmem:s9+$0x149A0]  }
0x365: {  	v14 =	vld [tilespmem:s2+$0x14900];
	v15 =	vmul.f32 v17, v15;
	v1 =	vmul.f32 v18, v1  }
0x366: {  	v43 =	vld [tilespmem:s2+$0x14980]  }
0x367: {  	v2 =	vld [tilespmem:s2+$0x14880];
	v4 =	vmul.f32 v4, v10;
	v41 =	vmul.f32 v20, v19;
	v1 =	vadd.f32 v1, v15  }
0x368: {  	v8 =	vld [tilespmem:s0+$0x8000];
	v10 =	vmul.f32 v13, v38;
	v6 =	vmul.f32 v6, v11  }
0x369: {  	v9 =	vld [tilespmem:s0+$0xA000];
	v5 =	vmul.f32 v7, v5;
	v44 =	vmul.f32 v22, v21;
	v1 =	vadd.f32 v41, v1  }
0x36a: {  	v37 =	vld [tilespmem:s0+$0xE1D0];
	v4 =	vadd.f32 v6, v4;
	v7 =	vmul.f32 v16, v40  }
0x36b: {  	v6 =	vld [tilespmem:s0+$0xC1B0];
	v5 =	vadd.f32 v5, v10;
	v1 =	vadd.f32 v44, v1  }
0x36c: {  	v10 =	vmul.f32 v23, v42;
	v4 =	vadd.f32 v7, v4;
	v7 =	vmul.f32 v45, v24;
	v42 =	vld [tilespmem:s0+$0xE110]  }
0x36d: {  	v45 =	vld [tilespmem:s0+$0xA020];
	v1 =	vmul.f32 $5.000000000e-01, v1  }
0x36e: {  	v4 =	vadd.f32 v7, v4;
	v7 =	vld [tilespmem:s0+$0xA010]  }
0x36f: {  	v2 =	vmul.f32 v2, v9;
	[tilespmem:s0+$0x121A0] =	vst v1;
	v1 =	vmul.f32 v3, v8;
	v3 =	vld [tilespmem:s0+$0xA1B0]  }
0x370: {  	v5 =	vadd.f32 v10, v5;
	v10 =	vmul.f32 v46, v26;
	v8 =	vld [tilespmem:s9+$0x14830]  }
0x371: {  	v9 =	vld [tilespmem:s9+$0x148B0];
	v1 =	vadd.f32 v2, v1;
	v2 =	vmul.f32 v14, v39  }
0x372: {  	v46 =	vld [tilespmem:s0+$0xA0A0];
	v5 =	vadd.f32 v10, v5  }
0x373: {  	v4 =	vmul.f32 $5.000000000e-01, v4;
	v11 =	vld [tilespmem:s9+$0x14930];
	v1 =	vadd.f32 v2, v1;
	v2 =	vmul.f32 v43, v47  }
0x374: {  	v10 =	vld [tilespmem:s0+$0x81C0]  }
0x375: {  	v5 =	vmul.f32 $5.000000000e-01, v5;
	[tilespmem:s0+$0x12080] =	vst v4;
	v1 =	vadd.f32 v2, v1;
	v2 =	vld [tilespmem:s9+$0x149B0]  }
0x376: {  	v59 =	vld [tilespmem:s4+$0x14910];
	v8 =	vmul.f32 v8, v25;
	v3 =	vmul.f32 v9, v3  }
0x377: {  	v28 =	vld [tilespmem:s4+$0x14990]  }
0x378: {  	v41 =	vld [tilespmem:s0+$0xE090];
	[tilespmem:s0+$0x12100] =	vst v5;
	v6 =	vmul.f32 v11, v6;
	v3 =	vadd.f32 v3, v8  }
0x379: {  	v5 =	vld [tilespmem:s22+$0x14810]  }
0x37a: {  	v60 =	vld [tilespmem:s22+$0x14910];
	v3 =	vadd.f32 v6, v3;
	v2 =	vmul.f32 v2, v48  }
0x37b: {  	v38 =	vld [tilespmem:s22+$0x14990]  }
0x37c: {  	v44 =	vld [tilespmem:s0+$0x8020];
	v2 =	vadd.f32 v2, v3  }
0x37d: {  	v39 =	vld [tilespmem:s0+$0xE010]  }
0x37e: {  	v47 =	vld [tilespmem:s0+$0x8120];
	v2 =	vmul.f32 $5.000000000e-01, v2  }
0x37f: {  	v9 =	vld [tilespmem:s0+$0x8010]  }
0x380: {  	[tilespmem:s0+$0x121B0] =	vst v2;
	v2 =	vld [tilespmem:s0+$0xA1C0]  }
0x381: {  	v49 =	vld [tilespmem:s9+$0x14840]  }
0x382: {  	v50 =	vld [tilespmem:s9+$0x148C0]  }
0x383: {  	v11 =	vld [tilespmem:s22+$0x14890]  }
0x384: {  	v52 =	vld [tilespmem:s9+$0x14940]  }
0x385: {  	v1 =	vmul.f32 $5.000000000e-01, v1;
	v8 =	vld [tilespmem:s0+$0x8090]  }
0x386: {  	v54 =	vld [tilespmem:s9+$0x149C0]  }
0x387: {  	[tilespmem:s0+$0x12000] =	vst v1;
	v6 =	vld [tilespmem:s4+$0x14810];
	v10 =	vmul.f32 v49, v10;
	v2 =	vmul.f32 v50, v2  }
0x388: {  	v1 =	vld [tilespmem:s2+$0x14810]  }
0x389: {  	v4 =	vld [tilespmem:s2+$0x14890];
	v2 =	vadd.f32 v2, v10;
	v10 =	vmul.f32 v52, v51  }
0x38a: {  	v58 =	vld [tilespmem:s2+$0x14910]  }
0x38b: {  	v32 =	vld [tilespmem:s2+$0x14990];
	v2 =	vadd.f32 v10, v2;
	v10 =	vmul.f32 v54, v53  }
0x38c: {  	v48 =	vld [tilespmem:s0+$0xE1E0]  }
0x38d: {  	v3 =	vld [tilespmem:s4+$0x14890];
	v2 =	vadd.f32 v10, v2  }
0x38e: {  	v1 =	vmul.f32 v1, v9;
	v9 =	vld [tilespmem:s0+$0x80A0];
	v4 =	vmul.f32 v4, v7  }
0x38f: {  	v7 =	vld [tilespmem:s0+$0x81E0];
	v2 =	vmul.f32 $5.000000000e-01, v2  }
0x390: {  	v1 =	vadd.f32 v4, v1;
	v4 =	vmul.f32 v58, v61;
	v58 =	vld [tilespmem:s0+$0xC020]  }
0x391: {  	[tilespmem:s0+$0x121C0] =	vst v2;
	v2 =	vld [tilespmem:s0+$0xA1D0]  }
0x392: {  	v6 =	vmul.f32 v6, v8;
	v3 =	vmul.f32 v3, v55;
	v33 =	vld [tilespmem:s9+$0x14850]  }
0x393: {  	v1 =	vadd.f32 v4, v1;
	v4 =	vmul.f32 v32, v39;
	v34 =	vld [tilespmem:s9+$0x148D0]  }
0x394: {  	v3 =	vadd.f32 v3, v6;
	v6 =	vld [tilespmem:s0+$0xA1E0]  }
0x395: {  	v1 =	vadd.f32 v4, v1;
	v36 =	vld [tilespmem:s9+$0x14950]  }
0x396: {  	v32 =	vld [tilespmem:s0+$0xE120]  }
0x397: {  	v1 =	vmul.f32 $5.000000000e-01, v1;
	v27 =	vld [tilespmem:s9+$0x149D0]  }
0x398: {  	v4 =	vld [tilespmem:s0+$0xC1E0];
	v20 =	vmul.f32 v33, v63;
	v2 =	vmul.f32 v34, v2  }
0x399: {  	v50 =	vld [tilespmem:s0+$0xA120];
	[tilespmem:s0+$0x12010] =	vst v1  }
0x39a: {  	v55 =	vld [tilespmem:s2+$0x14920];
	v40 =	vmul.f32 v36, v35;
	v2 =	vadd.f32 v2, v20  }
0x39b: {  	v61 =	vld [tilespmem:s2+$0x149A0]  }
0x39c: {  	v10 =	vld [tilespmem:s0+$0xC090];
	v43 =	vmul.f32 v27, v37;
	v2 =	vadd.f32 v40, v2  }
0x39d: {  	v63 =	vld [tilespmem:s0+$0xE0A0]  }
0x39e: {  	v33 =	vld [tilespmem:s0+$0x8030];
	v2 =	vadd.f32 v43, v2  }
0x39f: {  	v34 =	vld [tilespmem:s0+$0xA030]  }
0x3a0: {  	v36 =	vld [tilespmem:s0+$0x80B0];
	v2 =	vmul.f32 $5.000000000e-01, v2  }
0x3a1: {  	v40 =	vld [tilespmem:s0+$0xA130]  }
0x3a2: {  	[tilespmem:s0+$0x121D0] =	vst v2;
	v2 =	vmul.f32 v5, v56;
	v5 =	vmul.f32 v59, v10;
	v59 =	vld [tilespmem:s0+$0xC0A0]  }
0x3a3: {  	v10 =	vld [tilespmem:s9+$0x14860]  }
0x3a4: {  	v8 =	vmul.f32 v11, v57;
	v11 =	vld [tilespmem:s9+$0x148E0]  }
0x3a5: {  	v49 =	vld [tilespmem:s9+$0x149E0];
	v3 =	vadd.f32 v5, v3  }
0x3a6: {  	v5 =	vmul.f32 v28, v41;
	v2 =	vadd.f32 v8, v2;
	v8 =	vmul.f32 v60, v62;
	v60 =	vld [tilespmem:s0+$0xC120]  }
0x3a7: {  	v41 =	vld [tilespmem:s0+$0xC030]  }
0x3a8: {  	v3 =	vadd.f32 v5, v3;
	v5 =	vld [tilespmem:s9+$0x14960]  }
0x3a9: {  	v2 =	vadd.f32 v8, v2;
	v8 =	vmul.f32 v38, v42;
	v38 =	vld [tilespmem:s0+$0xA0B0]  }
0x3aa: {  	v42 =	vld [tilespmem:s0+$0xC0B0];
	v3 =	vmul.f32 $5.000000000e-01, v3  }
0x3ab: {  	v1 =	vmul.f32 v10, v7;
	v10 =	vld [tilespmem:s2+$0x14820]  }
0x3ac: {  	v6 =	vmul.f32 v11, v6;
	v11 =	vld [tilespmem:s2+$0x148A0];
	[tilespmem:s0+$0x12090] =	vst v3  }
0x3ad: {  	v2 =	vadd.f32 v8, v2;
	v51 =	vld [tilespmem:s4+$0x14820]  }
0x3ae: {  	v52 =	vld [tilespmem:s4+$0x148A0]  }
0x3af: {  	v2 =	vmul.f32 $5.000000000e-01, v2;
	v56 =	vld [tilespmem:s4+$0x14920]  }
0x3b0: {  	v3 =	vmul.f32 v5, v4;
	v4 =	vld [tilespmem:s0+$0xA1F0]  }
0x3b1: {  	v62 =	vld [tilespmem:s4+$0x149A0];
	[tilespmem:s0+$0x12110] =	vst v2  }
0x3b2: {  	v53 =	vld [tilespmem:s22+$0x14820]  }
0x3b3: {  	v1 =	vadd.f32 v6, v1;
	v54 =	vld [tilespmem:s22+$0x148A0]  }
0x3b4: {  	v57 =	vld [tilespmem:s22+$0x14920]  }
0x3b5: {  	v1 =	vadd.f32 v3, v1;
	v3 =	vld [tilespmem:s0+$0xE1F0];
	v10 =	vmul.f32 v10, v44;
	v11 =	vmul.f32 v11, v45  }
0x3b6: {  	v29 =	vld [tilespmem:s22+$0x149A0]  }
0x3b7: {  	v10 =	vadd.f32 v11, v10;
	v11 =	vmul.f32 v55, v58;
	v55 =	vld [tilespmem:s0+$0xE0B0]  }
0x3b8: {  	v2 =	vmul.f32 v49, v48;
	v58 =	vld [tilespmem:s0+$0xA040]  }
0x3b9: {  	v35 =	vmul.f32 v56, v59;
	v56 =	vld [tilespmem:s0+$0xE130]  }
0x3ba: {  	v1 =	vadd.f32 v2, v1;
	v39 =	vmul.f32 v62, v63;
	v62 =	vld [tilespmem:s0+$0xA0C0]  }
0x3bb: {  	v63 =	vld [tilespmem:s0+$0x8140]  }
0x3bc: {  	v2 =	vmul.f32 $5.000000000e-01, v1;
	v1 =	vld [tilespmem:s0+$0x81F0]  }
0x3bd: {  	v10 =	vadd.f32 v11, v10;
	v11 =	vmul.f32 v61, v30;
	v61 =	vld [tilespmem:s0+$0x80C0]  }
0x3be: {  	v13 =	vmul.f32 v54, v50;
	v54 =	vld [tilespmem:s0+$0xE030]  }
0x3bf: {  	v37 =	vmul.f32 v57, v60;
	v57 =	vld [tilespmem:s0+$0x8040]  }
0x3c0: {  	v9 =	vmul.f32 v51, v9;
	v31 =	vmul.f32 v52, v46;
	[tilespmem:s0+$0x121E0] =	vst v2;
	v2 =	vld [tilespmem:s0+$0xC1F0]  }
0x3c1: {  	v10 =	vadd.f32 v11, v10;
	v11 =	vld [tilespmem:s0+$0x8130]  }
0x3c2: {  	v9 =	vadd.f32 v31, v9;
	v7 =	vld [tilespmem:s9+$0x14870]  }
0x3c3: {  	v8 =	vld [tilespmem:s9+$0x148F0]  }
0x3c4: {  	v12 =	vmul.f32 v53, v47;
	v5 =	vld [tilespmem:s9+$0x14970];
	v9 =	vadd.f32 v35, v9;
	v10 =	vmul.f32 $5.000000000e-01, v10  }
0x3c5: {  	v6 =	vld [tilespmem:s9+$0x149F0]  }
0x3c6: {  	v12 =	vadd.f32 v13, v12;
	v9 =	vadd.f32 v39, v9;
	[tilespmem:s0+$0x12020] =	vst v10;
	v10 =	vld [tilespmem:s0+$0xC130]  }
0x3c7: {  	v43 =	vld [tilespmem:s2+$0x14830]  }
0x3c8: {  	v17 =	vmul.f32 v29, v32;
	v12 =	vadd.f32 v37, v12;
	v9 =	vmul.f32 $5.000000000e-01, v9;
	v48 =	vld [tilespmem:s2+$0x14930]  }
0x3c9: {  	v51 =	vld [tilespmem:s2+$0x149B0]  }
0x3ca: {  	v12 =	vadd.f32 v17, v12;
	[tilespmem:s0+$0x120A0] =	vst v9;
	v9 =	vld [tilespmem:s2+$0x148B0]  }
0x3cb: {  	v44 =	vld [tilespmem:s4+$0x14830]  }
0x3cc: {  	v12 =	vmul.f32 $5.000000000e-01, v12;
	v45 =	vld [tilespmem:s4+$0x148B0]  }
0x3cd: {  	v49 =	vld [tilespmem:s4+$0x14930]  }
0x3ce: {  	v52 =	vld [tilespmem:s4+$0x149B0];
	[tilespmem:s0+$0x12120] =	vst v12  }
0x3cf: {  	v46 =	vld [tilespmem:s22+$0x14830]  }
0x3d0: {  	v47 =	vld [tilespmem:s22+$0x148B0]  }
0x3d1: {  	v50 =	vld [tilespmem:s22+$0x14930]  }
0x3d2: {  	v53 =	vld [tilespmem:s22+$0x149B0]  }
0x3d3: {  	v17 =	vmul.f32 v43, v33;
	v33 =	vld [tilespmem:s0+$0xC040]  }
0x3d4: {  	v60 =	vmul.f32 v51, v54;
	v51 =	vld [tilespmem:s0+$0xA050]  }
0x3d5: {  	v54 =	vld [tilespmem:s0+$0xA0D0];
	v9 =	vmul.f32 v9, v34  }
0x3d6: {  	v34 =	vld [tilespmem:s0+$0xC0C0]  }
0x3d7: {  	v15 =	vmul.f32 v48, v41;
	v59 =	vmul.f32 v49, v42;
	v49 =	vld [tilespmem:s0+$0xE140];
	v9 =	vadd.f32 v9, v17  }
0x3d8: {  	v16 =	vmul.f32 v44, v36;
	v14 =	vmul.f32 v52, v55;
	v55 =	vld [tilespmem:s0+$0x8150]  }
0x3d9: {  	v12 =	vmul.f32 v45, v38;
	v11 =	vmul.f32 v46, v11;
	v46 =	vld [tilespmem:s0+$0xE040];
	v9 =	vadd.f32 v15, v9  }
0x3da: {  	v13 =	vmul.f32 v47, v40;
	v47 =	vld [tilespmem:s0+$0xE0C0]  }
0x3db: {  	v12 =	vadd.f32 v12, v16;
	v10 =	vmul.f32 v50, v10;
	v50 =	vld [tilespmem:s0+$0x8050];
	v9 =	vadd.f32 v60, v9  }
0x3dc: {  	v18 =	vmul.f32 v53, v56;
	v53 =	vld [tilespmem:s0+$0x80D0];
	v11 =	vadd.f32 v13, v11  }
0x3dd: {  	v56 =	vld [tilespmem:s0+$0xC050];
	v12 =	vadd.f32 v59, v12;
	v9 =	vmul.f32 $5.000000000e-01, v9  }
0x3de: {  	v10 =	vadd.f32 v10, v11;
	v11 =	vld [tilespmem:s0+$0xA140]  }
0x3df: {  	v12 =	vadd.f32 v14, v12;
	[tilespmem:s0+$0x12030] =	vst v9;
	v9 =	vld [tilespmem:s0+$0xC140]  }
0x3e0: {  	v35 =	vld [tilespmem:s2+$0x14840]  }
0x3e1: {  	v12 =	vmul.f32 $5.000000000e-01, v12;
	v36 =	vld [tilespmem:s2+$0x148C0]  }
0x3e2: {  	v40 =	vld [tilespmem:s2+$0x14940]  }
0x3e3: {  	v10 =	vadd.f32 v18, v10;
	[tilespmem:s0+$0x120B0] =	vst v12;
	v43 =	vld [tilespmem:s2+$0x149C0]  }
0x3e4: {  	v37 =	vld [tilespmem:s4+$0x14840]  }
0x3e5: {  	v10 =	vmul.f32 $5.000000000e-01, v10;
	v41 =	vld [tilespmem:s4+$0x14940]  }
0x3e6: {  	v44 =	vld [tilespmem:s4+$0x149C0]  }
0x3e7: {  	[tilespmem:s0+$0x12130] =	vst v10;
	v10 =	vld [tilespmem:s4+$0x148C0]  }
0x3e8: {  	v38 =	vld [tilespmem:s22+$0x14840]  }
0x3e9: {  	v39 =	vld [tilespmem:s22+$0x148C0]  }
0x3ea: {  	v42 =	vld [tilespmem:s22+$0x14940]  }
0x3eb: {  	v45 =	vld [tilespmem:s22+$0x149C0];
	v17 =	vmul.f32 v35, v57;
	v12 =	vmul.f32 v36, v58  }
0x3ec: {  	v57 =	vld [tilespmem:s0+$0xC0D0]  }
0x3ed: {  	v14 =	vmul.f32 v40, v33;
	v58 =	vld [tilespmem:s0+$0xC150];
	v12 =	vadd.f32 v12, v17  }
0x3ee: {  	v52 =	vmul.f32 v43, v46;
	v43 =	vld [tilespmem:s0+$0x8060];
	v48 =	vmul.f32 v37, v61  }
0x3ef: {  	v46 =	vld [tilespmem:s0+$0x80E0];
	v19 =	vmul.f32 v41, v34;
	v10 =	vmul.f32 v10, v62;
	v12 =	vadd.f32 v14, v12  }
0x3f0: {  	v16 =	vmul.f32 v44, v47;
	v41 =	vld [tilespmem:s0+$0xE150];
	v15 =	vmul.f32 v38, v63  }
0x3f1: {  	v44 =	vld [tilespmem:s0+$0xA060];
	v11 =	vmul.f32 v39, v11;
	v10 =	vadd.f32 v10, v48;
	v12 =	vadd.f32 v52, v12  }
0x3f2: {  	v47 =	vld [tilespmem:s0+$0xA0E0];
	v9 =	vmul.f32 v42, v9  }
0x3f3: {  	v38 =	vld [tilespmem:s0+$0xE050];
	v11 =	vadd.f32 v11, v15;
	v10 =	vadd.f32 v19, v10;
	v12 =	vmul.f32 $5.000000000e-01, v12  }
0x3f4: {  	v39 =	vld [tilespmem:s0+$0xE0D0]  }
0x3f5: {  	v13 =	vmul.f32 v45, v49;
	v9 =	vadd.f32 v9, v11;
	v11 =	vld [tilespmem:s0+$0xA150];
	v10 =	vadd.f32 v16, v10;
	[tilespmem:s0+$0x12040] =	vst v12  }
0x3f6: {  	v59 =	vld [tilespmem:s2+$0x14850]  }
0x3f7: {  	v9 =	vadd.f32 v13, v9;
	v10 =	vmul.f32 $5.000000000e-01, v10;
	v63 =	vld [tilespmem:s2+$0x14950]  }
0x3f8: {  	v35 =	vld [tilespmem:s2+$0x149D0]  }
0x3f9: {  	v9 =	vmul.f32 $5.000000000e-01, v9;
	[tilespmem:s0+$0x120C0] =	vst v10;
	v10 =	vld [tilespmem:s2+$0x148D0]  }
0x3fa: {  	v60 =	vld [tilespmem:s4+$0x14850]  }
0x3fb: {  	[tilespmem:s0+$0x12140] =	vst v9;
	v9 =	vld [tilespmem:s4+$0x148D0]  }
0x3fc: {  	v33 =	vld [tilespmem:s4+$0x14950]  }
0x3fd: {  	v36 =	vld [tilespmem:s4+$0x149D0]  }
0x3fe: {  	v61 =	vld [tilespmem:s22+$0x14850];
	v13 =	vmul.f32 v59, v50;
	v10 =	vmul.f32 v10, v51  }
0x3ff: {  	v62 =	vld [tilespmem:s22+$0x148D0];
	v42 =	vmul.f32 v63, v56  }
0x400: {  	v34 =	vld [tilespmem:s22+$0x14950];
	v40 =	vmul.f32 v60, v53;
	v9 =	vmul.f32 v9, v54;
	v10 =	vadd.f32 v10, v13  }
0x401: {  	v49 =	vld [tilespmem:s0+$0xA160];
	v45 =	vmul.f32 v35, v38  }
0x402: {  	v48 =	vld [tilespmem:s0+$0x8160];
	v19 =	vmul.f32 v33, v57;
	v9 =	vadd.f32 v9, v40;
	v10 =	vadd.f32 v42, v10  }
0x403: {  	v37 =	vld [tilespmem:s22+$0x149D0];
	v17 =	vmul.f32 v36, v39;
	v14 =	vmul.f32 v61, v55  }
0x404: {  	v50 =	vld [tilespmem:s0+$0xC060];
	v11 =	vmul.f32 v62, v11;
	v9 =	vadd.f32 v19, v9;
	v10 =	vadd.f32 v45, v10  }
0x405: {  	v59 =	vld [tilespmem:s0+$0xE0E0];
	v12 =	vmul.f32 v34, v58  }
0x406: {  	v51 =	vld [tilespmem:s0+$0xC0E0];
	v11 =	vadd.f32 v11, v14;
	v9 =	vadd.f32 v17, v9;
	v10 =	vmul.f32 $5.000000000e-01, v10  }
0x407: {  	v61 =	vld [tilespmem:s0+$0xE160]  }
0x408: {  	v15 =	vmul.f32 v37, v41;
	v11 =	vadd.f32 v12, v11;
	v9 =	vmul.f32 $5.000000000e-01, v9;
	[tilespmem:s0+$0x12050] =	vst v10;
	v10 =	vld [tilespmem:s0+$0xC160]  }
0x409: {  	v52 =	vld [tilespmem:s2+$0x14860]  }
0x40a: {  	v11 =	vadd.f32 v15, v11;
	[tilespmem:s0+$0x120D0] =	vst v9;
	v9 =	vld [tilespmem:s2+$0x148E0]  }
0x40b: {  	v56 =	vld [tilespmem:s2+$0x14960]  }
0x40c: {  	v4 =	vmul.f32 v8, v4;
	v11 =	vmul.f32 $5.000000000e-01, v11;
	v8 =	vld [tilespmem:s2+$0x149E0]  }
0x40d: {  	v53 =	vld [tilespmem:s4+$0x14860]  }
0x40e: {  	[tilespmem:s0+$0x12150] =	vst v11;
	v11 =	vld [tilespmem:s4+$0x148E0]  }
0x40f: {  	v57 =	vld [tilespmem:s4+$0x14960]  }
0x410: {  	v1 =	vmul.f32 v7, v1;
	v54 =	vld [tilespmem:s22+$0x14860]  }
0x411: {  	v55 =	vld [tilespmem:s22+$0x148E0]  }
0x412: {  	v2 =	vmul.f32 v5, v2;
	v1 =	vadd.f32 v4, v1;
	v7 =	vld [tilespmem:s22+$0x14960]  }
0x413: {  	v3 =	vmul.f32 v6, v3;
	v6 =	vld [tilespmem:s22+$0x149E0]  }
0x414: {  	v1 =	vadd.f32 v2, v1;
	v2 =	vmul.f32 v52, v43;
	v4 =	vmul.f32 v9, v44;
	v9 =	vld [tilespmem:s0+$0xE060]  }
0x415: {  	v5 =	vld [tilespmem:s4+$0x149E0];
	v58 =	vmul.f32 v53, v46;
	v11 =	vmul.f32 v11, v47  }
0x416: {  	v60 =	vadd.f32 v3, v1;
	v3 =	vmul.f32 v54, v48;
	v12 =	vmul.f32 v55, v49  }
0x417: {  	v1 =	vld [tilespmem:s0+$0x8070];
	v62 =	vmul.f32 v56, v50;
	v63 =	vmul.f32 v57, v51;
	v4 =	vadd.f32 v4, v2  }
0x418: {  	v7 =	vmul.f32 v7, v10;
	v2 =	vld [tilespmem:s0+$0xA070];
	v11 =	vadd.f32 v11, v58;
	v12 =	vadd.f32 v12, v3  }
0x419: {  	v13 =	vmul.f32 v6, v61;
	v6 =	vld [tilespmem:s0+$0xA170];
	v10 =	vadd.f32 v62, v4;
	v8 =	vmul.f32 v8, v9  }
0x41a: {  	v3 =	vld [tilespmem:s0+$0x80F0];
	v11 =	vadd.f32 v63, v11;
	v12 =	vadd.f32 v7, v12;
	v7 =	vmul.f32 v5, v59  }
0x41b: {  	v4 =	vld [tilespmem:s0+$0xA0F0];
	v9 =	vmul.f32 $5.000000000e-01, v60;
	v10 =	vadd.f32 v8, v10  }
0x41c: {  	v5 =	vld [tilespmem:s0+$0x8170];
	v8 =	vadd.f32 v7, v11  }
0x41d: {  	s12 =	simm.s32 $0x15806;
	s10 =	simm.s32 $0x0;
	s9 =	simm.s32 $0x0;
	[tilespmem:s0+$0x121F0] =	vst v9;
	v7 =	vld [tilespmem:s0+$0xC070];
	v9 =	vmul.f32 $5.000000000e-01, v10;
	v10 =	vadd.f32 v13, v12  }
.LBB2_8:
0x41e: {  	v11 =	vld [tilespmem:s12+$0x1];
	v8 =	vmul.f32 $5.000000000e-01, v8  }
0x41f: {  	v12 =	vld [tilespmem:s12+$0xFFFFFFFF];
	[tilespmem:s0+$0x12060] =	vst v9;
	v9 =	vmul.f32 $5.000000000e-01, v10  }
0x420: {  	v10 =	vld [tilespmem:s12+$0x0];
	[tilespmem:s0+$0x120E0] =	vst v8  }
0x421: {  	v8 =	vld [tilespmem:s12+$0xFFFFFFFE];
	[tilespmem:s0+$0x12160] =	vst v9  }
0x422: {  	v9 =	vld [tilespmem:s2+$0x14870]  }
0x423: {  	(v2sf) =	vpush v11, $0x0;
	v11 =	vld [tilespmem:s2+$0x148F0]  }
0x424: {  	(v2sf) =	vpush v12, $0x0;
	v12 =	vld [tilespmem:s4+$0x14870]  }
0x425: {  	(v2sf) =	vpush v10, $0x0;
	v10 =	vld [tilespmem:s4+$0x148F0]  }
0x426: {  	s10 =	sadd.s32 $0x4, s10;
	(v2sf) =	vpush v8, $0x0;
	v8 =	vld [tilespmem:s22+$0x14870]  }
0x427: {  	p1 =	slt.u32 s10, $0x3C;
	v1 =	vmul.f32 v9, v1;
	v9 =	vld [tilespmem:s22+$0x148F0]  }
0x428: {  	v2 =	vmul.f32 v11, v2;
	v11 =	vld [tilespmem:s2+$0x14970]  }
0x429: {  	v3 =	vmul.f32 v12, v3;
	v12 =	vld [tilespmem:s4+$0x14970]  }
0x42a: {  	v1 =	vadd.f32 v2, v1;
	v2 =	vmul.f32 v10, v4;
	v4 =	vld [tilespmem:s22+$0x14970]  }
0x42b: {  	v10 =	vld [tilespmem:s0+$0xC0F0];
	v5 =	vmul.f32 v8, v5  }
0x42c: {  	v2 =	vadd.f32 v2, v3;
	v3 =	vmul.f32 v9, v6;
	v6 =	vld [tilespmem:s0+$0xC170]  }
0x42d: {  	v7 =	vmul.f32 v11, v7;
	v8 =	vld [tilespmem:s2+$0x149F0]  }
0x42e: {  	v9 =	vld [tilespmem:s4+$0x149F0];
	v3 =	vadd.f32 v3, v5  }
0x42f: {  	v1 =	vadd.f32 v7, v1;
	v5 =	vld [tilespmem:s22+$0x149F0]  }
0x430: {  	v7 =	vld [tilespmem:s0+$0xE070];
	v10 =	vmul.f32 v12, v10  }
0x431: {  	s9 =	sadd.s32 $0x800, s9;
	v11 =	vld [tilespmem:s0+$0xE0F0];
	v4 =	vmul.f32 v4, v6  }
0x432: {  	s14 =	sshra.s32 s9, $0x2;
	s2 =	spop (v2sf);
	v2 =	vadd.f32 v10, v2;
	v6 =	vld [tilespmem:s0+$0xE170]  }
0x433: {  	v10 =	vld [tilespmem:s14+$0x8180];
	s2 =	sshll.u32 s2, $0xB;
	s4 =	spop (v2sf);
	v3 =	vadd.f32 v4, v3  }
0x434: {  	s4 =	sshll.u32 s4, $0xB;
	s13 =	sshra.s32 s2, $0x2;
	v4 =	vld [tilespmem:s14+$0xA180];
	s2 =	spop (v2sf)  }
0x435: {  	s4 =	sshra.s32 s4, $0x2;
	s2 =	sshll.u32 s2, $0xB;
	v12 =	vld [tilespmem:s13+$0x14800];
	s15 =	spop (v2sf);
	v7 =	vmul.f32 v8, v7  }
0x436: {  	s15 =	sshll.u32 s15, $0xB;
	s22 =	sshra.s32 s2, $0x2;
	v8 =	vld [tilespmem:s13+$0x14880];
	v9 =	vmul.f32 v9, v11  }
0x437: {  	s2 =	sshra.s32 s15, $0x2;
	v11 =	vld [tilespmem:s14+$0xC180];
	v1 =	vadd.f32 v7, v1;
	v5 =	vmul.f32 v5, v6  }
0x438: {  	v6 =	vld [tilespmem:s13+$0x14900];
	v2 =	vadd.f32 v9, v2  }
0x439: {  	v7 =	vld [tilespmem:s14+$0xE180];
	v1 =	vmul.f32 $5.000000000e-01, v1;
	v3 =	vadd.f32 v5, v3  }
0x43a: {  	v5 =	vld [tilespmem:s13+$0x14980];
	v2 =	vmul.f32 $5.000000000e-01, v2  }
0x43b: {  	v10 =	vmul.f32 v12, v10;
	v9 =	vld [tilespmem:s2+$0x14800];
	v4 =	vmul.f32 v8, v4;
	[tilespmem:s0+$0x12070] =	vst v1  }
0x43c: {  	v1 =	vld [tilespmem:s2+$0x14880];
	[tilespmem:s0+$0x120F0] =	vst v2;
	v2 =	vmul.f32 $5.000000000e-01, v3  }
0x43d: {  	v3 =	vld [tilespmem:s4+$0x14800];
	v4 =	vadd.f32 v4, v10;
	v6 =	vmul.f32 v6, v11  }
0x43e: {  	v8 =	vld [tilespmem:s4+$0x14880];
	[tilespmem:s0+$0x12170] =	vst v2;
	s0 =	smov.u32 s14  }
0x43f: {  	v2 =	vld [tilespmem:s22+$0x14800];
	v4 =	vadd.f32 v6, v4;
	v5 =	vmul.f32 v5, v7  }
0x440: {  	v6 =	vld [tilespmem:s22+$0x14880]  }
0x441: {  	v7 =	vld [tilespmem:s0+$0x8000];
	v4 =	vadd.f32 v5, v4  }
0x442: {  	v5 =	vld [tilespmem:s0+$0xA000]  }
0x443: {  	v10 =	vld [tilespmem:s0+$0x8080];
	v4 =	vmul.f32 $5.000000000e-01, v4  }
0x444: {  	v11 =	vld [tilespmem:s0+$0x8190]  }
0x445: {  	[tilespmem:s0+$0x12180] =	vst v4;
	v4 =	vld [tilespmem:s0+$0xA190]  }
0x446: {  	v7 =	vmul.f32 v9, v7;
	v9 =	vld [tilespmem:s13+$0x14810]  }
0x447: {  	v1 =	vmul.f32 v1, v5;
	v5 =	vld [tilespmem:s13+$0x14890]  }
0x448: {  	v3 =	vmul.f32 v3, v10;
	v10 =	vld [tilespmem:s0+$0xC190]  }
0x449: {  	v1 =	vadd.f32 v1, v7;
	v7 =	vld [tilespmem:s13+$0x14910]  }
0x44a: {  	v12 =	vld [tilespmem:s0+$0xE190]  }
0x44b: {  	v13 =	vld [tilespmem:s13+$0x14990]  }
0x44c: {  	v9 =	vmul.f32 v9, v11;
	v14 =	vld [tilespmem:s0+$0xA080];
	v4 =	vmul.f32 v5, v4  }
0x44d: {  	v5 =	vld [tilespmem:s0+$0x8100]  }
0x44e: {  	v11 =	vld [tilespmem:s0+$0xA100];
	v4 =	vadd.f32 v4, v9;
	v7 =	vmul.f32 v7, v10  }
0x44f: {  	v9 =	vld [tilespmem:s2+$0x14900]  }
0x450: {  	v10 =	vld [tilespmem:s4+$0x14900];
	v4 =	vadd.f32 v7, v4;
	v7 =	vmul.f32 v13, v12  }
0x451: {  	v8 =	vmul.f32 v8, v14;
	v12 =	vld [tilespmem:s22+$0x14900]  }
0x452: {  	v13 =	vld [tilespmem:s0+$0xC000];
	v2 =	vmul.f32 v2, v5;
	v4 =	vadd.f32 v7, v4  }
0x453: {  	v3 =	vadd.f32 v8, v3;
	v5 =	vld [tilespmem:s0+$0xC080];
	v6 =	vmul.f32 v6, v11  }
0x454: {  	v7 =	vld [tilespmem:s0+$0xC100];
	v4 =	vmul.f32 $5.000000000e-01, v4  }
0x455: {  	v2 =	vadd.f32 v6, v2;
	v6 =	vld [tilespmem:s0+$0x81A0]  }
0x456: {  	[tilespmem:s0+$0x12190] =	vst v4;
	v4 =	vld [tilespmem:s0+$0xA1A0]  }
0x457: {  	v8 =	vmul.f32 v9, v13;
	v9 =	vld [tilespmem:s13+$0x14820]  }
0x458: {  	v5 =	vmul.f32 v10, v5;
	v10 =	vld [tilespmem:s13+$0x148A0]  }
0x459: {  	v1 =	vadd.f32 v8, v1;
	v7 =	vmul.f32 v12, v7;
	v8 =	vld [tilespmem:s0+$0xC1A0]  }
0x45a: {  	v3 =	vadd.f32 v5, v3;
	v5 =	vld [tilespmem:s13+$0x14920]  }
0x45b: {  	v2 =	vadd.f32 v7, v2;
	v7 =	vld [tilespmem:s0+$0xE1A0]  }
0x45c: {  	v11 =	vld [tilespmem:s13+$0x149A0]  }
0x45d: {  	v6 =	vmul.f32 v9, v6;
	v12 =	vld [tilespmem:s2+$0x14980];
	v4 =	vmul.f32 v10, v4  }
0x45e: {  	v9 =	vld [tilespmem:s4+$0x14980]  }
0x45f: {  	v10 =	vld [tilespmem:s22+$0x14980];
	v4 =	vadd.f32 v4, v6;
	v5 =	vmul.f32 v5, v8  }
0x460: {  	v6 =	vld [tilespmem:s0+$0xE000]  }
0x461: {  	v8 =	vld [tilespmem:s0+$0xE080];
	v4 =	vadd.f32 v5, v4;
	v5 =	vmul.f32 v11, v7  }
0x462: {  	v7 =	vld [tilespmem:s0+$0xE100]  }
0x463: {  	v11 =	vld [tilespmem:s0+$0x8010];
	v4 =	vadd.f32 v5, v4  }
0x464: {  	v5 =	vld [tilespmem:s0+$0xA010]  }
0x465: {  	v6 =	vmul.f32 v12, v6;
	v12 =	vld [tilespmem:s0+$0x8090];
	v4 =	vmul.f32 $5.000000000e-01, v4  }
0x466: {  	v8 =	vmul.f32 v9, v8;
	v9 =	vld [tilespmem:s0+$0x81B0]  }
0x467: {  	v1 =	vadd.f32 v6, v1;
	v6 =	vmul.f32 v10, v7;
	[tilespmem:s0+$0x121A0] =	vst v4;
	v4 =	vld [tilespmem:s0+$0xA1B0]  }
0x468: {  	v3 =	vadd.f32 v8, v3;
	v7 =	vld [tilespmem:s13+$0x14830]  }
0x469: {  	v1 =	vmul.f32 $5.000000000e-01, v1;
	v2 =	vadd.f32 v6, v2;
	v6 =	vld [tilespmem:s13+$0x148B0]  }
0x46a: {  	v3 =	vmul.f32 $5.000000000e-01, v3;
	v8 =	vld [tilespmem:s0+$0xC1B0]  }
0x46b: {  	[tilespmem:s0+$0x12000] =	vst v1;
	v1 =	vmul.f32 $5.000000000e-01, v2;
	v2 =	vld [tilespmem:s13+$0x14930]  }
0x46c: {  	[tilespmem:s0+$0x12080] =	vst v3;
	v3 =	vld [tilespmem:s0+$0xE1B0]  }
0x46d: {  	[tilespmem:s0+$0x12100] =	vst v1;
	v1 =	vld [tilespmem:s13+$0x149B0]  }
0x46e: {  	v7 =	vmul.f32 v7, v9;
	v10 =	vld [tilespmem:s2+$0x14810];
	v4 =	vmul.f32 v6, v4  }
0x46f: {  	v6 =	vld [tilespmem:s2+$0x14890]  }
0x470: {  	v9 =	vld [tilespmem:s4+$0x14810];
	v4 =	vadd.f32 v4, v7;
	v2 =	vmul.f32 v2, v8  }
0x471: {  	v7 =	vld [tilespmem:s4+$0x14890]  }
0x472: {  	v8 =	vld [tilespmem:s22+$0x14810];
	v2 =	vadd.f32 v2, v4;
	v1 =	vmul.f32 v1, v3  }
0x473: {  	v3 =	vmul.f32 v10, v11;
	v4 =	vld [tilespmem:s22+$0x14890]  }
0x474: {  	v5 =	vmul.f32 v6, v5;
	v6 =	vld [tilespmem:s0+$0xA090];
	v1 =	vadd.f32 v1, v2  }
0x475: {  	v2 =	vmul.f32 v9, v12;
	v9 =	vld [tilespmem:s0+$0x8110]  }
0x476: {  	v3 =	vadd.f32 v5, v3;
	v5 =	vld [tilespmem:s0+$0xA110];
	v1 =	vmul.f32 $5.000000000e-01, v1  }
0x477: {  	v10 =	vld [tilespmem:s0+$0x81C0]  }
0x478: {  	[tilespmem:s0+$0x121B0] =	vst v1;
	v1 =	vld [tilespmem:s0+$0xA1C0]  }
0x479: {  	v6 =	vmul.f32 v7, v6;
	v7 =	vld [tilespmem:s13+$0x14840]  }
0x47a: {  	v8 =	vmul.f32 v8, v9;
	v9 =	vld [tilespmem:s13+$0x148C0]  }
0x47b: {  	v2 =	vadd.f32 v6, v2;
	v4 =	vmul.f32 v4, v5;
	v5 =	vld [tilespmem:s0+$0xC1C0]  }
0x47c: {  	v6 =	vld [tilespmem:s13+$0x14940]  }
0x47d: {  	v4 =	vadd.f32 v4, v8;
	v8 =	vld [tilespmem:s0+$0xE1C0]  }
0x47e: {  	v11 =	vld [tilespmem:s13+$0x149C0]  }
0x47f: {  	v7 =	vmul.f32 v7, v10;
	v12 =	vld [tilespmem:s2+$0x14910];
	v1 =	vmul.f32 v9, v1  }
0x480: {  	v9 =	vld [tilespmem:s4+$0x14910]  }
0x481: {  	v10 =	vld [tilespmem:s22+$0x14910];
	v1 =	vadd.f32 v1, v7;
	v5 =	vmul.f32 v6, v5  }
0x482: {  	v6 =	vld [tilespmem:s0+$0xC010]  }
0x483: {  	v7 =	vld [tilespmem:s0+$0xC090];
	v1 =	vadd.f32 v5, v1;
	v5 =	vmul.f32 v11, v8  }
0x484: {  	v8 =	vld [tilespmem:s0+$0xC110]  }
0x485: {  	v11 =	vld [tilespmem:s2+$0x14990];
	v1 =	vadd.f32 v5, v1  }
0x486: {  	v5 =	vld [tilespmem:s4+$0x14990]  }
0x487: {  	v6 =	vmul.f32 v12, v6;
	v12 =	vld [tilespmem:s22+$0x14990];
	v1 =	vmul.f32 $5.000000000e-01, v1  }
0x488: {  	v7 =	vmul.f32 v9, v7;
	v9 =	vld [tilespmem:s0+$0x81D0]  }
0x489: {  	v3 =	vadd.f32 v6, v3;
	v6 =	vmul.f32 v10, v8;
	[tilespmem:s0+$0x121C0] =	vst v1;
	v1 =	vld [tilespmem:s0+$0xA1D0]  }
0x48a: {  	v2 =	vadd.f32 v7, v2;
	v7 =	vld [tilespmem:s13+$0x14850]  }
0x48b: {  	v4 =	vadd.f32 v6, v4;
	v6 =	vld [tilespmem:s13+$0x148D0]  }
0x48c: {  	v8 =	vld [tilespmem:s0+$0xC1D0]  }
0x48d: {  	v10 =	vld [tilespmem:s13+$0x14950]  }
0x48e: {  	v13 =	vld [tilespmem:s0+$0xE1D0]  }
0x48f: {  	v14 =	vld [tilespmem:s13+$0x149D0]  }
0x490: {  	v7 =	vmul.f32 v7, v9;
	v15 =	vld [tilespmem:s0+$0xE010];
	v1 =	vmul.f32 v6, v1  }
0x491: {  	v6 =	vld [tilespmem:s0+$0xE090]  }
0x492: {  	v9 =	vld [tilespmem:s0+$0xE110];
	v1 =	vadd.f32 v1, v7;
	v7 =	vmul.f32 v10, v8  }
0x493: {  	v8 =	vld [tilespmem:s0+$0x8020]  }
0x494: {  	v10 =	vld [tilespmem:s0+$0xA020];
	v1 =	vadd.f32 v7, v1;
	v7 =	vmul.f32 v14, v13  }
0x495: {  	v11 =	vmul.f32 v11, v15;
	v13 =	vld [tilespmem:s0+$0x80A0]  }
0x496: {  	v5 =	vmul.f32 v5, v6;
	v6 =	vld [tilespmem:s0+$0xA0A0];
	v1 =	vadd.f32 v7, v1  }
0x497: {  	v3 =	vadd.f32 v11, v3;
	v7 =	vmul.f32 v12, v9;
	v9 =	vld [tilespmem:s0+$0x8120]  }
0x498: {  	v2 =	vadd.f32 v5, v2;
	v5 =	vld [tilespmem:s0+$0xA120];
	v1 =	vmul.f32 $5.000000000e-01, v1  }
0x499: {  	v3 =	vmul.f32 $5.000000000e-01, v3;
	v4 =	vadd.f32 v7, v4;
	v7 =	vld [tilespmem:s0+$0x81E0]  }
0x49a: {  	v2 =	vmul.f32 $5.000000000e-01, v2;
	[tilespmem:s0+$0x121D0] =	vst v1;
	v1 =	vld [tilespmem:s0+$0xA1E0]  }
0x49b: {  	[tilespmem:s0+$0x12010] =	vst v3;
	v3 =	vmul.f32 $5.000000000e-01, v4;
	v4 =	vld [tilespmem:s13+$0x14860]  }
0x49c: {  	[tilespmem:s0+$0x12090] =	vst v2;
	v2 =	vld [tilespmem:s13+$0x148E0]  }
0x49d: {  	[tilespmem:s0+$0x12110] =	vst v3;
	v3 =	vld [tilespmem:s0+$0xC1E0]  }
0x49e: {  	v11 =	vld [tilespmem:s13+$0x14960]  }
0x49f: {  	v12 =	vld [tilespmem:s0+$0xE1E0]  }
0x4a0: {  	v14 =	vld [tilespmem:s13+$0x149E0]  }
0x4a1: {  	v4 =	vmul.f32 v4, v7;
	v15 =	vld [tilespmem:s2+$0x14820];
	v1 =	vmul.f32 v2, v1  }
0x4a2: {  	v2 =	vld [tilespmem:s2+$0x148A0]  }
0x4a3: {  	v7 =	vld [tilespmem:s4+$0x14820];
	v1 =	vadd.f32 v1, v4;
	v3 =	vmul.f32 v11, v3  }
0x4a4: {  	v4 =	vld [tilespmem:s4+$0x148A0]  }
0x4a5: {  	v11 =	vld [tilespmem:s22+$0x14820];
	v1 =	vadd.f32 v3, v1;
	v3 =	vmul.f32 v14, v12  }
0x4a6: {  	v8 =	vmul.f32 v15, v8;
	v12 =	vld [tilespmem:s22+$0x148A0]  }
0x4a7: {  	v2 =	vmul.f32 v2, v10;
	v10 =	vld [tilespmem:s2+$0x14920];
	v1 =	vadd.f32 v3, v1  }
0x4a8: {  	v3 =	vmul.f32 v7, v13;
	v7 =	vld [tilespmem:s4+$0x14920]  }
0x4a9: {  	v2 =	vadd.f32 v2, v8;
	v4 =	vmul.f32 v4, v6;
	v6 =	vld [tilespmem:s22+$0x14920];
	v1 =	vmul.f32 $5.000000000e-01, v1  }
0x4aa: {  	v8 =	vmul.f32 v11, v9;
	v9 =	vld [tilespmem:s0+$0x81F0]  }
0x4ab: {  	v3 =	vadd.f32 v4, v3;
	v4 =	vmul.f32 v12, v5;
	[tilespmem:s0+$0x121E0] =	vst v1;
	v1 =	vld [tilespmem:s0+$0xA1F0]  }
0x4ac: {  	v5 =	vld [tilespmem:s13+$0x14870]  }
0x4ad: {  	v4 =	vadd.f32 v4, v8;
	v8 =	vld [tilespmem:s13+$0x148F0]  }
0x4ae: {  	v11 =	vld [tilespmem:s0+$0xC1F0]  }
0x4af: {  	v12 =	vld [tilespmem:s13+$0x14970]  }
0x4b0: {  	v13 =	vld [tilespmem:s0+$0xE1F0]  }
0x4b1: {  	v14 =	vld [tilespmem:s13+$0x149F0]  }
0x4b2: {  	v5 =	vmul.f32 v5, v9;
	v15 =	vld [tilespmem:s0+$0xC020];
	v1 =	vmul.f32 v8, v1  }
0x4b3: {  	v8 =	vld [tilespmem:s0+$0xC0A0]  }
0x4b4: {  	v9 =	vld [tilespmem:s0+$0xC120];
	v1 =	vadd.f32 v1, v5;
	v5 =	vmul.f32 v12, v11  }
0x4b5: {  	v11 =	vld [tilespmem:s2+$0x149A0]  }
0x4b6: {  	v12 =	vld [tilespmem:s4+$0x149A0];
	v1 =	vadd.f32 v5, v1;
	v5 =	vmul.f32 v14, v13  }
0x4b7: {  	v10 =	vmul.f32 v10, v15;
	v13 =	vld [tilespmem:s22+$0x149A0]  }
0x4b8: {  	v14 =	vld [tilespmem:s0+$0xE020];
	v7 =	vmul.f32 v7, v8;
	v1 =	vadd.f32 v5, v1  }
0x4b9: {  	v2 =	vadd.f32 v10, v2;
	v5 =	vld [tilespmem:s0+$0xE0A0];
	v6 =	vmul.f32 v6, v9  }
0x4ba: {  	v3 =	vadd.f32 v7, v3;
	v7 =	vld [tilespmem:s0+$0xE120];
	v1 =	vmul.f32 $5.000000000e-01, v1  }
0x4bb: {  	v8 =	vld [tilespmem:s0+$0x8030];
	v4 =	vadd.f32 v6, v4  }
0x4bc: {  	v6 =	vld [tilespmem:s0+$0xA030];
	[tilespmem:s0+$0x121F0] =	vst v1  }
0x4bd: {  	v1 =	vmul.f32 v11, v14;
	v9 =	vld [tilespmem:s0+$0x80B0]  }
0x4be: {  	v5 =	vmul.f32 v12, v5;
	v10 =	vld [tilespmem:s0+$0xA0B0]  }
0x4bf: {  	v1 =	vadd.f32 v1, v2;
	v2 =	vmul.f32 v13, v7;
	v7 =	vld [tilespmem:s0+$0x8130]  }
0x4c0: {  	v3 =	vadd.f32 v5, v3;
	v5 =	vld [tilespmem:s0+$0xA130]  }
0x4c1: {  	v1 =	vmul.f32 $5.000000000e-01, v1;
	v11 =	vld [tilespmem:s0+$0xC030];
	v2 =	vadd.f32 v2, v4  }
0x4c2: {  	v3 =	vmul.f32 $5.000000000e-01, v3;
	v4 =	vld [tilespmem:s0+$0xC0B0]  }
0x4c3: {  	[tilespmem:s0+$0x12020] =	vst v1;
	v1 =	vmul.f32 $5.000000000e-01, v2;
	v2 =	vld [tilespmem:s0+$0xC130]  }
0x4c4: {  	v12 =	vld [tilespmem:s2+$0x14830];
	[tilespmem:s0+$0x120A0] =	vst v3  }
0x4c5: {  	v3 =	vld [tilespmem:s2+$0x148B0];
	[tilespmem:s0+$0x12120] =	vst v1  }
0x4c6: {  	v1 =	vld [tilespmem:s4+$0x14830]  }
0x4c7: {  	v13 =	vld [tilespmem:s4+$0x148B0]  }
0x4c8: {  	v14 =	vld [tilespmem:s22+$0x14830]  }
0x4c9: {  	v8 =	vmul.f32 v12, v8;
	v12 =	vld [tilespmem:s22+$0x148B0]  }
0x4ca: {  	v3 =	vmul.f32 v3, v6;
	v6 =	vld [tilespmem:s2+$0x14930]  }
0x4cb: {  	v1 =	vmul.f32 v1, v9;
	v9 =	vld [tilespmem:s4+$0x14930]  }
0x4cc: {  	v3 =	vadd.f32 v3, v8;
	v8 =	vmul.f32 v13, v10;
	v10 =	vld [tilespmem:s22+$0x14930]  }
0x4cd: {  	v13 =	vld [tilespmem:s2+$0x149B0];
	v7 =	vmul.f32 v14, v7  }
0x4ce: {  	v1 =	vadd.f32 v8, v1;
	v8 =	vld [tilespmem:s4+$0x149B0];
	v5 =	vmul.f32 v12, v5  }
0x4cf: {  	v6 =	vmul.f32 v6, v11;
	v11 =	vld [tilespmem:s22+$0x149B0]  }
0x4d0: {  	v12 =	vld [tilespmem:s0+$0xE030];
	v4 =	vmul.f32 v9, v4;
	v5 =	vadd.f32 v5, v7  }
0x4d1: {  	v3 =	vadd.f32 v6, v3;
	v6 =	vld [tilespmem:s0+$0xE0B0];
	v2 =	vmul.f32 v10, v2  }
0x4d2: {  	v1 =	vadd.f32 v4, v1;
	v4 =	vld [tilespmem:s0+$0xE130]  }
0x4d3: {  	v7 =	vld [tilespmem:s0+$0x8040];
	v2 =	vadd.f32 v2, v5  }
0x4d4: {  	v5 =	vld [tilespmem:s0+$0xA040]  }
0x4d5: {  	v9 =	vmul.f32 v13, v12;
	v10 =	vld [tilespmem:s0+$0x80C0]  }
0x4d6: {  	v6 =	vmul.f32 v8, v6;
	v8 =	vld [tilespmem:s0+$0xA0C0]  }
0x4d7: {  	v3 =	vadd.f32 v9, v3;
	v4 =	vmul.f32 v11, v4;
	v9 =	vld [tilespmem:s0+$0x8140]  }
0x4d8: {  	v1 =	vadd.f32 v6, v1;
	v6 =	vld [tilespmem:s0+$0xA140]  }
0x4d9: {  	v3 =	vmul.f32 $5.000000000e-01, v3;
	v11 =	vld [tilespmem:s0+$0xC040];
	v2 =	vadd.f32 v4, v2  }
0x4da: {  	v1 =	vmul.f32 $5.000000000e-01, v1;
	v4 =	vld [tilespmem:s0+$0xC0C0]  }
0x4db: {  	[tilespmem:s0+$0x12030] =	vst v3;
	v2 =	vmul.f32 $5.000000000e-01, v2;
	v3 =	vld [tilespmem:s0+$0xC140]  }
0x4dc: {  	v12 =	vld [tilespmem:s2+$0x14840];
	[tilespmem:s0+$0x120B0] =	vst v1  }
0x4dd: {  	v1 =	vld [tilespmem:s2+$0x148C0];
	[tilespmem:s0+$0x12130] =	vst v2  }
0x4de: {  	v2 =	vld [tilespmem:s4+$0x14840]  }
0x4df: {  	v13 =	vld [tilespmem:s4+$0x148C0]  }
0x4e0: {  	v14 =	vld [tilespmem:s22+$0x14840]  }
0x4e1: {  	v7 =	vmul.f32 v12, v7;
	v12 =	vld [tilespmem:s22+$0x148C0]  }
0x4e2: {  	v1 =	vmul.f32 v1, v5;
	v5 =	vld [tilespmem:s2+$0x14940]  }
0x4e3: {  	v2 =	vmul.f32 v2, v10;
	v10 =	vld [tilespmem:s4+$0x14940]  }
0x4e4: {  	v1 =	vadd.f32 v1, v7;
	v7 =	vmul.f32 v13, v8;
	v8 =	vld [tilespmem:s22+$0x14940]  }
0x4e5: {  	v13 =	vld [tilespmem:s2+$0x149C0];
	v9 =	vmul.f32 v14, v9  }
0x4e6: {  	v2 =	vadd.f32 v7, v2;
	v7 =	vld [tilespmem:s4+$0x149C0];
	v6 =	vmul.f32 v12, v6  }
0x4e7: {  	v5 =	vmul.f32 v5, v11;
	v11 =	vld [tilespmem:s22+$0x149C0]  }
0x4e8: {  	v12 =	vld [tilespmem:s0+$0xE040];
	v4 =	vmul.f32 v10, v4;
	v6 =	vadd.f32 v6, v9  }
0x4e9: {  	v1 =	vadd.f32 v5, v1;
	v5 =	vld [tilespmem:s0+$0xE0C0];
	v3 =	vmul.f32 v8, v3  }
0x4ea: {  	v2 =	vadd.f32 v4, v2;
	v4 =	vld [tilespmem:s0+$0xE140]  }
0x4eb: {  	v8 =	vld [tilespmem:s0+$0x8050];
	v3 =	vadd.f32 v3, v6  }
0x4ec: {  	v6 =	vld [tilespmem:s0+$0xA050]  }
0x4ed: {  	v9 =	vmul.f32 v13, v12;
	v10 =	vld [tilespmem:s0+$0x80D0]  }
0x4ee: {  	v5 =	vmul.f32 v7, v5;
	v7 =	vld [tilespmem:s0+$0xA0D0]  }
0x4ef: {  	v1 =	vadd.f32 v9, v1;
	v4 =	vmul.f32 v11, v4;
	v9 =	vld [tilespmem:s0+$0x8150]  }
0x4f0: {  	v2 =	vadd.f32 v5, v2;
	v5 =	vld [tilespmem:s0+$0xA150]  }
0x4f1: {  	v1 =	vmul.f32 $5.000000000e-01, v1;
	v11 =	vld [tilespmem:s0+$0xC050];
	v3 =	vadd.f32 v4, v3  }
0x4f2: {  	v2 =	vmul.f32 $5.000000000e-01, v2;
	v4 =	vld [tilespmem:s0+$0xC0D0]  }
0x4f3: {  	[tilespmem:s0+$0x12040] =	vst v1;
	v1 =	vmul.f32 $5.000000000e-01, v3;
	v3 =	vld [tilespmem:s0+$0xC150]  }
0x4f4: {  	v12 =	vld [tilespmem:s2+$0x14850];
	[tilespmem:s0+$0x120C0] =	vst v2  }
0x4f5: {  	v2 =	vld [tilespmem:s2+$0x148D0];
	[tilespmem:s0+$0x12140] =	vst v1  }
0x4f6: {  	v1 =	vld [tilespmem:s4+$0x14850]  }
0x4f7: {  	v13 =	vld [tilespmem:s4+$0x148D0]  }
0x4f8: {  	v14 =	vld [tilespmem:s22+$0x14850]  }
0x4f9: {  	v8 =	vmul.f32 v12, v8;
	v12 =	vld [tilespmem:s22+$0x148D0]  }
0x4fa: {  	v2 =	vmul.f32 v2, v6;
	v6 =	vld [tilespmem:s2+$0x14950]  }
0x4fb: {  	v1 =	vmul.f32 v1, v10;
	v10 =	vld [tilespmem:s4+$0x14950]  }
0x4fc: {  	v2 =	vadd.f32 v2, v8;
	v7 =	vmul.f32 v13, v7;
	v8 =	vld [tilespmem:s22+$0x14950]  }
0x4fd: {  	v13 =	vld [tilespmem:s2+$0x149D0];
	v9 =	vmul.f32 v14, v9  }
0x4fe: {  	v1 =	vadd.f32 v7, v1;
	v7 =	vld [tilespmem:s4+$0x149D0];
	v5 =	vmul.f32 v12, v5  }
0x4ff: {  	v6 =	vmul.f32 v6, v11;
	v11 =	vld [tilespmem:s22+$0x149D0]  }
0x500: {  	v12 =	vld [tilespmem:s0+$0xE050];
	v4 =	vmul.f32 v10, v4;
	v5 =	vadd.f32 v5, v9  }
0x501: {  	v2 =	vadd.f32 v6, v2;
	v6 =	vld [tilespmem:s0+$0xE0D0];
	v3 =	vmul.f32 v8, v3  }
0x502: {  	v1 =	vadd.f32 v4, v1;
	v4 =	vld [tilespmem:s0+$0xE150]  }
0x503: {  	v8 =	vld [tilespmem:s0+$0x8060];
	v3 =	vadd.f32 v3, v5  }
0x504: {  	v5 =	vld [tilespmem:s0+$0xA060]  }
0x505: {  	v9 =	vmul.f32 v13, v12;
	v10 =	vld [tilespmem:s0+$0x80E0]  }
0x506: {  	v6 =	vmul.f32 v7, v6;
	v7 =	vld [tilespmem:s0+$0xA0E0]  }
0x507: {  	v2 =	vadd.f32 v9, v2;
	v4 =	vmul.f32 v11, v4;
	v9 =	vld [tilespmem:s0+$0x8160]  }
0x508: {  	v1 =	vadd.f32 v6, v1;
	v6 =	vld [tilespmem:s0+$0xA160]  }
0x509: {  	v2 =	vmul.f32 $5.000000000e-01, v2;
	v11 =	vld [tilespmem:s0+$0xC060];
	v3 =	vadd.f32 v4, v3  }
0x50a: {  	v1 =	vmul.f32 $5.000000000e-01, v1;
	v4 =	vld [tilespmem:s0+$0xC0E0]  }
0x50b: {  	[tilespmem:s0+$0x12050] =	vst v2;
	v2 =	vmul.f32 $5.000000000e-01, v3;
	v3 =	vld [tilespmem:s0+$0xC160]  }
0x50c: {  	v12 =	vld [tilespmem:s2+$0x14860];
	[tilespmem:s0+$0x120D0] =	vst v1  }
0x50d: {  	v1 =	vld [tilespmem:s2+$0x148E0];
	[tilespmem:s0+$0x12150] =	vst v2  }
0x50e: {  	v2 =	vld [tilespmem:s4+$0x14860]  }
0x50f: {  	v13 =	vld [tilespmem:s4+$0x148E0]  }
0x510: {  	v14 =	vld [tilespmem:s22+$0x14860]  }
0x511: {  	v8 =	vmul.f32 v12, v8;
	v12 =	vld [tilespmem:s22+$0x148E0]  }
0x512: {  	v1 =	vmul.f32 v1, v5;
	v5 =	vld [tilespmem:s2+$0x14960]  }
0x513: {  	v2 =	vmul.f32 v2, v10;
	v10 =	vld [tilespmem:s4+$0x14960]  }
0x514: {  	v1 =	vadd.f32 v1, v8;
	v7 =	vmul.f32 v13, v7;
	v8 =	vld [tilespmem:s22+$0x14960]  }
0x515: {  	v13 =	vld [tilespmem:s2+$0x149E0];
	v9 =	vmul.f32 v14, v9  }
0x516: {  	v2 =	vadd.f32 v7, v2;
	v7 =	vld [tilespmem:s4+$0x149E0];
	v6 =	vmul.f32 v12, v6  }
0x517: {  	v5 =	vmul.f32 v5, v11;
	v11 =	vld [tilespmem:s22+$0x149E0]  }
0x518: {  	v12 =	vld [tilespmem:s0+$0xE060];
	v4 =	vmul.f32 v10, v4;
	v6 =	vadd.f32 v6, v9  }
0x519: {  	v5 =	vadd.f32 v5, v1;
	v9 =	vld [tilespmem:s0+$0xE0E0];
	v3 =	vmul.f32 v8, v3  }
0x51a: {  	v8 =	vadd.f32 v4, v2;
	v10 =	vld [tilespmem:s0+$0xE160]  }
0x51b: {  	v1 =	vld [tilespmem:s0+$0x8070];
	v14 =	vadd.f32 v3, v6  }
0x51c: {  	v2 =	vld [tilespmem:s0+$0xA070]  }
.Ltmp7:
0x51d: {  	v6 =	vmul.f32 v13, v12;
	v3 =	vld [tilespmem:s0+$0x80F0];
	(pc) =	sbr.rel @p1 .LBB2_8-.Ltmp7, $4  }
0x51e: {  	v7 =	vmul.f32 v7, v9;
	v4 =	vld [tilespmem:s0+$0xA0F0]  }
0x51f: {  	v9 =	vadd.f32 v6, v5;
	v10 =	vmul.f32 v11, v10;
	v5 =	vld [tilespmem:s0+$0x8170]  }
0x520: {  	v8 =	vadd.f32 v7, v8;
	v6 =	vld [tilespmem:s0+$0xA170]  }
0x521: {  	s12 =	sadd.s32 $0x4, s12;
	v9 =	vmul.f32 $5.000000000e-01, v9;
	v7 =	vld [tilespmem:s0+$0xC070];
	v10 =	vadd.f32 v10, v14  }
0x522: {  	v17 =	vld [tilespmem:s0+$0xC0F0]  }
0x523: {  	v18 =	vld [tilespmem:s0+$0xC170]  }
0x524: {  	v56 =	vld [tilespmem:s0+$0xE070]  }
0x525: {  	v57 =	vld [tilespmem:s0+$0xE0F0]  }
0x526: {  	v58 =	vld [tilespmem:s0+$0xE170];
	[tilespmem:s0+$0x12060] =	vst v9  }
0x527: {  	v9 =	vld [tilespmem:s2+$0x14870]  }
0x528: {  	v8 =	vmul.f32 $5.000000000e-01, v8;
	v54 =	vld [tilespmem:s2+$0x148F0]  }
0x529: {  	v14 =	vld [tilespmem:s2+$0x14970]  }
0x52a: {  	v10 =	vmul.f32 $5.000000000e-01, v10;
	[tilespmem:s0+$0x120E0] =	vst v8;
	v19 =	vld [tilespmem:s2+$0x149F0]  }
0x52b: {  	v11 =	vld [tilespmem:s4+$0x14870]  }
0x52c: {  	[tilespmem:s0+$0x12160] =	vst v10;
	v55 =	vld [tilespmem:s4+$0x148F0]  }
0x52d: {  	v12 =	vld [tilespmem:s22+$0x14870]  }
0x52e: {  	v13 =	vld [tilespmem:s22+$0x148F0]  }
0x52f: {  	v15 =	vld [tilespmem:s4+$0x14970]  }
0x530: {  	v16 =	vld [tilespmem:s22+$0x14970];
	v1 =	vmul.f32 v9, v1  }
0x531: {  	v20 =	vld [tilespmem:s4+$0x149F0];
	v2 =	vmul.f32 v54, v2;
	v3 =	vmul.f32 v11, v3  }
0x532: {  	v21 =	vld [tilespmem:s22+$0x149F0];
	v4 =	vmul.f32 v55, v4;
	v5 =	vmul.f32 v12, v5  }
0x533: {  	v6 =	vmul.f32 v13, v6;
	v1 =	vadd.f32 v2, v1;
	v2 =	vmul.f32 v14, v7  }
0x534: {  	v61 =	vmul.f32 v19, v56;
	v60 =	vmul.f32 v15, v17;
	v3 =	vadd.f32 v4, v3  }
0x535: {  	v59 =	vadd.f32 v6, v5;
	v1 =	vadd.f32 v2, v1;
	v2 =	vmul.f32 v16, v18  }
0x536: {  	v62 =	vmul.f32 v20, v57;
	v3 =	vadd.f32 v60, v3  }
0x537: {  	v63 =	vmul.f32 v21, v58;
	v2 =	vadd.f32 v2, v59;
	v1 =	vadd.f32 v61, v1  }
0x538: {  	v3 =	vadd.f32 v62, v3  }
0x539: {  	v1 =	vmul.f32 $5.000000000e-01, v1;
	v2 =	vadd.f32 v63, v2  }
.Ltmp8:
0x53a: {  	s30 =	sshll.u32 s29, $0x6;
	v3 =	vmul.f32 $5.000000000e-01, v3;
	(pc) =	sbr.rel .LBB2_10-.Ltmp8, $4  }
0x53b: {  	s2 =	smin.u32 s30, $0x18660;
	[tilespmem:s0+$0x12070] =	vst v1;
	v1 =	vmul.f32 $5.000000000e-01, v2  }
0x53c: {  	s2 =	sshll.u32 s2, $0x4;
	[tilespmem:s0+$0x120F0] =	vst v3  }
0x53d: {  	s31 =	sadd.s32 s3, s2;
	[tilespmem:s0+$0x12170] =	vst v1  }
0x53e: {  	[hbm4b:s31+s5] =	stream.linear.scatter [tilespmem:s25], [sflag:$0x4], $0x2000, $0x38;
	[tilespmem:$0x15880] =	vst v63  }
.LBB2_12:
0x53f: {  	_ =	sfence.sel $0x180000  }
0x540: {  	[bflag:$0x0] =	sbarrier.arrive $0xFFFF  }
0x541: {  	_ =	strace $0x90000047  }
0x542: {  	s0 =	stileid.u32;
	[bflag:$0x2] =	sbarrier.arrive $0xFFFF  }
0x543: {  	p0 =	sne.s32 s0, $0x0;
	s0 =	rddreg [dreg:$0x4]  }
0x544: {  	s0 =	sadd.s32 @!p0 $0x100000, s0  }
0x545: {  	[sflag:s0] =	ssyncadd.tile.s32 @!p0 $0x1;
	_ =	shalt  }
.Lfunc_end2:
_tile_overlayer_lowered:
.L_overlay_start_2:
0x546: {  	(tag) =	ssettag $0x2  }
0x547: {  	s0 =	rddreg [dreg:$0x0];
	s2 =	stileid.u32  }
0x548: {  	s1 =	rddreg [dreg:$0x1];
	p0 =	sne.s32 s2, $0x0  }
0x549: {  	s3 =	rddreg [dreg:$0x2];
	[bflag:$0x3] =	sbarrier.arrive $0xFFFF;
	s2 =	simm.s32 @!p0 $0x1C05  }
0x54a: {  	[timem:s3], [sflag:s2] =	dma.local @!p0 [hbm:s0], s1  }
0x54b: {  	s0 =	simm.s32 @!p0 $0x5  }
0x54c: {  	_ =	swait.ge @!p0 [sflag:s0], s1  }
0x54d: {  	s1 =	ssub.s32 @!p0 $0x0, s1;
	[sflag:s0] =	ssyncset.done @!p0 $0x0  }
0x54e: {  	[sflag:s0] =	ssyncadd.s32 @!p0 s1  }
0x54f: {  	[bflag:$0x3] =	sbarrier.arrive $0xFFFF  }
0x550: {  	_ =	shalt  }

</sc_bundles>
